<compile_context>
chip_gen: v7x
topology: tpu7x:2x2x1
jax: 0.10.2.dev20260603
libtpu: 0.0.44.dev20260713+nightly
codegen_flags: <defaults>
</compile_context>

<pallas_src>
import jax
import jax.numpy as jnp
from jax import lax
from jax.experimental import pallas as pl
from jax.experimental.pallas import tpu as pltpu
from jax.experimental.pallas import tpu_sc as plsc

N_NODES = 10000
N_EDGES = 320000
NC = 2
NS = 16
NW = NC * NS

GCH = 80
GNCH = (N_EDGES // NW) // GCH
GRND = 5
GSTR = GNCH // GRND
GROWS = GSTR * GCH

SC_EDGES = N_EDGES // 16
SCH = 800
SNCH = SC_EDGES // SCH
NHALF = N_NODES // 2

_GATHER_DNUMS = lax.GatherDimensionNumbers(
    offset_dims=(), collapsed_slice_dims=(0,), start_index_map=(0,))


def _lane_bcast(v, i):
    idx = jnp.full((16,), i, jnp.int32)
    return lax.gather(v, idx[:, None], dimension_numbers=_GATHER_DNUMS,
                      slice_sizes=(1,),
                      mode=lax.GatherScatterMode.PROMISE_IN_BOUNDS)



def _node_pre_body(x8_ref, kw_ref, ku_ref, bu_ref, xw8_ref, xu8_ref):
    x8 = x8_ref[...]
    xw8_ref[...] = jnp.dot(x8, kw_ref[...], preferred_element_type=jnp.float32)
    xu8_ref[...] = jnp.dot(x8, ku_ref[...], preferred_element_type=jnp.float32) + bu_ref[...]


def _mid_body(ea8_ref, g8_ref, k1_ref, b1_ref, k2_ref, b2_ref, m8_ref):
    pre = jnp.dot(ea8_ref[...], k1_ref[...], preferred_element_type=jnp.float32)
    h = jnp.maximum(pre + b1_ref[...] + g8_ref[...], 0.0)
    m8_ref[...] = jnp.dot(h, k2_ref[...], preferred_element_type=jnp.float32) + b2_ref[...]


def _post_body(p8_ref, xu8_ref, k1b_ref, k2_ref, b2_ref, out8_ref):
    r8 = jnp.max(p8_ref[...], axis=0)
    r8 = jnp.where(jnp.isfinite(r8), r8, 0.0)
    u8 = jnp.maximum(
        xu8_ref[...] + jnp.dot(r8, k1b_ref[...], preferred_element_type=jnp.float32),
        0.0,
    )
    out8_ref[...] = jnp.dot(u8, k2_ref[...], preferred_element_type=jnp.float32) + b2_ref[...]


def _node_pre(x8, kw, ku, bu):
    blk = 1250
    return pl.pallas_call(
        _node_pre_body,
        grid=(N_NODES // 8 // blk,),
        in_specs=[
            pl.BlockSpec((blk, 1024), lambda i: (i, 0)),
            pl.BlockSpec((1024, 128), lambda i: (0, 0)),
            pl.BlockSpec((1024, 128), lambda i: (0, 0)),
            pl.BlockSpec((1, 128), lambda i: (0, 0)),
        ],
        out_specs=[
            pl.BlockSpec((blk, 128), lambda i: (i, 0)),
            pl.BlockSpec((blk, 128), lambda i: (i, 0)),
        ],
        out_shape=[
            jax.ShapeDtypeStruct((N_NODES // 8, 128), jnp.float32),
            jax.ShapeDtypeStruct((N_NODES // 8, 128), jnp.float32),
        ],
    )(x8, kw, ku, bu)


def _mid(ea8, g8, g8_off, k1, b1, k2, b2):
    blk = 2000
    ne8 = ea8.shape[0]
    return pl.pallas_call(
        _mid_body,
        grid=(ne8 // blk,),
        in_specs=[
            pl.BlockSpec((blk, 128), lambda i: (i, 0)),
            pl.BlockSpec((blk, 128), lambda i: (i + g8_off, 0)),
            pl.BlockSpec((128, 128), lambda i: (0, 0)),
            pl.BlockSpec((1, 128), lambda i: (0, 0)),
            pl.BlockSpec((128, 128), lambda i: (0, 0)),
            pl.BlockSpec((1, 128), lambda i: (0, 0)),
        ],
        out_specs=pl.BlockSpec((blk, 128), lambda i: (i, 0)),
        out_shape=jax.ShapeDtypeStruct((ne8, 128), jnp.float32),
    )(ea8, g8, k1, b1, k2, b2)


def _post(p8, xu8, k1b, k2, b2):
    blk = 1250
    return pl.pallas_call(
        _post_body,
        grid=(N_NODES // 8 // blk,),
        in_specs=[
            pl.BlockSpec((16, blk, 128), lambda i: (0, i, 0)),
            pl.BlockSpec((blk, 128), lambda i: (i, 0)),
            pl.BlockSpec((128, 128), lambda i: (0, 0)),
            pl.BlockSpec((128, 1024), lambda i: (0, 0)),
            pl.BlockSpec((1, 1024), lambda i: (0, 0)),
        ],
        out_specs=pl.BlockSpec((blk, 1024), lambda i: (i, 0)),
        out_shape=jax.ShapeDtypeStruct((N_NODES // 8, 1024), jnp.float32),
    )(p8, xu8, k1b, k2, b2)



def _sc_gather_body(xw_hbm, src_hbm, g_hbm, idx_v, rows_v, sem):
    wid = lax.axis_index("s") * NC + lax.axis_index("c")
    e0 = wid * (GNCH * GCH)
    pltpu.sync_copy(src_hbm.at[pl.ds(e0, GNCH * GCH)], idx_v)

    def body(r, carry):
        for k in range(GSTR):
            pltpu.async_copy(
                xw_hbm.at[idx_v.at[pl.ds(r * GROWS + k * GCH, GCH)]],
                rows_v.at[pl.ds(k * GCH, GCH)], sem)
        pltpu.make_async_copy(xw_hbm.at[pl.ds(0, GROWS)], rows_v, sem).wait()
        pltpu.sync_copy(rows_v, g_hbm.at[pl.ds(e0 + r * GROWS, GROWS)])
        return carry

    lax.fori_loop(0, GRND, body, 0)


def _sc_gather(xw, src):
    return pl.kernel(
        _sc_gather_body,
        out_type=jax.ShapeDtypeStruct((N_EDGES, 16), jnp.float32),
        mesh=plsc.VectorSubcoreMesh(core_axis_name="c", subcore_axis_name="s"),
        compiler_params=pltpu.CompilerParams(use_tc_tiling_on_sc=False, needs_layout_passes=False),
        scratch_types=[
            pltpu.VMEM((GNCH * GCH,), jnp.int32),
            pltpu.VMEM((GROWS, 16), jnp.float32),
            pltpu.SemaphoreType.DMA,
        ],
    )(xw, src)


def _sc_scatter_body(m_hbm, dst_hbm, part_hbm, dst_v, m_v, r_v, sem0, sem1):
    wid = lax.axis_index("s") * NC + lax.axis_index("c")
    chunk = wid // 2
    nh = wid % 2
    base_node = nh * NHALF
    neg = jnp.full((16,), -jnp.inf, jnp.float32)
    iota = lax.broadcasted_iota(jnp.int32, (16,), 0)

    def fire(j, b, sem):
        ebase = chunk * SC_EDGES + j * SCH
        pltpu.async_copy(dst_hbm.at[pl.ds(ebase, SCH)], dst_v.at[b], sem)
        pltpu.async_copy(m_hbm.at[pl.ds(ebase * 16, SCH * 16)], m_v.at[b], sem)

    def drain(b, sem):
        pltpu.make_async_copy(dst_hbm.at[pl.ds(0, SCH)], dst_v.at[b], sem).wait()
        pltpu.make_async_copy(m_hbm.at[pl.ds(0, SCH * 16)], m_v.at[b], sem).wait()

    def process(b):
        def group(g, c2):
            d16 = dst_v[b, pl.ds(g * 16, 16)]
            for i2 in range(16):
                d_b = _lane_bcast(d16, i2)
                local = d_b - base_node
                inb = (local >= 0) & (local < NHALF)
                rowi = jnp.where(inb, local, NHALF)
                fidx = rowi * 16 + iota
                mrow = m_v[b, pl.ds((g * 16 + i2) * 16, 16)]
                cur = plsc.load_gather(r_v, [fidx])
                plsc.store_scatter(r_v, [fidx], jnp.maximum(cur, mrow))
            return c2

        lax.fori_loop(0, SCH // 16, group, 0)

    sems = (sem0, sem1)
    fire(0, 0, sems[0])

    def init(i, carry):
        r_v[pl.ds(i * 16, 16)] = neg
        return carry

    lax.fori_loop(0, NHALF + 1, init, 0)

    def do_pair(j0, carry):
        for b in range(2):
            j = j0 * 2 + b
            drain(b, sems[b])

            @pl.when(j < SNCH - 1)
            def _():
                fire(j + 1, 1 - b, sems[1 - b])

            process(b)
        return carry

    lax.fori_loop(0, (SNCH - 1) // 2, do_pair, 0)
    drain(0, sems[0])
    process(0)
    pltpu.sync_copy(r_v.at[pl.ds(0, NHALF * 16)], part_hbm.at[wid])


def _sc_scatter(m_flat, dst):
    return pl.kernel(
        _sc_scatter_body,
        out_type=jax.ShapeDtypeStruct((NW, NHALF * 16), jnp.float32),
        mesh=plsc.VectorSubcoreMesh(core_axis_name="c", subcore_axis_name="s"),
        compiler_params=pltpu.CompilerParams(use_tc_tiling_on_sc=False, needs_layout_passes=False),
        scratch_types=[
            pltpu.VMEM((2, SCH), jnp.int32),
            pltpu.VMEM((2, SCH * 16), jnp.float32),
            pltpu.VMEM(((NHALF + 1) * 16,), jnp.float32),
            pltpu.SemaphoreType.DMA,
            pltpu.SemaphoreType.DMA,
        ],
    )(m_flat, dst)


def kernel(x, edge_index, edge_attr, W_msg1, b_msg1, W_msg2, b_msg2,
           W_udt1, b_udt1, W_udt2, b_udt2):
    src = edge_index[0]
    dst = edge_index[1]
    eye8 = jnp.eye(8, dtype=jnp.float32)

    x8 = x.reshape(N_NODES // 8, 1024)
    kw = jnp.kron(eye8, W_msg1[16:])
    ku = jnp.kron(eye8, W_udt1[:128])
    k2 = jnp.kron(eye8, W_msg2)
    k1b = jnp.kron(eye8, W_udt1[128:])
    k2u = jnp.kron(eye8, W_udt2)
    bu8 = jnp.tile(b_udt1, 8).reshape(1, 128)
    b28 = jnp.tile(b_msg2, 8).reshape(1, 128)
    b2u8 = jnp.tile(b_udt2, 8).reshape(1, 1024)

    xw8, xu8 = _node_pre(x8, kw, ku, bu8)

    k1 = jnp.kron(eye8, W_msg1[:16])
    b18 = jnp.tile(b_msg1, 8).reshape(1, 128)

    g = _sc_gather(xw8.reshape(N_NODES, 16), src)
    g8 = g.reshape(N_EDGES // 8, 128)
    ea8 = edge_attr.reshape(N_EDGES // 8, 128)
    m8 = _mid(ea8, g8, 0, k1, b18, k2, b28)
    parts = _sc_scatter(m8.reshape(-1), dst)
    p8 = parts.reshape(16, N_NODES // 8, 128)

    out8 = _post(p8, xu8, k1b, k2u, b2u8)
    return out8.reshape(N_NODES, 128)

# --- scband reference (transcript-rebuilt; emitter-appended) ---
"""Pipeline reference for scband-graph-conv-17532056502697 (READ-ONLY COPY).

The authoritative reference and input builder live on the scoring server;
editing this copy changes nothing except your own understanding.
"""

import jax, jax.numpy as jnp
import numpy as np

N = 10000
E = 320000
D_SRC = 128
D_DST = 128
D_EDGE = 16
MSG = 16
HID = 16
D_OUT = 128


def setup_inputs(seed: int = 0) -> dict:
    key = jax.random.key(seed)
    ks = jax.random.split(key, 12)
    x = jax.random.normal(ks[0], (N, D_SRC), dtype=jnp.float32)
    edge_index = jax.random.randint(ks[1], (2, E), 0, N, dtype=jnp.int32)
    edge_attr = jax.random.normal(ks[2], (E, D_EDGE), dtype=jnp.float32)
    # fc_msg: Linear(D_EDGE + D_SRC -> HID), ReLU, Linear(HID -> MSG)
    fin1 = D_EDGE + D_SRC
    W_msg1 = jax.random.normal(ks[3], (fin1, HID), dtype=jnp.float32) / np.sqrt(fin1)
    b_msg1 = jnp.zeros((HID,), dtype=jnp.float32)
    W_msg2 = jax.random.normal(ks[4], (HID, MSG), dtype=jnp.float32) / np.sqrt(HID)
    b_msg2 = jnp.zeros((MSG,), dtype=jnp.float32)
    # fc_udt: Linear(D_DST + MSG -> HID), ReLU, Linear(HID -> D_OUT)
    fin2 = D_DST + MSG
    W_udt1 = jax.random.normal(ks[5], (fin2, HID), dtype=jnp.float32) / np.sqrt(fin2)
    b_udt1 = jnp.zeros((HID,), dtype=jnp.float32)
    W_udt2 = jax.random.normal(ks[6], (HID, D_OUT), dtype=jnp.float32) / np.sqrt(HID)
    b_udt2 = jnp.zeros((D_OUT,), dtype=jnp.float32)
    return {
        "x": x,
        "edge_index": edge_index,
        "edge_attr": edge_attr,
        "W_msg1": W_msg1, "b_msg1": b_msg1,
        "W_msg2": W_msg2, "b_msg2": b_msg2,
        "W_udt1": W_udt1, "b_udt1": b_udt1,
        "W_udt2": W_udt2, "b_udt2": b_udt2,
    }


def reference(x, edge_index, edge_attr, W_msg1, b_msg1, W_msg2, b_msg2, W_udt1, b_udt1, W_udt2, b_udt2):
    src = edge_index[0]
    dst = edge_index[1]
    # message: concat([edge_feats, src_feats]) -> fc_msg MLP
    h_src = jnp.take(x, src, axis=0)
    m_in = jnp.concatenate([edge_attr, h_src], axis=1)
    h = jnp.maximum(m_in @ W_msg1 + b_msg1, 0.0)
    m = h @ W_msg2 + b_msg2
    # reduce: max over incoming edges per destination node (DGL fn.max)
    r = jax.ops.segment_max(m, dst, num_segments=x.shape[0])
    # DGL fills nodes with no in-edges with 0
    r = jnp.where(jnp.isfinite(r), r, 0.0)
    # update: concat([dst in_feats, reduced]) -> fc_udt MLP
    u_in = jnp.concatenate([x, r], axis=1)
    u = jnp.maximum(u_in @ W_udt1 + b_udt1, 0.0)
    out = u @ W_udt2 + b_udt2
    return out

if __name__ == "__main__":
    import jax
    _d = setup_inputs()
    print(jax.jit(kernel)(*tuple(_d.values())))

</pallas_src>

<mosaic_0001>
#map = affine_map<(d0, d1) -> (0)>
#map1 = affine_map<(d0, d1) -> (0, 0)>
module attributes {stable_mosaic.version = 14 : i64} {
  func.func @_sc_scatter_body(%arg0: i32, %arg1: i32, %arg2: memref<5120000xf32, #tpu.memory_space<hbm>>, %arg3: memref<320000xi32, #tpu.memory_space<hbm>>, %arg4: memref<32x80000xf32, #tpu.memory_space<hbm>>, %arg5: memref<2x800xi32, #tpu.memory_space<vmem>>, %arg6: memref<2x12800xf32, #tpu.memory_space<vmem>>, %arg7: memref<80016xf32, #tpu.memory_space<vmem>>, %arg8: memref<!tpu.dma_semaphore, #tpu.memory_space<semaphore_mem>>, %arg9: memref<!tpu.dma_semaphore, #tpu.memory_space<semaphore_mem>>) attributes {dimension_semantics = [#tpu.dimension_semantics<core_parallel>, #tpu.dimension_semantics<subcore_parallel>], iteration_bounds = array<i64: 2, 16>, scalar_prefetch = 0 : i64, scratch_operands = 5 : i64, tpu.core_type = #tpu.core_type<sc_vector_subcore>, window_params = [{transform_indices = #map}, {transform_indices = #map}, {transform_indices = #map1}]} {
    %mul3A = arith.constant 2 : i32
    %mul3A_0 = arith.muli %arg1, %mul3A : i32
    %add3A = arith.addi %mul3A_0, %arg0 : i32
    %jit3A = arith.constant 2 : i32
    %div3A = arith.divsi %add3A, %jit3A : i32
    %sign3A = arith.constant 0 : i32
    %sign3A_1 = arith.cmpi sgt, %add3A, %sign3A : i32
    %sign3A_2 = arith.extui %sign3A_1 : i1 to i32
    %sign3A_3 = arith.constant 0 : i32
    %sign3A_4 = arith.cmpi slt, %add3A, %sign3A_3 : i32
    %sign3A_5 = arith.extui %sign3A_4 : i1 to i32
    %sign3A_6 = arith.subi %sign3A_2, %sign3A_5 : i32
    %sign3A_7 = arith.constant 0 : i32
    %sign3A_8 = arith.cmpi sgt, %jit3A, %sign3A_7 : i32
    %sign3A_9 = arith.extui %sign3A_8 : i1 to i32
    %sign3A_10 = arith.constant 0 : i32
    %sign3A_11 = arith.cmpi slt, %jit3A, %sign3A_10 : i32
    %sign3A_12 = arith.extui %sign3A_11 : i1 to i32
    %sign3A_13 = arith.subi %sign3A_9, %sign3A_12 : i32
    %ne3A = arith.cmpi ne, %sign3A_6, %sign3A_13 : i32
    %rem3A = arith.remsi %add3A, %jit3A : i32
    %ne3A_14 = arith.constant 0 : i32
    %ne3A_15 = arith.cmpi ne, %rem3A, %ne3A_14 : i32
    %and3A = arith.andi %ne3A, %ne3A_15 : i1
    %sub3A = arith.constant 1 : i32
    %sub3A_16 = arith.subi %div3A, %sub3A : i32
    %select_n3A = arith.select %and3A, %sub3A_16, %div3A : i32
    %jit3A_17 = arith.constant 2 : i32
    %eq3A = arith.constant 0 : i32
    %eq3A_18 = arith.cmpi eq, %jit3A_17, %eq3A : i32
    %jit3A_19 = arith.constant 1 : i32
    %select_n3A_20 = arith.select %eq3A_18, %jit3A_19, %jit3A_17 : i32
    %rem3A_21 = arith.remsi %add3A, %select_n3A_20 : i32
    %ne3A_22 = arith.constant 0 : i32
    %ne3A_23 = arith.cmpi ne, %rem3A_21, %ne3A_22 : i32
    %lt3A = arith.constant 0 : i32
    %lt3A_24 = arith.cmpi slt, %rem3A_21, %lt3A : i32
    %lt3A_25 = arith.constant 0 : i32
    %lt3A_26 = arith.cmpi slt, %select_n3A_20, %lt3A_25 : i32
    %ne3A_27 = arith.xori %lt3A_24, %lt3A_26 : i1
    %and3A_28 = arith.andi %ne3A_27, %ne3A_23 : i1
    %add3A_29 = arith.addi %rem3A_21, %select_n3A_20 : i32
    %select_n3A_30 = arith.select %and3A_28, %add3A_29, %rem3A_21 : i32
    %mul3A_31 = arith.constant 5000 : i32
    %mul3A_32 = arith.muli %select_n3A_30, %mul3A_31 : i32
    %broadcast_in_dim3A = arith.constant 0xFF800000 : f32
    %broadcast_in_dim3A_33 = vector.broadcast %broadcast_in_dim3A : f32 to vector<16xf32>
    %iota3A = tpu.iota {dimensions = array<i32: 0>} : vector<16xi32>
    %mul3A_34 = arith.constant 20000 : i32
    %mul3A_35 = arith.muli %select_n3A, %mul3A_34 : i32
    %add3A_36 = arith.constant 0 : i32
    %add3A_37 = arith.addi %mul3A_35, %add3A_36 : i32
    %dma_start3A = arith.constant 0 : i32
    %dma_start3A_38 = arith.constant 0 : i32
    %dma_start3A_39 = tpu.memref_slice %arg5[%dma_start3A, %dma_start3A_38] : memref<2x800xi32, #tpu.memory_space<vmem>> -> memref<1x800xi32, #tpu.memory_space<vmem>>
    %dma_start3A_40 = tpu.memref_squeeze %dma_start3A_39 : memref<1x800xi32, #tpu.memory_space<vmem>> -> memref<800xi32, #tpu.memory_space<vmem>>
    %dma_start3A_41 = tpu.memref_slice %arg3[%add3A_37] : memref<320000xi32, #tpu.memory_space<hbm>> -> memref<800xi32, #tpu.memory_space<hbm>>
    %dma_start3A_42 = arith.constant 0 : i32
    %dma_start3A_43 = tpu.memref_slice %arg5[%dma_start3A, %dma_start3A_42] : memref<2x800xi32, #tpu.memory_space<vmem>> -> memref<1x800xi32, #tpu.memory_space<vmem>>
    %dma_start3A_44 = tpu.memref_squeeze %dma_start3A_43 : memref<1x800xi32, #tpu.memory_space<vmem>> -> memref<800xi32, #tpu.memory_space<vmem>>
    %dma_start3A_45 = tpu.memref_slice %arg3[%add3A_37] : memref<320000xi32, #tpu.memory_space<hbm>> -> memref<800xi32, #tpu.memory_space<hbm>>
    tpu.enqueue_dma source(%dma_start3A_45 : memref<800xi32, #tpu.memory_space<hbm>>) target(%dma_start3A_44 : memref<800xi32, #tpu.memory_space<vmem>>) target_semaphore(%arg8 : memref<!tpu.dma_semaphore, #tpu.memory_space<semaphore_mem>>)
    %mul3A_46 = arith.constant 16 : i32
    %mul3A_47 = arith.muli %add3A_37, %mul3A_46 : i32
    %dma_start3A_48 = arith.constant 0 : i32
    %dma_start3A_49 = arith.constant 0 : i32
    %dma_start3A_50 = tpu.memref_slice %arg6[%dma_start3A_48, %dma_start3A_49] : memref<2x12800xf32, #tpu.memory_space<vmem>> -> memref<1x12800xf32, #tpu.memory_space<vmem>>
    %dma_start3A_51 = tpu.memref_squeeze %dma_start3A_50 : memref<1x12800xf32, #tpu.memory_space<vmem>> -> memref<12800xf32, #tpu.memory_space<vmem>>
    %dma_start3A_52 = tpu.memref_slice %arg2[%mul3A_47] : memref<5120000xf32, #tpu.memory_space<hbm>> -> memref<12800xf32, #tpu.memory_space<hbm>>
    %dma_start3A_53 = arith.constant 0 : i32
    %dma_start3A_54 = tpu.memref_slice %arg6[%dma_start3A_48, %dma_start3A_53] : memref<2x12800xf32, #tpu.memory_space<vmem>> -> memref<1x12800xf32, #tpu.memory_space<vmem>>
    %dma_start3A_55 = tpu.memref_squeeze %dma_start3A_54 : memref<1x12800xf32, #tpu.memory_space<vmem>> -> memref<12800xf32, #tpu.memory_space<vmem>>
    %dma_start3A_56 = tpu.memref_slice %arg2[%mul3A_47] : memref<5120000xf32, #tpu.memory_space<hbm>> -> memref<12800xf32, #tpu.memory_space<hbm>>
    tpu.enqueue_dma source(%dma_start3A_56 : memref<12800xf32, #tpu.memory_space<hbm>>) target(%dma_start3A_55 : memref<12800xf32, #tpu.memory_space<vmem>>) target_semaphore(%arg8 : memref<!tpu.dma_semaphore, #tpu.memory_space<semaphore_mem>>)
    %scan3A = arith.constant 0 : i32
    %scan3A_57 = arith.constant 0 : i32
    %scan3A_58 = arith.constant 5001 : i32
    %scan3A_59 = arith.addi %scan3A_57, %scan3A_58 : i32
    %scan3A_60 = arith.constant 1 : i32
    scf.for %scan3A_95 = %scan3A_57 to %scan3A_59 step %scan3A_60  : i32 {
      %mul3A_96 = arith.constant 16 : i32
      %mul3A_97 = arith.muli %scan3A_95, %mul3A_96 : i32
      %swap3A = arith.index_cast %mul3A_97 : i32 to index
      %swap3A_98 = tpu.vector_load %arg7[%swap3A] {strides = array<i32>} : memref<80016xf32, #tpu.memory_space<vmem>>, vector<16xf32>,
      tpu.vector_store %arg7[%swap3A], %broadcast_in_dim3A_33 {strides = array<i32>} : memref<80016xf32, #tpu.memory_space<vmem>>, vector<16xf32>,
    }
    %scan3A_61 = arith.constant 5001 : i32
    %scan3A_62 = arith.constant 0 : i32
    %scan3A_63 = arith.constant 0 : i32
    %scan3A_64 = arith.constant 12 : i32
    %scan3A_65 = arith.addi %scan3A_63, %scan3A_64 : i32
    %scan3A_66 = arith.constant 1 : i32
    scf.for %scan3A_95 = %scan3A_63 to %scan3A_65 step %scan3A_66  : i32 {
      %mul3A_96 = arith.constant 2 : i32
      %mul3A_97 = arith.muli %scan3A_95, %mul3A_96 : i32
      %add3A_98 = arith.constant 0 : i32
      %add3A_99 = arith.addi %mul3A_97, %add3A_98 : i32
      %dma_wait3A_100 = arith.constant 0 : i32
      %dma_wait3A_101 = arith.constant 0 : i32
      %dma_wait3A_102 = tpu.memref_slice %arg5[%dma_wait3A_100, %dma_wait3A_101] : memref<2x800xi32, #tpu.memory_space<vmem>> -> memref<1x800xi32, #tpu.memory_space<vmem>>
      %dma_wait3A_103 = tpu.memref_squeeze %dma_wait3A_102 : memref<1x800xi32, #tpu.memory_space<vmem>> -> memref<800xi32, #tpu.memory_space<vmem>>
      %dma_wait3A_104 = arith.constant 0 : i32
      %dma_wait3A_105 = tpu.memref_slice %arg3[%dma_wait3A_104] : memref<320000xi32, #tpu.memory_space<hbm>> -> memref<800xi32, #tpu.memory_space<hbm>>
      %dma_wait3A_106 = arith.constant 0 : i32
      %dma_wait3A_107 = tpu.memref_slice %arg5[%dma_wait3A_100, %dma_wait3A_106] : memref<2x800xi32, #tpu.memory_space<vmem>> -> memref<1x800xi32, #tpu.memory_space<vmem>>
      %dma_wait3A_108 = tpu.memref_squeeze %dma_wait3A_107 : memref<1x800xi32, #tpu.memory_space<vmem>> -> memref<800xi32, #tpu.memory_space<vmem>>
      %dma_wait3A_109 = arith.constant 0 : i32
      %dma_wait3A_110 = tpu.memref_slice %arg3[%dma_wait3A_109] : memref<320000xi32, #tpu.memory_space<hbm>> -> memref<800xi32, #tpu.memory_space<hbm>>
      tpu.wait_dma2 semaphore(%arg8 : memref<!tpu.dma_semaphore, #tpu.memory_space<semaphore_mem>>) src(%dma_wait3A_110 : memref<800xi32, #tpu.memory_space<hbm>>) dst(%dma_wait3A_108 : memref<800xi32, #tpu.memory_space<vmem>>)
      %dma_wait3A_111 = arith.constant 0 : i32
      %dma_wait3A_112 = arith.constant 0 : i32
      %dma_wait3A_113 = tpu.memref_slice %arg6[%dma_wait3A_111, %dma_wait3A_112] : memref<2x12800xf32, #tpu.memory_space<vmem>> -> memref<1x12800xf32, #tpu.memory_space<vmem>>
      %dma_wait3A_114 = tpu.memref_squeeze %dma_wait3A_113 : memref<1x12800xf32, #tpu.memory_space<vmem>> -> memref<12800xf32, #tpu.memory_space<vmem>>
      %dma_wait3A_115 = arith.constant 0 : i32
      %dma_wait3A_116 = tpu.memref_slice %arg2[%dma_wait3A_115] : memref<5120000xf32, #tpu.memory_space<hbm>> -> memref<12800xf32, #tpu.memory_space<hbm>>
      %dma_wait3A_117 = arith.constant 0 : i32
      %dma_wait3A_118 = tpu.memref_slice %arg6[%dma_wait3A_111, %dma_wait3A_117] : memref<2x12800xf32, #tpu.memory_space<vmem>> -> memref<1x12800xf32, #tpu.memory_space<vmem>>
      %dma_wait3A_119 = tpu.memref_squeeze %dma_wait3A_118 : memref<1x12800xf32, #tpu.memory_space<vmem>> -> memref<12800xf32, #tpu.memory_space<vmem>>
      %dma_wait3A_120 = arith.constant 0 : i32
      %dma_wait3A_121 = tpu.memref_slice %arg2[%dma_wait3A_120] : memref<5120000xf32, #tpu.memory_space<hbm>> -> memref<12800xf32, #tpu.memory_space<hbm>>
      tpu.wait_dma2 semaphore(%arg8 : memref<!tpu.dma_semaphore, #tpu.memory_space<semaphore_mem>>) src(%dma_wait3A_121 : memref<12800xf32, #tpu.memory_space<hbm>>) dst(%dma_wait3A_119 : memref<12800xf32, #tpu.memory_space<vmem>>)
      %lt3A_122 = arith.constant 24 : i32
      %lt3A_123 = arith.cmpi slt, %add3A_99, %lt3A_122 : i32
      %convert_element_type3A = arith.extui %lt3A_123 : i1 to i32
      %cond3A = arith.constant 0 : i32
      %cond3A_124 = arith.cmpi ne, %convert_element_type3A, %cond3A : i32
      scf.if %cond3A_124 {
        %add3A_168 = arith.constant 1 : i32
        %add3A_169 = arith.addi %add3A_99, %add3A_168 : i32
        %mul3A_170 = arith.constant 20000 : i32
        %mul3A_171 = arith.muli %select_n3A, %mul3A_170 : i32
        %mul3A_172 = arith.constant 800 : i32
        %mul3A_173 = arith.muli %add3A_169, %mul3A_172 : i32
        %add3A_174 = arith.addi %mul3A_171, %mul3A_173 : i32
        %dma_start3A_175 = arith.constant 1 : i32
        %dma_start3A_176 = arith.constant 0 : i32
        %dma_start3A_177 = tpu.memref_slice %arg5[%dma_start3A_175, %dma_start3A_176] : memref<2x800xi32, #tpu.memory_space<vmem>> -> memref<1x800xi32, #tpu.memory_space<vmem>>
        %dma_start3A_178 = tpu.memref_squeeze %dma_start3A_177 : memref<1x800xi32, #tpu.memory_space<vmem>> -> memref<800xi32, #tpu.memory_space<vmem>>
        %dma_start3A_179 = tpu.memref_slice %arg3[%add3A_174] : memref<320000xi32, #tpu.memory_space<hbm>> -> memref<800xi32, #tpu.memory_space<hbm>>
        %dma_start3A_180 = arith.constant 0 : i32
        %dma_start3A_181 = tpu.memref_slice %arg5[%dma_start3A_175, %dma_start3A_180] : memref<2x800xi32, #tpu.memory_space<vmem>> -> memref<1x800xi32, #tpu.memory_space<vmem>>
        %dma_start3A_182 = tpu.memref_squeeze %dma_start3A_181 : memref<1x800xi32, #tpu.memory_space<vmem>> -> memref<800xi32, #tpu.memory_space<vmem>>
        %dma_start3A_183 = tpu.memref_slice %arg3[%add3A_174] : memref<320000xi32, #tpu.memory_space<hbm>> -> memref<800xi32, #tpu.memory_space<hbm>>
        tpu.enqueue_dma source(%dma_start3A_183 : memref<800xi32, #tpu.memory_space<hbm>>) target(%dma_start3A_182 : memref<800xi32, #tpu.memory_space<vmem>>) target_semaphore(%arg9 : memref<!tpu.dma_semaphore, #tpu.memory_space<semaphore_mem>>)
        %mul3A_184 = arith.constant 16 : i32
        %mul3A_185 = arith.muli %add3A_174, %mul3A_184 : i32
        %dma_start3A_186 = arith.constant 1 : i32
        %dma_start3A_187 = arith.constant 0 : i32
        %dma_start3A_188 = tpu.memref_slice %arg6[%dma_start3A_186, %dma_start3A_187] : memref<2x12800xf32, #tpu.memory_space<vmem>> -> memref<1x12800xf32, #tpu.memory_space<vmem>>
        %dma_start3A_189 = tpu.memref_squeeze %dma_start3A_188 : memref<1x12800xf32, #tpu.memory_space<vmem>> -> memref<12800xf32, #tpu.memory_space<vmem>>
        %dma_start3A_190 = tpu.memref_slice %arg2[%mul3A_185] : memref<5120000xf32, #tpu.memory_space<hbm>> -> memref<12800xf32, #tpu.memory_space<hbm>>
        %dma_start3A_191 = arith.constant 0 : i32
        %dma_start3A_192 = tpu.memref_slice %arg6[%dma_start3A_186, %dma_start3A_191] : memref<2x12800xf32, #tpu.memory_space<vmem>> -> memref<1x12800xf32, #tpu.memory_space<vmem>>
        %dma_start3A_193 = tpu.memref_squeeze %dma_start3A_192 : memref<1x12800xf32, #tpu.memory_space<vmem>> -> memref<12800xf32, #tpu.memory_space<vmem>>
        %dma_start3A_194 = tpu.memref_slice %arg2[%mul3A_185] : memref<5120000xf32, #tpu.memory_space<hbm>> -> memref<12800xf32, #tpu.memory_space<hbm>>
        tpu.enqueue_dma source(%dma_start3A_194 : memref<12800xf32, #tpu.memory_space<hbm>>) target(%dma_start3A_193 : memref<12800xf32, #tpu.memory_space<vmem>>) target_semaphore(%arg9 : memref<!tpu.dma_semaphore, #tpu.memory_space<semaphore_mem>>)
      } else {
      }
      %scan3A_125 = arith.constant 0 : i32
      %scan3A_126 = arith.constant 0 : i32
      %scan3A_127 = arith.constant 50 : i32
      %scan3A_128 = arith.addi %scan3A_126, %scan3A_127 : i32
      %scan3A_129 = arith.constant 1 : i32
      scf.for %scan3A_168 = %scan3A_126 to %scan3A_128 step %scan3A_129  : i32 {
        %mul3A_169 = arith.constant 16 : i32
        %mul3A_170 = arith.muli %scan3A_168, %mul3A_169 : i32
        %get3A = arith.constant 0 : i32
        %get3A_171 = arith.index_cast %get3A : i32 to index
        %get3A_172 = arith.index_cast %mul3A_170 : i32 to index
        %get3A_173 = tpu.vector_load %arg5[%get3A_171, %get3A_172] {strides = array<i32>} : memref<2x800xi32, #tpu.memory_space<vmem>>, vector<16xi32>,
        %broadcast_in_dim3A_174 = arith.constant 0 : i32
        %broadcast_in_dim3A_175 = vector.broadcast %broadcast_in_dim3A_174 : i32 to vector<16xi32>
        %broadcast_in_dim3A_176 = vector.shape_cast %broadcast_in_dim3A_175 : vector<16xi32> to vector<16x1xi32>
        %gather3A = vector.shape_cast %broadcast_in_dim3A_176 : vector<16x1xi32> to vector<16xi32>
        %gather3A_177 = tpu.dynamic_gather %get3A_173[%gather3A] in [0] : vector<16xi32>, vector<16xi32> -> vector<16xi32>
        %sub3A_178 = vector.broadcast %mul3A_32 : i32 to vector<16xi32>
        %sub3A_179 = arith.subi %gather3A_177, %sub3A_178 : vector<16xi32>
        %ge3A = arith.constant 0 : i32
        %ge3A_180 = vector.broadcast %ge3A : i32 to vector<16xi32>
        %ge3A_181 = arith.cmpi sge, %sub3A_179, %ge3A_180 : vector<16xi32>
        %lt3A_182 = arith.constant 5000 : i32
        %lt3A_183 = vector.broadcast %lt3A_182 : i32 to vector<16xi32>
        %lt3A_184 = arith.cmpi slt, %sub3A_179, %lt3A_183 : vector<16xi32>
        %and3A_185 = arith.andi %ge3A_181, %lt3A_184 : vector<16xi1>
        %jit3A_186 = arith.constant 5000 : i32
        %broadcast_in_dim3A_187 = vector.broadcast %jit3A_186 : i32 to vector<16xi32>
        %select_n3A_188 = arith.select %and3A_185, %sub3A_179, %broadcast_in_dim3A_187 : vector<16xi1>, vector<16xi32>
        %mul3A_189 = arith.constant 16 : i32
        %mul3A_190 = vector.broadcast %mul3A_189 : i32 to vector<16xi32>
        %mul3A_191 = arith.muli %select_n3A_188, %mul3A_190 : vector<16xi32>
        %add3A_192 = arith.addi %mul3A_191, %iota3A : vector<16xi32>
        %mul3A_193 = arith.constant 16 : i32
        %mul3A_194 = arith.muli %scan3A_168, %mul3A_193 : i32
        %add3A_195 = arith.constant 0 : i32
        %add3A_196 = arith.addi %mul3A_194, %add3A_195 : i32
        %mul3A_197 = arith.constant 16 : i32
        %mul3A_198 = arith.muli %add3A_196, %mul3A_197 : i32
        %get3A_199 = arith.constant 0 : i32
        %get3A_200 = arith.index_cast %get3A_199 : i32 to index
        %get3A_201 = arith.index_cast %mul3A_198 : i32 to index
        %get3A_202 = tpu.vector_load %arg6[%get3A_200, %get3A_201] {strides = array<i32>} : memref<2x12800xf32, #tpu.memory_space<vmem>>, vector<16xf32>,
        %gather3A_203 = tpu.vector_load_idx %arg7[%add3A_192] : memref<80016xf32, #tpu.memory_space<vmem>>[vector<16xi32>], vector<16xf32>,
        %max3A = arith.maximumf %gather3A_203, %get3A_202 : vector<16xf32>
        tpu.vector_store_idx %arg7[%add3A_192], %max3A : memref<80016xf32, #tpu.memory_space<vmem>>[vector<16xi32>], vector<16xf32>,
        %broadcast_in_dim3A_204 = arith.constant 1 : i32
        %broadcast_in_dim3A_205 = vector.broadcast %broadcast_in_dim3A_204 : i32 to vector<16xi32>
        %broadcast_in_dim3A_206 = vector.shape_cast %broadcast_in_dim3A_205 : vector<16xi32> to vector<16x1xi32>
        %gather3A_207 = vector.shape_cast %broadcast_in_dim3A_206 : vector<16x1xi32> to vector<16xi32>
        %gather3A_208 = tpu.dynamic_gather %get3A_173[%gather3A_207] in [0] : vector<16xi32>, vector<16xi32> -> vector<16xi32>
        %sub3A_209 = vector.broadcast %mul3A_32 : i32 to vector<16xi32>
        %sub3A_210 = arith.subi %gather3A_208, %sub3A_209 : vector<16xi32>
        %ge3A_211 = arith.constant 0 : i32
        %ge3A_212 = vector.broadcast %ge3A_211 : i32 to vector<16xi32>
        %ge3A_213 = arith.cmpi sge, %sub3A_210, %ge3A_212 : vector<16xi32>
        %lt3A_214 = arith.constant 5000 : i32
        %lt3A_215 = vector.broadcast %lt3A_214 : i32 to vector<16xi32>
        %lt3A_216 = arith.cmpi slt, %sub3A_210, %lt3A_215 : vector<16xi32>
        %and3A_217 = arith.andi %ge3A_213, %lt3A_216 : vector<16xi1>
        %jit3A_218 = arith.constant 5000 : i32
        %broadcast_in_dim3A_219 = vector.broadcast %jit3A_218 : i32 to vector<16xi32>
        %select_n3A_220 = arith.select %and3A_217, %sub3A_210, %broadcast_in_dim3A_219 : vector<16xi1>, vector<16xi32>
        %mul3A_221 = arith.constant 16 : i32
        %mul3A_222 = vector.broadcast %mul3A_221 : i32 to vector<16xi32>
        %mul3A_223 = arith.muli %select_n3A_220, %mul3A_222 : vector<16xi32>
        %add3A_224 = arith.addi %mul3A_223, %iota3A : vector<16xi32>
        %mul3A_225 = arith.constant 16 : i32
        %mul3A_226 = arith.muli %scan3A_168, %mul3A_225 : i32
        %add3A_227 = arith.constant 1 : i32
        %add3A_228 = arith.addi %mul3A_226, %add3A_227 : i32
        %mul3A_229 = arith.constant 16 : i32
        %mul3A_230 = arith.muli %add3A_228, %mul3A_229 : i32
        %get3A_231 = arith.constant 0 : i32
        %get3A_232 = arith.index_cast %get3A_231 : i32 to index
        %get3A_233 = arith.index_cast %mul3A_230 : i32 to index
        %get3A_234 = tpu.vector_load %arg6[%get3A_232, %get3A_233] {strides = array<i32>} : memref<2x12800xf32, #tpu.memory_space<vmem>>, vector<16xf32>,
        %gather3A_235 = tpu.vector_load_idx %arg7[%add3A_224] : memref<80016xf32, #tpu.memory_space<vmem>>[vector<16xi32>], vector<16xf32>,
        %max3A_236 = arith.maximumf %gather3A_235, %get3A_234 : vector<16xf32>
        tpu.vector_store_idx %arg7[%add3A_224], %max3A_236 : memref<80016xf32, #tpu.memory_space<vmem>>[vector<16xi32>], vector<16xf32>,
        %broadcast_in_dim3A_237 = arith.constant 2 : i32
        %broadcast_in_dim3A_238 = vector.broadcast %broadcast_in_dim3A_237 : i32 to vector<16xi32>
        %broadcast_in_dim3A_239 = vector.shape_cast %broadcast_in_dim3A_238 : vector<16xi32> to vector<16x1xi32>
        %gather3A_240 = vector.shape_cast %broadcast_in_dim3A_239 : vector<16x1xi32> to vector<16xi32>
        %gather3A_241 = tpu.dynamic_gather %get3A_173[%gather3A_240] in [0] : vector<16xi32>, vector<16xi32> -> vector<16xi32>
        %sub3A_242 = vector.broadcast %mul3A_32 : i32 to vector<16xi32>
        %sub3A_243 = arith.subi %gather3A_241, %sub3A_242 : vector<16xi32>
        %ge3A_244 = arith.constant 0 : i32
        %ge3A_245 = vector.broadcast %ge3A_244 : i32 to vector<16xi32>
        %ge3A_246 = arith.cmpi sge, %sub3A_243, %ge3A_245 : vector<16xi32>
        %lt3A_247 = arith.constant 5000 : i32
        %lt3A_248 = vector.broadcast %lt3A_247 : i32 to vector<16xi32>
        %lt3A_249 = arith.cmpi slt, %sub3A_243, %lt3A_248 : vector<16xi32>
        %and3A_250 = arith.andi %ge3A_246, %lt3A_249 : vector<16xi1>
        %jit3A_251 = arith.constant 5000 : i32
        %broadcast_in_dim3A_252 = vector.broadcast %jit3A_251 : i32 to vector<16xi32>
        %select_n3A_253 = arith.select %and3A_250, %sub3A_243, %broadcast_in_dim3A_252 : vector<16xi1>, vector<16xi32>
        %mul3A_254 = arith.constant 16 : i32
        %mul3A_255 = vector.broadcast %mul3A_254 : i32 to vector<16xi32>
        %mul3A_256 = arith.muli %select_n3A_253, %mul3A_255 : vector<16xi32>
        %add3A_257 = arith.addi %mul3A_256, %iota3A : vector<16xi32>
        %mul3A_258 = arith.constant 16 : i32
        %mul3A_259 = arith.muli %scan3A_168, %mul3A_258 : i32
        %add3A_260 = arith.constant 2 : i32
        %add3A_261 = arith.addi %mul3A_259, %add3A_260 : i32
        %mul3A_262 = arith.constant 16 : i32
        %mul3A_263 = arith.muli %add3A_261, %mul3A_262 : i32
        %get3A_264 = arith.constant 0 : i32
        %get3A_265 = arith.index_cast %get3A_264 : i32 to index
        %get3A_266 = arith.index_cast %mul3A_263 : i32 to index
        %get3A_267 = tpu.vector_load %arg6[%get3A_265, %get3A_266] {strides = array<i32>} : memref<2x12800xf32, #tpu.memory_space<vmem>>, vector<16xf32>,
        %gather3A_268 = tpu.vector_load_idx %arg7[%add3A_257] : memref<80016xf32, #tpu.memory_space<vmem>>[vector<16xi32>], vector<16xf32>,
        %max3A_269 = arith.maximumf %gather3A_268, %get3A_267 : vector<16xf32>
        tpu.vector_store_idx %arg7[%add3A_257], %max3A_269 : memref<80016xf32, #tpu.memory_space<vmem>>[vector<16xi32>], vector<16xf32>,
        %broadcast_in_dim3A_270 = arith.constant 3 : i32
        %broadcast_in_dim3A_271 = vector.broadcast %broadcast_in_dim3A_270 : i32 to vector<16xi32>
        %broadcast_in_dim3A_272 = vector.shape_cast %broadcast_in_dim3A_271 : vector<16xi32> to vector<16x1xi32>
        %gather3A_273 = vector.shape_cast %broadcast_in_dim3A_272 : vector<16x1xi32> to vector<16xi32>
        %gather3A_274 = tpu.dynamic_gather %get3A_173[%gather3A_273] in [0] : vector<16xi32>, vector<16xi32> -> vector<16xi32>
        %sub3A_275 = vector.broadcast %mul3A_32 : i32 to vector<16xi32>
        %sub3A_276 = arith.subi %gather3A_274, %sub3A_275 : vector<16xi32>
        %ge3A_277 = arith.constant 0 : i32
        %ge3A_278 = vector.broadcast %ge3A_277 : i32 to vector<16xi32>
        %ge3A_279 = arith.cmpi sge, %sub3A_276, %ge3A_278 : vector<16xi32>
        %lt3A_280 = arith.constant 5000 : i32
        %lt3A_281 = vector.broadcast %lt3A_280 : i32 to vector<16xi32>
        %lt3A_282 = arith.cmpi slt, %sub3A_276, %lt3A_281 : vector<16xi32>
        %and3A_283 = arith.andi %ge3A_279, %lt3A_282 : vector<16xi1>
        %jit3A_284 = arith.constant 5000 : i32
        %broadcast_in_dim3A_285 = vector.broadcast %jit3A_284 : i32 to vector<16xi32>
        %select_n3A_286 = arith.select %and3A_283, %sub3A_276, %broadcast_in_dim3A_285 : vector<16xi1>, vector<16xi32>
        %mul3A_287 = arith.constant 16 : i32
        %mul3A_288 = vector.broadcast %mul3A_287 : i32 to vector<16xi32>
        %mul3A_289 = arith.muli %select_n3A_286, %mul3A_288 : vector<16xi32>
        %add3A_290 = arith.addi %mul3A_289, %iota3A : vector<16xi32>
        %mul3A_291 = arith.constant 16 : i32
        %mul3A_292 = arith.muli %scan3A_168, %mul3A_291 : i32
        %add3A_293 = arith.constant 3 : i32
        %add3A_294 = arith.addi %mul3A_292, %add3A_293 : i32
        %mul3A_295 = arith.constant 16 : i32
        %mul3A_296 = arith.muli %add3A_294, %mul3A_295 : i32
        %get3A_297 = arith.constant 0 : i32
        %get3A_298 = arith.index_cast %get3A_297 : i32 to index
        %get3A_299 = arith.index_cast %mul3A_296 : i32 to index
        %get3A_300 = tpu.vector_load %arg6[%get3A_298, %get3A_299] {strides = array<i32>} : memref<2x12800xf32, #tpu.memory_space<vmem>>, vector<16xf32>,
        %gather3A_301 = tpu.vector_load_idx %arg7[%add3A_290] : memref<80016xf32, #tpu.memory_space<vmem>>[vector<16xi32>], vector<16xf32>,
        %max3A_302 = arith.maximumf %gather3A_301, %get3A_300 : vector<16xf32>
        tpu.vector_store_idx %arg7[%add3A_290], %max3A_302 : memref<80016xf32, #tpu.memory_space<vmem>>[vector<16xi32>], vector<16xf32>,
        %broadcast_in_dim3A_303 = arith.constant 4 : i32
        %broadcast_in_dim3A_304 = vector.broadcast %broadcast_in_dim3A_303 : i32 to vector<16xi32>
        %broadcast_in_dim3A_305 = vector.shape_cast %broadcast_in_dim3A_304 : vector<16xi32> to vector<16x1xi32>
        %gather3A_306 = vector.shape_cast %broadcast_in_dim3A_305 : vector<16x1xi32> to vector<16xi32>
        %gather3A_307 = tpu.dynamic_gather %get3A_173[%gather3A_306] in [0] : vector<16xi32>, vector<16xi32> -> vector<16xi32>
        %sub3A_308 = vector.broadcast %mul3A_32 : i32 to vector<16xi32>
        %sub3A_309 = arith.subi %gather3A_307, %sub3A_308 : vector<16xi32>
        %ge3A_310 = arith.constant 0 : i32
        %ge3A_311 = vector.broadcast %ge3A_310 : i32 to vector<16xi32>
        %ge3A_312 = arith.cmpi sge, %sub3A_309, %ge3A_311 : vector<16xi32>
        %lt3A_313 = arith.constant 5000 : i32
        %lt3A_314 = vector.broadcast %lt3A_313 : i32 to vector<16xi32>
        %lt3A_315 = arith.cmpi slt, %sub3A_309, %lt3A_314 : vector<16xi32>
        %and3A_316 = arith.andi %ge3A_312, %lt3A_315 : vector<16xi1>
        %jit3A_317 = arith.constant 5000 : i32
        %broadcast_in_dim3A_318 = vector.broadcast %jit3A_317 : i32 to vector<16xi32>
        %select_n3A_319 = arith.select %and3A_316, %sub3A_309, %broadcast_in_dim3A_318 : vector<16xi1>, vector<16xi32>
        %mul3A_320 = arith.constant 16 : i32
        %mul3A_321 = vector.broadcast %mul3A_320 : i32 to vector<16xi32>
        %mul3A_322 = arith.muli %select_n3A_319, %mul3A_321 : vector<16xi32>
        %add3A_323 = arith.addi %mul3A_322, %iota3A : vector<16xi32>
        %mul3A_324 = arith.constant 16 : i32
        %mul3A_325 = arith.muli %scan3A_168, %mul3A_324 : i32
        %add3A_326 = arith.constant 4 : i32
        %add3A_327 = arith.addi %mul3A_325, %add3A_326 : i32
        %mul3A_328 = arith.constant 16 : i32
        %mul3A_329 = arith.muli %add3A_327, %mul3A_328 : i32
        %get3A_330 = arith.constant 0 : i32
        %get3A_331 = arith.index_cast %get3A_330 : i32 to index
        %get3A_332 = arith.index_cast %mul3A_329 : i32 to index
        %get3A_333 = tpu.vector_load %arg6[%get3A_331, %get3A_332] {strides = array<i32>} : memref<2x12800xf32, #tpu.memory_space<vmem>>, vector<16xf32>,
        %gather3A_334 = tpu.vector_load_idx %arg7[%add3A_323] : memref<80016xf32, #tpu.memory_space<vmem>>[vector<16xi32>], vector<16xf32>,
        %max3A_335 = arith.maximumf %gather3A_334, %get3A_333 : vector<16xf32>
        tpu.vector_store_idx %arg7[%add3A_323], %max3A_335 : memref<80016xf32, #tpu.memory_space<vmem>>[vector<16xi32>], vector<16xf32>,
        %broadcast_in_dim3A_336 = arith.constant 5 : i32
        %broadcast_in_dim3A_337 = vector.broadcast %broadcast_in_dim3A_336 : i32 to vector<16xi32>
        %broadcast_in_dim3A_338 = vector.shape_cast %broadcast_in_dim3A_337 : vector<16xi32> to vector<16x1xi32>
        %gather3A_339 = vector.shape_cast %broadcast_in_dim3A_338 : vector<16x1xi32> to vector<16xi32>
        %gather3A_340 = tpu.dynamic_gather %get3A_173[%gather3A_339] in [0] : vector<16xi32>, vector<16xi32> -> vector<16xi32>
        %sub3A_341 = vector.broadcast %mul3A_32 : i32 to vector<16xi32>
        %sub3A_342 = arith.subi %gather3A_340, %sub3A_341 : vector<16xi32>
        %ge3A_343 = arith.constant 0 : i32
        %ge3A_344 = vector.broadcast %ge3A_343 : i32 to vector<16xi32>
        %ge3A_345 = arith.cmpi sge, %sub3A_342, %ge3A_344 : vector<16xi32>
        %lt3A_346 = arith.constant 5000 : i32
        %lt3A_347 = vector.broadcast %lt3A_346 : i32 to vector<16xi32>
        %lt3A_348 = arith.cmpi slt, %sub3A_342, %lt3A_347 : vector<16xi32>
        %and3A_349 = arith.andi %ge3A_345, %lt3A_348 : vector<16xi1>
        %jit3A_350 = arith.constant 5000 : i32
        %broadcast_in_dim3A_351 = vector.broadcast %jit3A_350 : i32 to vector<16xi32>
        %select_n3A_352 = arith.select %and3A_349, %sub3A_342, %broadcast_in_dim3A_351 : vector<16xi1>, vector<16xi32>
        %mul3A_353 = arith.constant 16 : i32
        %mul3A_354 = vector.broadcast %mul3A_353 : i32 to vector<16xi32>
        %mul3A_355 = arith.muli %select_n3A_352, %mul3A_354 : vector<16xi32>
        %add3A_356 = arith.addi %mul3A_355, %iota3A : vector<16xi32>
        %mul3A_357 = arith.constant 16 : i32
        %mul3A_358 = arith.muli %scan3A_168, %mul3A_357 : i32
        %add3A_359 = arith.constant 5 : i32
        %add3A_360 = arith.addi %mul3A_358, %add3A_359 : i32
        %mul3A_361 = arith.constant 16 : i32
        %mul3A_362 = arith.muli %add3A_360, %mul3A_361 : i32
        %get3A_363 = arith.constant 0 : i32
        %get3A_364 = arith.index_cast %get3A_363 : i32 to index
        %get3A_365 = arith.index_cast %mul3A_362 : i32 to index
        %get3A_366 = tpu.vector_load %arg6[%get3A_364, %get3A_365] {strides = array<i32>} : memref<2x12800xf32, #tpu.memory_space<vmem>>, vector<16xf32>,
        %gather3A_367 = tpu.vector_load_idx %arg7[%add3A_356] : memref<80016xf32, #tpu.memory_space<vmem>>[vector<16xi32>], vector<16xf32>,
        %max3A_368 = arith.maximumf %gather3A_367, %get3A_366 : vector<16xf32>
        tpu.vector_store_idx %arg7[%add3A_356], %max3A_368 : memref<80016xf32, #tpu.memory_space<vmem>>[vector<16xi32>], vector<16xf32>,
        %broadcast_in_dim3A_369 = arith.constant 6 : i32
        %broadcast_in_dim3A_370 = vector.broadcast %broadcast_in_dim3A_369 : i32 to vector<16xi32>
        %broadcast_in_dim3A_371 = vector.shape_cast %broadcast_in_dim3A_370 : vector<16xi32> to vector<16x1xi32>
        %gather3A_372 = vector.shape_cast %broadcast_in_dim3A_371 : vector<16x1xi32> to vector<16xi32>
        %gather3A_373 = tpu.dynamic_gather %get3A_173[%gather3A_372] in [0] : vector<16xi32>, vector<16xi32> -> vector<16xi32>
        %sub3A_374 = vector.broadcast %mul3A_32 : i32 to vector<16xi32>
        %sub3A_375 = arith.subi %gather3A_373, %sub3A_374 : vector<16xi32>
        %ge3A_376 = arith.constant 0 : i32
        %ge3A_377 = vector.broadcast %ge3A_376 : i32 to vector<16xi32>
        %ge3A_378 = arith.cmpi sge, %sub3A_375, %ge3A_377 : vector<16xi32>
        %lt3A_379 = arith.constant 5000 : i32
        %lt3A_380 = vector.broadcast %lt3A_379 : i32 to vector<16xi32>
        %lt3A_381 = arith.cmpi slt, %sub3A_375, %lt3A_380 : vector<16xi32>
        %and3A_382 = arith.andi %ge3A_378, %lt3A_381 : vector<16xi1>
        %jit3A_383 = arith.constant 5000 : i32
        %broadcast_in_dim3A_384 = vector.broadcast %jit3A_383 : i32 to vector<16xi32>
        %select_n3A_385 = arith.select %and3A_382, %sub3A_375, %broadcast_in_dim3A_384 : vector<16xi1>, vector<16xi32>
        %mul3A_386 = arith.constant 16 : i32
        %mul3A_387 = vector.broadcast %mul3A_386 : i32 to vector<16xi32>
        %mul3A_388 = arith.muli %select_n3A_385, %mul3A_387 : vector<16xi32>
        %add3A_389 = arith.addi %mul3A_388, %iota3A : vector<16xi32>
        %mul3A_390 = arith.constant 16 : i32
        %mul3A_391 = arith.muli %scan3A_168, %mul3A_390 : i32
        %add3A_392 = arith.constant 6 : i32
        %add3A_393 = arith.addi %mul3A_391, %add3A_392 : i32
        %mul3A_394 = arith.constant 16 : i32
        %mul3A_395 = arith.muli %add3A_393, %mul3A_394 : i32
        %get3A_396 = arith.constant 0 : i32
        %get3A_397 = arith.index_cast %get3A_396 : i32 to index
        %get3A_398 = arith.index_cast %mul3A_395 : i32 to index
        %get3A_399 = tpu.vector_load %arg6[%get3A_397, %get3A_398] {strides = array<i32>} : memref<2x12800xf32, #tpu.memory_space<vmem>>, vector<16xf32>,
        %gather3A_400 = tpu.vector_load_idx %arg7[%add3A_389] : memref<80016xf32, #tpu.memory_space<vmem>>[vector<16xi32>], vector<16xf32>,
        %max3A_401 = arith.maximumf %gather3A_400, %get3A_399 : vector<16xf32>
        tpu.vector_store_idx %arg7[%add3A_389], %max3A_401 : memref<80016xf32, #tpu.memory_space<vmem>>[vector<16xi32>], vector<16xf32>,
        %broadcast_in_dim3A_402 = arith.constant 7 : i32
        %broadcast_in_dim3A_403 = vector.broadcast %broadcast_in_dim3A_402 : i32 to vector<16xi32>
        %broadcast_in_dim3A_404 = vector.shape_cast %broadcast_in_dim3A_403 : vector<16xi32> to vector<16x1xi32>
        %gather3A_405 = vector.shape_cast %broadcast_in_dim3A_404 : vector<16x1xi32> to vector<16xi32>
        %gather3A_406 = tpu.dynamic_gather %get3A_173[%gather3A_405] in [0] : vector<16xi32>, vector<16xi32> -> vector<16xi32>
        %sub3A_407 = vector.broadcast %mul3A_32 : i32 to vector<16xi32>
        %sub3A_408 = arith.subi %gather3A_406, %sub3A_407 : vector<16xi32>
        %ge3A_409 = arith.constant 0 : i32
        %ge3A_410 = vector.broadcast %ge3A_409 : i32 to vector<16xi32>
        %ge3A_411 = arith.cmpi sge, %sub3A_408, %ge3A_410 : vector<16xi32>
        %lt3A_412 = arith.constant 5000 : i32
        %lt3A_413 = vector.broadcast %lt3A_412 : i32 to vector<16xi32>
        %lt3A_414 = arith.cmpi slt, %sub3A_408, %lt3A_413 : vector<16xi32>
        %and3A_415 = arith.andi %ge3A_411, %lt3A_414 : vector<16xi1>
        %jit3A_416 = arith.constant 5000 : i32
        %broadcast_in_dim3A_417 = vector.broadcast %jit3A_416 : i32 to vector<16xi32>
        %select_n3A_418 = arith.select %and3A_415, %sub3A_408, %broadcast_in_dim3A_417 : vector<16xi1>, vector<16xi32>
        %mul3A_419 = arith.constant 16 : i32
        %mul3A_420 = vector.broadcast %mul3A_419 : i32 to vector<16xi32>
        %mul3A_421 = arith.muli %select_n3A_418, %mul3A_420 : vector<16xi32>
        %add3A_422 = arith.addi %mul3A_421, %iota3A : vector<16xi32>
        %mul3A_423 = arith.constant 16 : i32
        %mul3A_424 = arith.muli %scan3A_168, %mul3A_423 : i32
        %add3A_425 = arith.constant 7 : i32
        %add3A_426 = arith.addi %mul3A_424, %add3A_425 : i32
        %mul3A_427 = arith.constant 16 : i32
        %mul3A_428 = arith.muli %add3A_426, %mul3A_427 : i32
        %get3A_429 = arith.constant 0 : i32
        %get3A_430 = arith.index_cast %get3A_429 : i32 to index
        %get3A_431 = arith.index_cast %mul3A_428 : i32 to index
        %get3A_432 = tpu.vector_load %arg6[%get3A_430, %get3A_431] {strides = array<i32>} : memref<2x12800xf32, #tpu.memory_space<vmem>>, vector<16xf32>,
        %gather3A_433 = tpu.vector_load_idx %arg7[%add3A_422] : memref<80016xf32, #tpu.memory_space<vmem>>[vector<16xi32>], vector<16xf32>,
        %max3A_434 = arith.maximumf %gather3A_433, %get3A_432 : vector<16xf32>
        tpu.vector_store_idx %arg7[%add3A_422], %max3A_434 : memref<80016xf32, #tpu.memory_space<vmem>>[vector<16xi32>], vector<16xf32>,
        %broadcast_in_dim3A_435 = arith.constant 8 : i32
        %broadcast_in_dim3A_436 = vector.broadcast %broadcast_in_dim3A_435 : i32 to vector<16xi32>
        %broadcast_in_dim3A_437 = vector.shape_cast %broadcast_in_dim3A_436 : vector<16xi32> to vector<16x1xi32>
        %gather3A_438 = vector.shape_cast %broadcast_in_dim3A_437 : vector<16x1xi32> to vector<16xi32>
        %gather3A_439 = tpu.dynamic_gather %get3A_173[%gather3A_438] in [0] : vector<16xi32>, vector<16xi32> -> vector<16xi32>
        %sub3A_440 = vector.broadcast %mul3A_32 : i32 to vector<16xi32>
        %sub3A_441 = arith.subi %gather3A_439, %sub3A_440 : vector<16xi32>
        %ge3A_442 = arith.constant 0 : i32
        %ge3A_443 = vector.broadcast %ge3A_442 : i32 to vector<16xi32>
        %ge3A_444 = arith.cmpi sge, %sub3A_441, %ge3A_443 : vector<16xi32>
        %lt3A_445 = arith.constant 5000 : i32
        %lt3A_446 = vector.broadcast %lt3A_445 : i32 to vector<16xi32>
        %lt3A_447 = arith.cmpi slt, %sub3A_441, %lt3A_446 : vector<16xi32>
        %and3A_448 = arith.andi %ge3A_444, %lt3A_447 : vector<16xi1>
        %jit3A_449 = arith.constant 5000 : i32
        %broadcast_in_dim3A_450 = vector.broadcast %jit3A_449 : i32 to vector<16xi32>
        %select_n3A_451 = arith.select %and3A_448, %sub3A_441, %broadcast_in_dim3A_450 : vector<16xi1>, vector<16xi32>
        %mul3A_452 = arith.constant 16 : i32
        %mul3A_453 = vector.broadcast %mul3A_452 : i32 to vector<16xi32>
        %mul3A_454 = arith.muli %select_n3A_451, %mul3A_453 : vector<16xi32>
        %add3A_455 = arith.addi %mul3A_454, %iota3A : vector<16xi32>
        %mul3A_456 = arith.constant 16 : i32
        %mul3A_457 = arith.muli %scan3A_168, %mul3A_456 : i32
        %add3A_458 = arith.constant 8 : i32
        %add3A_459 = arith.addi %mul3A_457, %add3A_458 : i32
        %mul3A_460 = arith.constant 16 : i32
        %mul3A_461 = arith.muli %add3A_459, %mul3A_460 : i32
        %get3A_462 = arith.constant 0 : i32
        %get3A_463 = arith.index_cast %get3A_462 : i32 to index
        %get3A_464 = arith.index_cast %mul3A_461 : i32 to index
        %get3A_465 = tpu.vector_load %arg6[%get3A_463, %get3A_464] {strides = array<i32>} : memref<2x12800xf32, #tpu.memory_space<vmem>>, vector<16xf32>,
        %gather3A_466 = tpu.vector_load_idx %arg7[%add3A_455] : memref<80016xf32, #tpu.memory_space<vmem>>[vector<16xi32>], vector<16xf32>,
        %max3A_467 = arith.maximumf %gather3A_466, %get3A_465 : vector<16xf32>
        tpu.vector_store_idx %arg7[%add3A_455], %max3A_467 : memref<80016xf32, #tpu.memory_space<vmem>>[vector<16xi32>], vector<16xf32>,
        %broadcast_in_dim3A_468 = arith.constant 9 : i32
        %broadcast_in_dim3A_469 = vector.broadcast %broadcast_in_dim3A_468 : i32 to vector<16xi32>
        %broadcast_in_dim3A_470 = vector.shape_cast %broadcast_in_dim3A_469 : vector<16xi32> to vector<16x1xi32>
        %gather3A_471 = vector.shape_cast %broadcast_in_dim3A_470 : vector<16x1xi32> to vector<16xi32>
        %gather3A_472 = tpu.dynamic_gather %get3A_173[%gather3A_471] in [0] : vector<16xi32>, vector<16xi32> -> vector<16xi32>
        %sub3A_473 = vector.broadcast %mul3A_32 : i32 to vector<16xi32>
        %sub3A_474 = arith.subi %gather3A_472, %sub3A_473 : vector<16xi32>
        %ge3A_475 = arith.constant 0 : i32
        %ge3A_476 = vector.broadcast %ge3A_475 : i32 to vector<16xi32>
        %ge3A_477 = arith.cmpi sge, %sub3A_474, %ge3A_476 : vector<16xi32>
        %lt3A_478 = arith.constant 5000 : i32
        %lt3A_479 = vector.broadcast %lt3A_478 : i32 to vector<16xi32>
        %lt3A_480 = arith.cmpi slt, %sub3A_474, %lt3A_479 : vector<16xi32>
        %and3A_481 = arith.andi %ge3A_477, %lt3A_480 : vector<16xi1>
        %jit3A_482 = arith.constant 5000 : i32
        %broadcast_in_dim3A_483 = vector.broadcast %jit3A_482 : i32 to vector<16xi32>
        %select_n3A_484 = arith.select %and3A_481, %sub3A_474, %broadcast_in_dim3A_483 : vector<16xi1>, vector<16xi32>
        %mul3A_485 = arith.constant 16 : i32
        %mul3A_486 = vector.broadcast %mul3A_485 : i32 to vector<16xi32>
        %mul3A_487 = arith.muli %select_n3A_484, %mul3A_486 : vector<16xi32>
        %add3A_488 = arith.addi %mul3A_487, %iota3A : vector<16xi32>
        %mul3A_489 = arith.constant 16 : i32
        %mul3A_490 = arith.muli %scan3A_168, %mul3A_489 : i32
        %add3A_491 = arith.constant 9 : i32
        %add3A_492 = arith.addi %mul3A_490, %add3A_491 : i32
        %mul3A_493 = arith.constant 16 : i32
        %mul3A_494 = arith.muli %add3A_492, %mul3A_493 : i32
        %get3A_495 = arith.constant 0 : i32
        %get3A_496 = arith.index_cast %get3A_495 : i32 to index
        %get3A_497 = arith.index_cast %mul3A_494 : i32 to index
        %get3A_498 = tpu.vector_load %arg6[%get3A_496, %get3A_497] {strides = array<i32>} : memref<2x12800xf32, #tpu.memory_space<vmem>>, vector<16xf32>,
        %gather3A_499 = tpu.vector_load_idx %arg7[%add3A_488] : memref<80016xf32, #tpu.memory_space<vmem>>[vector<16xi32>], vector<16xf32>,
        %max3A_500 = arith.maximumf %gather3A_499, %get3A_498 : vector<16xf32>
        tpu.vector_store_idx %arg7[%add3A_488], %max3A_500 : memref<80016xf32, #tpu.memory_space<vmem>>[vector<16xi32>], vector<16xf32>,
        %broadcast_in_dim3A_501 = arith.constant 10 : i32
        %broadcast_in_dim3A_502 = vector.broadcast %broadcast_in_dim3A_501 : i32 to vector<16xi32>
        %broadcast_in_dim3A_503 = vector.shape_cast %broadcast_in_dim3A_502 : vector<16xi32> to vector<16x1xi32>
        %gather3A_504 = vector.shape_cast %broadcast_in_dim3A_503 : vector<16x1xi32> to vector<16xi32>
        %gather3A_505 = tpu.dynamic_gather %get3A_173[%gather3A_504] in [0] : vector<16xi32>, vector<16xi32> -> vector<16xi32>
        %sub3A_506 = vector.broadcast %mul3A_32 : i32 to vector<16xi32>
        %sub3A_507 = arith.subi %gather3A_505, %sub3A_506 : vector<16xi32>
        %ge3A_508 = arith.constant 0 : i32
        %ge3A_509 = vector.broadcast %ge3A_508 : i32 to vector<16xi32>
        %ge3A_510 = arith.cmpi sge, %sub3A_507, %ge3A_509 : vector<16xi32>
        %lt3A_511 = arith.constant 5000 : i32
        %lt3A_512 = vector.broadcast %lt3A_511 : i32 to vector<16xi32>
        %lt3A_513 = arith.cmpi slt, %sub3A_507, %lt3A_512 : vector<16xi32>
        %and3A_514 = arith.andi %ge3A_510, %lt3A_513 : vector<16xi1>
        %jit3A_515 = arith.constant 5000 : i32
        %broadcast_in_dim3A_516 = vector.broadcast %jit3A_515 : i32 to vector<16xi32>
        %select_n3A_517 = arith.select %and3A_514, %sub3A_507, %broadcast_in_dim3A_516 : vector<16xi1>, vector<16xi32>
        %mul3A_518 = arith.constant 16 : i32
        %mul3A_519 = vector.broadcast %mul3A_518 : i32 to vector<16xi32>
        %mul3A_520 = arith.muli %select_n3A_517, %mul3A_519 : vector<16xi32>
        %add3A_521 = arith.addi %mul3A_520, %iota3A : vector<16xi32>
        %mul3A_522 = arith.constant 16 : i32
        %mul3A_523 = arith.muli %scan3A_168, %mul3A_522 : i32
        %add3A_524 = arith.constant 10 : i32
        %add3A_525 = arith.addi %mul3A_523, %add3A_524 : i32
        %mul3A_526 = arith.constant 16 : i32
        %mul3A_527 = arith.muli %add3A_525, %mul3A_526 : i32
        %get3A_528 = arith.constant 0 : i32
        %get3A_529 = arith.index_cast %get3A_528 : i32 to index
        %get3A_530 = arith.index_cast %mul3A_527 : i32 to index
        %get3A_531 = tpu.vector_load %arg6[%get3A_529, %get3A_530] {strides = array<i32>} : memref<2x12800xf32, #tpu.memory_space<vmem>>, vector<16xf32>,
        %gather3A_532 = tpu.vector_load_idx %arg7[%add3A_521] : memref<80016xf32, #tpu.memory_space<vmem>>[vector<16xi32>], vector<16xf32>,
        %max3A_533 = arith.maximumf %gather3A_532, %get3A_531 : vector<16xf32>
        tpu.vector_store_idx %arg7[%add3A_521], %max3A_533 : memref<80016xf32, #tpu.memory_space<vmem>>[vector<16xi32>], vector<16xf32>,
        %broadcast_in_dim3A_534 = arith.constant 11 : i32
        %broadcast_in_dim3A_535 = vector.broadcast %broadcast_in_dim3A_534 : i32 to vector<16xi32>
        %broadcast_in_dim3A_536 = vector.shape_cast %broadcast_in_dim3A_535 : vector<16xi32> to vector<16x1xi32>
        %gather3A_537 = vector.shape_cast %broadcast_in_dim3A_536 : vector<16x1xi32> to vector<16xi32>
        %gather3A_538 = tpu.dynamic_gather %get3A_173[%gather3A_537] in [0] : vector<16xi32>, vector<16xi32> -> vector<16xi32>
        %sub3A_539 = vector.broadcast %mul3A_32 : i32 to vector<16xi32>
        %sub3A_540 = arith.subi %gather3A_538, %sub3A_539 : vector<16xi32>
        %ge3A_541 = arith.constant 0 : i32
        %ge3A_542 = vector.broadcast %ge3A_541 : i32 to vector<16xi32>
        %ge3A_543 = arith.cmpi sge, %sub3A_540, %ge3A_542 : vector<16xi32>
        %lt3A_544 = arith.constant 5000 : i32
        %lt3A_545 = vector.broadcast %lt3A_544 : i32 to vector<16xi32>
        %lt3A_546 = arith.cmpi slt, %sub3A_540, %lt3A_545 : vector<16xi32>
        %and3A_547 = arith.andi %ge3A_543, %lt3A_546 : vector<16xi1>
        %jit3A_548 = arith.constant 5000 : i32
        %broadcast_in_dim3A_549 = vector.broadcast %jit3A_548 : i32 to vector<16xi32>
        %select_n3A_550 = arith.select %and3A_547, %sub3A_540, %broadcast_in_dim3A_549 : vector<16xi1>, vector<16xi32>
        %mul3A_551 = arith.constant 16 : i32
        %mul3A_552 = vector.broadcast %mul3A_551 : i32 to vector<16xi32>
        %mul3A_553 = arith.muli %select_n3A_550, %mul3A_552 : vector<16xi32>
        %add3A_554 = arith.addi %mul3A_553, %iota3A : vector<16xi32>
        %mul3A_555 = arith.constant 16 : i32
        %mul3A_556 = arith.muli %scan3A_168, %mul3A_555 : i32
        %add3A_557 = arith.constant 11 : i32
        %add3A_558 = arith.addi %mul3A_556, %add3A_557 : i32
        %mul3A_559 = arith.constant 16 : i32
        %mul3A_560 = arith.muli %add3A_558, %mul3A_559 : i32
        %get3A_561 = arith.constant 0 : i32
        %get3A_562 = arith.index_cast %get3A_561 : i32 to index
        %get3A_563 = arith.index_cast %mul3A_560 : i32 to index
        %get3A_564 = tpu.vector_load %arg6[%get3A_562, %get3A_563] {strides = array<i32>} : memref<2x12800xf32, #tpu.memory_space<vmem>>, vector<16xf32>,
        %gather3A_565 = tpu.vector_load_idx %arg7[%add3A_554] : memref<80016xf32, #tpu.memory_space<vmem>>[vector<16xi32>], vector<16xf32>,
        %max3A_566 = arith.maximumf %gather3A_565, %get3A_564 : vector<16xf32>
        tpu.vector_store_idx %arg7[%add3A_554], %max3A_566 : memref<80016xf32, #tpu.memory_space<vmem>>[vector<16xi32>], vector<16xf32>,
        %broadcast_in_dim3A_567 = arith.constant 12 : i32
        %broadcast_in_dim3A_568 = vector.broadcast %broadcast_in_dim3A_567 : i32 to vector<16xi32>
        %broadcast_in_dim3A_569 = vector.shape_cast %broadcast_in_dim3A_568 : vector<16xi32> to vector<16x1xi32>
        %gather3A_570 = vector.shape_cast %broadcast_in_dim3A_569 : vector<16x1xi32> to vector<16xi32>
        %gather3A_571 = tpu.dynamic_gather %get3A_173[%gather3A_570] in [0] : vector<16xi32>, vector<16xi32> -> vector<16xi32>
        %sub3A_572 = vector.broadcast %mul3A_32 : i32 to vector<16xi32>
        %sub3A_573 = arith.subi %gather3A_571, %sub3A_572 : vector<16xi32>
        %ge3A_574 = arith.constant 0 : i32
        %ge3A_575 = vector.broadcast %ge3A_574 : i32 to vector<16xi32>
        %ge3A_576 = arith.cmpi sge, %sub3A_573, %ge3A_575 : vector<16xi32>
        %lt3A_577 = arith.constant 5000 : i32
        %lt3A_578 = vector.broadcast %lt3A_577 : i32 to vector<16xi32>
        %lt3A_579 = arith.cmpi slt, %sub3A_573, %lt3A_578 : vector<16xi32>
        %and3A_580 = arith.andi %ge3A_576, %lt3A_579 : vector<16xi1>
        %jit3A_581 = arith.constant 5000 : i32
        %broadcast_in_dim3A_582 = vector.broadcast %jit3A_581 : i32 to vector<16xi32>
        %select_n3A_583 = arith.select %and3A_580, %sub3A_573, %broadcast_in_dim3A_582 : vector<16xi1>, vector<16xi32>
        %mul3A_584 = arith.constant 16 : i32
        %mul3A_585 = vector.broadcast %mul3A_584 : i32 to vector<16xi32>
        %mul3A_586 = arith.muli %select_n3A_583, %mul3A_585 : vector<16xi32>
        %add3A_587 = arith.addi %mul3A_586, %iota3A : vector<16xi32>
        %mul3A_588 = arith.constant 16 : i32
        %mul3A_589 = arith.muli %scan3A_168, %mul3A_588 : i32
        %add3A_590 = arith.constant 12 : i32
        %add3A_591 = arith.addi %mul3A_589, %add3A_590 : i32
        %mul3A_592 = arith.constant 16 : i32
        %mul3A_593 = arith.muli %add3A_591, %mul3A_592 : i32
        %get3A_594 = arith.constant 0 : i32
        %get3A_595 = arith.index_cast %get3A_594 : i32 to index
        %get3A_596 = arith.index_cast %mul3A_593 : i32 to index
        %get3A_597 = tpu.vector_load %arg6[%get3A_595, %get3A_596] {strides = array<i32>} : memref<2x12800xf32, #tpu.memory_space<vmem>>, vector<16xf32>,
        %gather3A_598 = tpu.vector_load_idx %arg7[%add3A_587] : memref<80016xf32, #tpu.memory_space<vmem>>[vector<16xi32>], vector<16xf32>,
        %max3A_599 = arith.maximumf %gather3A_598, %get3A_597 : vector<16xf32>
        tpu.vector_store_idx %arg7[%add3A_587], %max3A_599 : memref<80016xf32, #tpu.memory_space<vmem>>[vector<16xi32>], vector<16xf32>,
        %broadcast_in_dim3A_600 = arith.constant 13 : i32
        %broadcast_in_dim3A_601 = vector.broadcast %broadcast_in_dim3A_600 : i32 to vector<16xi32>
        %broadcast_in_dim3A_602 = vector.shape_cast %broadcast_in_dim3A_601 : vector<16xi32> to vector<16x1xi32>
        %gather3A_603 = vector.shape_cast %broadcast_in_dim3A_602 : vector<16x1xi32> to vector<16xi32>
        %gather3A_604 = tpu.dynamic_gather %get3A_173[%gather3A_603] in [0] : vector<16xi32>, vector<16xi32> -> vector<16xi32>
        %sub3A_605 = vector.broadcast %mul3A_32 : i32 to vector<16xi32>
        %sub3A_606 = arith.subi %gather3A_604, %sub3A_605 : vector<16xi32>
        %ge3A_607 = arith.constant 0 : i32
        %ge3A_608 = vector.broadcast %ge3A_607 : i32 to vector<16xi32>
        %ge3A_609 = arith.cmpi sge, %sub3A_606, %ge3A_608 : vector<16xi32>
        %lt3A_610 = arith.constant 5000 : i32
        %lt3A_611 = vector.broadcast %lt3A_610 : i32 to vector<16xi32>
        %lt3A_612 = arith.cmpi slt, %sub3A_606, %lt3A_611 : vector<16xi32>
        %and3A_613 = arith.andi %ge3A_609, %lt3A_612 : vector<16xi1>
        %jit3A_614 = arith.constant 5000 : i32
        %broadcast_in_dim3A_615 = vector.broadcast %jit3A_614 : i32 to vector<16xi32>
        %select_n3A_616 = arith.select %and3A_613, %sub3A_606, %broadcast_in_dim3A_615 : vector<16xi1>, vector<16xi32>
        %mul3A_617 = arith.constant 16 : i32
        %mul3A_618 = vector.broadcast %mul3A_617 : i32 to vector<16xi32>
        %mul3A_619 = arith.muli %select_n3A_616, %mul3A_618 : vector<16xi32>
        %add3A_620 = arith.addi %mul3A_619, %iota3A : vector<16xi32>
        %mul3A_621 = arith.constant 16 : i32
        %mul3A_622 = arith.muli %scan3A_168, %mul3A_621 : i32
        %add3A_623 = arith.constant 13 : i32
        %add3A_624 = arith.addi %mul3A_622, %add3A_623 : i32
        %mul3A_625 = arith.constant 16 : i32
        %mul3A_626 = arith.muli %add3A_624, %mul3A_625 : i32
        %get3A_627 = arith.constant 0 : i32
        %get3A_628 = arith.index_cast %get3A_627 : i32 to index
        %get3A_629 = arith.index_cast %mul3A_626 : i32 to index
        %get3A_630 = tpu.vector_load %arg6[%get3A_628, %get3A_629] {strides = array<i32>} : memref<2x12800xf32, #tpu.memory_space<vmem>>, vector<16xf32>,
        %gather3A_631 = tpu.vector_load_idx %arg7[%add3A_620] : memref<80016xf32, #tpu.memory_space<vmem>>[vector<16xi32>], vector<16xf32>,
        %max3A_632 = arith.maximumf %gather3A_631, %get3A_630 : vector<16xf32>
        tpu.vector_store_idx %arg7[%add3A_620], %max3A_632 : memref<80016xf32, #tpu.memory_space<vmem>>[vector<16xi32>], vector<16xf32>,
        %broadcast_in_dim3A_633 = arith.constant 14 : i32
        %broadcast_in_dim3A_634 = vector.broadcast %broadcast_in_dim3A_633 : i32 to vector<16xi32>
        %broadcast_in_dim3A_635 = vector.shape_cast %broadcast_in_dim3A_634 : vector<16xi32> to vector<16x1xi32>
        %gather3A_636 = vector.shape_cast %broadcast_in_dim3A_635 : vector<16x1xi32> to vector<16xi32>
        %gather3A_637 = tpu.dynamic_gather %get3A_173[%gather3A_636] in [0] : vector<16xi32>, vector<16xi32> -> vector<16xi32>
        %sub3A_638 = vector.broadcast %mul3A_32 : i32 to vector<16xi32>
        %sub3A_639 = arith.subi %gather3A_637, %sub3A_638 : vector<16xi32>
        %ge3A_640 = arith.constant 0 : i32
        %ge3A_641 = vector.broadcast %ge3A_640 : i32 to vector<16xi32>
        %ge3A_642 = arith.cmpi sge, %sub3A_639, %ge3A_641 : vector<16xi32>
        %lt3A_643 = arith.constant 5000 : i32
        %lt3A_644 = vector.broadcast %lt3A_643 : i32 to vector<16xi32>
        %lt3A_645 = arith.cmpi slt, %sub3A_639, %lt3A_644 : vector<16xi32>
        %and3A_646 = arith.andi %ge3A_642, %lt3A_645 : vector<16xi1>
        %jit3A_647 = arith.constant 5000 : i32
        %broadcast_in_dim3A_648 = vector.broadcast %jit3A_647 : i32 to vector<16xi32>
        %select_n3A_649 = arith.select %and3A_646, %sub3A_639, %broadcast_in_dim3A_648 : vector<16xi1>, vector<16xi32>
        %mul3A_650 = arith.constant 16 : i32
        %mul3A_651 = vector.broadcast %mul3A_650 : i32 to vector<16xi32>
        %mul3A_652 = arith.muli %select_n3A_649, %mul3A_651 : vector<16xi32>
        %add3A_653 = arith.addi %mul3A_652, %iota3A : vector<16xi32>
        %mul3A_654 = arith.constant 16 : i32
        %mul3A_655 = arith.muli %scan3A_168, %mul3A_654 : i32
        %add3A_656 = arith.constant 14 : i32
        %add3A_657 = arith.addi %mul3A_655, %add3A_656 : i32
        %mul3A_658 = arith.constant 16 : i32
        %mul3A_659 = arith.muli %add3A_657, %mul3A_658 : i32
        %get3A_660 = arith.constant 0 : i32
        %get3A_661 = arith.index_cast %get3A_660 : i32 to index
        %get3A_662 = arith.index_cast %mul3A_659 : i32 to index
        %get3A_663 = tpu.vector_load %arg6[%get3A_661, %get3A_662] {strides = array<i32>} : memref<2x12800xf32, #tpu.memory_space<vmem>>, vector<16xf32>,
        %gather3A_664 = tpu.vector_load_idx %arg7[%add3A_653] : memref<80016xf32, #tpu.memory_space<vmem>>[vector<16xi32>], vector<16xf32>,
        %max3A_665 = arith.maximumf %gather3A_664, %get3A_663 : vector<16xf32>
        tpu.vector_store_idx %arg7[%add3A_653], %max3A_665 : memref<80016xf32, #tpu.memory_space<vmem>>[vector<16xi32>], vector<16xf32>,
        %broadcast_in_dim3A_666 = arith.constant 15 : i32
        %broadcast_in_dim3A_667 = vector.broadcast %broadcast_in_dim3A_666 : i32 to vector<16xi32>
        %broadcast_in_dim3A_668 = vector.shape_cast %broadcast_in_dim3A_667 : vector<16xi32> to vector<16x1xi32>
        %gather3A_669 = vector.shape_cast %broadcast_in_dim3A_668 : vector<16x1xi32> to vector<16xi32>
        %gather3A_670 = tpu.dynamic_gather %get3A_173[%gather3A_669] in [0] : vector<16xi32>, vector<16xi32> -> vector<16xi32>
        %sub3A_671 = vector.broadcast %mul3A_32 : i32 to vector<16xi32>
        %sub3A_672 = arith.subi %gather3A_670, %sub3A_671 : vector<16xi32>
        %ge3A_673 = arith.constant 0 : i32
        %ge3A_674 = vector.broadcast %ge3A_673 : i32 to vector<16xi32>
        %ge3A_675 = arith.cmpi sge, %sub3A_672, %ge3A_674 : vector<16xi32>
        %lt3A_676 = arith.constant 5000 : i32
        %lt3A_677 = vector.broadcast %lt3A_676 : i32 to vector<16xi32>
        %lt3A_678 = arith.cmpi slt, %sub3A_672, %lt3A_677 : vector<16xi32>
        %and3A_679 = arith.andi %ge3A_675, %lt3A_678 : vector<16xi1>
        %jit3A_680 = arith.constant 5000 : i32
        %broadcast_in_dim3A_681 = vector.broadcast %jit3A_680 : i32 to vector<16xi32>
        %select_n3A_682 = arith.select %and3A_679, %sub3A_672, %broadcast_in_dim3A_681 : vector<16xi1>, vector<16xi32>
        %mul3A_683 = arith.constant 16 : i32
        %mul3A_684 = vector.broadcast %mul3A_683 : i32 to vector<16xi32>
        %mul3A_685 = arith.muli %select_n3A_682, %mul3A_684 : vector<16xi32>
        %add3A_686 = arith.addi %mul3A_685, %iota3A : vector<16xi32>
        %mul3A_687 = arith.constant 16 : i32
        %mul3A_688 = arith.muli %scan3A_168, %mul3A_687 : i32
        %add3A_689 = arith.constant 15 : i32
        %add3A_690 = arith.addi %mul3A_688, %add3A_689 : i32
        %mul3A_691 = arith.constant 16 : i32
        %mul3A_692 = arith.muli %add3A_690, %mul3A_691 : i32
        %get3A_693 = arith.constant 0 : i32
        %get3A_694 = arith.index_cast %get3A_693 : i32 to index
        %get3A_695 = arith.index_cast %mul3A_692 : i32 to index
        %get3A_696 = tpu.vector_load %arg6[%get3A_694, %get3A_695] {strides = array<i32>} : memref<2x12800xf32, #tpu.memory_space<vmem>>, vector<16xf32>,
        %gather3A_697 = tpu.vector_load_idx %arg7[%add3A_686] : memref<80016xf32, #tpu.memory_space<vmem>>[vector<16xi32>], vector<16xf32>,
        %max3A_698 = arith.maximumf %gather3A_697, %get3A_696 : vector<16xf32>
        tpu.vector_store_idx %arg7[%add3A_686], %max3A_698 : memref<80016xf32, #tpu.memory_space<vmem>>[vector<16xi32>], vector<16xf32>,
      }
      %scan3A_130 = arith.constant 50 : i32
      %mul3A_131 = arith.constant 2 : i32
      %mul3A_132 = arith.muli %scan3A_95, %mul3A_131 : i32
      %add3A_133 = arith.constant 1 : i32
      %add3A_134 = arith.addi %mul3A_132, %add3A_133 : i32
      %dma_wait3A_135 = arith.constant 1 : i32
      %dma_wait3A_136 = arith.constant 0 : i32
      %dma_wait3A_137 = tpu.memref_slice %arg5[%dma_wait3A_135, %dma_wait3A_136] : memref<2x800xi32, #tpu.memory_space<vmem>> -> memref<1x800xi32, #tpu.memory_space<vmem>>
      %dma_wait3A_138 = tpu.memref_squeeze %dma_wait3A_137 : memref<1x800xi32, #tpu.memory_space<vmem>> -> memref<800xi32, #tpu.memory_space<vmem>>
      %dma_wait3A_139 = arith.constant 0 : i32
      %dma_wait3A_140 = tpu.memref_slice %arg3[%dma_wait3A_139] : memref<320000xi32, #tpu.memory_space<hbm>> -> memref<800xi32, #tpu.memory_space<hbm>>
      %dma_wait3A_141 = arith.constant 0 : i32
      %dma_wait3A_142 = tpu.memref_slice %arg5[%dma_wait3A_135, %dma_wait3A_141] : memref<2x800xi32, #tpu.memory_space<vmem>> -> memref<1x800xi32, #tpu.memory_space<vmem>>
      %dma_wait3A_143 = tpu.memref_squeeze %dma_wait3A_142 : memref<1x800xi32, #tpu.memory_space<vmem>> -> memref<800xi32, #tpu.memory_space<vmem>>
      %dma_wait3A_144 = arith.constant 0 : i32
      %dma_wait3A_145 = tpu.memref_slice %arg3[%dma_wait3A_144] : memref<320000xi32, #tpu.memory_space<hbm>> -> memref<800xi32, #tpu.memory_space<hbm>>
      tpu.wait_dma2 semaphore(%arg9 : memref<!tpu.dma_semaphore, #tpu.memory_space<semaphore_mem>>) src(%dma_wait3A_145 : memref<800xi32, #tpu.memory_space<hbm>>) dst(%dma_wait3A_143 : memref<800xi32, #tpu.memory_space<vmem>>)
      %dma_wait3A_146 = arith.constant 1 : i32
      %dma_wait3A_147 = arith.constant 0 : i32
      %dma_wait3A_148 = tpu.memref_slice %arg6[%dma_wait3A_146, %dma_wait3A_147] : memref<2x12800xf32, #tpu.memory_space<vmem>> -> memref<1x12800xf32, #tpu.memory_space<vmem>>
      %dma_wait3A_149 = tpu.memref_squeeze %dma_wait3A_148 : memref<1x12800xf32, #tpu.memory_space<vmem>> -> memref<12800xf32, #tpu.memory_space<vmem>>
      %dma_wait3A_150 = arith.constant 0 : i32
      %dma_wait3A_151 = tpu.memref_slice %arg2[%dma_wait3A_150] : memref<5120000xf32, #tpu.memory_space<hbm>> -> memref<12800xf32, #tpu.memory_space<hbm>>
      %dma_wait3A_152 = arith.constant 0 : i32
      %dma_wait3A_153 = tpu.memref_slice %arg6[%dma_wait3A_146, %dma_wait3A_152] : memref<2x12800xf32, #tpu.memory_space<vmem>> -> memref<1x12800xf32, #tpu.memory_space<vmem>>
      %dma_wait3A_154 = tpu.memref_squeeze %dma_wait3A_153 : memref<1x12800xf32, #tpu.memory_space<vmem>> -> memref<12800xf32, #tpu.memory_space<vmem>>
      %dma_wait3A_155 = arith.constant 0 : i32
      %dma_wait3A_156 = tpu.memref_slice %arg2[%dma_wait3A_155] : memref<5120000xf32, #tpu.memory_space<hbm>> -> memref<12800xf32, #tpu.memory_space<hbm>>
      tpu.wait_dma2 semaphore(%arg9 : memref<!tpu.dma_semaphore, #tpu.memory_space<semaphore_mem>>) src(%dma_wait3A_156 : memref<12800xf32, #tpu.memory_space<hbm>>) dst(%dma_wait3A_154 : memref<12800xf32, #tpu.memory_space<vmem>>)
      %lt3A_157 = arith.constant 24 : i32
      %lt3A_158 = arith.cmpi slt, %add3A_134, %lt3A_157 : i32
      %convert_element_type3A_159 = arith.extui %lt3A_158 : i1 to i32
      %cond3A_160 = arith.constant 0 : i32
      %cond3A_161 = arith.cmpi ne, %convert_element_type3A_159, %cond3A_160 : i32
      scf.if %cond3A_161 {
        %add3A_168 = arith.constant 1 : i32
        %add3A_169 = arith.addi %add3A_134, %add3A_168 : i32
        %mul3A_170 = arith.constant 20000 : i32
        %mul3A_171 = arith.muli %select_n3A, %mul3A_170 : i32
        %mul3A_172 = arith.constant 800 : i32
        %mul3A_173 = arith.muli %add3A_169, %mul3A_172 : i32
        %add3A_174 = arith.addi %mul3A_171, %mul3A_173 : i32
        %dma_start3A_175 = arith.constant 0 : i32
        %dma_start3A_176 = arith.constant 0 : i32
        %dma_start3A_177 = tpu.memref_slice %arg5[%dma_start3A_175, %dma_start3A_176] : memref<2x800xi32, #tpu.memory_space<vmem>> -> memref<1x800xi32, #tpu.memory_space<vmem>>
        %dma_start3A_178 = tpu.memref_squeeze %dma_start3A_177 : memref<1x800xi32, #tpu.memory_space<vmem>> -> memref<800xi32, #tpu.memory_space<vmem>>
        %dma_start3A_179 = tpu.memref_slice %arg3[%add3A_174] : memref<320000xi32, #tpu.memory_space<hbm>> -> memref<800xi32, #tpu.memory_space<hbm>>
        %dma_start3A_180 = arith.constant 0 : i32
        %dma_start3A_181 = tpu.memref_slice %arg5[%dma_start3A_175, %dma_start3A_180] : memref<2x800xi32, #tpu.memory_space<vmem>> -> memref<1x800xi32, #tpu.memory_space<vmem>>
        %dma_start3A_182 = tpu.memref_squeeze %dma_start3A_181 : memref<1x800xi32, #tpu.memory_space<vmem>> -> memref<800xi32, #tpu.memory_space<vmem>>
        %dma_start3A_183 = tpu.memref_slice %arg3[%add3A_174] : memref<320000xi32, #tpu.memory_space<hbm>> -> memref<800xi32, #tpu.memory_space<hbm>>
        tpu.enqueue_dma source(%dma_start3A_183 : memref<800xi32, #tpu.memory_space<hbm>>) target(%dma_start3A_182 : memref<800xi32, #tpu.memory_space<vmem>>) target_semaphore(%arg8 : memref<!tpu.dma_semaphore, #tpu.memory_space<semaphore_mem>>)
        %mul3A_184 = arith.constant 16 : i32
        %mul3A_185 = arith.muli %add3A_174, %mul3A_184 : i32
        %dma_start3A_186 = arith.constant 0 : i32
        %dma_start3A_187 = arith.constant 0 : i32
        %dma_start3A_188 = tpu.memref_slice %arg6[%dma_start3A_186, %dma_start3A_187] : memref<2x12800xf32, #tpu.memory_space<vmem>> -> memref<1x12800xf32, #tpu.memory_space<vmem>>
        %dma_start3A_189 = tpu.memref_squeeze %dma_start3A_188 : memref<1x12800xf32, #tpu.memory_space<vmem>> -> memref<12800xf32, #tpu.memory_space<vmem>>
        %dma_start3A_190 = tpu.memref_slice %arg2[%mul3A_185] : memref<5120000xf32, #tpu.memory_space<hbm>> -> memref<12800xf32, #tpu.memory_space<hbm>>
        %dma_start3A_191 = arith.constant 0 : i32
        %dma_start3A_192 = tpu.memref_slice %arg6[%dma_start3A_186, %dma_start3A_191] : memref<2x12800xf32, #tpu.memory_space<vmem>> -> memref<1x12800xf32, #tpu.memory_space<vmem>>
        %dma_start3A_193 = tpu.memref_squeeze %dma_start3A_192 : memref<1x12800xf32, #tpu.memory_space<vmem>> -> memref<12800xf32, #tpu.memory_space<vmem>>
        %dma_start3A_194 = tpu.memref_slice %arg2[%mul3A_185] : memref<5120000xf32, #tpu.memory_space<hbm>> -> memref<12800xf32, #tpu.memory_space<hbm>>
        tpu.enqueue_dma source(%dma_start3A_194 : memref<12800xf32, #tpu.memory_space<hbm>>) target(%dma_start3A_193 : memref<12800xf32, #tpu.memory_space<vmem>>) target_semaphore(%arg8 : memref<!tpu.dma_semaphore, #tpu.memory_space<semaphore_mem>>)
      } else {
      }
      %scan3A_162 = arith.constant 0 : i32
      %scan3A_163 = arith.constant 0 : i32
      %scan3A_164 = arith.constant 50 : i32
      %scan3A_165 = arith.addi %scan3A_163, %scan3A_164 : i32
      %scan3A_166 = arith.constant 1 : i32
      scf.for %scan3A_168 = %scan3A_163 to %scan3A_165 step %scan3A_166  : i32 {
        %mul3A_169 = arith.constant 16 : i32
        %mul3A_170 = arith.muli %scan3A_168, %mul3A_169 : i32
        %get3A = arith.constant 1 : i32
        %get3A_171 = arith.index_cast %get3A : i32 to index
        %get3A_172 = arith.index_cast %mul3A_170 : i32 to index
        %get3A_173 = tpu.vector_load %arg5[%get3A_171, %get3A_172] {strides = array<i32>} : memref<2x800xi32, #tpu.memory_space<vmem>>, vector<16xi32>,
        %broadcast_in_dim3A_174 = arith.constant 0 : i32
        %broadcast_in_dim3A_175 = vector.broadcast %broadcast_in_dim3A_174 : i32 to vector<16xi32>
        %broadcast_in_dim3A_176 = vector.shape_cast %broadcast_in_dim3A_175 : vector<16xi32> to vector<16x1xi32>
        %gather3A = vector.shape_cast %broadcast_in_dim3A_176 : vector<16x1xi32> to vector<16xi32>
        %gather3A_177 = tpu.dynamic_gather %get3A_173[%gather3A] in [0] : vector<16xi32>, vector<16xi32> -> vector<16xi32>
        %sub3A_178 = vector.broadcast %mul3A_32 : i32 to vector<16xi32>
        %sub3A_179 = arith.subi %gather3A_177, %sub3A_178 : vector<16xi32>
        %ge3A = arith.constant 0 : i32
        %ge3A_180 = vector.broadcast %ge3A : i32 to vector<16xi32>
        %ge3A_181 = arith.cmpi sge, %sub3A_179, %ge3A_180 : vector<16xi32>
        %lt3A_182 = arith.constant 5000 : i32
        %lt3A_183 = vector.broadcast %lt3A_182 : i32 to vector<16xi32>
        %lt3A_184 = arith.cmpi slt, %sub3A_179, %lt3A_183 : vector<16xi32>
        %and3A_185 = arith.andi %ge3A_181, %lt3A_184 : vector<16xi1>
        %jit3A_186 = arith.constant 5000 : i32
        %broadcast_in_dim3A_187 = vector.broadcast %jit3A_186 : i32 to vector<16xi32>
        %select_n3A_188 = arith.select %and3A_185, %sub3A_179, %broadcast_in_dim3A_187 : vector<16xi1>, vector<16xi32>
        %mul3A_189 = arith.constant 16 : i32
        %mul3A_190 = vector.broadcast %mul3A_189 : i32 to vector<16xi32>
        %mul3A_191 = arith.muli %select_n3A_188, %mul3A_190 : vector<16xi32>
        %add3A_192 = arith.addi %mul3A_191, %iota3A : vector<16xi32>
        %mul3A_193 = arith.constant 16 : i32
        %mul3A_194 = arith.muli %scan3A_168, %mul3A_193 : i32
        %add3A_195 = arith.constant 0 : i32
        %add3A_196 = arith.addi %mul3A_194, %add3A_195 : i32
        %mul3A_197 = arith.constant 16 : i32
        %mul3A_198 = arith.muli %add3A_196, %mul3A_197 : i32
        %get3A_199 = arith.constant 1 : i32
        %get3A_200 = arith.index_cast %get3A_199 : i32 to index
        %get3A_201 = arith.index_cast %mul3A_198 : i32 to index
        %get3A_202 = tpu.vector_load %arg6[%get3A_200, %get3A_201] {strides = array<i32>} : memref<2x12800xf32, #tpu.memory_space<vmem>>, vector<16xf32>,
        %gather3A_203 = tpu.vector_load_idx %arg7[%add3A_192] : memref<80016xf32, #tpu.memory_space<vmem>>[vector<16xi32>], vector<16xf32>,
        %max3A = arith.maximumf %gather3A_203, %get3A_202 : vector<16xf32>
        tpu.vector_store_idx %arg7[%add3A_192], %max3A : memref<80016xf32, #tpu.memory_space<vmem>>[vector<16xi32>], vector<16xf32>,
        %broadcast_in_dim3A_204 = arith.constant 1 : i32
        %broadcast_in_dim3A_205 = vector.broadcast %broadcast_in_dim3A_204 : i32 to vector<16xi32>
        %broadcast_in_dim3A_206 = vector.shape_cast %broadcast_in_dim3A_205 : vector<16xi32> to vector<16x1xi32>
        %gather3A_207 = vector.shape_cast %broadcast_in_dim3A_206 : vector<16x1xi32> to vector<16xi32>
        %gather3A_208 = tpu.dynamic_gather %get3A_173[%gather3A_207] in [0] : vector<16xi32>, vector<16xi32> -> vector<16xi32>
        %sub3A_209 = vector.broadcast %mul3A_32 : i32 to vector<16xi32>
        %sub3A_210 = arith.subi %gather3A_208, %sub3A_209 : vector<16xi32>
        %ge3A_211 = arith.constant 0 : i32
        %ge3A_212 = vector.broadcast %ge3A_211 : i32 to vector<16xi32>
        %ge3A_213 = arith.cmpi sge, %sub3A_210, %ge3A_212 : vector<16xi32>
        %lt3A_214 = arith.constant 5000 : i32
        %lt3A_215 = vector.broadcast %lt3A_214 : i32 to vector<16xi32>
        %lt3A_216 = arith.cmpi slt, %sub3A_210, %lt3A_215 : vector<16xi32>
        %and3A_217 = arith.andi %ge3A_213, %lt3A_216 : vector<16xi1>
        %jit3A_218 = arith.constant 5000 : i32
        %broadcast_in_dim3A_219 = vector.broadcast %jit3A_218 : i32 to vector<16xi32>
        %select_n3A_220 = arith.select %and3A_217, %sub3A_210, %broadcast_in_dim3A_219 : vector<16xi1>, vector<16xi32>
        %mul3A_221 = arith.constant 16 : i32
        %mul3A_222 = vector.broadcast %mul3A_221 : i32 to vector<16xi32>
        %mul3A_223 = arith.muli %select_n3A_220, %mul3A_222 : vector<16xi32>
        %add3A_224 = arith.addi %mul3A_223, %iota3A : vector<16xi32>
        %mul3A_225 = arith.constant 16 : i32
        %mul3A_226 = arith.muli %scan3A_168, %mul3A_225 : i32
        %add3A_227 = arith.constant 1 : i32
        %add3A_228 = arith.addi %mul3A_226, %add3A_227 : i32
        %mul3A_229 = arith.constant 16 : i32
        %mul3A_230 = arith.muli %add3A_228, %mul3A_229 : i32
        %get3A_231 = arith.constant 1 : i32
        %get3A_232 = arith.index_cast %get3A_231 : i32 to index
        %get3A_233 = arith.index_cast %mul3A_230 : i32 to index
        %get3A_234 = tpu.vector_load %arg6[%get3A_232, %get3A_233] {strides = array<i32>} : memref<2x12800xf32, #tpu.memory_space<vmem>>, vector<16xf32>,
        %gather3A_235 = tpu.vector_load_idx %arg7[%add3A_224] : memref<80016xf32, #tpu.memory_space<vmem>>[vector<16xi32>], vector<16xf32>,
        %max3A_236 = arith.maximumf %gather3A_235, %get3A_234 : vector<16xf32>
        tpu.vector_store_idx %arg7[%add3A_224], %max3A_236 : memref<80016xf32, #tpu.memory_space<vmem>>[vector<16xi32>], vector<16xf32>,
        %broadcast_in_dim3A_237 = arith.constant 2 : i32
        %broadcast_in_dim3A_238 = vector.broadcast %broadcast_in_dim3A_237 : i32 to vector<16xi32>
        %broadcast_in_dim3A_239 = vector.shape_cast %broadcast_in_dim3A_238 : vector<16xi32> to vector<16x1xi32>
        %gather3A_240 = vector.shape_cast %broadcast_in_dim3A_239 : vector<16x1xi32> to vector<16xi32>
        %gather3A_241 = tpu.dynamic_gather %get3A_173[%gather3A_240] in [0] : vector<16xi32>, vector<16xi32> -> vector<16xi32>
        %sub3A_242 = vector.broadcast %mul3A_32 : i32 to vector<16xi32>
        %sub3A_243 = arith.subi %gather3A_241, %sub3A_242 : vector<16xi32>
        %ge3A_244 = arith.constant 0 : i32
        %ge3A_245 = vector.broadcast %ge3A_244 : i32 to vector<16xi32>
        %ge3A_246 = arith.cmpi sge, %sub3A_243, %ge3A_245 : vector<16xi32>
        %lt3A_247 = arith.constant 5000 : i32
        %lt3A_248 = vector.broadcast %lt3A_247 : i32 to vector<16xi32>
        %lt3A_249 = arith.cmpi slt, %sub3A_243, %lt3A_248 : vector<16xi32>
        %and3A_250 = arith.andi %ge3A_246, %lt3A_249 : vector<16xi1>
        %jit3A_251 = arith.constant 5000 : i32
        %broadcast_in_dim3A_252 = vector.broadcast %jit3A_251 : i32 to vector<16xi32>
        %select_n3A_253 = arith.select %and3A_250, %sub3A_243, %broadcast_in_dim3A_252 : vector<16xi1>, vector<16xi32>
        %mul3A_254 = arith.constant 16 : i32
        %mul3A_255 = vector.broadcast %mul3A_254 : i32 to vector<16xi32>
        %mul3A_256 = arith.muli %select_n3A_253, %mul3A_255 : vector<16xi32>
        %add3A_257 = arith.addi %mul3A_256, %iota3A : vector<16xi32>
        %mul3A_258 = arith.constant 16 : i32
        %mul3A_259 = arith.muli %scan3A_168, %mul3A_258 : i32
        %add3A_260 = arith.constant 2 : i32
        %add3A_261 = arith.addi %mul3A_259, %add3A_260 : i32
        %mul3A_262 = arith.constant 16 : i32
        %mul3A_263 = arith.muli %add3A_261, %mul3A_262 : i32
        %get3A_264 = arith.constant 1 : i32
        %get3A_265 = arith.index_cast %get3A_264 : i32 to index
        %get3A_266 = arith.index_cast %mul3A_263 : i32 to index
        %get3A_267 = tpu.vector_load %arg6[%get3A_265, %get3A_266] {strides = array<i32>} : memref<2x12800xf32, #tpu.memory_space<vmem>>, vector<16xf32>,
        %gather3A_268 = tpu.vector_load_idx %arg7[%add3A_257] : memref<80016xf32, #tpu.memory_space<vmem>>[vector<16xi32>], vector<16xf32>,
        %max3A_269 = arith.maximumf %gather3A_268, %get3A_267 : vector<16xf32>
        tpu.vector_store_idx %arg7[%add3A_257], %max3A_269 : memref<80016xf32, #tpu.memory_space<vmem>>[vector<16xi32>], vector<16xf32>,
        %broadcast_in_dim3A_270 = arith.constant 3 : i32
        %broadcast_in_dim3A_271 = vector.broadcast %broadcast_in_dim3A_270 : i32 to vector<16xi32>
        %broadcast_in_dim3A_272 = vector.shape_cast %broadcast_in_dim3A_271 : vector<16xi32> to vector<16x1xi32>
        %gather3A_273 = vector.shape_cast %broadcast_in_dim3A_272 : vector<16x1xi32> to vector<16xi32>
        %gather3A_274 = tpu.dynamic_gather %get3A_173[%gather3A_273] in [0] : vector<16xi32>, vector<16xi32> -> vector<16xi32>
        %sub3A_275 = vector.broadcast %mul3A_32 : i32 to vector<16xi32>
        %sub3A_276 = arith.subi %gather3A_274, %sub3A_275 : vector<16xi32>
        %ge3A_277 = arith.constant 0 : i32
        %ge3A_278 = vector.broadcast %ge3A_277 : i32 to vector<16xi32>
        %ge3A_279 = arith.cmpi sge, %sub3A_276, %ge3A_278 : vector<16xi32>
        %lt3A_280 = arith.constant 5000 : i32
        %lt3A_281 = vector.broadcast %lt3A_280 : i32 to vector<16xi32>
        %lt3A_282 = arith.cmpi slt, %sub3A_276, %lt3A_281 : vector<16xi32>
        %and3A_283 = arith.andi %ge3A_279, %lt3A_282 : vector<16xi1>
        %jit3A_284 = arith.constant 5000 : i32
        %broadcast_in_dim3A_285 = vector.broadcast %jit3A_284 : i32 to vector<16xi32>
        %select_n3A_286 = arith.select %and3A_283, %sub3A_276, %broadcast_in_dim3A_285 : vector<16xi1>, vector<16xi32>
        %mul3A_287 = arith.constant 16 : i32
        %mul3A_288 = vector.broadcast %mul3A_287 : i32 to vector<16xi32>
        %mul3A_289 = arith.muli %select_n3A_286, %mul3A_288 : vector<16xi32>
        %add3A_290 = arith.addi %mul3A_289, %iota3A : vector<16xi32>
        %mul3A_291 = arith.constant 16 : i32
        %mul3A_292 = arith.muli %scan3A_168, %mul3A_291 : i32
        %add3A_293 = arith.constant 3 : i32
        %add3A_294 = arith.addi %mul3A_292, %add3A_293 : i32
        %mul3A_295 = arith.constant 16 : i32
        %mul3A_296 = arith.muli %add3A_294, %mul3A_295 : i32
        %get3A_297 = arith.constant 1 : i32
        %get3A_298 = arith.index_cast %get3A_297 : i32 to index
        %get3A_299 = arith.index_cast %mul3A_296 : i32 to index
        %get3A_300 = tpu.vector_load %arg6[%get3A_298, %get3A_299] {strides = array<i32>} : memref<2x12800xf32, #tpu.memory_space<vmem>>, vector<16xf32>,
        %gather3A_301 = tpu.vector_load_idx %arg7[%add3A_290] : memref<80016xf32, #tpu.memory_space<vmem>>[vector<16xi32>], vector<16xf32>,
        %max3A_302 = arith.maximumf %gather3A_301, %get3A_300 : vector<16xf32>
        tpu.vector_store_idx %arg7[%add3A_290], %max3A_302 : memref<80016xf32, #tpu.memory_space<vmem>>[vector<16xi32>], vector<16xf32>,
        %broadcast_in_dim3A_303 = arith.constant 4 : i32
        %broadcast_in_dim3A_304 = vector.broadcast %broadcast_in_dim3A_303 : i32 to vector<16xi32>
        %broadcast_in_dim3A_305 = vector.shape_cast %broadcast_in_dim3A_304 : vector<16xi32> to vector<16x1xi32>
        %gather3A_306 = vector.shape_cast %broadcast_in_dim3A_305 : vector<16x1xi32> to vector<16xi32>
        %gather3A_307 = tpu.dynamic_gather %get3A_173[%gather3A_306] in [0] : vector<16xi32>, vector<16xi32> -> vector<16xi32>
        %sub3A_308 = vector.broadcast %mul3A_32 : i32 to vector<16xi32>
        %sub3A_309 = arith.subi %gather3A_307, %sub3A_308 : vector<16xi32>
        %ge3A_310 = arith.constant 0 : i32
        %ge3A_311 = vector.broadcast %ge3A_310 : i32 to vector<16xi32>
        %ge3A_312 = arith.cmpi sge, %sub3A_309, %ge3A_311 : vector<16xi32>
        %lt3A_313 = arith.constant 5000 : i32
        %lt3A_314 = vector.broadcast %lt3A_313 : i32 to vector<16xi32>
        %lt3A_315 = arith.cmpi slt, %sub3A_309, %lt3A_314 : vector<16xi32>
        %and3A_316 = arith.andi %ge3A_312, %lt3A_315 : vector<16xi1>
        %jit3A_317 = arith.constant 5000 : i32
        %broadcast_in_dim3A_318 = vector.broadcast %jit3A_317 : i32 to vector<16xi32>
        %select_n3A_319 = arith.select %and3A_316, %sub3A_309, %broadcast_in_dim3A_318 : vector<16xi1>, vector<16xi32>
        %mul3A_320 = arith.constant 16 : i32
        %mul3A_321 = vector.broadcast %mul3A_320 : i32 to vector<16xi32>
        %mul3A_322 = arith.muli %select_n3A_319, %mul3A_321 : vector<16xi32>
        %add3A_323 = arith.addi %mul3A_322, %iota3A : vector<16xi32>
        %mul3A_324 = arith.constant 16 : i32
        %mul3A_325 = arith.muli %scan3A_168, %mul3A_324 : i32
        %add3A_326 = arith.constant 4 : i32
        %add3A_327 = arith.addi %mul3A_325, %add3A_326 : i32
        %mul3A_328 = arith.constant 16 : i32
        %mul3A_329 = arith.muli %add3A_327, %mul3A_328 : i32
        %get3A_330 = arith.constant 1 : i32
        %get3A_331 = arith.index_cast %get3A_330 : i32 to index
        %get3A_332 = arith.index_cast %mul3A_329 : i32 to index
        %get3A_333 = tpu.vector_load %arg6[%get3A_331, %get3A_332] {strides = array<i32>} : memref<2x12800xf32, #tpu.memory_space<vmem>>, vector<16xf32>,
        %gather3A_334 = tpu.vector_load_idx %arg7[%add3A_323] : memref<80016xf32, #tpu.memory_space<vmem>>[vector<16xi32>], vector<16xf32>,
        %max3A_335 = arith.maximumf %gather3A_334, %get3A_333 : vector<16xf32>
        tpu.vector_store_idx %arg7[%add3A_323], %max3A_335 : memref<80016xf32, #tpu.memory_space<vmem>>[vector<16xi32>], vector<16xf32>,
        %broadcast_in_dim3A_336 = arith.constant 5 : i32
        %broadcast_in_dim3A_337 = vector.broadcast %broadcast_in_dim3A_336 : i32 to vector<16xi32>
        %broadcast_in_dim3A_338 = vector.shape_cast %broadcast_in_dim3A_337 : vector<16xi32> to vector<16x1xi32>
        %gather3A_339 = vector.shape_cast %broadcast_in_dim3A_338 : vector<16x1xi32> to vector<16xi32>
        %gather3A_340 = tpu.dynamic_gather %get3A_173[%gather3A_339] in [0] : vector<16xi32>, vector<16xi32> -> vector<16xi32>
        %sub3A_341 = vector.broadcast %mul3A_32 : i32 to vector<16xi32>
        %sub3A_342 = arith.subi %gather3A_340, %sub3A_341 : vector<16xi32>
        %ge3A_343 = arith.constant 0 : i32
        %ge3A_344 = vector.broadcast %ge3A_343 : i32 to vector<16xi32>
        %ge3A_345 = arith.cmpi sge, %sub3A_342, %ge3A_344 : vector<16xi32>
        %lt3A_346 = arith.constant 5000 : i32
        %lt3A_347 = vector.broadcast %lt3A_346 : i32 to vector<16xi32>
        %lt3A_348 = arith.cmpi slt, %sub3A_342, %lt3A_347 : vector<16xi32>
        %and3A_349 = arith.andi %ge3A_345, %lt3A_348 : vector<16xi1>
        %jit3A_350 = arith.constant 5000 : i32
        %broadcast_in_dim3A_351 = vector.broadcast %jit3A_350 : i32 to vector<16xi32>
        %select_n3A_352 = arith.select %and3A_349, %sub3A_342, %broadcast_in_dim3A_351 : vector<16xi1>, vector<16xi32>
        %mul3A_353 = arith.constant 16 : i32
        %mul3A_354 = vector.broadcast %mul3A_353 : i32 to vector<16xi32>
        %mul3A_355 = arith.muli %select_n3A_352, %mul3A_354 : vector<16xi32>
        %add3A_356 = arith.addi %mul3A_355, %iota3A : vector<16xi32>
        %mul3A_357 = arith.constant 16 : i32
        %mul3A_358 = arith.muli %scan3A_168, %mul3A_357 : i32
        %add3A_359 = arith.constant 5 : i32
        %add3A_360 = arith.addi %mul3A_358, %add3A_359 : i32
        %mul3A_361 = arith.constant 16 : i32
        %mul3A_362 = arith.muli %add3A_360, %mul3A_361 : i32
        %get3A_363 = arith.constant 1 : i32
        %get3A_364 = arith.index_cast %get3A_363 : i32 to index
        %get3A_365 = arith.index_cast %mul3A_362 : i32 to index
        %get3A_366 = tpu.vector_load %arg6[%get3A_364, %get3A_365] {strides = array<i32>} : memref<2x12800xf32, #tpu.memory_space<vmem>>, vector<16xf32>,
        %gather3A_367 = tpu.vector_load_idx %arg7[%add3A_356] : memref<80016xf32, #tpu.memory_space<vmem>>[vector<16xi32>], vector<16xf32>,
        %max3A_368 = arith.maximumf %gather3A_367, %get3A_366 : vector<16xf32>
        tpu.vector_store_idx %arg7[%add3A_356], %max3A_368 : memref<80016xf32, #tpu.memory_space<vmem>>[vector<16xi32>], vector<16xf32>,
        %broadcast_in_dim3A_369 = arith.constant 6 : i32
        %broadcast_in_dim3A_370 = vector.broadcast %broadcast_in_dim3A_369 : i32 to vector<16xi32>
        %broadcast_in_dim3A_371 = vector.shape_cast %broadcast_in_dim3A_370 : vector<16xi32> to vector<16x1xi32>
        %gather3A_372 = vector.shape_cast %broadcast_in_dim3A_371 : vector<16x1xi32> to vector<16xi32>
        %gather3A_373 = tpu.dynamic_gather %get3A_173[%gather3A_372] in [0] : vector<16xi32>, vector<16xi32> -> vector<16xi32>
        %sub3A_374 = vector.broadcast %mul3A_32 : i32 to vector<16xi32>
        %sub3A_375 = arith.subi %gather3A_373, %sub3A_374 : vector<16xi32>
        %ge3A_376 = arith.constant 0 : i32
        %ge3A_377 = vector.broadcast %ge3A_376 : i32 to vector<16xi32>
        %ge3A_378 = arith.cmpi sge, %sub3A_375, %ge3A_377 : vector<16xi32>
        %lt3A_379 = arith.constant 5000 : i32
        %lt3A_380 = vector.broadcast %lt3A_379 : i32 to vector<16xi32>
        %lt3A_381 = arith.cmpi slt, %sub3A_375, %lt3A_380 : vector<16xi32>
        %and3A_382 = arith.andi %ge3A_378, %lt3A_381 : vector<16xi1>
        %jit3A_383 = arith.constant 5000 : i32
        %broadcast_in_dim3A_384 = vector.broadcast %jit3A_383 : i32 to vector<16xi32>
        %select_n3A_385 = arith.select %and3A_382, %sub3A_375, %broadcast_in_dim3A_384 : vector<16xi1>, vector<16xi32>
        %mul3A_386 = arith.constant 16 : i32
        %mul3A_387 = vector.broadcast %mul3A_386 : i32 to vector<16xi32>
        %mul3A_388 = arith.muli %select_n3A_385, %mul3A_387 : vector<16xi32>
        %add3A_389 = arith.addi %mul3A_388, %iota3A : vector<16xi32>
        %mul3A_390 = arith.constant 16 : i32
        %mul3A_391 = arith.muli %scan3A_168, %mul3A_390 : i32
        %add3A_392 = arith.constant 6 : i32
        %add3A_393 = arith.addi %mul3A_391, %add3A_392 : i32
        %mul3A_394 = arith.constant 16 : i32
        %mul3A_395 = arith.muli %add3A_393, %mul3A_394 : i32
        %get3A_396 = arith.constant 1 : i32
        %get3A_397 = arith.index_cast %get3A_396 : i32 to index
        %get3A_398 = arith.index_cast %mul3A_395 : i32 to index
        %get3A_399 = tpu.vector_load %arg6[%get3A_397, %get3A_398] {strides = array<i32>} : memref<2x12800xf32, #tpu.memory_space<vmem>>, vector<16xf32>,
        %gather3A_400 = tpu.vector_load_idx %arg7[%add3A_389] : memref<80016xf32, #tpu.memory_space<vmem>>[vector<16xi32>], vector<16xf32>,
        %max3A_401 = arith.maximumf %gather3A_400, %get3A_399 : vector<16xf32>
        tpu.vector_store_idx %arg7[%add3A_389], %max3A_401 : memref<80016xf32, #tpu.memory_space<vmem>>[vector<16xi32>], vector<16xf32>,
        %broadcast_in_dim3A_402 = arith.constant 7 : i32
        %broadcast_in_dim3A_403 = vector.broadcast %broadcast_in_dim3A_402 : i32 to vector<16xi32>
        %broadcast_in_dim3A_404 = vector.shape_cast %broadcast_in_dim3A_403 : vector<16xi32> to vector<16x1xi32>
        %gather3A_405 = vector.shape_cast %broadcast_in_dim3A_404 : vector<16x1xi32> to vector<16xi32>
        %gather3A_406 = tpu.dynamic_gather %get3A_173[%gather3A_405] in [0] : vector<16xi32>, vector<16xi32> -> vector<16xi32>
        %sub3A_407 = vector.broadcast %mul3A_32 : i32 to vector<16xi32>
        %sub3A_408 = arith.subi %gather3A_406, %sub3A_407 : vector<16xi32>
        %ge3A_409 = arith.constant 0 : i32
        %ge3A_410 = vector.broadcast %ge3A_409 : i32 to vector<16xi32>
        %ge3A_411 = arith.cmpi sge, %sub3A_408, %ge3A_410 : vector<16xi32>
        %lt3A_412 = arith.constant 5000 : i32
        %lt3A_413 = vector.broadcast %lt3A_412 : i32 to vector<16xi32>
        %lt3A_414 = arith.cmpi slt, %sub3A_408, %lt3A_413 : vector<16xi32>
        %and3A_415 = arith.andi %ge3A_411, %lt3A_414 : vector<16xi1>
        %jit3A_416 = arith.constant 5000 : i32
        %broadcast_in_dim3A_417 = vector.broadcast %jit3A_416 : i32 to vector<16xi32>
        %select_n3A_418 = arith.select %and3A_415, %sub3A_408, %broadcast_in_dim3A_417 : vector<16xi1>, vector<16xi32>
        %mul3A_419 = arith.constant 16 : i32
        %mul3A_420 = vector.broadcast %mul3A_419 : i32 to vector<16xi32>
        %mul3A_421 = arith.muli %select_n3A_418, %mul3A_420 : vector<16xi32>
        %add3A_422 = arith.addi %mul3A_421, %iota3A : vector<16xi32>
        %mul3A_423 = arith.constant 16 : i32
        %mul3A_424 = arith.muli %scan3A_168, %mul3A_423 : i32
        %add3A_425 = arith.constant 7 : i32
        %add3A_426 = arith.addi %mul3A_424, %add3A_425 : i32
        %mul3A_427 = arith.constant 16 : i32
        %mul3A_428 = arith.muli %add3A_426, %mul3A_427 : i32
        %get3A_429 = arith.constant 1 : i32
        %get3A_430 = arith.index_cast %get3A_429 : i32 to index
        %get3A_431 = arith.index_cast %mul3A_428 : i32 to index
        %get3A_432 = tpu.vector_load %arg6[%get3A_430, %get3A_431] {strides = array<i32>} : memref<2x12800xf32, #tpu.memory_space<vmem>>, vector<16xf32>,
        %gather3A_433 = tpu.vector_load_idx %arg7[%add3A_422] : memref<80016xf32, #tpu.memory_space<vmem>>[vector<16xi32>], vector<16xf32>,
        %max3A_434 = arith.maximumf %gather3A_433, %get3A_432 : vector<16xf32>
        tpu.vector_store_idx %arg7[%add3A_422], %max3A_434 : memref<80016xf32, #tpu.memory_space<vmem>>[vector<16xi32>], vector<16xf32>,
        %broadcast_in_dim3A_435 = arith.constant 8 : i32
        %broadcast_in_dim3A_436 = vector.broadcast %broadcast_in_dim3A_435 : i32 to vector<16xi32>
        %broadcast_in_dim3A_437 = vector.shape_cast %broadcast_in_dim3A_436 : vector<16xi32> to vector<16x1xi32>
        %gather3A_438 = vector.shape_cast %broadcast_in_dim3A_437 : vector<16x1xi32> to vector<16xi32>
        %gather3A_439 = tpu.dynamic_gather %get3A_173[%gather3A_438] in [0] : vector<16xi32>, vector<16xi32> -> vector<16xi32>
        %sub3A_440 = vector.broadcast %mul3A_32 : i32 to vector<16xi32>
        %sub3A_441 = arith.subi %gather3A_439, %sub3A_440 : vector<16xi32>
        %ge3A_442 = arith.constant 0 : i32
        %ge3A_443 = vector.broadcast %ge3A_442 : i32 to vector<16xi32>
        %ge3A_444 = arith.cmpi sge, %sub3A_441, %ge3A_443 : vector<16xi32>
        %lt3A_445 = arith.constant 5000 : i32
        %lt3A_446 = vector.broadcast %lt3A_445 : i32 to vector<16xi32>
        %lt3A_447 = arith.cmpi slt, %sub3A_441, %lt3A_446 : vector<16xi32>
        %and3A_448 = arith.andi %ge3A_444, %lt3A_447 : vector<16xi1>
        %jit3A_449 = arith.constant 5000 : i32
        %broadcast_in_dim3A_450 = vector.broadcast %jit3A_449 : i32 to vector<16xi32>
        %select_n3A_451 = arith.select %and3A_448, %sub3A_441, %broadcast_in_dim3A_450 : vector<16xi1>, vector<16xi32>
        %mul3A_452 = arith.constant 16 : i32
        %mul3A_453 = vector.broadcast %mul3A_452 : i32 to vector<16xi32>
        %mul3A_454 = arith.muli %select_n3A_451, %mul3A_453 : vector<16xi32>
        %add3A_455 = arith.addi %mul3A_454, %iota3A : vector<16xi32>
        %mul3A_456 = arith.constant 16 : i32
        %mul3A_457 = arith.muli %scan3A_168, %mul3A_456 : i32
        %add3A_458 = arith.constant 8 : i32
        %add3A_459 = arith.addi %mul3A_457, %add3A_458 : i32
        %mul3A_460 = arith.constant 16 : i32
        %mul3A_461 = arith.muli %add3A_459, %mul3A_460 : i32
        %get3A_462 = arith.constant 1 : i32
        %get3A_463 = arith.index_cast %get3A_462 : i32 to index
        %get3A_464 = arith.index_cast %mul3A_461 : i32 to index
        %get3A_465 = tpu.vector_load %arg6[%get3A_463, %get3A_464] {strides = array<i32>} : memref<2x12800xf32, #tpu.memory_space<vmem>>, vector<16xf32>,
        %gather3A_466 = tpu.vector_load_idx %arg7[%add3A_455] : memref<80016xf32, #tpu.memory_space<vmem>>[vector<16xi32>], vector<16xf32>,
        %max3A_467 = arith.maximumf %gather3A_466, %get3A_465 : vector<16xf32>
        tpu.vector_store_idx %arg7[%add3A_455], %max3A_467 : memref<80016xf32, #tpu.memory_space<vmem>>[vector<16xi32>], vector<16xf32>,
        %broadcast_in_dim3A_468 = arith.constant 9 : i32
        %broadcast_in_dim3A_469 = vector.broadcast %broadcast_in_dim3A_468 : i32 to vector<16xi32>
        %broadcast_in_dim3A_470 = vector.shape_cast %broadcast_in_dim3A_469 : vector<16xi32> to vector<16x1xi32>
        %gather3A_471 = vector.shape_cast %broadcast_in_dim3A_470 : vector<16x1xi32> to vector<16xi32>
        %gather3A_472 = tpu.dynamic_gather %get3A_173[%gather3A_471] in [0] : vector<16xi32>, vector<16xi32> -> vector<16xi32>
        %sub3A_473 = vector.broadcast %mul3A_32 : i32 to vector<16xi32>
        %sub3A_474 = arith.subi %gather3A_472, %sub3A_473 : vector<16xi32>
        %ge3A_475 = arith.constant 0 : i32
        %ge3A_476 = vector.broadcast %ge3A_475 : i32 to vector<16xi32>
        %ge3A_477 = arith.cmpi sge, %sub3A_474, %ge3A_476 : vector<16xi32>
        %lt3A_478 = arith.constant 5000 : i32
        %lt3A_479 = vector.broadcast %lt3A_478 : i32 to vector<16xi32>
        %lt3A_480 = arith.cmpi slt, %sub3A_474, %lt3A_479 : vector<16xi32>
        %and3A_481 = arith.andi %ge3A_477, %lt3A_480 : vector<16xi1>
        %jit3A_482 = arith.constant 5000 : i32
        %broadcast_in_dim3A_483 = vector.broadcast %jit3A_482 : i32 to vector<16xi32>
        %select_n3A_484 = arith.select %and3A_481, %sub3A_474, %broadcast_in_dim3A_483 : vector<16xi1>, vector<16xi32>
        %mul3A_485 = arith.constant 16 : i32
        %mul3A_486 = vector.broadcast %mul3A_485 : i32 to vector<16xi32>
        %mul3A_487 = arith.muli %select_n3A_484, %mul3A_486 : vector<16xi32>
        %add3A_488 = arith.addi %mul3A_487, %iota3A : vector<16xi32>
        %mul3A_489 = arith.constant 16 : i32
        %mul3A_490 = arith.muli %scan3A_168, %mul3A_489 : i32
        %add3A_491 = arith.constant 9 : i32
        %add3A_492 = arith.addi %mul3A_490, %add3A_491 : i32
        %mul3A_493 = arith.constant 16 : i32
        %mul3A_494 = arith.muli %add3A_492, %mul3A_493 : i32
        %get3A_495 = arith.constant 1 : i32
        %get3A_496 = arith.index_cast %get3A_495 : i32 to index
        %get3A_497 = arith.index_cast %mul3A_494 : i32 to index
        %get3A_498 = tpu.vector_load %arg6[%get3A_496, %get3A_497] {strides = array<i32>} : memref<2x12800xf32, #tpu.memory_space<vmem>>, vector<16xf32>,
        %gather3A_499 = tpu.vector_load_idx %arg7[%add3A_488] : memref<80016xf32, #tpu.memory_space<vmem>>[vector<16xi32>], vector<16xf32>,
        %max3A_500 = arith.maximumf %gather3A_499, %get3A_498 : vector<16xf32>
        tpu.vector_store_idx %arg7[%add3A_488], %max3A_500 : memref<80016xf32, #tpu.memory_space<vmem>>[vector<16xi32>], vector<16xf32>,
        %broadcast_in_dim3A_501 = arith.constant 10 : i32
        %broadcast_in_dim3A_502 = vector.broadcast %broadcast_in_dim3A_501 : i32 to vector<16xi32>
        %broadcast_in_dim3A_503 = vector.shape_cast %broadcast_in_dim3A_502 : vector<16xi32> to vector<16x1xi32>
        %gather3A_504 = vector.shape_cast %broadcast_in_dim3A_503 : vector<16x1xi32> to vector<16xi32>
        %gather3A_505 = tpu.dynamic_gather %get3A_173[%gather3A_504] in [0] : vector<16xi32>, vector<16xi32> -> vector<16xi32>
        %sub3A_506 = vector.broadcast %mul3A_32 : i32 to vector<16xi32>
        %sub3A_507 = arith.subi %gather3A_505, %sub3A_506 : vector<16xi32>
        %ge3A_508 = arith.constant 0 : i32
        %ge3A_509 = vector.broadcast %ge3A_508 : i32 to vector<16xi32>
        %ge3A_510 = arith.cmpi sge, %sub3A_507, %ge3A_509 : vector<16xi32>
        %lt3A_511 = arith.constant 5000 : i32
        %lt3A_512 = vector.broadcast %lt3A_511 : i32 to vector<16xi32>
        %lt3A_513 = arith.cmpi slt, %sub3A_507, %lt3A_512 : vector<16xi32>
        %and3A_514 = arith.andi %ge3A_510, %lt3A_513 : vector<16xi1>
        %jit3A_515 = arith.constant 5000 : i32
        %broadcast_in_dim3A_516 = vector.broadcast %jit3A_515 : i32 to vector<16xi32>
        %select_n3A_517 = arith.select %and3A_514, %sub3A_507, %broadcast_in_dim3A_516 : vector<16xi1>, vector<16xi32>
        %mul3A_518 = arith.constant 16 : i32
        %mul3A_519 = vector.broadcast %mul3A_518 : i32 to vector<16xi32>
        %mul3A_520 = arith.muli %select_n3A_517, %mul3A_519 : vector<16xi32>
        %add3A_521 = arith.addi %mul3A_520, %iota3A : vector<16xi32>
        %mul3A_522 = arith.constant 16 : i32
        %mul3A_523 = arith.muli %scan3A_168, %mul3A_522 : i32
        %add3A_524 = arith.constant 10 : i32
        %add3A_525 = arith.addi %mul3A_523, %add3A_524 : i32
        %mul3A_526 = arith.constant 16 : i32
        %mul3A_527 = arith.muli %add3A_525, %mul3A_526 : i32
        %get3A_528 = arith.constant 1 : i32
        %get3A_529 = arith.index_cast %get3A_528 : i32 to index
        %get3A_530 = arith.index_cast %mul3A_527 : i32 to index
        %get3A_531 = tpu.vector_load %arg6[%get3A_529, %get3A_530] {strides = array<i32>} : memref<2x12800xf32, #tpu.memory_space<vmem>>, vector<16xf32>,
        %gather3A_532 = tpu.vector_load_idx %arg7[%add3A_521] : memref<80016xf32, #tpu.memory_space<vmem>>[vector<16xi32>], vector<16xf32>,
        %max3A_533 = arith.maximumf %gather3A_532, %get3A_531 : vector<16xf32>
        tpu.vector_store_idx %arg7[%add3A_521], %max3A_533 : memref<80016xf32, #tpu.memory_space<vmem>>[vector<16xi32>], vector<16xf32>,
        %broadcast_in_dim3A_534 = arith.constant 11 : i32
        %broadcast_in_dim3A_535 = vector.broadcast %broadcast_in_dim3A_534 : i32 to vector<16xi32>
        %broadcast_in_dim3A_536 = vector.shape_cast %broadcast_in_dim3A_535 : vector<16xi32> to vector<16x1xi32>
        %gather3A_537 = vector.shape_cast %broadcast_in_dim3A_536 : vector<16x1xi32> to vector<16xi32>
        %gather3A_538 = tpu.dynamic_gather %get3A_173[%gather3A_537] in [0] : vector<16xi32>, vector<16xi32> -> vector<16xi32>
        %sub3A_539 = vector.broadcast %mul3A_32 : i32 to vector<16xi32>
        %sub3A_540 = arith.subi %gather3A_538, %sub3A_539 : vector<16xi32>
        %ge3A_541 = arith.constant 0 : i32
        %ge3A_542 = vector.broadcast %ge3A_541 : i32 to vector<16xi32>
        %ge3A_543 = arith.cmpi sge, %sub3A_540, %ge3A_542 : vector<16xi32>
        %lt3A_544 = arith.constant 5000 : i32
        %lt3A_545 = vector.broadcast %lt3A_544 : i32 to vector<16xi32>
        %lt3A_546 = arith.cmpi slt, %sub3A_540, %lt3A_545 : vector<16xi32>
        %and3A_547 = arith.andi %ge3A_543, %lt3A_546 : vector<16xi1>
        %jit3A_548 = arith.constant 5000 : i32
        %broadcast_in_dim3A_549 = vector.broadcast %jit3A_548 : i32 to vector<16xi32>
        %select_n3A_550 = arith.select %and3A_547, %sub3A_540, %broadcast_in_dim3A_549 : vector<16xi1>, vector<16xi32>
        %mul3A_551 = arith.constant 16 : i32
        %mul3A_552 = vector.broadcast %mul3A_551 : i32 to vector<16xi32>
        %mul3A_553 = arith.muli %select_n3A_550, %mul3A_552 : vector<16xi32>
        %add3A_554 = arith.addi %mul3A_553, %iota3A : vector<16xi32>
        %mul3A_555 = arith.constant 16 : i32
        %mul3A_556 = arith.muli %scan3A_168, %mul3A_555 : i32
        %add3A_557 = arith.constant 11 : i32
        %add3A_558 = arith.addi %mul3A_556, %add3A_557 : i32
        %mul3A_559 = arith.constant 16 : i32
        %mul3A_560 = arith.muli %add3A_558, %mul3A_559 : i32
        %get3A_561 = arith.constant 1 : i32
        %get3A_562 = arith.index_cast %get3A_561 : i32 to index
        %get3A_563 = arith.index_cast %mul3A_560 : i32 to index
        %get3A_564 = tpu.vector_load %arg6[%get3A_562, %get3A_563] {strides = array<i32>} : memref<2x12800xf32, #tpu.memory_space<vmem>>, vector<16xf32>,
        %gather3A_565 = tpu.vector_load_idx %arg7[%add3A_554] : memref<80016xf32, #tpu.memory_space<vmem>>[vector<16xi32>], vector<16xf32>,
        %max3A_566 = arith.maximumf %gather3A_565, %get3A_564 : vector<16xf32>
        tpu.vector_store_idx %arg7[%add3A_554], %max3A_566 : memref<80016xf32, #tpu.memory_space<vmem>>[vector<16xi32>], vector<16xf32>,
        %broadcast_in_dim3A_567 = arith.constant 12 : i32
        %broadcast_in_dim3A_568 = vector.broadcast %broadcast_in_dim3A_567 : i32 to vector<16xi32>
        %broadcast_in_dim3A_569 = vector.shape_cast %broadcast_in_dim3A_568 : vector<16xi32> to vector<16x1xi32>
        %gather3A_570 = vector.shape_cast %broadcast_in_dim3A_569 : vector<16x1xi32> to vector<16xi32>
        %gather3A_571 = tpu.dynamic_gather %get3A_173[%gather3A_570] in [0] : vector<16xi32>, vector<16xi32> -> vector<16xi32>
        %sub3A_572 = vector.broadcast %mul3A_32 : i32 to vector<16xi32>
        %sub3A_573 = arith.subi %gather3A_571, %sub3A_572 : vector<16xi32>
        %ge3A_574 = arith.constant 0 : i32
        %ge3A_575 = vector.broadcast %ge3A_574 : i32 to vector<16xi32>
        %ge3A_576 = arith.cmpi sge, %sub3A_573, %ge3A_575 : vector<16xi32>
        %lt3A_577 = arith.constant 5000 : i32
        %lt3A_578 = vector.broadcast %lt3A_577 : i32 to vector<16xi32>
        %lt3A_579 = arith.cmpi slt, %sub3A_573, %lt3A_578 : vector<16xi32>
        %and3A_580 = arith.andi %ge3A_576, %lt3A_579 : vector<16xi1>
        %jit3A_581 = arith.constant 5000 : i32
        %broadcast_in_dim3A_582 = vector.broadcast %jit3A_581 : i32 to vector<16xi32>
        %select_n3A_583 = arith.select %and3A_580, %sub3A_573, %broadcast_in_dim3A_582 : vector<16xi1>, vector<16xi32>
        %mul3A_584 = arith.constant 16 : i32
        %mul3A_585 = vector.broadcast %mul3A_584 : i32 to vector<16xi32>
        %mul3A_586 = arith.muli %select_n3A_583, %mul3A_585 : vector<16xi32>
        %add3A_587 = arith.addi %mul3A_586, %iota3A : vector<16xi32>
        %mul3A_588 = arith.constant 16 : i32
        %mul3A_589 = arith.muli %scan3A_168, %mul3A_588 : i32
        %add3A_590 = arith.constant 12 : i32
        %add3A_591 = arith.addi %mul3A_589, %add3A_590 : i32
        %mul3A_592 = arith.constant 16 : i32
        %mul3A_593 = arith.muli %add3A_591, %mul3A_592 : i32
        %get3A_594 = arith.constant 1 : i32
        %get3A_595 = arith.index_cast %get3A_594 : i32 to index
        %get3A_596 = arith.index_cast %mul3A_593 : i32 to index
        %get3A_597 = tpu.vector_load %arg6[%get3A_595, %get3A_596] {strides = array<i32>} : memref<2x12800xf32, #tpu.memory_space<vmem>>, vector<16xf32>,
        %gather3A_598 = tpu.vector_load_idx %arg7[%add3A_587] : memref<80016xf32, #tpu.memory_space<vmem>>[vector<16xi32>], vector<16xf32>,
        %max3A_599 = arith.maximumf %gather3A_598, %get3A_597 : vector<16xf32>
        tpu.vector_store_idx %arg7[%add3A_587], %max3A_599 : memref<80016xf32, #tpu.memory_space<vmem>>[vector<16xi32>], vector<16xf32>,
        %broadcast_in_dim3A_600 = arith.constant 13 : i32
        %broadcast_in_dim3A_601 = vector.broadcast %broadcast_in_dim3A_600 : i32 to vector<16xi32>
        %broadcast_in_dim3A_602 = vector.shape_cast %broadcast_in_dim3A_601 : vector<16xi32> to vector<16x1xi32>
        %gather3A_603 = vector.shape_cast %broadcast_in_dim3A_602 : vector<16x1xi32> to vector<16xi32>
        %gather3A_604 = tpu.dynamic_gather %get3A_173[%gather3A_603] in [0] : vector<16xi32>, vector<16xi32> -> vector<16xi32>
        %sub3A_605 = vector.broadcast %mul3A_32 : i32 to vector<16xi32>
        %sub3A_606 = arith.subi %gather3A_604, %sub3A_605 : vector<16xi32>
        %ge3A_607 = arith.constant 0 : i32
        %ge3A_608 = vector.broadcast %ge3A_607 : i32 to vector<16xi32>
        %ge3A_609 = arith.cmpi sge, %sub3A_606, %ge3A_608 : vector<16xi32>
        %lt3A_610 = arith.constant 5000 : i32
        %lt3A_611 = vector.broadcast %lt3A_610 : i32 to vector<16xi32>
        %lt3A_612 = arith.cmpi slt, %sub3A_606, %lt3A_611 : vector<16xi32>
        %and3A_613 = arith.andi %ge3A_609, %lt3A_612 : vector<16xi1>
        %jit3A_614 = arith.constant 5000 : i32
        %broadcast_in_dim3A_615 = vector.broadcast %jit3A_614 : i32 to vector<16xi32>
        %select_n3A_616 = arith.select %and3A_613, %sub3A_606, %broadcast_in_dim3A_615 : vector<16xi1>, vector<16xi32>
        %mul3A_617 = arith.constant 16 : i32
        %mul3A_618 = vector.broadcast %mul3A_617 : i32 to vector<16xi32>
        %mul3A_619 = arith.muli %select_n3A_616, %mul3A_618 : vector<16xi32>
        %add3A_620 = arith.addi %mul3A_619, %iota3A : vector<16xi32>
        %mul3A_621 = arith.constant 16 : i32
        %mul3A_622 = arith.muli %scan3A_168, %mul3A_621 : i32
        %add3A_623 = arith.constant 13 : i32
        %add3A_624 = arith.addi %mul3A_622, %add3A_623 : i32
        %mul3A_625 = arith.constant 16 : i32
        %mul3A_626 = arith.muli %add3A_624, %mul3A_625 : i32
        %get3A_627 = arith.constant 1 : i32
        %get3A_628 = arith.index_cast %get3A_627 : i32 to index
        %get3A_629 = arith.index_cast %mul3A_626 : i32 to index
        %get3A_630 = tpu.vector_load %arg6[%get3A_628, %get3A_629] {strides = array<i32>} : memref<2x12800xf32, #tpu.memory_space<vmem>>, vector<16xf32>,
        %gather3A_631 = tpu.vector_load_idx %arg7[%add3A_620] : memref<80016xf32, #tpu.memory_space<vmem>>[vector<16xi32>], vector<16xf32>,
        %max3A_632 = arith.maximumf %gather3A_631, %get3A_630 : vector<16xf32>
        tpu.vector_store_idx %arg7[%add3A_620], %max3A_632 : memref<80016xf32, #tpu.memory_space<vmem>>[vector<16xi32>], vector<16xf32>,
        %broadcast_in_dim3A_633 = arith.constant 14 : i32
        %broadcast_in_dim3A_634 = vector.broadcast %broadcast_in_dim3A_633 : i32 to vector<16xi32>
        %broadcast_in_dim3A_635 = vector.shape_cast %broadcast_in_dim3A_634 : vector<16xi32> to vector<16x1xi32>
        %gather3A_636 = vector.shape_cast %broadcast_in_dim3A_635 : vector<16x1xi32> to vector<16xi32>
        %gather3A_637 = tpu.dynamic_gather %get3A_173[%gather3A_636] in [0] : vector<16xi32>, vector<16xi32> -> vector<16xi32>
        %sub3A_638 = vector.broadcast %mul3A_32 : i32 to vector<16xi32>
        %sub3A_639 = arith.subi %gather3A_637, %sub3A_638 : vector<16xi32>
        %ge3A_640 = arith.constant 0 : i32
        %ge3A_641 = vector.broadcast %ge3A_640 : i32 to vector<16xi32>
        %ge3A_642 = arith.cmpi sge, %sub3A_639, %ge3A_641 : vector<16xi32>
        %lt3A_643 = arith.constant 5000 : i32
        %lt3A_644 = vector.broadcast %lt3A_643 : i32 to vector<16xi32>
        %lt3A_645 = arith.cmpi slt, %sub3A_639, %lt3A_644 : vector<16xi32>
        %and3A_646 = arith.andi %ge3A_642, %lt3A_645 : vector<16xi1>
        %jit3A_647 = arith.constant 5000 : i32
        %broadcast_in_dim3A_648 = vector.broadcast %jit3A_647 : i32 to vector<16xi32>
        %select_n3A_649 = arith.select %and3A_646, %sub3A_639, %broadcast_in_dim3A_648 : vector<16xi1>, vector<16xi32>
        %mul3A_650 = arith.constant 16 : i32
        %mul3A_651 = vector.broadcast %mul3A_650 : i32 to vector<16xi32>
        %mul3A_652 = arith.muli %select_n3A_649, %mul3A_651 : vector<16xi32>
        %add3A_653 = arith.addi %mul3A_652, %iota3A : vector<16xi32>
        %mul3A_654 = arith.constant 16 : i32
        %mul3A_655 = arith.muli %scan3A_168, %mul3A_654 : i32
        %add3A_656 = arith.constant 14 : i32
        %add3A_657 = arith.addi %mul3A_655, %add3A_656 : i32
        %mul3A_658 = arith.constant 16 : i32
        %mul3A_659 = arith.muli %add3A_657, %mul3A_658 : i32
        %get3A_660 = arith.constant 1 : i32
        %get3A_661 = arith.index_cast %get3A_660 : i32 to index
        %get3A_662 = arith.index_cast %mul3A_659 : i32 to index
        %get3A_663 = tpu.vector_load %arg6[%get3A_661, %get3A_662] {strides = array<i32>} : memref<2x12800xf32, #tpu.memory_space<vmem>>, vector<16xf32>,
        %gather3A_664 = tpu.vector_load_idx %arg7[%add3A_653] : memref<80016xf32, #tpu.memory_space<vmem>>[vector<16xi32>], vector<16xf32>,
        %max3A_665 = arith.maximumf %gather3A_664, %get3A_663 : vector<16xf32>
        tpu.vector_store_idx %arg7[%add3A_653], %max3A_665 : memref<80016xf32, #tpu.memory_space<vmem>>[vector<16xi32>], vector<16xf32>,
        %broadcast_in_dim3A_666 = arith.constant 15 : i32
        %broadcast_in_dim3A_667 = vector.broadcast %broadcast_in_dim3A_666 : i32 to vector<16xi32>
        %broadcast_in_dim3A_668 = vector.shape_cast %broadcast_in_dim3A_667 : vector<16xi32> to vector<16x1xi32>
        %gather3A_669 = vector.shape_cast %broadcast_in_dim3A_668 : vector<16x1xi32> to vector<16xi32>
        %gather3A_670 = tpu.dynamic_gather %get3A_173[%gather3A_669] in [0] : vector<16xi32>, vector<16xi32> -> vector<16xi32>
        %sub3A_671 = vector.broadcast %mul3A_32 : i32 to vector<16xi32>
        %sub3A_672 = arith.subi %gather3A_670, %sub3A_671 : vector<16xi32>
        %ge3A_673 = arith.constant 0 : i32
        %ge3A_674 = vector.broadcast %ge3A_673 : i32 to vector<16xi32>
        %ge3A_675 = arith.cmpi sge, %sub3A_672, %ge3A_674 : vector<16xi32>
        %lt3A_676 = arith.constant 5000 : i32
        %lt3A_677 = vector.broadcast %lt3A_676 : i32 to vector<16xi32>
        %lt3A_678 = arith.cmpi slt, %sub3A_672, %lt3A_677 : vector<16xi32>
        %and3A_679 = arith.andi %ge3A_675, %lt3A_678 : vector<16xi1>
        %jit3A_680 = arith.constant 5000 : i32
        %broadcast_in_dim3A_681 = vector.broadcast %jit3A_680 : i32 to vector<16xi32>
        %select_n3A_682 = arith.select %and3A_679, %sub3A_672, %broadcast_in_dim3A_681 : vector<16xi1>, vector<16xi32>
        %mul3A_683 = arith.constant 16 : i32
        %mul3A_684 = vector.broadcast %mul3A_683 : i32 to vector<16xi32>
        %mul3A_685 = arith.muli %select_n3A_682, %mul3A_684 : vector<16xi32>
        %add3A_686 = arith.addi %mul3A_685, %iota3A : vector<16xi32>
        %mul3A_687 = arith.constant 16 : i32
        %mul3A_688 = arith.muli %scan3A_168, %mul3A_687 : i32
        %add3A_689 = arith.constant 15 : i32
        %add3A_690 = arith.addi %mul3A_688, %add3A_689 : i32
        %mul3A_691 = arith.constant 16 : i32
        %mul3A_692 = arith.muli %add3A_690, %mul3A_691 : i32
        %get3A_693 = arith.constant 1 : i32
        %get3A_694 = arith.index_cast %get3A_693 : i32 to index
        %get3A_695 = arith.index_cast %mul3A_692 : i32 to index
        %get3A_696 = tpu.vector_load %arg6[%get3A_694, %get3A_695] {strides = array<i32>} : memref<2x12800xf32, #tpu.memory_space<vmem>>, vector<16xf32>,
        %gather3A_697 = tpu.vector_load_idx %arg7[%add3A_686] : memref<80016xf32, #tpu.memory_space<vmem>>[vector<16xi32>], vector<16xf32>,
        %max3A_698 = arith.maximumf %gather3A_697, %get3A_696 : vector<16xf32>
        tpu.vector_store_idx %arg7[%add3A_686], %max3A_698 : memref<80016xf32, #tpu.memory_space<vmem>>[vector<16xi32>], vector<16xf32>,
      }
      %scan3A_167 = arith.constant 50 : i32
    }
    %scan3A_67 = arith.constant 12 : i32
    %dma_wait3A = arith.constant 0 : i32
    %dma_wait3A_68 = arith.constant 0 : i32
    %dma_wait3A_69 = tpu.memref_slice %arg5[%dma_wait3A, %dma_wait3A_68] : memref<2x800xi32, #tpu.memory_space<vmem>> -> memref<1x800xi32, #tpu.memory_space<vmem>>
    %dma_wait3A_70 = tpu.memref_squeeze %dma_wait3A_69 : memref<1x800xi32, #tpu.memory_space<vmem>> -> memref<800xi32, #tpu.memory_space<vmem>>
    %dma_wait3A_71 = arith.constant 0 : i32
    %dma_wait3A_72 = tpu.memref_slice %arg3[%dma_wait3A_71] : memref<320000xi32, #tpu.memory_space<hbm>> -> memref<800xi32, #tpu.memory_space<hbm>>
    %dma_wait3A_73 = arith.constant 0 : i32
    %dma_wait3A_74 = tpu.memref_slice %arg5[%dma_wait3A, %dma_wait3A_73] : memref<2x800xi32, #tpu.memory_space<vmem>> -> memref<1x800xi32, #tpu.memory_space<vmem>>
    %dma_wait3A_75 = tpu.memref_squeeze %dma_wait3A_74 : memref<1x800xi32, #tpu.memory_space<vmem>> -> memref<800xi32, #tpu.memory_space<vmem>>
    %dma_wait3A_76 = arith.constant 0 : i32
    %dma_wait3A_77 = tpu.memref_slice %arg3[%dma_wait3A_76] : memref<320000xi32, #tpu.memory_space<hbm>> -> memref<800xi32, #tpu.memory_space<hbm>>
    tpu.wait_dma2 semaphore(%arg8 : memref<!tpu.dma_semaphore, #tpu.memory_space<semaphore_mem>>) src(%dma_wait3A_77 : memref<800xi32, #tpu.memory_space<hbm>>) dst(%dma_wait3A_75 : memref<800xi32, #tpu.memory_space<vmem>>)
    %dma_wait3A_78 = arith.constant 0 : i32
    %dma_wait3A_79 = arith.constant 0 : i32
    %dma_wait3A_80 = tpu.memref_slice %arg6[%dma_wait3A_78, %dma_wait3A_79] : memref<2x12800xf32, #tpu.memory_space<vmem>> -> memref<1x12800xf32, #tpu.memory_space<vmem>>
    %dma_wait3A_81 = tpu.memref_squeeze %dma_wait3A_80 : memref<1x12800xf32, #tpu.memory_space<vmem>> -> memref<12800xf32, #tpu.memory_space<vmem>>
    %dma_wait3A_82 = arith.constant 0 : i32
    %dma_wait3A_83 = tpu.memref_slice %arg2[%dma_wait3A_82] : memref<5120000xf32, #tpu.memory_space<hbm>> -> memref<12800xf32, #tpu.memory_space<hbm>>
    %dma_wait3A_84 = arith.constant 0 : i32
    %dma_wait3A_85 = tpu.memref_slice %arg6[%dma_wait3A_78, %dma_wait3A_84] : memref<2x12800xf32, #tpu.memory_space<vmem>> -> memref<1x12800xf32, #tpu.memory_space<vmem>>
    %dma_wait3A_86 = tpu.memref_squeeze %dma_wait3A_85 : memref<1x12800xf32, #tpu.memory_space<vmem>> -> memref<12800xf32, #tpu.memory_space<vmem>>
    %dma_wait3A_87 = arith.constant 0 : i32
    %dma_wait3A_88 = tpu.memref_slice %arg2[%dma_wait3A_87] : memref<5120000xf32, #tpu.memory_space<hbm>> -> memref<12800xf32, #tpu.memory_space<hbm>>
    tpu.wait_dma2 semaphore(%arg8 : memref<!tpu.dma_semaphore, #tpu.memory_space<semaphore_mem>>) src(%dma_wait3A_88 : memref<12800xf32, #tpu.memory_space<hbm>>) dst(%dma_wait3A_86 : memref<12800xf32, #tpu.memory_space<vmem>>)
    %scan3A_89 = arith.constant 0 : i32
    %scan3A_90 = arith.constant 0 : i32
    %scan3A_91 = arith.constant 50 : i32
    %scan3A_92 = arith.addi %scan3A_90, %scan3A_91 : i32
    %scan3A_93 = arith.constant 1 : i32
    scf.for %scan3A_95 = %scan3A_90 to %scan3A_92 step %scan3A_93  : i32 {
      %mul3A_96 = arith.constant 16 : i32
      %mul3A_97 = arith.muli %scan3A_95, %mul3A_96 : i32
      %get3A = arith.constant 0 : i32
      %get3A_98 = arith.index_cast %get3A : i32 to index
      %get3A_99 = arith.index_cast %mul3A_97 : i32 to index
      %get3A_100 = tpu.vector_load %arg5[%get3A_98, %get3A_99] {strides = array<i32>} : memref<2x800xi32, #tpu.memory_space<vmem>>, vector<16xi32>,
      %broadcast_in_dim3A_101 = arith.constant 0 : i32
      %broadcast_in_dim3A_102 = vector.broadcast %broadcast_in_dim3A_101 : i32 to vector<16xi32>
      %broadcast_in_dim3A_103 = vector.shape_cast %broadcast_in_dim3A_102 : vector<16xi32> to vector<16x1xi32>
      %gather3A = vector.shape_cast %broadcast_in_dim3A_103 : vector<16x1xi32> to vector<16xi32>
      %gather3A_104 = tpu.dynamic_gather %get3A_100[%gather3A] in [0] : vector<16xi32>, vector<16xi32> -> vector<16xi32>
      %sub3A_105 = vector.broadcast %mul3A_32 : i32 to vector<16xi32>
      %sub3A_106 = arith.subi %gather3A_104, %sub3A_105 : vector<16xi32>
      %ge3A = arith.constant 0 : i32
      %ge3A_107 = vector.broadcast %ge3A : i32 to vector<16xi32>
      %ge3A_108 = arith.cmpi sge, %sub3A_106, %ge3A_107 : vector<16xi32>
      %lt3A_109 = arith.constant 5000 : i32
      %lt3A_110 = vector.broadcast %lt3A_109 : i32 to vector<16xi32>
      %lt3A_111 = arith.cmpi slt, %sub3A_106, %lt3A_110 : vector<16xi32>
      %and3A_112 = arith.andi %ge3A_108, %lt3A_111 : vector<16xi1>
      %jit3A_113 = arith.constant 5000 : i32
      %broadcast_in_dim3A_114 = vector.broadcast %jit3A_113 : i32 to vector<16xi32>
      %select_n3A_115 = arith.select %and3A_112, %sub3A_106, %broadcast_in_dim3A_114 : vector<16xi1>, vector<16xi32>
      %mul3A_116 = arith.constant 16 : i32
      %mul3A_117 = vector.broadcast %mul3A_116 : i32 to vector<16xi32>
      %mul3A_118 = arith.muli %select_n3A_115, %mul3A_117 : vector<16xi32>
      %add3A_119 = arith.addi %mul3A_118, %iota3A : vector<16xi32>
      %mul3A_120 = arith.constant 16 : i32
      %mul3A_121 = arith.muli %scan3A_95, %mul3A_120 : i32
      %add3A_122 = arith.constant 0 : i32
      %add3A_123 = arith.addi %mul3A_121, %add3A_122 : i32
      %mul3A_124 = arith.constant 16 : i32
      %mul3A_125 = arith.muli %add3A_123, %mul3A_124 : i32
      %get3A_126 = arith.constant 0 : i32
      %get3A_127 = arith.index_cast %get3A_126 : i32 to index
      %get3A_128 = arith.index_cast %mul3A_125 : i32 to index
      %get3A_129 = tpu.vector_load %arg6[%get3A_127, %get3A_128] {strides = array<i32>} : memref<2x12800xf32, #tpu.memory_space<vmem>>, vector<16xf32>,
      %gather3A_130 = tpu.vector_load_idx %arg7[%add3A_119] : memref<80016xf32, #tpu.memory_space<vmem>>[vector<16xi32>], vector<16xf32>,
      %max3A = arith.maximumf %gather3A_130, %get3A_129 : vector<16xf32>
      tpu.vector_store_idx %arg7[%add3A_119], %max3A : memref<80016xf32, #tpu.memory_space<vmem>>[vector<16xi32>], vector<16xf32>,
      %broadcast_in_dim3A_131 = arith.constant 1 : i32
      %broadcast_in_dim3A_132 = vector.broadcast %broadcast_in_dim3A_131 : i32 to vector<16xi32>
      %broadcast_in_dim3A_133 = vector.shape_cast %broadcast_in_dim3A_132 : vector<16xi32> to vector<16x1xi32>
      %gather3A_134 = vector.shape_cast %broadcast_in_dim3A_133 : vector<16x1xi32> to vector<16xi32>
      %gather3A_135 = tpu.dynamic_gather %get3A_100[%gather3A_134] in [0] : vector<16xi32>, vector<16xi32> -> vector<16xi32>
      %sub3A_136 = vector.broadcast %mul3A_32 : i32 to vector<16xi32>
      %sub3A_137 = arith.subi %gather3A_135, %sub3A_136 : vector<16xi32>
      %ge3A_138 = arith.constant 0 : i32
      %ge3A_139 = vector.broadcast %ge3A_138 : i32 to vector<16xi32>
      %ge3A_140 = arith.cmpi sge, %sub3A_137, %ge3A_139 : vector<16xi32>
      %lt3A_141 = arith.constant 5000 : i32
      %lt3A_142 = vector.broadcast %lt3A_141 : i32 to vector<16xi32>
      %lt3A_143 = arith.cmpi slt, %sub3A_137, %lt3A_142 : vector<16xi32>
      %and3A_144 = arith.andi %ge3A_140, %lt3A_143 : vector<16xi1>
      %jit3A_145 = arith.constant 5000 : i32
      %broadcast_in_dim3A_146 = vector.broadcast %jit3A_145 : i32 to vector<16xi32>
      %select_n3A_147 = arith.select %and3A_144, %sub3A_137, %broadcast_in_dim3A_146 : vector<16xi1>, vector<16xi32>
      %mul3A_148 = arith.constant 16 : i32
      %mul3A_149 = vector.broadcast %mul3A_148 : i32 to vector<16xi32>
      %mul3A_150 = arith.muli %select_n3A_147, %mul3A_149 : vector<16xi32>
      %add3A_151 = arith.addi %mul3A_150, %iota3A : vector<16xi32>
      %mul3A_152 = arith.constant 16 : i32
      %mul3A_153 = arith.muli %scan3A_95, %mul3A_152 : i32
      %add3A_154 = arith.constant 1 : i32
      %add3A_155 = arith.addi %mul3A_153, %add3A_154 : i32
      %mul3A_156 = arith.constant 16 : i32
      %mul3A_157 = arith.muli %add3A_155, %mul3A_156 : i32
      %get3A_158 = arith.constant 0 : i32
      %get3A_159 = arith.index_cast %get3A_158 : i32 to index
      %get3A_160 = arith.index_cast %mul3A_157 : i32 to index
      %get3A_161 = tpu.vector_load %arg6[%get3A_159, %get3A_160] {strides = array<i32>} : memref<2x12800xf32, #tpu.memory_space<vmem>>, vector<16xf32>,
      %gather3A_162 = tpu.vector_load_idx %arg7[%add3A_151] : memref<80016xf32, #tpu.memory_space<vmem>>[vector<16xi32>], vector<16xf32>,
      %max3A_163 = arith.maximumf %gather3A_162, %get3A_161 : vector<16xf32>
      tpu.vector_store_idx %arg7[%add3A_151], %max3A_163 : memref<80016xf32, #tpu.memory_space<vmem>>[vector<16xi32>], vector<16xf32>,
      %broadcast_in_dim3A_164 = arith.constant 2 : i32
      %broadcast_in_dim3A_165 = vector.broadcast %broadcast_in_dim3A_164 : i32 to vector<16xi32>
      %broadcast_in_dim3A_166 = vector.shape_cast %broadcast_in_dim3A_165 : vector<16xi32> to vector<16x1xi32>
      %gather3A_167 = vector.shape_cast %broadcast_in_dim3A_166 : vector<16x1xi32> to vector<16xi32>
      %gather3A_168 = tpu.dynamic_gather %get3A_100[%gather3A_167] in [0] : vector<16xi32>, vector<16xi32> -> vector<16xi32>
      %sub3A_169 = vector.broadcast %mul3A_32 : i32 to vector<16xi32>
      %sub3A_170 = arith.subi %gather3A_168, %sub3A_169 : vector<16xi32>
      %ge3A_171 = arith.constant 0 : i32
      %ge3A_172 = vector.broadcast %ge3A_171 : i32 to vector<16xi32>
      %ge3A_173 = arith.cmpi sge, %sub3A_170, %ge3A_172 : vector<16xi32>
      %lt3A_174 = arith.constant 5000 : i32
      %lt3A_175 = vector.broadcast %lt3A_174 : i32 to vector<16xi32>
      %lt3A_176 = arith.cmpi slt, %sub3A_170, %lt3A_175 : vector<16xi32>
      %and3A_177 = arith.andi %ge3A_173, %lt3A_176 : vector<16xi1>
      %jit3A_178 = arith.constant 5000 : i32
      %broadcast_in_dim3A_179 = vector.broadcast %jit3A_178 : i32 to vector<16xi32>
      %select_n3A_180 = arith.select %and3A_177, %sub3A_170, %broadcast_in_dim3A_179 : vector<16xi1>, vector<16xi32>
      %mul3A_181 = arith.constant 16 : i32
      %mul3A_182 = vector.broadcast %mul3A_181 : i32 to vector<16xi32>
      %mul3A_183 = arith.muli %select_n3A_180, %mul3A_182 : vector<16xi32>
      %add3A_184 = arith.addi %mul3A_183, %iota3A : vector<16xi32>
      %mul3A_185 = arith.constant 16 : i32
      %mul3A_186 = arith.muli %scan3A_95, %mul3A_185 : i32
      %add3A_187 = arith.constant 2 : i32
      %add3A_188 = arith.addi %mul3A_186, %add3A_187 : i32
      %mul3A_189 = arith.constant 16 : i32
      %mul3A_190 = arith.muli %add3A_188, %mul3A_189 : i32
      %get3A_191 = arith.constant 0 : i32
      %get3A_192 = arith.index_cast %get3A_191 : i32 to index
      %get3A_193 = arith.index_cast %mul3A_190 : i32 to index
      %get3A_194 = tpu.vector_load %arg6[%get3A_192, %get3A_193] {strides = array<i32>} : memref<2x12800xf32, #tpu.memory_space<vmem>>, vector<16xf32>,
      %gather3A_195 = tpu.vector_load_idx %arg7[%add3A_184] : memref<80016xf32, #tpu.memory_space<vmem>>[vector<16xi32>], vector<16xf32>,
      %max3A_196 = arith.maximumf %gather3A_195, %get3A_194 : vector<16xf32>
      tpu.vector_store_idx %arg7[%add3A_184], %max3A_196 : memref<80016xf32, #tpu.memory_space<vmem>>[vector<16xi32>], vector<16xf32>,
      %broadcast_in_dim3A_197 = arith.constant 3 : i32
      %broadcast_in_dim3A_198 = vector.broadcast %broadcast_in_dim3A_197 : i32 to vector<16xi32>
      %broadcast_in_dim3A_199 = vector.shape_cast %broadcast_in_dim3A_198 : vector<16xi32> to vector<16x1xi32>
      %gather3A_200 = vector.shape_cast %broadcast_in_dim3A_199 : vector<16x1xi32> to vector<16xi32>
      %gather3A_201 = tpu.dynamic_gather %get3A_100[%gather3A_200] in [0] : vector<16xi32>, vector<16xi32> -> vector<16xi32>
      %sub3A_202 = vector.broadcast %mul3A_32 : i32 to vector<16xi32>
      %sub3A_203 = arith.subi %gather3A_201, %sub3A_202 : vector<16xi32>
      %ge3A_204 = arith.constant 0 : i32
      %ge3A_205 = vector.broadcast %ge3A_204 : i32 to vector<16xi32>
      %ge3A_206 = arith.cmpi sge, %sub3A_203, %ge3A_205 : vector<16xi32>
      %lt3A_207 = arith.constant 5000 : i32
      %lt3A_208 = vector.broadcast %lt3A_207 : i32 to vector<16xi32>
      %lt3A_209 = arith.cmpi slt, %sub3A_203, %lt3A_208 : vector<16xi32>
      %and3A_210 = arith.andi %ge3A_206, %lt3A_209 : vector<16xi1>
      %jit3A_211 = arith.constant 5000 : i32
      %broadcast_in_dim3A_212 = vector.broadcast %jit3A_211 : i32 to vector<16xi32>
      %select_n3A_213 = arith.select %and3A_210, %sub3A_203, %broadcast_in_dim3A_212 : vector<16xi1>, vector<16xi32>
      %mul3A_214 = arith.constant 16 : i32
      %mul3A_215 = vector.broadcast %mul3A_214 : i32 to vector<16xi32>
      %mul3A_216 = arith.muli %select_n3A_213, %mul3A_215 : vector<16xi32>
      %add3A_217 = arith.addi %mul3A_216, %iota3A : vector<16xi32>
      %mul3A_218 = arith.constant 16 : i32
      %mul3A_219 = arith.muli %scan3A_95, %mul3A_218 : i32
      %add3A_220 = arith.constant 3 : i32
      %add3A_221 = arith.addi %mul3A_219, %add3A_220 : i32
      %mul3A_222 = arith.constant 16 : i32
      %mul3A_223 = arith.muli %add3A_221, %mul3A_222 : i32
      %get3A_224 = arith.constant 0 : i32
      %get3A_225 = arith.index_cast %get3A_224 : i32 to index
      %get3A_226 = arith.index_cast %mul3A_223 : i32 to index
      %get3A_227 = tpu.vector_load %arg6[%get3A_225, %get3A_226] {strides = array<i32>} : memref<2x12800xf32, #tpu.memory_space<vmem>>, vector<16xf32>,
      %gather3A_228 = tpu.vector_load_idx %arg7[%add3A_217] : memref<80016xf32, #tpu.memory_space<vmem>>[vector<16xi32>], vector<16xf32>,
      %max3A_229 = arith.maximumf %gather3A_228, %get3A_227 : vector<16xf32>
      tpu.vector_store_idx %arg7[%add3A_217], %max3A_229 : memref<80016xf32, #tpu.memory_space<vmem>>[vector<16xi32>], vector<16xf32>,
      %broadcast_in_dim3A_230 = arith.constant 4 : i32
      %broadcast_in_dim3A_231 = vector.broadcast %broadcast_in_dim3A_230 : i32 to vector<16xi32>
      %broadcast_in_dim3A_232 = vector.shape_cast %broadcast_in_dim3A_231 : vector<16xi32> to vector<16x1xi32>
      %gather3A_233 = vector.shape_cast %broadcast_in_dim3A_232 : vector<16x1xi32> to vector<16xi32>
      %gather3A_234 = tpu.dynamic_gather %get3A_100[%gather3A_233] in [0] : vector<16xi32>, vector<16xi32> -> vector<16xi32>
      %sub3A_235 = vector.broadcast %mul3A_32 : i32 to vector<16xi32>
      %sub3A_236 = arith.subi %gather3A_234, %sub3A_235 : vector<16xi32>
      %ge3A_237 = arith.constant 0 : i32
      %ge3A_238 = vector.broadcast %ge3A_237 : i32 to vector<16xi32>
      %ge3A_239 = arith.cmpi sge, %sub3A_236, %ge3A_238 : vector<16xi32>
      %lt3A_240 = arith.constant 5000 : i32
      %lt3A_241 = vector.broadcast %lt3A_240 : i32 to vector<16xi32>
      %lt3A_242 = arith.cmpi slt, %sub3A_236, %lt3A_241 : vector<16xi32>
      %and3A_243 = arith.andi %ge3A_239, %lt3A_242 : vector<16xi1>
      %jit3A_244 = arith.constant 5000 : i32
      %broadcast_in_dim3A_245 = vector.broadcast %jit3A_244 : i32 to vector<16xi32>
      %select_n3A_246 = arith.select %and3A_243, %sub3A_236, %broadcast_in_dim3A_245 : vector<16xi1>, vector<16xi32>
      %mul3A_247 = arith.constant 16 : i32
      %mul3A_248 = vector.broadcast %mul3A_247 : i32 to vector<16xi32>
      %mul3A_249 = arith.muli %select_n3A_246, %mul3A_248 : vector<16xi32>
      %add3A_250 = arith.addi %mul3A_249, %iota3A : vector<16xi32>
      %mul3A_251 = arith.constant 16 : i32
      %mul3A_252 = arith.muli %scan3A_95, %mul3A_251 : i32
      %add3A_253 = arith.constant 4 : i32
      %add3A_254 = arith.addi %mul3A_252, %add3A_253 : i32
      %mul3A_255 = arith.constant 16 : i32
      %mul3A_256 = arith.muli %add3A_254, %mul3A_255 : i32
      %get3A_257 = arith.constant 0 : i32
      %get3A_258 = arith.index_cast %get3A_257 : i32 to index
      %get3A_259 = arith.index_cast %mul3A_256 : i32 to index
      %get3A_260 = tpu.vector_load %arg6[%get3A_258, %get3A_259] {strides = array<i32>} : memref<2x12800xf32, #tpu.memory_space<vmem>>, vector<16xf32>,
      %gather3A_261 = tpu.vector_load_idx %arg7[%add3A_250] : memref<80016xf32, #tpu.memory_space<vmem>>[vector<16xi32>], vector<16xf32>,
      %max3A_262 = arith.maximumf %gather3A_261, %get3A_260 : vector<16xf32>
      tpu.vector_store_idx %arg7[%add3A_250], %max3A_262 : memref<80016xf32, #tpu.memory_space<vmem>>[vector<16xi32>], vector<16xf32>,
      %broadcast_in_dim3A_263 = arith.constant 5 : i32
      %broadcast_in_dim3A_264 = vector.broadcast %broadcast_in_dim3A_263 : i32 to vector<16xi32>
      %broadcast_in_dim3A_265 = vector.shape_cast %broadcast_in_dim3A_264 : vector<16xi32> to vector<16x1xi32>
      %gather3A_266 = vector.shape_cast %broadcast_in_dim3A_265 : vector<16x1xi32> to vector<16xi32>
      %gather3A_267 = tpu.dynamic_gather %get3A_100[%gather3A_266] in [0] : vector<16xi32>, vector<16xi32> -> vector<16xi32>
      %sub3A_268 = vector.broadcast %mul3A_32 : i32 to vector<16xi32>
      %sub3A_269 = arith.subi %gather3A_267, %sub3A_268 : vector<16xi32>
      %ge3A_270 = arith.constant 0 : i32
      %ge3A_271 = vector.broadcast %ge3A_270 : i32 to vector<16xi32>
      %ge3A_272 = arith.cmpi sge, %sub3A_269, %ge3A_271 : vector<16xi32>
      %lt3A_273 = arith.constant 5000 : i32
      %lt3A_274 = vector.broadcast %lt3A_273 : i32 to vector<16xi32>
      %lt3A_275 = arith.cmpi slt, %sub3A_269, %lt3A_274 : vector<16xi32>
      %and3A_276 = arith.andi %ge3A_272, %lt3A_275 : vector<16xi1>
      %jit3A_277 = arith.constant 5000 : i32
      %broadcast_in_dim3A_278 = vector.broadcast %jit3A_277 : i32 to vector<16xi32>
      %select_n3A_279 = arith.select %and3A_276, %sub3A_269, %broadcast_in_dim3A_278 : vector<16xi1>, vector<16xi32>
      %mul3A_280 = arith.constant 16 : i32
      %mul3A_281 = vector.broadcast %mul3A_280 : i32 to vector<16xi32>
      %mul3A_282 = arith.muli %select_n3A_279, %mul3A_281 : vector<16xi32>
      %add3A_283 = arith.addi %mul3A_282, %iota3A : vector<16xi32>
      %mul3A_284 = arith.constant 16 : i32
      %mul3A_285 = arith.muli %scan3A_95, %mul3A_284 : i32
      %add3A_286 = arith.constant 5 : i32
      %add3A_287 = arith.addi %mul3A_285, %add3A_286 : i32
      %mul3A_288 = arith.constant 16 : i32
      %mul3A_289 = arith.muli %add3A_287, %mul3A_288 : i32
      %get3A_290 = arith.constant 0 : i32
      %get3A_291 = arith.index_cast %get3A_290 : i32 to index
      %get3A_292 = arith.index_cast %mul3A_289 : i32 to index
      %get3A_293 = tpu.vector_load %arg6[%get3A_291, %get3A_292] {strides = array<i32>} : memref<2x12800xf32, #tpu.memory_space<vmem>>, vector<16xf32>,
      %gather3A_294 = tpu.vector_load_idx %arg7[%add3A_283] : memref<80016xf32, #tpu.memory_space<vmem>>[vector<16xi32>], vector<16xf32>,
      %max3A_295 = arith.maximumf %gather3A_294, %get3A_293 : vector<16xf32>
      tpu.vector_store_idx %arg7[%add3A_283], %max3A_295 : memref<80016xf32, #tpu.memory_space<vmem>>[vector<16xi32>], vector<16xf32>,
      %broadcast_in_dim3A_296 = arith.constant 6 : i32
      %broadcast_in_dim3A_297 = vector.broadcast %broadcast_in_dim3A_296 : i32 to vector<16xi32>
      %broadcast_in_dim3A_298 = vector.shape_cast %broadcast_in_dim3A_297 : vector<16xi32> to vector<16x1xi32>
      %gather3A_299 = vector.shape_cast %broadcast_in_dim3A_298 : vector<16x1xi32> to vector<16xi32>
      %gather3A_300 = tpu.dynamic_gather %get3A_100[%gather3A_299] in [0] : vector<16xi32>, vector<16xi32> -> vector<16xi32>
      %sub3A_301 = vector.broadcast %mul3A_32 : i32 to vector<16xi32>
      %sub3A_302 = arith.subi %gather3A_300, %sub3A_301 : vector<16xi32>
      %ge3A_303 = arith.constant 0 : i32
      %ge3A_304 = vector.broadcast %ge3A_303 : i32 to vector<16xi32>
      %ge3A_305 = arith.cmpi sge, %sub3A_302, %ge3A_304 : vector<16xi32>
      %lt3A_306 = arith.constant 5000 : i32
      %lt3A_307 = vector.broadcast %lt3A_306 : i32 to vector<16xi32>
      %lt3A_308 = arith.cmpi slt, %sub3A_302, %lt3A_307 : vector<16xi32>
      %and3A_309 = arith.andi %ge3A_305, %lt3A_308 : vector<16xi1>
      %jit3A_310 = arith.constant 5000 : i32
      %broadcast_in_dim3A_311 = vector.broadcast %jit3A_310 : i32 to vector<16xi32>
      %select_n3A_312 = arith.select %and3A_309, %sub3A_302, %broadcast_in_dim3A_311 : vector<16xi1>, vector<16xi32>
      %mul3A_313 = arith.constant 16 : i32
      %mul3A_314 = vector.broadcast %mul3A_313 : i32 to vector<16xi32>
      %mul3A_315 = arith.muli %select_n3A_312, %mul3A_314 : vector<16xi32>
      %add3A_316 = arith.addi %mul3A_315, %iota3A : vector<16xi32>
      %mul3A_317 = arith.constant 16 : i32
      %mul3A_318 = arith.muli %scan3A_95, %mul3A_317 : i32
      %add3A_319 = arith.constant 6 : i32
      %add3A_320 = arith.addi %mul3A_318, %add3A_319 : i32
      %mul3A_321 = arith.constant 16 : i32
      %mul3A_322 = arith.muli %add3A_320, %mul3A_321 : i32
      %get3A_323 = arith.constant 0 : i32
      %get3A_324 = arith.index_cast %get3A_323 : i32 to index
      %get3A_325 = arith.index_cast %mul3A_322 : i32 to index
      %get3A_326 = tpu.vector_load %arg6[%get3A_324, %get3A_325] {strides = array<i32>} : memref<2x12800xf32, #tpu.memory_space<vmem>>, vector<16xf32>,
      %gather3A_327 = tpu.vector_load_idx %arg7[%add3A_316] : memref<80016xf32, #tpu.memory_space<vmem>>[vector<16xi32>], vector<16xf32>,
      %max3A_328 = arith.maximumf %gather3A_327, %get3A_326 : vector<16xf32>
      tpu.vector_store_idx %arg7[%add3A_316], %max3A_328 : memref<80016xf32, #tpu.memory_space<vmem>>[vector<16xi32>], vector<16xf32>,
      %broadcast_in_dim3A_329 = arith.constant 7 : i32
      %broadcast_in_dim3A_330 = vector.broadcast %broadcast_in_dim3A_329 : i32 to vector<16xi32>
      %broadcast_in_dim3A_331 = vector.shape_cast %broadcast_in_dim3A_330 : vector<16xi32> to vector<16x1xi32>
      %gather3A_332 = vector.shape_cast %broadcast_in_dim3A_331 : vector<16x1xi32> to vector<16xi32>
      %gather3A_333 = tpu.dynamic_gather %get3A_100[%gather3A_332] in [0] : vector<16xi32>, vector<16xi32> -> vector<16xi32>
      %sub3A_334 = vector.broadcast %mul3A_32 : i32 to vector<16xi32>
      %sub3A_335 = arith.subi %gather3A_333, %sub3A_334 : vector<16xi32>
      %ge3A_336 = arith.constant 0 : i32
      %ge3A_337 = vector.broadcast %ge3A_336 : i32 to vector<16xi32>
      %ge3A_338 = arith.cmpi sge, %sub3A_335, %ge3A_337 : vector<16xi32>
      %lt3A_339 = arith.constant 5000 : i32
      %lt3A_340 = vector.broadcast %lt3A_339 : i32 to vector<16xi32>
      %lt3A_341 = arith.cmpi slt, %sub3A_335, %lt3A_340 : vector<16xi32>
      %and3A_342 = arith.andi %ge3A_338, %lt3A_341 : vector<16xi1>
      %jit3A_343 = arith.constant 5000 : i32
      %broadcast_in_dim3A_344 = vector.broadcast %jit3A_343 : i32 to vector<16xi32>
      %select_n3A_345 = arith.select %and3A_342, %sub3A_335, %broadcast_in_dim3A_344 : vector<16xi1>, vector<16xi32>
      %mul3A_346 = arith.constant 16 : i32
      %mul3A_347 = vector.broadcast %mul3A_346 : i32 to vector<16xi32>
      %mul3A_348 = arith.muli %select_n3A_345, %mul3A_347 : vector<16xi32>
      %add3A_349 = arith.addi %mul3A_348, %iota3A : vector<16xi32>
      %mul3A_350 = arith.constant 16 : i32
      %mul3A_351 = arith.muli %scan3A_95, %mul3A_350 : i32
      %add3A_352 = arith.constant 7 : i32
      %add3A_353 = arith.addi %mul3A_351, %add3A_352 : i32
      %mul3A_354 = arith.constant 16 : i32
      %mul3A_355 = arith.muli %add3A_353, %mul3A_354 : i32
      %get3A_356 = arith.constant 0 : i32
      %get3A_357 = arith.index_cast %get3A_356 : i32 to index
      %get3A_358 = arith.index_cast %mul3A_355 : i32 to index
      %get3A_359 = tpu.vector_load %arg6[%get3A_357, %get3A_358] {strides = array<i32>} : memref<2x12800xf32, #tpu.memory_space<vmem>>, vector<16xf32>,
      %gather3A_360 = tpu.vector_load_idx %arg7[%add3A_349] : memref<80016xf32, #tpu.memory_space<vmem>>[vector<16xi32>], vector<16xf32>,
      %max3A_361 = arith.maximumf %gather3A_360, %get3A_359 : vector<16xf32>
      tpu.vector_store_idx %arg7[%add3A_349], %max3A_361 : memref<80016xf32, #tpu.memory_space<vmem>>[vector<16xi32>], vector<16xf32>,
      %broadcast_in_dim3A_362 = arith.constant 8 : i32
      %broadcast_in_dim3A_363 = vector.broadcast %broadcast_in_dim3A_362 : i32 to vector<16xi32>
      %broadcast_in_dim3A_364 = vector.shape_cast %broadcast_in_dim3A_363 : vector<16xi32> to vector<16x1xi32>
      %gather3A_365 = vector.shape_cast %broadcast_in_dim3A_364 : vector<16x1xi32> to vector<16xi32>
      %gather3A_366 = tpu.dynamic_gather %get3A_100[%gather3A_365] in [0] : vector<16xi32>, vector<16xi32> -> vector<16xi32>
      %sub3A_367 = vector.broadcast %mul3A_32 : i32 to vector<16xi32>
      %sub3A_368 = arith.subi %gather3A_366, %sub3A_367 : vector<16xi32>
      %ge3A_369 = arith.constant 0 : i32
      %ge3A_370 = vector.broadcast %ge3A_369 : i32 to vector<16xi32>
      %ge3A_371 = arith.cmpi sge, %sub3A_368, %ge3A_370 : vector<16xi32>
      %lt3A_372 = arith.constant 5000 : i32
      %lt3A_373 = vector.broadcast %lt3A_372 : i32 to vector<16xi32>
      %lt3A_374 = arith.cmpi slt, %sub3A_368, %lt3A_373 : vector<16xi32>
      %and3A_375 = arith.andi %ge3A_371, %lt3A_374 : vector<16xi1>
      %jit3A_376 = arith.constant 5000 : i32
      %broadcast_in_dim3A_377 = vector.broadcast %jit3A_376 : i32 to vector<16xi32>
      %select_n3A_378 = arith.select %and3A_375, %sub3A_368, %broadcast_in_dim3A_377 : vector<16xi1>, vector<16xi32>
      %mul3A_379 = arith.constant 16 : i32
      %mul3A_380 = vector.broadcast %mul3A_379 : i32 to vector<16xi32>
      %mul3A_381 = arith.muli %select_n3A_378, %mul3A_380 : vector<16xi32>
      %add3A_382 = arith.addi %mul3A_381, %iota3A : vector<16xi32>
      %mul3A_383 = arith.constant 16 : i32
      %mul3A_384 = arith.muli %scan3A_95, %mul3A_383 : i32
      %add3A_385 = arith.constant 8 : i32
      %add3A_386 = arith.addi %mul3A_384, %add3A_385 : i32
      %mul3A_387 = arith.constant 16 : i32
      %mul3A_388 = arith.muli %add3A_386, %mul3A_387 : i32
      %get3A_389 = arith.constant 0 : i32
      %get3A_390 = arith.index_cast %get3A_389 : i32 to index
      %get3A_391 = arith.index_cast %mul3A_388 : i32 to index
      %get3A_392 = tpu.vector_load %arg6[%get3A_390, %get3A_391] {strides = array<i32>} : memref<2x12800xf32, #tpu.memory_space<vmem>>, vector<16xf32>,
      %gather3A_393 = tpu.vector_load_idx %arg7[%add3A_382] : memref<80016xf32, #tpu.memory_space<vmem>>[vector<16xi32>], vector<16xf32>,
      %max3A_394 = arith.maximumf %gather3A_393, %get3A_392 : vector<16xf32>
      tpu.vector_store_idx %arg7[%add3A_382], %max3A_394 : memref<80016xf32, #tpu.memory_space<vmem>>[vector<16xi32>], vector<16xf32>,
      %broadcast_in_dim3A_395 = arith.constant 9 : i32
      %broadcast_in_dim3A_396 = vector.broadcast %broadcast_in_dim3A_395 : i32 to vector<16xi32>
      %broadcast_in_dim3A_397 = vector.shape_cast %broadcast_in_dim3A_396 : vector<16xi32> to vector<16x1xi32>
      %gather3A_398 = vector.shape_cast %broadcast_in_dim3A_397 : vector<16x1xi32> to vector<16xi32>
      %gather3A_399 = tpu.dynamic_gather %get3A_100[%gather3A_398] in [0] : vector<16xi32>, vector<16xi32> -> vector<16xi32>
      %sub3A_400 = vector.broadcast %mul3A_32 : i32 to vector<16xi32>
      %sub3A_401 = arith.subi %gather3A_399, %sub3A_400 : vector<16xi32>
      %ge3A_402 = arith.constant 0 : i32
      %ge3A_403 = vector.broadcast %ge3A_402 : i32 to vector<16xi32>
      %ge3A_404 = arith.cmpi sge, %sub3A_401, %ge3A_403 : vector<16xi32>
      %lt3A_405 = arith.constant 5000 : i32
      %lt3A_406 = vector.broadcast %lt3A_405 : i32 to vector<16xi32>
      %lt3A_407 = arith.cmpi slt, %sub3A_401, %lt3A_406 : vector<16xi32>
      %and3A_408 = arith.andi %ge3A_404, %lt3A_407 : vector<16xi1>
      %jit3A_409 = arith.constant 5000 : i32
      %broadcast_in_dim3A_410 = vector.broadcast %jit3A_409 : i32 to vector<16xi32>
      %select_n3A_411 = arith.select %and3A_408, %sub3A_401, %broadcast_in_dim3A_410 : vector<16xi1>, vector<16xi32>
      %mul3A_412 = arith.constant 16 : i32
      %mul3A_413 = vector.broadcast %mul3A_412 : i32 to vector<16xi32>
      %mul3A_414 = arith.muli %select_n3A_411, %mul3A_413 : vector<16xi32>
      %add3A_415 = arith.addi %mul3A_414, %iota3A : vector<16xi32>
      %mul3A_416 = arith.constant 16 : i32
      %mul3A_417 = arith.muli %scan3A_95, %mul3A_416 : i32
      %add3A_418 = arith.constant 9 : i32
      %add3A_419 = arith.addi %mul3A_417, %add3A_418 : i32
      %mul3A_420 = arith.constant 16 : i32
      %mul3A_421 = arith.muli %add3A_419, %mul3A_420 : i32
      %get3A_422 = arith.constant 0 : i32
      %get3A_423 = arith.index_cast %get3A_422 : i32 to index
      %get3A_424 = arith.index_cast %mul3A_421 : i32 to index
      %get3A_425 = tpu.vector_load %arg6[%get3A_423, %get3A_424] {strides = array<i32>} : memref<2x12800xf32, #tpu.memory_space<vmem>>, vector<16xf32>,
      %gather3A_426 = tpu.vector_load_idx %arg7[%add3A_415] : memref<80016xf32, #tpu.memory_space<vmem>>[vector<16xi32>], vector<16xf32>,
      %max3A_427 = arith.maximumf %gather3A_426, %get3A_425 : vector<16xf32>
      tpu.vector_store_idx %arg7[%add3A_415], %max3A_427 : memref<80016xf32, #tpu.memory_space<vmem>>[vector<16xi32>], vector<16xf32>,
      %broadcast_in_dim3A_428 = arith.constant 10 : i32
      %broadcast_in_dim3A_429 = vector.broadcast %broadcast_in_dim3A_428 : i32 to vector<16xi32>
      %broadcast_in_dim3A_430 = vector.shape_cast %broadcast_in_dim3A_429 : vector<16xi32> to vector<16x1xi32>
      %gather3A_431 = vector.shape_cast %broadcast_in_dim3A_430 : vector<16x1xi32> to vector<16xi32>
      %gather3A_432 = tpu.dynamic_gather %get3A_100[%gather3A_431] in [0] : vector<16xi32>, vector<16xi32> -> vector<16xi32>
      %sub3A_433 = vector.broadcast %mul3A_32 : i32 to vector<16xi32>
      %sub3A_434 = arith.subi %gather3A_432, %sub3A_433 : vector<16xi32>
      %ge3A_435 = arith.constant 0 : i32
      %ge3A_436 = vector.broadcast %ge3A_435 : i32 to vector<16xi32>
      %ge3A_437 = arith.cmpi sge, %sub3A_434, %ge3A_436 : vector<16xi32>
      %lt3A_438 = arith.constant 5000 : i32
      %lt3A_439 = vector.broadcast %lt3A_438 : i32 to vector<16xi32>
      %lt3A_440 = arith.cmpi slt, %sub3A_434, %lt3A_439 : vector<16xi32>
      %and3A_441 = arith.andi %ge3A_437, %lt3A_440 : vector<16xi1>
      %jit3A_442 = arith.constant 5000 : i32
      %broadcast_in_dim3A_443 = vector.broadcast %jit3A_442 : i32 to vector<16xi32>
      %select_n3A_444 = arith.select %and3A_441, %sub3A_434, %broadcast_in_dim3A_443 : vector<16xi1>, vector<16xi32>
      %mul3A_445 = arith.constant 16 : i32
      %mul3A_446 = vector.broadcast %mul3A_445 : i32 to vector<16xi32>
      %mul3A_447 = arith.muli %select_n3A_444, %mul3A_446 : vector<16xi32>
      %add3A_448 = arith.addi %mul3A_447, %iota3A : vector<16xi32>
      %mul3A_449 = arith.constant 16 : i32
      %mul3A_450 = arith.muli %scan3A_95, %mul3A_449 : i32
      %add3A_451 = arith.constant 10 : i32
      %add3A_452 = arith.addi %mul3A_450, %add3A_451 : i32
      %mul3A_453 = arith.constant 16 : i32
      %mul3A_454 = arith.muli %add3A_452, %mul3A_453 : i32
      %get3A_455 = arith.constant 0 : i32
      %get3A_456 = arith.index_cast %get3A_455 : i32 to index
      %get3A_457 = arith.index_cast %mul3A_454 : i32 to index
      %get3A_458 = tpu.vector_load %arg6[%get3A_456, %get3A_457] {strides = array<i32>} : memref<2x12800xf32, #tpu.memory_space<vmem>>, vector<16xf32>,
      %gather3A_459 = tpu.vector_load_idx %arg7[%add3A_448] : memref<80016xf32, #tpu.memory_space<vmem>>[vector<16xi32>], vector<16xf32>,
      %max3A_460 = arith.maximumf %gather3A_459, %get3A_458 : vector<16xf32>
      tpu.vector_store_idx %arg7[%add3A_448], %max3A_460 : memref<80016xf32, #tpu.memory_space<vmem>>[vector<16xi32>], vector<16xf32>,
      %broadcast_in_dim3A_461 = arith.constant 11 : i32
      %broadcast_in_dim3A_462 = vector.broadcast %broadcast_in_dim3A_461 : i32 to vector<16xi32>
      %broadcast_in_dim3A_463 = vector.shape_cast %broadcast_in_dim3A_462 : vector<16xi32> to vector<16x1xi32>
      %gather3A_464 = vector.shape_cast %broadcast_in_dim3A_463 : vector<16x1xi32> to vector<16xi32>
      %gather3A_465 = tpu.dynamic_gather %get3A_100[%gather3A_464] in [0] : vector<16xi32>, vector<16xi32> -> vector<16xi32>
      %sub3A_466 = vector.broadcast %mul3A_32 : i32 to vector<16xi32>
      %sub3A_467 = arith.subi %gather3A_465, %sub3A_466 : vector<16xi32>
      %ge3A_468 = arith.constant 0 : i32
      %ge3A_469 = vector.broadcast %ge3A_468 : i32 to vector<16xi32>
      %ge3A_470 = arith.cmpi sge, %sub3A_467, %ge3A_469 : vector<16xi32>
      %lt3A_471 = arith.constant 5000 : i32
      %lt3A_472 = vector.broadcast %lt3A_471 : i32 to vector<16xi32>
      %lt3A_473 = arith.cmpi slt, %sub3A_467, %lt3A_472 : vector<16xi32>
      %and3A_474 = arith.andi %ge3A_470, %lt3A_473 : vector<16xi1>
      %jit3A_475 = arith.constant 5000 : i32
      %broadcast_in_dim3A_476 = vector.broadcast %jit3A_475 : i32 to vector<16xi32>
      %select_n3A_477 = arith.select %and3A_474, %sub3A_467, %broadcast_in_dim3A_476 : vector<16xi1>, vector<16xi32>
      %mul3A_478 = arith.constant 16 : i32
      %mul3A_479 = vector.broadcast %mul3A_478 : i32 to vector<16xi32>
      %mul3A_480 = arith.muli %select_n3A_477, %mul3A_479 : vector<16xi32>
      %add3A_481 = arith.addi %mul3A_480, %iota3A : vector<16xi32>
      %mul3A_482 = arith.constant 16 : i32
      %mul3A_483 = arith.muli %scan3A_95, %mul3A_482 : i32
      %add3A_484 = arith.constant 11 : i32
      %add3A_485 = arith.addi %mul3A_483, %add3A_484 : i32
      %mul3A_486 = arith.constant 16 : i32
      %mul3A_487 = arith.muli %add3A_485, %mul3A_486 : i32
      %get3A_488 = arith.constant 0 : i32
      %get3A_489 = arith.index_cast %get3A_488 : i32 to index
      %get3A_490 = arith.index_cast %mul3A_487 : i32 to index
      %get3A_491 = tpu.vector_load %arg6[%get3A_489, %get3A_490] {strides = array<i32>} : memref<2x12800xf32, #tpu.memory_space<vmem>>, vector<16xf32>,
      %gather3A_492 = tpu.vector_load_idx %arg7[%add3A_481] : memref<80016xf32, #tpu.memory_space<vmem>>[vector<16xi32>], vector<16xf32>,
      %max3A_493 = arith.maximumf %gather3A_492, %get3A_491 : vector<16xf32>
      tpu.vector_store_idx %arg7[%add3A_481], %max3A_493 : memref<80016xf32, #tpu.memory_space<vmem>>[vector<16xi32>], vector<16xf32>,
      %broadcast_in_dim3A_494 = arith.constant 12 : i32
      %broadcast_in_dim3A_495 = vector.broadcast %broadcast_in_dim3A_494 : i32 to vector<16xi32>
      %broadcast_in_dim3A_496 = vector.shape_cast %broadcast_in_dim3A_495 : vector<16xi32> to vector<16x1xi32>
      %gather3A_497 = vector.shape_cast %broadcast_in_dim3A_496 : vector<16x1xi32> to vector<16xi32>
      %gather3A_498 = tpu.dynamic_gather %get3A_100[%gather3A_497] in [0] : vector<16xi32>, vector<16xi32> -> vector<16xi32>
      %sub3A_499 = vector.broadcast %mul3A_32 : i32 to vector<16xi32>
      %sub3A_500 = arith.subi %gather3A_498, %sub3A_499 : vector<16xi32>
      %ge3A_501 = arith.constant 0 : i32
      %ge3A_502 = vector.broadcast %ge3A_501 : i32 to vector<16xi32>
      %ge3A_503 = arith.cmpi sge, %sub3A_500, %ge3A_502 : vector<16xi32>
      %lt3A_504 = arith.constant 5000 : i32
      %lt3A_505 = vector.broadcast %lt3A_504 : i32 to vector<16xi32>
      %lt3A_506 = arith.cmpi slt, %sub3A_500, %lt3A_505 : vector<16xi32>
      %and3A_507 = arith.andi %ge3A_503, %lt3A_506 : vector<16xi1>
      %jit3A_508 = arith.constant 5000 : i32
      %broadcast_in_dim3A_509 = vector.broadcast %jit3A_508 : i32 to vector<16xi32>
      %select_n3A_510 = arith.select %and3A_507, %sub3A_500, %broadcast_in_dim3A_509 : vector<16xi1>, vector<16xi32>
      %mul3A_511 = arith.constant 16 : i32
      %mul3A_512 = vector.broadcast %mul3A_511 : i32 to vector<16xi32>
      %mul3A_513 = arith.muli %select_n3A_510, %mul3A_512 : vector<16xi32>
      %add3A_514 = arith.addi %mul3A_513, %iota3A : vector<16xi32>
      %mul3A_515 = arith.constant 16 : i32
      %mul3A_516 = arith.muli %scan3A_95, %mul3A_515 : i32
      %add3A_517 = arith.constant 12 : i32
      %add3A_518 = arith.addi %mul3A_516, %add3A_517 : i32
      %mul3A_519 = arith.constant 16 : i32
      %mul3A_520 = arith.muli %add3A_518, %mul3A_519 : i32
      %get3A_521 = arith.constant 0 : i32
      %get3A_522 = arith.index_cast %get3A_521 : i32 to index
      %get3A_523 = arith.index_cast %mul3A_520 : i32 to index
      %get3A_524 = tpu.vector_load %arg6[%get3A_522, %get3A_523] {strides = array<i32>} : memref<2x12800xf32, #tpu.memory_space<vmem>>, vector<16xf32>,
      %gather3A_525 = tpu.vector_load_idx %arg7[%add3A_514] : memref<80016xf32, #tpu.memory_space<vmem>>[vector<16xi32>], vector<16xf32>,
      %max3A_526 = arith.maximumf %gather3A_525, %get3A_524 : vector<16xf32>
      tpu.vector_store_idx %arg7[%add3A_514], %max3A_526 : memref<80016xf32, #tpu.memory_space<vmem>>[vector<16xi32>], vector<16xf32>,
      %broadcast_in_dim3A_527 = arith.constant 13 : i32
      %broadcast_in_dim3A_528 = vector.broadcast %broadcast_in_dim3A_527 : i32 to vector<16xi32>
      %broadcast_in_dim3A_529 = vector.shape_cast %broadcast_in_dim3A_528 : vector<16xi32> to vector<16x1xi32>
      %gather3A_530 = vector.shape_cast %broadcast_in_dim3A_529 : vector<16x1xi32> to vector<16xi32>
      %gather3A_531 = tpu.dynamic_gather %get3A_100[%gather3A_530] in [0] : vector<16xi32>, vector<16xi32> -> vector<16xi32>
      %sub3A_532 = vector.broadcast %mul3A_32 : i32 to vector<16xi32>
      %sub3A_533 = arith.subi %gather3A_531, %sub3A_532 : vector<16xi32>
      %ge3A_534 = arith.constant 0 : i32
      %ge3A_535 = vector.broadcast %ge3A_534 : i32 to vector<16xi32>
      %ge3A_536 = arith.cmpi sge, %sub3A_533, %ge3A_535 : vector<16xi32>
      %lt3A_537 = arith.constant 5000 : i32
      %lt3A_538 = vector.broadcast %lt3A_537 : i32 to vector<16xi32>
      %lt3A_539 = arith.cmpi slt, %sub3A_533, %lt3A_538 : vector<16xi32>
      %and3A_540 = arith.andi %ge3A_536, %lt3A_539 : vector<16xi1>
      %jit3A_541 = arith.constant 5000 : i32
      %broadcast_in_dim3A_542 = vector.broadcast %jit3A_541 : i32 to vector<16xi32>
      %select_n3A_543 = arith.select %and3A_540, %sub3A_533, %broadcast_in_dim3A_542 : vector<16xi1>, vector<16xi32>
      %mul3A_544 = arith.constant 16 : i32
      %mul3A_545 = vector.broadcast %mul3A_544 : i32 to vector<16xi32>
      %mul3A_546 = arith.muli %select_n3A_543, %mul3A_545 : vector<16xi32>
      %add3A_547 = arith.addi %mul3A_546, %iota3A : vector<16xi32>
      %mul3A_548 = arith.constant 16 : i32
      %mul3A_549 = arith.muli %scan3A_95, %mul3A_548 : i32
      %add3A_550 = arith.constant 13 : i32
      %add3A_551 = arith.addi %mul3A_549, %add3A_550 : i32
      %mul3A_552 = arith.constant 16 : i32
      %mul3A_553 = arith.muli %add3A_551, %mul3A_552 : i32
      %get3A_554 = arith.constant 0 : i32
      %get3A_555 = arith.index_cast %get3A_554 : i32 to index
      %get3A_556 = arith.index_cast %mul3A_553 : i32 to index
      %get3A_557 = tpu.vector_load %arg6[%get3A_555, %get3A_556] {strides = array<i32>} : memref<2x12800xf32, #tpu.memory_space<vmem>>, vector<16xf32>,
      %gather3A_558 = tpu.vector_load_idx %arg7[%add3A_547] : memref<80016xf32, #tpu.memory_space<vmem>>[vector<16xi32>], vector<16xf32>,
      %max3A_559 = arith.maximumf %gather3A_558, %get3A_557 : vector<16xf32>
      tpu.vector_store_idx %arg7[%add3A_547], %max3A_559 : memref<80016xf32, #tpu.memory_space<vmem>>[vector<16xi32>], vector<16xf32>,
      %broadcast_in_dim3A_560 = arith.constant 14 : i32
      %broadcast_in_dim3A_561 = vector.broadcast %broadcast_in_dim3A_560 : i32 to vector<16xi32>
      %broadcast_in_dim3A_562 = vector.shape_cast %broadcast_in_dim3A_561 : vector<16xi32> to vector<16x1xi32>
      %gather3A_563 = vector.shape_cast %broadcast_in_dim3A_562 : vector<16x1xi32> to vector<16xi32>
      %gather3A_564 = tpu.dynamic_gather %get3A_100[%gather3A_563] in [0] : vector<16xi32>, vector<16xi32> -> vector<16xi32>
      %sub3A_565 = vector.broadcast %mul3A_32 : i32 to vector<16xi32>
      %sub3A_566 = arith.subi %gather3A_564, %sub3A_565 : vector<16xi32>
      %ge3A_567 = arith.constant 0 : i32
      %ge3A_568 = vector.broadcast %ge3A_567 : i32 to vector<16xi32>
      %ge3A_569 = arith.cmpi sge, %sub3A_566, %ge3A_568 : vector<16xi32>
      %lt3A_570 = arith.constant 5000 : i32
      %lt3A_571 = vector.broadcast %lt3A_570 : i32 to vector<16xi32>
      %lt3A_572 = arith.cmpi slt, %sub3A_566, %lt3A_571 : vector<16xi32>
      %and3A_573 = arith.andi %ge3A_569, %lt3A_572 : vector<16xi1>
      %jit3A_574 = arith.constant 5000 : i32
      %broadcast_in_dim3A_575 = vector.broadcast %jit3A_574 : i32 to vector<16xi32>
      %select_n3A_576 = arith.select %and3A_573, %sub3A_566, %broadcast_in_dim3A_575 : vector<16xi1>, vector<16xi32>
      %mul3A_577 = arith.constant 16 : i32
      %mul3A_578 = vector.broadcast %mul3A_577 : i32 to vector<16xi32>
      %mul3A_579 = arith.muli %select_n3A_576, %mul3A_578 : vector<16xi32>
      %add3A_580 = arith.addi %mul3A_579, %iota3A : vector<16xi32>
      %mul3A_581 = arith.constant 16 : i32
      %mul3A_582 = arith.muli %scan3A_95, %mul3A_581 : i32
      %add3A_583 = arith.constant 14 : i32
      %add3A_584 = arith.addi %mul3A_582, %add3A_583 : i32
      %mul3A_585 = arith.constant 16 : i32
      %mul3A_586 = arith.muli %add3A_584, %mul3A_585 : i32
      %get3A_587 = arith.constant 0 : i32
      %get3A_588 = arith.index_cast %get3A_587 : i32 to index
      %get3A_589 = arith.index_cast %mul3A_586 : i32 to index
      %get3A_590 = tpu.vector_load %arg6[%get3A_588, %get3A_589] {strides = array<i32>} : memref<2x12800xf32, #tpu.memory_space<vmem>>, vector<16xf32>,
      %gather3A_591 = tpu.vector_load_idx %arg7[%add3A_580] : memref<80016xf32, #tpu.memory_space<vmem>>[vector<16xi32>], vector<16xf32>,
      %max3A_592 = arith.maximumf %gather3A_591, %get3A_590 : vector<16xf32>
      tpu.vector_store_idx %arg7[%add3A_580], %max3A_592 : memref<80016xf32, #tpu.memory_space<vmem>>[vector<16xi32>], vector<16xf32>,
      %broadcast_in_dim3A_593 = arith.constant 15 : i32
      %broadcast_in_dim3A_594 = vector.broadcast %broadcast_in_dim3A_593 : i32 to vector<16xi32>
      %broadcast_in_dim3A_595 = vector.shape_cast %broadcast_in_dim3A_594 : vector<16xi32> to vector<16x1xi32>
      %gather3A_596 = vector.shape_cast %broadcast_in_dim3A_595 : vector<16x1xi32> to vector<16xi32>
      %gather3A_597 = tpu.dynamic_gather %get3A_100[%gather3A_596] in [0] : vector<16xi32>, vector<16xi32> -> vector<16xi32>
      %sub3A_598 = vector.broadcast %mul3A_32 : i32 to vector<16xi32>
      %sub3A_599 = arith.subi %gather3A_597, %sub3A_598 : vector<16xi32>
      %ge3A_600 = arith.constant 0 : i32
      %ge3A_601 = vector.broadcast %ge3A_600 : i32 to vector<16xi32>
      %ge3A_602 = arith.cmpi sge, %sub3A_599, %ge3A_601 : vector<16xi32>
      %lt3A_603 = arith.constant 5000 : i32
      %lt3A_604 = vector.broadcast %lt3A_603 : i32 to vector<16xi32>
      %lt3A_605 = arith.cmpi slt, %sub3A_599, %lt3A_604 : vector<16xi32>
      %and3A_606 = arith.andi %ge3A_602, %lt3A_605 : vector<16xi1>
      %jit3A_607 = arith.constant 5000 : i32
      %broadcast_in_dim3A_608 = vector.broadcast %jit3A_607 : i32 to vector<16xi32>
      %select_n3A_609 = arith.select %and3A_606, %sub3A_599, %broadcast_in_dim3A_608 : vector<16xi1>, vector<16xi32>
      %mul3A_610 = arith.constant 16 : i32
      %mul3A_611 = vector.broadcast %mul3A_610 : i32 to vector<16xi32>
      %mul3A_612 = arith.muli %select_n3A_609, %mul3A_611 : vector<16xi32>
      %add3A_613 = arith.addi %mul3A_612, %iota3A : vector<16xi32>
      %mul3A_614 = arith.constant 16 : i32
      %mul3A_615 = arith.muli %scan3A_95, %mul3A_614 : i32
      %add3A_616 = arith.constant 15 : i32
      %add3A_617 = arith.addi %mul3A_615, %add3A_616 : i32
      %mul3A_618 = arith.constant 16 : i32
      %mul3A_619 = arith.muli %add3A_617, %mul3A_618 : i32
      %get3A_620 = arith.constant 0 : i32
      %get3A_621 = arith.index_cast %get3A_620 : i32 to index
      %get3A_622 = arith.index_cast %mul3A_619 : i32 to index
      %get3A_623 = tpu.vector_load %arg6[%get3A_621, %get3A_622] {strides = array<i32>} : memref<2x12800xf32, #tpu.memory_space<vmem>>, vector<16xf32>,
      %gather3A_624 = tpu.vector_load_idx %arg7[%add3A_613] : memref<80016xf32, #tpu.memory_space<vmem>>[vector<16xi32>], vector<16xf32>,
      %max3A_625 = arith.maximumf %gather3A_624, %get3A_623 : vector<16xf32>
      tpu.vector_store_idx %arg7[%add3A_613], %max3A_625 : memref<80016xf32, #tpu.memory_space<vmem>>[vector<16xi32>], vector<16xf32>,
    }
    %scan3A_94 = arith.constant 50 : i32
    "tpu.region"() ({
      %run_scoped3A = tpu.sem_alloc : memref<!tpu.dma_semaphore, #tpu.memory_space<semaphore_mem>>
      %dma_start3A_95 = arith.constant 0 : i32
      %dma_start3A_96 = tpu.memref_slice %arg7[%dma_start3A_95] : memref<80016xf32, #tpu.memory_space<vmem>> -> memref<80000xf32, #tpu.memory_space<vmem>>
      %dma_start3A_97 = arith.constant 0 : i32
      %dma_start3A_98 = tpu.memref_slice %arg4[%add3A, %dma_start3A_97] : memref<32x80000xf32, #tpu.memory_space<hbm>> -> memref<1x80000xf32, #tpu.memory_space<hbm>>
      %dma_start3A_99 = tpu.memref_squeeze %dma_start3A_98 : memref<1x80000xf32, #tpu.memory_space<hbm>> -> memref<80000xf32, #tpu.memory_space<hbm>>
      %dma_start3A_100 = arith.constant 0 : i32
      %dma_start3A_101 = tpu.memref_slice %arg4[%add3A, %dma_start3A_100] : memref<32x80000xf32, #tpu.memory_space<hbm>> -> memref<1x80000xf32, #tpu.memory_space<hbm>>
      %dma_start3A_102 = tpu.memref_squeeze %dma_start3A_101 : memref<1x80000xf32, #tpu.memory_space<hbm>> -> memref<80000xf32, #tpu.memory_space<hbm>>
      %dma_start3A_103 = arith.constant 0 : i32
      %dma_start3A_104 = tpu.memref_slice %arg7[%dma_start3A_103] : memref<80016xf32, #tpu.memory_space<vmem>> -> memref<80000xf32, #tpu.memory_space<vmem>>
      tpu.enqueue_dma source(%dma_start3A_104 : memref<80000xf32, #tpu.memory_space<vmem>>) target(%dma_start3A_102 : memref<80000xf32, #tpu.memory_space<hbm>>) target_semaphore(%run_scoped3A : memref<!tpu.dma_semaphore, #tpu.memory_space<semaphore_mem>>)
      %dma_wait3A_105 = arith.constant 0 : i32
      %dma_wait3A_106 = tpu.memref_slice %arg7[%dma_wait3A_105] : memref<80016xf32, #tpu.memory_space<vmem>> -> memref<80000xf32, #tpu.memory_space<vmem>>
      %dma_wait3A_107 = arith.constant 0 : i32
      %dma_wait3A_108 = tpu.memref_slice %arg4[%add3A, %dma_wait3A_107] : memref<32x80000xf32, #tpu.memory_space<hbm>> -> memref<1x80000xf32, #tpu.memory_space<hbm>>
      %dma_wait3A_109 = tpu.memref_squeeze %dma_wait3A_108 : memref<1x80000xf32, #tpu.memory_space<hbm>> -> memref<80000xf32, #tpu.memory_space<hbm>>
      %dma_wait3A_110 = arith.constant 0 : i32
      %dma_wait3A_111 = tpu.memref_slice %arg4[%add3A, %dma_wait3A_110] : memref<32x80000xf32, #tpu.memory_space<hbm>> -> memref<1x80000xf32, #tpu.memory_space<hbm>>
      %dma_wait3A_112 = tpu.memref_squeeze %dma_wait3A_111 : memref<1x80000xf32, #tpu.memory_space<hbm>> -> memref<80000xf32, #tpu.memory_space<hbm>>
      %dma_wait3A_113 = arith.constant 0 : i32
      %dma_wait3A_114 = tpu.memref_slice %arg7[%dma_wait3A_113] : memref<80016xf32, #tpu.memory_space<vmem>> -> memref<80000xf32, #tpu.memory_space<vmem>>
      tpu.wait_dma2 semaphore(%run_scoped3A : memref<!tpu.dma_semaphore, #tpu.memory_space<semaphore_mem>>) src(%dma_wait3A_114 : memref<80000xf32, #tpu.memory_space<vmem>>) dst(%dma_wait3A_112 : memref<80000xf32, #tpu.memory_space<hbm>>)
      tpu.yield
    }) : () -> ()
    return
  }
}

#map = affine_map<(d0, d1) -> (0, 0)>
#map1 = affine_map<(d0, d1) -> (0)>
module attributes {stable_mosaic.version = 14 : i64} {
  func.func @_sc_gather_body(%arg0: i32, %arg1: i32, %arg2: memref<10000x16xf32, #tpu.memory_space<hbm>>, %arg3: memref<320000xi32, #tpu.memory_space<hbm>>, %arg4: memref<320000x16xf32, #tpu.memory_space<hbm>>, %arg5: memref<10000xi32, #tpu.memory_space<vmem>>, %arg6: memref<2000x16xf32, #tpu.memory_space<vmem>>, %arg7: memref<!tpu.dma_semaphore, #tpu.memory_space<semaphore_mem>>) attributes {dimension_semantics = [#tpu.dimension_semantics<core_parallel>, #tpu.dimension_semantics<subcore_parallel>], iteration_bounds = array<i64: 2, 16>, scalar_prefetch = 0 : i64, scratch_operands = 3 : i64, tpu.core_type = #tpu.core_type<sc_vector_subcore>, window_params = [{transform_indices = #map}, {transform_indices = #map1}, {transform_indices = #map}]} {
    %mul3A = arith.constant 2 : i32
    %mul3A_0 = arith.muli %arg1, %mul3A : i32
    %add3A = arith.addi %mul3A_0, %arg0 : i32
    %mul3A_1 = arith.constant 10000 : i32
    %mul3A_2 = arith.muli %add3A, %mul3A_1 : i32
    "tpu.region"() ({
      %run_scoped3A = tpu.sem_alloc : memref<!tpu.dma_semaphore, #tpu.memory_space<semaphore_mem>>
      %dma_start3A = tpu.memref_slice %arg3[%mul3A_2] : memref<320000xi32, #tpu.memory_space<hbm>> -> memref<10000xi32, #tpu.memory_space<hbm>>
      %dma_start3A_8 = tpu.memref_slice %arg3[%mul3A_2] : memref<320000xi32, #tpu.memory_space<hbm>> -> memref<10000xi32, #tpu.memory_space<hbm>>
      tpu.enqueue_dma source(%dma_start3A_8 : memref<10000xi32, #tpu.memory_space<hbm>>) target(%arg5 : memref<10000xi32, #tpu.memory_space<vmem>>) target_semaphore(%run_scoped3A : memref<!tpu.dma_semaphore, #tpu.memory_space<semaphore_mem>>)
      %dma_wait3A = tpu.memref_slice %arg3[%mul3A_2] : memref<320000xi32, #tpu.memory_space<hbm>> -> memref<10000xi32, #tpu.memory_space<hbm>>
      %dma_wait3A_9 = tpu.memref_slice %arg3[%mul3A_2] : memref<320000xi32, #tpu.memory_space<hbm>> -> memref<10000xi32, #tpu.memory_space<hbm>>
      tpu.wait_dma2 semaphore(%run_scoped3A : memref<!tpu.dma_semaphore, #tpu.memory_space<semaphore_mem>>) src(%dma_wait3A_9 : memref<10000xi32, #tpu.memory_space<hbm>>) dst(%arg5 : memref<10000xi32, #tpu.memory_space<vmem>>)
      tpu.yield
    }) : () -> ()
    %scan3A = arith.constant 0 : i32
    %scan3A_3 = arith.constant 0 : i32
    %scan3A_4 = arith.constant 5 : i32
    %scan3A_5 = arith.addi %scan3A_3, %scan3A_4 : i32
    %scan3A_6 = arith.constant 1 : i32
    scf.for %scan3A_8 = %scan3A_3 to %scan3A_5 step %scan3A_6  : i32 {
      %mul3A_9 = arith.constant 2000 : i32
      %mul3A_10 = arith.muli %scan3A_8, %mul3A_9 : i32
      %add3A_11 = arith.constant 0 : i32
      %add3A_12 = arith.addi %mul3A_10, %add3A_11 : i32
      %dma_start3A = arith.constant 0 : i32
      %dma_start3A_13 = arith.constant 0 : i32
      %dma_start3A_14 = tpu.memref_slice %arg6[%dma_start3A, %dma_start3A_13] : memref<2000x16xf32, #tpu.memory_space<vmem>> -> memref<80x16xf32, #tpu.memory_space<vmem>>
      %dma_start3A_15 = tpu.memref_slice %arg5[%add3A_12] : memref<10000xi32, #tpu.memory_space<vmem>> -> memref<80xi32, #tpu.memory_space<vmem>>
      %dma_start3A_16 = arith.constant 0 : i32
      %dma_start3A_17 = arith.constant 0 : i32
      %dma_start3A_18 = tpu.memref_slice %arg2[%dma_start3A_16, %dma_start3A_17] : memref<10000x16xf32, #tpu.memory_space<hbm>> -> memref<10000x16xf32, #tpu.memory_space<hbm>>
      tpu.enqueue_indirect_dma source(%dma_start3A_18 : memref<10000x16xf32, #tpu.memory_space<hbm>>) target(%dma_start3A_14 : memref<80x16xf32, #tpu.memory_space<vmem>>) offsets(%dma_start3A_15 : memref<80xi32, #tpu.memory_space<vmem>>) semaphore(%arg7 : memref<!tpu.dma_semaphore, #tpu.memory_space<semaphore_mem>>)
      %mul3A_19 = arith.constant 2000 : i32
      %mul3A_20 = arith.muli %scan3A_8, %mul3A_19 : i32
      %add3A_21 = arith.constant 80 : i32
      %add3A_22 = arith.addi %mul3A_20, %add3A_21 : i32
      %dma_start3A_23 = arith.constant 80 : i32
      %dma_start3A_24 = arith.constant 0 : i32
      %dma_start3A_25 = tpu.memref_slice %arg6[%dma_start3A_23, %dma_start3A_24] : memref<2000x16xf32, #tpu.memory_space<vmem>> -> memref<80x16xf32, #tpu.memory_space<vmem>>
      %dma_start3A_26 = tpu.memref_slice %arg5[%add3A_22] : memref<10000xi32, #tpu.memory_space<vmem>> -> memref<80xi32, #tpu.memory_space<vmem>>
      %dma_start3A_27 = arith.constant 0 : i32
      %dma_start3A_28 = arith.constant 0 : i32
      %dma_start3A_29 = tpu.memref_slice %arg2[%dma_start3A_27, %dma_start3A_28] : memref<10000x16xf32, #tpu.memory_space<hbm>> -> memref<10000x16xf32, #tpu.memory_space<hbm>>
      tpu.enqueue_indirect_dma source(%dma_start3A_29 : memref<10000x16xf32, #tpu.memory_space<hbm>>) target(%dma_start3A_25 : memref<80x16xf32, #tpu.memory_space<vmem>>) offsets(%dma_start3A_26 : memref<80xi32, #tpu.memory_space<vmem>>) semaphore(%arg7 : memref<!tpu.dma_semaphore, #tpu.memory_space<semaphore_mem>>)
      %mul3A_30 = arith.constant 2000 : i32
      %mul3A_31 = arith.muli %scan3A_8, %mul3A_30 : i32
      %add3A_32 = arith.constant 160 : i32
      %add3A_33 = arith.addi %mul3A_31, %add3A_32 : i32
      %dma_start3A_34 = arith.constant 160 : i32
      %dma_start3A_35 = arith.constant 0 : i32
      %dma_start3A_36 = tpu.memref_slice %arg6[%dma_start3A_34, %dma_start3A_35] : memref<2000x16xf32, #tpu.memory_space<vmem>> -> memref<80x16xf32, #tpu.memory_space<vmem>>
      %dma_start3A_37 = tpu.memref_slice %arg5[%add3A_33] : memref<10000xi32, #tpu.memory_space<vmem>> -> memref<80xi32, #tpu.memory_space<vmem>>
      %dma_start3A_38 = arith.constant 0 : i32
      %dma_start3A_39 = arith.constant 0 : i32
      %dma_start3A_40 = tpu.memref_slice %arg2[%dma_start3A_38, %dma_start3A_39] : memref<10000x16xf32, #tpu.memory_space<hbm>> -> memref<10000x16xf32, #tpu.memory_space<hbm>>
      tpu.enqueue_indirect_dma source(%dma_start3A_40 : memref<10000x16xf32, #tpu.memory_space<hbm>>) target(%dma_start3A_36 : memref<80x16xf32, #tpu.memory_space<vmem>>) offsets(%dma_start3A_37 : memref<80xi32, #tpu.memory_space<vmem>>) semaphore(%arg7 : memref<!tpu.dma_semaphore, #tpu.memory_space<semaphore_mem>>)
      %mul3A_41 = arith.constant 2000 : i32
      %mul3A_42 = arith.muli %scan3A_8, %mul3A_41 : i32
      %add3A_43 = arith.constant 240 : i32
      %add3A_44 = arith.addi %mul3A_42, %add3A_43 : i32
      %dma_start3A_45 = arith.constant 240 : i32
      %dma_start3A_46 = arith.constant 0 : i32
      %dma_start3A_47 = tpu.memref_slice %arg6[%dma_start3A_45, %dma_start3A_46] : memref<2000x16xf32, #tpu.memory_space<vmem>> -> memref<80x16xf32, #tpu.memory_space<vmem>>
      %dma_start3A_48 = tpu.memref_slice %arg5[%add3A_44] : memref<10000xi32, #tpu.memory_space<vmem>> -> memref<80xi32, #tpu.memory_space<vmem>>
      %dma_start3A_49 = arith.constant 0 : i32
      %dma_start3A_50 = arith.constant 0 : i32
      %dma_start3A_51 = tpu.memref_slice %arg2[%dma_start3A_49, %dma_start3A_50] : memref<10000x16xf32, #tpu.memory_space<hbm>> -> memref<10000x16xf32, #tpu.memory_space<hbm>>
      tpu.enqueue_indirect_dma source(%dma_start3A_51 : memref<10000x16xf32, #tpu.memory_space<hbm>>) target(%dma_start3A_47 : memref<80x16xf32, #tpu.memory_space<vmem>>) offsets(%dma_start3A_48 : memref<80xi32, #tpu.memory_space<vmem>>) semaphore(%arg7 : memref<!tpu.dma_semaphore, #tpu.memory_space<semaphore_mem>>)
      %mul3A_52 = arith.constant 2000 : i32
      %mul3A_53 = arith.muli %scan3A_8, %mul3A_52 : i32
      %add3A_54 = arith.constant 320 : i32
      %add3A_55 = arith.addi %mul3A_53, %add3A_54 : i32
      %dma_start3A_56 = arith.constant 320 : i32
      %dma_start3A_57 = arith.constant 0 : i32
      %dma_start3A_58 = tpu.memref_slice %arg6[%dma_start3A_56, %dma_start3A_57] : memref<2000x16xf32, #tpu.memory_space<vmem>> -> memref<80x16xf32, #tpu.memory_space<vmem>>
      %dma_start3A_59 = tpu.memref_slice %arg5[%add3A_55] : memref<10000xi32, #tpu.memory_space<vmem>> -> memref<80xi32, #tpu.memory_space<vmem>>
      %dma_start3A_60 = arith.constant 0 : i32
      %dma_start3A_61 = arith.constant 0 : i32
      %dma_start3A_62 = tpu.memref_slice %arg2[%dma_start3A_60, %dma_start3A_61] : memref<10000x16xf32, #tpu.memory_space<hbm>> -> memref<10000x16xf32, #tpu.memory_space<hbm>>
      tpu.enqueue_indirect_dma source(%dma_start3A_62 : memref<10000x16xf32, #tpu.memory_space<hbm>>) target(%dma_start3A_58 : memref<80x16xf32, #tpu.memory_space<vmem>>) offsets(%dma_start3A_59 : memref<80xi32, #tpu.memory_space<vmem>>) semaphore(%arg7 : memref<!tpu.dma_semaphore, #tpu.memory_space<semaphore_mem>>)
      %mul3A_63 = arith.constant 2000 : i32
      %mul3A_64 = arith.muli %scan3A_8, %mul3A_63 : i32
      %add3A_65 = arith.constant 400 : i32
      %add3A_66 = arith.addi %mul3A_64, %add3A_65 : i32
      %dma_start3A_67 = arith.constant 400 : i32
      %dma_start3A_68 = arith.constant 0 : i32
      %dma_start3A_69 = tpu.memref_slice %arg6[%dma_start3A_67, %dma_start3A_68] : memref<2000x16xf32, #tpu.memory_space<vmem>> -> memref<80x16xf32, #tpu.memory_space<vmem>>
      %dma_start3A_70 = tpu.memref_slice %arg5[%add3A_66] : memref<10000xi32, #tpu.memory_space<vmem>> -> memref<80xi32, #tpu.memory_space<vmem>>
      %dma_start3A_71 = arith.constant 0 : i32
      %dma_start3A_72 = arith.constant 0 : i32
      %dma_start3A_73 = tpu.memref_slice %arg2[%dma_start3A_71, %dma_start3A_72] : memref<10000x16xf32, #tpu.memory_space<hbm>> -> memref<10000x16xf32, #tpu.memory_space<hbm>>
      tpu.enqueue_indirect_dma source(%dma_start3A_73 : memref<10000x16xf32, #tpu.memory_space<hbm>>) target(%dma_start3A_69 : memref<80x16xf32, #tpu.memory_space<vmem>>) offsets(%dma_start3A_70 : memref<80xi32, #tpu.memory_space<vmem>>) semaphore(%arg7 : memref<!tpu.dma_semaphore, #tpu.memory_space<semaphore_mem>>)
      %mul3A_74 = arith.constant 2000 : i32
      %mul3A_75 = arith.muli %scan3A_8, %mul3A_74 : i32
      %add3A_76 = arith.constant 480 : i32
      %add3A_77 = arith.addi %mul3A_75, %add3A_76 : i32
      %dma_start3A_78 = arith.constant 480 : i32
      %dma_start3A_79 = arith.constant 0 : i32
      %dma_start3A_80 = tpu.memref_slice %arg6[%dma_start3A_78, %dma_start3A_79] : memref<2000x16xf32, #tpu.memory_space<vmem>> -> memref<80x16xf32, #tpu.memory_space<vmem>>
      %dma_start3A_81 = tpu.memref_slice %arg5[%add3A_77] : memref<10000xi32, #tpu.memory_space<vmem>> -> memref<80xi32, #tpu.memory_space<vmem>>
      %dma_start3A_82 = arith.constant 0 : i32
      %dma_start3A_83 = arith.constant 0 : i32
      %dma_start3A_84 = tpu.memref_slice %arg2[%dma_start3A_82, %dma_start3A_83] : memref<10000x16xf32, #tpu.memory_space<hbm>> -> memref<10000x16xf32, #tpu.memory_space<hbm>>
      tpu.enqueue_indirect_dma source(%dma_start3A_84 : memref<10000x16xf32, #tpu.memory_space<hbm>>) target(%dma_start3A_80 : memref<80x16xf32, #tpu.memory_space<vmem>>) offsets(%dma_start3A_81 : memref<80xi32, #tpu.memory_space<vmem>>) semaphore(%arg7 : memref<!tpu.dma_semaphore, #tpu.memory_space<semaphore_mem>>)
      %mul3A_85 = arith.constant 2000 : i32
      %mul3A_86 = arith.muli %scan3A_8, %mul3A_85 : i32
      %add3A_87 = arith.constant 560 : i32
      %add3A_88 = arith.addi %mul3A_86, %add3A_87 : i32
      %dma_start3A_89 = arith.constant 560 : i32
      %dma_start3A_90 = arith.constant 0 : i32
      %dma_start3A_91 = tpu.memref_slice %arg6[%dma_start3A_89, %dma_start3A_90] : memref<2000x16xf32, #tpu.memory_space<vmem>> -> memref<80x16xf32, #tpu.memory_space<vmem>>
      %dma_start3A_92 = tpu.memref_slice %arg5[%add3A_88] : memref<10000xi32, #tpu.memory_space<vmem>> -> memref<80xi32, #tpu.memory_space<vmem>>
      %dma_start3A_93 = arith.constant 0 : i32
      %dma_start3A_94 = arith.constant 0 : i32
      %dma_start3A_95 = tpu.memref_slice %arg2[%dma_start3A_93, %dma_start3A_94] : memref<10000x16xf32, #tpu.memory_space<hbm>> -> memref<10000x16xf32, #tpu.memory_space<hbm>>
      tpu.enqueue_indirect_dma source(%dma_start3A_95 : memref<10000x16xf32, #tpu.memory_space<hbm>>) target(%dma_start3A_91 : memref<80x16xf32, #tpu.memory_space<vmem>>) offsets(%dma_start3A_92 : memref<80xi32, #tpu.memory_space<vmem>>) semaphore(%arg7 : memref<!tpu.dma_semaphore, #tpu.memory_space<semaphore_mem>>)
      %mul3A_96 = arith.constant 2000 : i32
      %mul3A_97 = arith.muli %scan3A_8, %mul3A_96 : i32
      %add3A_98 = arith.constant 640 : i32
      %add3A_99 = arith.addi %mul3A_97, %add3A_98 : i32
      %dma_start3A_100 = arith.constant 640 : i32
      %dma_start3A_101 = arith.constant 0 : i32
      %dma_start3A_102 = tpu.memref_slice %arg6[%dma_start3A_100, %dma_start3A_101] : memref<2000x16xf32, #tpu.memory_space<vmem>> -> memref<80x16xf32, #tpu.memory_space<vmem>>
      %dma_start3A_103 = tpu.memref_slice %arg5[%add3A_99] : memref<10000xi32, #tpu.memory_space<vmem>> -> memref<80xi32, #tpu.memory_space<vmem>>
      %dma_start3A_104 = arith.constant 0 : i32
      %dma_start3A_105 = arith.constant 0 : i32
      %dma_start3A_106 = tpu.memref_slice %arg2[%dma_start3A_104, %dma_start3A_105] : memref<10000x16xf32, #tpu.memory_space<hbm>> -> memref<10000x16xf32, #tpu.memory_space<hbm>>
      tpu.enqueue_indirect_dma source(%dma_start3A_106 : memref<10000x16xf32, #tpu.memory_space<hbm>>) target(%dma_start3A_102 : memref<80x16xf32, #tpu.memory_space<vmem>>) offsets(%dma_start3A_103 : memref<80xi32, #tpu.memory_space<vmem>>) semaphore(%arg7 : memref<!tpu.dma_semaphore, #tpu.memory_space<semaphore_mem>>)
      %mul3A_107 = arith.constant 2000 : i32
      %mul3A_108 = arith.muli %scan3A_8, %mul3A_107 : i32
      %add3A_109 = arith.constant 720 : i32
      %add3A_110 = arith.addi %mul3A_108, %add3A_109 : i32
      %dma_start3A_111 = arith.constant 720 : i32
      %dma_start3A_112 = arith.constant 0 : i32
      %dma_start3A_113 = tpu.memref_slice %arg6[%dma_start3A_111, %dma_start3A_112] : memref<2000x16xf32, #tpu.memory_space<vmem>> -> memref<80x16xf32, #tpu.memory_space<vmem>>
      %dma_start3A_114 = tpu.memref_slice %arg5[%add3A_110] : memref<10000xi32, #tpu.memory_space<vmem>> -> memref<80xi32, #tpu.memory_space<vmem>>
      %dma_start3A_115 = arith.constant 0 : i32
      %dma_start3A_116 = arith.constant 0 : i32
      %dma_start3A_117 = tpu.memref_slice %arg2[%dma_start3A_115, %dma_start3A_116] : memref<10000x16xf32, #tpu.memory_space<hbm>> -> memref<10000x16xf32, #tpu.memory_space<hbm>>
      tpu.enqueue_indirect_dma source(%dma_start3A_117 : memref<10000x16xf32, #tpu.memory_space<hbm>>) target(%dma_start3A_113 : memref<80x16xf32, #tpu.memory_space<vmem>>) offsets(%dma_start3A_114 : memref<80xi32, #tpu.memory_space<vmem>>) semaphore(%arg7 : memref<!tpu.dma_semaphore, #tpu.memory_space<semaphore_mem>>)
      %mul3A_118 = arith.constant 2000 : i32
      %mul3A_119 = arith.muli %scan3A_8, %mul3A_118 : i32
      %add3A_120 = arith.constant 800 : i32
      %add3A_121 = arith.addi %mul3A_119, %add3A_120 : i32
      %dma_start3A_122 = arith.constant 800 : i32
      %dma_start3A_123 = arith.constant 0 : i32
      %dma_start3A_124 = tpu.memref_slice %arg6[%dma_start3A_122, %dma_start3A_123] : memref<2000x16xf32, #tpu.memory_space<vmem>> -> memref<80x16xf32, #tpu.memory_space<vmem>>
      %dma_start3A_125 = tpu.memref_slice %arg5[%add3A_121] : memref<10000xi32, #tpu.memory_space<vmem>> -> memref<80xi32, #tpu.memory_space<vmem>>
      %dma_start3A_126 = arith.constant 0 : i32
      %dma_start3A_127 = arith.constant 0 : i32
      %dma_start3A_128 = tpu.memref_slice %arg2[%dma_start3A_126, %dma_start3A_127] : memref<10000x16xf32, #tpu.memory_space<hbm>> -> memref<10000x16xf32, #tpu.memory_space<hbm>>
      tpu.enqueue_indirect_dma source(%dma_start3A_128 : memref<10000x16xf32, #tpu.memory_space<hbm>>) target(%dma_start3A_124 : memref<80x16xf32, #tpu.memory_space<vmem>>) offsets(%dma_start3A_125 : memref<80xi32, #tpu.memory_space<vmem>>) semaphore(%arg7 : memref<!tpu.dma_semaphore, #tpu.memory_space<semaphore_mem>>)
      %mul3A_129 = arith.constant 2000 : i32
      %mul3A_130 = arith.muli %scan3A_8, %mul3A_129 : i32
      %add3A_131 = arith.constant 880 : i32
      %add3A_132 = arith.addi %mul3A_130, %add3A_131 : i32
      %dma_start3A_133 = arith.constant 880 : i32
      %dma_start3A_134 = arith.constant 0 : i32
      %dma_start3A_135 = tpu.memref_slice %arg6[%dma_start3A_133, %dma_start3A_134] : memref<2000x16xf32, #tpu.memory_space<vmem>> -> memref<80x16xf32, #tpu.memory_space<vmem>>
      %dma_start3A_136 = tpu.memref_slice %arg5[%add3A_132] : memref<10000xi32, #tpu.memory_space<vmem>> -> memref<80xi32, #tpu.memory_space<vmem>>
      %dma_start3A_137 = arith.constant 0 : i32
      %dma_start3A_138 = arith.constant 0 : i32
      %dma_start3A_139 = tpu.memref_slice %arg2[%dma_start3A_137, %dma_start3A_138] : memref<10000x16xf32, #tpu.memory_space<hbm>> -> memref<10000x16xf32, #tpu.memory_space<hbm>>
      tpu.enqueue_indirect_dma source(%dma_start3A_139 : memref<10000x16xf32, #tpu.memory_space<hbm>>) target(%dma_start3A_135 : memref<80x16xf32, #tpu.memory_space<vmem>>) offsets(%dma_start3A_136 : memref<80xi32, #tpu.memory_space<vmem>>) semaphore(%arg7 : memref<!tpu.dma_semaphore, #tpu.memory_space<semaphore_mem>>)
      %mul3A_140 = arith.constant 2000 : i32
      %mul3A_141 = arith.muli %scan3A_8, %mul3A_140 : i32
      %add3A_142 = arith.constant 960 : i32
      %add3A_143 = arith.addi %mul3A_141, %add3A_142 : i32
      %dma_start3A_144 = arith.constant 960 : i32
      %dma_start3A_145 = arith.constant 0 : i32
      %dma_start3A_146 = tpu.memref_slice %arg6[%dma_start3A_144, %dma_start3A_145] : memref<2000x16xf32, #tpu.memory_space<vmem>> -> memref<80x16xf32, #tpu.memory_space<vmem>>
      %dma_start3A_147 = tpu.memref_slice %arg5[%add3A_143] : memref<10000xi32, #tpu.memory_space<vmem>> -> memref<80xi32, #tpu.memory_space<vmem>>
      %dma_start3A_148 = arith.constant 0 : i32
      %dma_start3A_149 = arith.constant 0 : i32
      %dma_start3A_150 = tpu.memref_slice %arg2[%dma_start3A_148, %dma_start3A_149] : memref<10000x16xf32, #tpu.memory_space<hbm>> -> memref<10000x16xf32, #tpu.memory_space<hbm>>
      tpu.enqueue_indirect_dma source(%dma_start3A_150 : memref<10000x16xf32, #tpu.memory_space<hbm>>) target(%dma_start3A_146 : memref<80x16xf32, #tpu.memory_space<vmem>>) offsets(%dma_start3A_147 : memref<80xi32, #tpu.memory_space<vmem>>) semaphore(%arg7 : memref<!tpu.dma_semaphore, #tpu.memory_space<semaphore_mem>>)
      %mul3A_151 = arith.constant 2000 : i32
      %mul3A_152 = arith.muli %scan3A_8, %mul3A_151 : i32
      %add3A_153 = arith.constant 1040 : i32
      %add3A_154 = arith.addi %mul3A_152, %add3A_153 : i32
      %dma_start3A_155 = arith.constant 1040 : i32
      %dma_start3A_156 = arith.constant 0 : i32
      %dma_start3A_157 = tpu.memref_slice %arg6[%dma_start3A_155, %dma_start3A_156] : memref<2000x16xf32, #tpu.memory_space<vmem>> -> memref<80x16xf32, #tpu.memory_space<vmem>>
      %dma_start3A_158 = tpu.memref_slice %arg5[%add3A_154] : memref<10000xi32, #tpu.memory_space<vmem>> -> memref<80xi32, #tpu.memory_space<vmem>>
      %dma_start3A_159 = arith.constant 0 : i32
      %dma_start3A_160 = arith.constant 0 : i32
      %dma_start3A_161 = tpu.memref_slice %arg2[%dma_start3A_159, %dma_start3A_160] : memref<10000x16xf32, #tpu.memory_space<hbm>> -> memref<10000x16xf32, #tpu.memory_space<hbm>>
      tpu.enqueue_indirect_dma source(%dma_start3A_161 : memref<10000x16xf32, #tpu.memory_space<hbm>>) target(%dma_start3A_157 : memref<80x16xf32, #tpu.memory_space<vmem>>) offsets(%dma_start3A_158 : memref<80xi32, #tpu.memory_space<vmem>>) semaphore(%arg7 : memref<!tpu.dma_semaphore, #tpu.memory_space<semaphore_mem>>)
      %mul3A_162 = arith.constant 2000 : i32
      %mul3A_163 = arith.muli %scan3A_8, %mul3A_162 : i32
      %add3A_164 = arith.constant 1120 : i32
      %add3A_165 = arith.addi %mul3A_163, %add3A_164 : i32
      %dma_start3A_166 = arith.constant 1120 : i32
      %dma_start3A_167 = arith.constant 0 : i32
      %dma_start3A_168 = tpu.memref_slice %arg6[%dma_start3A_166, %dma_start3A_167] : memref<2000x16xf32, #tpu.memory_space<vmem>> -> memref<80x16xf32, #tpu.memory_space<vmem>>
      %dma_start3A_169 = tpu.memref_slice %arg5[%add3A_165] : memref<10000xi32, #tpu.memory_space<vmem>> -> memref<80xi32, #tpu.memory_space<vmem>>
      %dma_start3A_170 = arith.constant 0 : i32
      %dma_start3A_171 = arith.constant 0 : i32
      %dma_start3A_172 = tpu.memref_slice %arg2[%dma_start3A_170, %dma_start3A_171] : memref<10000x16xf32, #tpu.memory_space<hbm>> -> memref<10000x16xf32, #tpu.memory_space<hbm>>
      tpu.enqueue_indirect_dma source(%dma_start3A_172 : memref<10000x16xf32, #tpu.memory_space<hbm>>) target(%dma_start3A_168 : memref<80x16xf32, #tpu.memory_space<vmem>>) offsets(%dma_start3A_169 : memref<80xi32, #tpu.memory_space<vmem>>) semaphore(%arg7 : memref<!tpu.dma_semaphore, #tpu.memory_space<semaphore_mem>>)
      %mul3A_173 = arith.constant 2000 : i32
      %mul3A_174 = arith.muli %scan3A_8, %mul3A_173 : i32
      %add3A_175 = arith.constant 1200 : i32
      %add3A_176 = arith.addi %mul3A_174, %add3A_175 : i32
      %dma_start3A_177 = arith.constant 1200 : i32
      %dma_start3A_178 = arith.constant 0 : i32
      %dma_start3A_179 = tpu.memref_slice %arg6[%dma_start3A_177, %dma_start3A_178] : memref<2000x16xf32, #tpu.memory_space<vmem>> -> memref<80x16xf32, #tpu.memory_space<vmem>>
      %dma_start3A_180 = tpu.memref_slice %arg5[%add3A_176] : memref<10000xi32, #tpu.memory_space<vmem>> -> memref<80xi32, #tpu.memory_space<vmem>>
      %dma_start3A_181 = arith.constant 0 : i32
      %dma_start3A_182 = arith.constant 0 : i32
      %dma_start3A_183 = tpu.memref_slice %arg2[%dma_start3A_181, %dma_start3A_182] : memref<10000x16xf32, #tpu.memory_space<hbm>> -> memref<10000x16xf32, #tpu.memory_space<hbm>>
      tpu.enqueue_indirect_dma source(%dma_start3A_183 : memref<10000x16xf32, #tpu.memory_space<hbm>>) target(%dma_start3A_179 : memref<80x16xf32, #tpu.memory_space<vmem>>) offsets(%dma_start3A_180 : memref<80xi32, #tpu.memory_space<vmem>>) semaphore(%arg7 : memref<!tpu.dma_semaphore, #tpu.memory_space<semaphore_mem>>)
      %mul3A_184 = arith.constant 2000 : i32
      %mul3A_185 = arith.muli %scan3A_8, %mul3A_184 : i32
      %add3A_186 = arith.constant 1280 : i32
      %add3A_187 = arith.addi %mul3A_185, %add3A_186 : i32
      %dma_start3A_188 = arith.constant 1280 : i32
      %dma_start3A_189 = arith.constant 0 : i32
      %dma_start3A_190 = tpu.memref_slice %arg6[%dma_start3A_188, %dma_start3A_189] : memref<2000x16xf32, #tpu.memory_space<vmem>> -> memref<80x16xf32, #tpu.memory_space<vmem>>
      %dma_start3A_191 = tpu.memref_slice %arg5[%add3A_187] : memref<10000xi32, #tpu.memory_space<vmem>> -> memref<80xi32, #tpu.memory_space<vmem>>
      %dma_start3A_192 = arith.constant 0 : i32
      %dma_start3A_193 = arith.constant 0 : i32
      %dma_start3A_194 = tpu.memref_slice %arg2[%dma_start3A_192, %dma_start3A_193] : memref<10000x16xf32, #tpu.memory_space<hbm>> -> memref<10000x16xf32, #tpu.memory_space<hbm>>
      tpu.enqueue_indirect_dma source(%dma_start3A_194 : memref<10000x16xf32, #tpu.memory_space<hbm>>) target(%dma_start3A_190 : memref<80x16xf32, #tpu.memory_space<vmem>>) offsets(%dma_start3A_191 : memref<80xi32, #tpu.memory_space<vmem>>) semaphore(%arg7 : memref<!tpu.dma_semaphore, #tpu.memory_space<semaphore_mem>>)
      %mul3A_195 = arith.constant 2000 : i32
      %mul3A_196 = arith.muli %scan3A_8, %mul3A_195 : i32
      %add3A_197 = arith.constant 1360 : i32
      %add3A_198 = arith.addi %mul3A_196, %add3A_197 : i32
      %dma_start3A_199 = arith.constant 1360 : i32
      %dma_start3A_200 = arith.constant 0 : i32
      %dma_start3A_201 = tpu.memref_slice %arg6[%dma_start3A_199, %dma_start3A_200] : memref<2000x16xf32, #tpu.memory_space<vmem>> -> memref<80x16xf32, #tpu.memory_space<vmem>>
      %dma_start3A_202 = tpu.memref_slice %arg5[%add3A_198] : memref<10000xi32, #tpu.memory_space<vmem>> -> memref<80xi32, #tpu.memory_space<vmem>>
      %dma_start3A_203 = arith.constant 0 : i32
      %dma_start3A_204 = arith.constant 0 : i32
      %dma_start3A_205 = tpu.memref_slice %arg2[%dma_start3A_203, %dma_start3A_204] : memref<10000x16xf32, #tpu.memory_space<hbm>> -> memref<10000x16xf32, #tpu.memory_space<hbm>>
      tpu.enqueue_indirect_dma source(%dma_start3A_205 : memref<10000x16xf32, #tpu.memory_space<hbm>>) target(%dma_start3A_201 : memref<80x16xf32, #tpu.memory_space<vmem>>) offsets(%dma_start3A_202 : memref<80xi32, #tpu.memory_space<vmem>>) semaphore(%arg7 : memref<!tpu.dma_semaphore, #tpu.memory_space<semaphore_mem>>)
      %mul3A_206 = arith.constant 2000 : i32
      %mul3A_207 = arith.muli %scan3A_8, %mul3A_206 : i32
      %add3A_208 = arith.constant 1440 : i32
      %add3A_209 = arith.addi %mul3A_207, %add3A_208 : i32
      %dma_start3A_210 = arith.constant 1440 : i32
      %dma_start3A_211 = arith.constant 0 : i32
      %dma_start3A_212 = tpu.memref_slice %arg6[%dma_start3A_210, %dma_start3A_211] : memref<2000x16xf32, #tpu.memory_space<vmem>> -> memref<80x16xf32, #tpu.memory_space<vmem>>
      %dma_start3A_213 = tpu.memref_slice %arg5[%add3A_209] : memref<10000xi32, #tpu.memory_space<vmem>> -> memref<80xi32, #tpu.memory_space<vmem>>
      %dma_start3A_214 = arith.constant 0 : i32
      %dma_start3A_215 = arith.constant 0 : i32
      %dma_start3A_216 = tpu.memref_slice %arg2[%dma_start3A_214, %dma_start3A_215] : memref<10000x16xf32, #tpu.memory_space<hbm>> -> memref<10000x16xf32, #tpu.memory_space<hbm>>
      tpu.enqueue_indirect_dma source(%dma_start3A_216 : memref<10000x16xf32, #tpu.memory_space<hbm>>) target(%dma_start3A_212 : memref<80x16xf32, #tpu.memory_space<vmem>>) offsets(%dma_start3A_213 : memref<80xi32, #tpu.memory_space<vmem>>) semaphore(%arg7 : memref<!tpu.dma_semaphore, #tpu.memory_space<semaphore_mem>>)
      %mul3A_217 = arith.constant 2000 : i32
      %mul3A_218 = arith.muli %scan3A_8, %mul3A_217 : i32
      %add3A_219 = arith.constant 1520 : i32
      %add3A_220 = arith.addi %mul3A_218, %add3A_219 : i32
      %dma_start3A_221 = arith.constant 1520 : i32
      %dma_start3A_222 = arith.constant 0 : i32
      %dma_start3A_223 = tpu.memref_slice %arg6[%dma_start3A_221, %dma_start3A_222] : memref<2000x16xf32, #tpu.memory_space<vmem>> -> memref<80x16xf32, #tpu.memory_space<vmem>>
      %dma_start3A_224 = tpu.memref_slice %arg5[%add3A_220] : memref<10000xi32, #tpu.memory_space<vmem>> -> memref<80xi32, #tpu.memory_space<vmem>>
      %dma_start3A_225 = arith.constant 0 : i32
      %dma_start3A_226 = arith.constant 0 : i32
      %dma_start3A_227 = tpu.memref_slice %arg2[%dma_start3A_225, %dma_start3A_226] : memref<10000x16xf32, #tpu.memory_space<hbm>> -> memref<10000x16xf32, #tpu.memory_space<hbm>>
      tpu.enqueue_indirect_dma source(%dma_start3A_227 : memref<10000x16xf32, #tpu.memory_space<hbm>>) target(%dma_start3A_223 : memref<80x16xf32, #tpu.memory_space<vmem>>) offsets(%dma_start3A_224 : memref<80xi32, #tpu.memory_space<vmem>>) semaphore(%arg7 : memref<!tpu.dma_semaphore, #tpu.memory_space<semaphore_mem>>)
      %mul3A_228 = arith.constant 2000 : i32
      %mul3A_229 = arith.muli %scan3A_8, %mul3A_228 : i32
      %add3A_230 = arith.constant 1600 : i32
      %add3A_231 = arith.addi %mul3A_229, %add3A_230 : i32
      %dma_start3A_232 = arith.constant 1600 : i32
      %dma_start3A_233 = arith.constant 0 : i32
      %dma_start3A_234 = tpu.memref_slice %arg6[%dma_start3A_232, %dma_start3A_233] : memref<2000x16xf32, #tpu.memory_space<vmem>> -> memref<80x16xf32, #tpu.memory_space<vmem>>
      %dma_start3A_235 = tpu.memref_slice %arg5[%add3A_231] : memref<10000xi32, #tpu.memory_space<vmem>> -> memref<80xi32, #tpu.memory_space<vmem>>
      %dma_start3A_236 = arith.constant 0 : i32
      %dma_start3A_237 = arith.constant 0 : i32
      %dma_start3A_238 = tpu.memref_slice %arg2[%dma_start3A_236, %dma_start3A_237] : memref<10000x16xf32, #tpu.memory_space<hbm>> -> memref<10000x16xf32, #tpu.memory_space<hbm>>
      tpu.enqueue_indirect_dma source(%dma_start3A_238 : memref<10000x16xf32, #tpu.memory_space<hbm>>) target(%dma_start3A_234 : memref<80x16xf32, #tpu.memory_space<vmem>>) offsets(%dma_start3A_235 : memref<80xi32, #tpu.memory_space<vmem>>) semaphore(%arg7 : memref<!tpu.dma_semaphore, #tpu.memory_space<semaphore_mem>>)
      %mul3A_239 = arith.constant 2000 : i32
      %mul3A_240 = arith.muli %scan3A_8, %mul3A_239 : i32
      %add3A_241 = arith.constant 1680 : i32
      %add3A_242 = arith.addi %mul3A_240, %add3A_241 : i32
      %dma_start3A_243 = arith.constant 1680 : i32
      %dma_start3A_244 = arith.constant 0 : i32
      %dma_start3A_245 = tpu.memref_slice %arg6[%dma_start3A_243, %dma_start3A_244] : memref<2000x16xf32, #tpu.memory_space<vmem>> -> memref<80x16xf32, #tpu.memory_space<vmem>>
      %dma_start3A_246 = tpu.memref_slice %arg5[%add3A_242] : memref<10000xi32, #tpu.memory_space<vmem>> -> memref<80xi32, #tpu.memory_space<vmem>>
      %dma_start3A_247 = arith.constant 0 : i32
      %dma_start3A_248 = arith.constant 0 : i32
      %dma_start3A_249 = tpu.memref_slice %arg2[%dma_start3A_247, %dma_start3A_248] : memref<10000x16xf32, #tpu.memory_space<hbm>> -> memref<10000x16xf32, #tpu.memory_space<hbm>>
      tpu.enqueue_indirect_dma source(%dma_start3A_249 : memref<10000x16xf32, #tpu.memory_space<hbm>>) target(%dma_start3A_245 : memref<80x16xf32, #tpu.memory_space<vmem>>) offsets(%dma_start3A_246 : memref<80xi32, #tpu.memory_space<vmem>>) semaphore(%arg7 : memref<!tpu.dma_semaphore, #tpu.memory_space<semaphore_mem>>)
      %mul3A_250 = arith.constant 2000 : i32
      %mul3A_251 = arith.muli %scan3A_8, %mul3A_250 : i32
      %add3A_252 = arith.constant 1760 : i32
      %add3A_253 = arith.addi %mul3A_251, %add3A_252 : i32
      %dma_start3A_254 = arith.constant 1760 : i32
      %dma_start3A_255 = arith.constant 0 : i32
      %dma_start3A_256 = tpu.memref_slice %arg6[%dma_start3A_254, %dma_start3A_255] : memref<2000x16xf32, #tpu.memory_space<vmem>> -> memref<80x16xf32, #tpu.memory_space<vmem>>
      %dma_start3A_257 = tpu.memref_slice %arg5[%add3A_253] : memref<10000xi32, #tpu.memory_space<vmem>> -> memref<80xi32, #tpu.memory_space<vmem>>
      %dma_start3A_258 = arith.constant 0 : i32
      %dma_start3A_259 = arith.constant 0 : i32
      %dma_start3A_260 = tpu.memref_slice %arg2[%dma_start3A_258, %dma_start3A_259] : memref<10000x16xf32, #tpu.memory_space<hbm>> -> memref<10000x16xf32, #tpu.memory_space<hbm>>
      tpu.enqueue_indirect_dma source(%dma_start3A_260 : memref<10000x16xf32, #tpu.memory_space<hbm>>) target(%dma_start3A_256 : memref<80x16xf32, #tpu.memory_space<vmem>>) offsets(%dma_start3A_257 : memref<80xi32, #tpu.memory_space<vmem>>) semaphore(%arg7 : memref<!tpu.dma_semaphore, #tpu.memory_space<semaphore_mem>>)
      %mul3A_261 = arith.constant 2000 : i32
      %mul3A_262 = arith.muli %scan3A_8, %mul3A_261 : i32
      %add3A_263 = arith.constant 1840 : i32
      %add3A_264 = arith.addi %mul3A_262, %add3A_263 : i32
      %dma_start3A_265 = arith.constant 1840 : i32
      %dma_start3A_266 = arith.constant 0 : i32
      %dma_start3A_267 = tpu.memref_slice %arg6[%dma_start3A_265, %dma_start3A_266] : memref<2000x16xf32, #tpu.memory_space<vmem>> -> memref<80x16xf32, #tpu.memory_space<vmem>>
      %dma_start3A_268 = tpu.memref_slice %arg5[%add3A_264] : memref<10000xi32, #tpu.memory_space<vmem>> -> memref<80xi32, #tpu.memory_space<vmem>>
      %dma_start3A_269 = arith.constant 0 : i32
      %dma_start3A_270 = arith.constant 0 : i32
      %dma_start3A_271 = tpu.memref_slice %arg2[%dma_start3A_269, %dma_start3A_270] : memref<10000x16xf32, #tpu.memory_space<hbm>> -> memref<10000x16xf32, #tpu.memory_space<hbm>>
      tpu.enqueue_indirect_dma source(%dma_start3A_271 : memref<10000x16xf32, #tpu.memory_space<hbm>>) target(%dma_start3A_267 : memref<80x16xf32, #tpu.memory_space<vmem>>) offsets(%dma_start3A_268 : memref<80xi32, #tpu.memory_space<vmem>>) semaphore(%arg7 : memref<!tpu.dma_semaphore, #tpu.memory_space<semaphore_mem>>)
      %mul3A_272 = arith.constant 2000 : i32
      %mul3A_273 = arith.muli %scan3A_8, %mul3A_272 : i32
      %add3A_274 = arith.constant 1920 : i32
      %add3A_275 = arith.addi %mul3A_273, %add3A_274 : i32
      %dma_start3A_276 = arith.constant 1920 : i32
      %dma_start3A_277 = arith.constant 0 : i32
      %dma_start3A_278 = tpu.memref_slice %arg6[%dma_start3A_276, %dma_start3A_277] : memref<2000x16xf32, #tpu.memory_space<vmem>> -> memref<80x16xf32, #tpu.memory_space<vmem>>
      %dma_start3A_279 = tpu.memref_slice %arg5[%add3A_275] : memref<10000xi32, #tpu.memory_space<vmem>> -> memref<80xi32, #tpu.memory_space<vmem>>
      %dma_start3A_280 = arith.constant 0 : i32
      %dma_start3A_281 = arith.constant 0 : i32
      %dma_start3A_282 = tpu.memref_slice %arg2[%dma_start3A_280, %dma_start3A_281] : memref<10000x16xf32, #tpu.memory_space<hbm>> -> memref<10000x16xf32, #tpu.memory_space<hbm>>
      tpu.enqueue_indirect_dma source(%dma_start3A_282 : memref<10000x16xf32, #tpu.memory_space<hbm>>) target(%dma_start3A_278 : memref<80x16xf32, #tpu.memory_space<vmem>>) offsets(%dma_start3A_279 : memref<80xi32, #tpu.memory_space<vmem>>) semaphore(%arg7 : memref<!tpu.dma_semaphore, #tpu.memory_space<semaphore_mem>>)
      %dma_wait3A = arith.constant 0 : i32
      %dma_wait3A_283 = arith.constant 0 : i32
      %dma_wait3A_284 = tpu.memref_slice %arg2[%dma_wait3A, %dma_wait3A_283] : memref<10000x16xf32, #tpu.memory_space<hbm>> -> memref<2000x16xf32, #tpu.memory_space<hbm>>
      %dma_wait3A_285 = arith.constant 0 : i32
      %dma_wait3A_286 = arith.constant 0 : i32
      %dma_wait3A_287 = tpu.memref_slice %arg2[%dma_wait3A_285, %dma_wait3A_286] : memref<10000x16xf32, #tpu.memory_space<hbm>> -> memref<2000x16xf32, #tpu.memory_space<hbm>>
      tpu.wait_dma2 semaphore(%arg7 : memref<!tpu.dma_semaphore, #tpu.memory_space<semaphore_mem>>) src(%dma_wait3A_287 : memref<2000x16xf32, #tpu.memory_space<hbm>>) dst(%arg6 : memref<2000x16xf32, #tpu.memory_space<vmem>>)
      %mul3A_288 = arith.constant 2000 : i32
      %mul3A_289 = arith.muli %scan3A_8, %mul3A_288 : i32
      %add3A_290 = arith.addi %mul3A_2, %mul3A_289 : i32
      "tpu.region"() ({
        %run_scoped3A = tpu.sem_alloc : memref<!tpu.dma_semaphore, #tpu.memory_space<semaphore_mem>>
        %dma_start3A_291 = arith.constant 0 : i32
        %dma_start3A_292 = tpu.memref_slice %arg4[%add3A_290, %dma_start3A_291] : memref<320000x16xf32, #tpu.memory_space<hbm>> -> memref<2000x16xf32, #tpu.memory_space<hbm>>
        %dma_start3A_293 = arith.constant 0 : i32
        %dma_start3A_294 = tpu.memref_slice %arg4[%add3A_290, %dma_start3A_293] : memref<320000x16xf32, #tpu.memory_space<hbm>> -> memref<2000x16xf32, #tpu.memory_space<hbm>>
        tpu.enqueue_dma source(%arg6 : memref<2000x16xf32, #tpu.memory_space<vmem>>) target(%dma_start3A_294 : memref<2000x16xf32, #tpu.memory_space<hbm>>) target_semaphore(%run_scoped3A : memref<!tpu.dma_semaphore, #tpu.memory_space<semaphore_mem>>)
        %dma_wait3A_295 = arith.constant 0 : i32
        %dma_wait3A_296 = tpu.memref_slice %arg4[%add3A_290, %dma_wait3A_295] : memref<320000x16xf32, #tpu.memory_space<hbm>> -> memref<2000x16xf32, #tpu.memory_space<hbm>>
        %dma_wait3A_297 = arith.constant 0 : i32
        %dma_wait3A_298 = tpu.memref_slice %arg4[%add3A_290, %dma_wait3A_297] : memref<320000x16xf32, #tpu.memory_space<hbm>> -> memref<2000x16xf32, #tpu.memory_space<hbm>>
        tpu.wait_dma2 semaphore(%run_scoped3A : memref<!tpu.dma_semaphore, #tpu.memory_space<semaphore_mem>>) src(%arg6 : memref<2000x16xf32, #tpu.memory_space<vmem>>) dst(%dma_wait3A_298 : memref<2000x16xf32, #tpu.memory_space<hbm>>)
        tpu.yield
      }) : () -> ()
    }
    %scan3A_7 = arith.constant 5 : i32
    return
  }
}

module attributes {stable_mosaic.version = 14 : i64} {
  func.func @_node_pre_body(%arg0: i32, %arg1: memref<1250x1024xf32, #tpu.memory_space<vmem>>, %arg2: memref<1024x128xf32, #tpu.memory_space<vmem>>, %arg3: memref<1024x128xf32, #tpu.memory_space<vmem>>, %arg4: memref<1x128xf32, #tpu.memory_space<vmem>>, %arg5: memref<1250x128xf32, #tpu.memory_space<vmem>>, %arg6: memref<1250x128xf32, #tpu.memory_space<vmem>>) attributes {dimension_semantics = [#tpu.dimension_semantics<arbitrary>], iteration_bounds = array<i64: 1>, scalar_prefetch = 0 : i64, scratch_operands = 0 : i64, tpu.core_type = #tpu.core_type<tc>, window_params = [{transform_indices = @transform_0, window_bounds = array<i64: 1250, 1024>}, {pipeline_mode = #tpu.pipeline_mode<synchronous>, transform_indices = @transform_1, window_bounds = array<i64: 1024, 128>}, {pipeline_mode = #tpu.pipeline_mode<synchronous>, transform_indices = @transform_2, window_bounds = array<i64: 1024, 128>}, {pipeline_mode = #tpu.pipeline_mode<synchronous>, transform_indices = @transform_3, window_bounds = array<i64: 1, 128>}, {transform_indices = @transform_4, window_bounds = array<i64: 1250, 128>}, {transform_indices = @transform_5, window_bounds = array<i64: 1250, 128>}]} {
    %get3A = arith.constant 0 : index
    %get3A_0 = arith.constant 0 : index
    %get3A_1 = vector.load %arg1[%get3A, %get3A_0] : memref<1250x1024xf32, #tpu.memory_space<vmem>>, vector<1250x1024xf32>
    %get3A_2 = arith.constant 0 : index
    %get3A_3 = arith.constant 0 : index
    %get3A_4 = vector.load %arg2[%get3A_2, %get3A_3] : memref<1024x128xf32, #tpu.memory_space<vmem>>, vector<1024x128xf32>
    %dot_general3A = arith.constant dense<0.000000e+00> : vector<1250x128xf32>
    %dot_general3A_5 = tpu.matmul %get3A_1, %get3A_4, %dot_general3A {dimension_numbers = #tpu.dot_dimension_numbers<[1], [0], [0], [1], [0, 0, 1, 1], [], []>, transpose_lhs_hint = false} : vector<1250x1024xf32>, vector<1024x128xf32>, vector<1250x128xf32> -> vector<1250x128xf32>
    %swap3A = arith.constant 0 : index
    %swap3A_6 = arith.constant 0 : index
    %swap3A_7 = vector.load %arg5[%swap3A, %swap3A_6] : memref<1250x128xf32, #tpu.memory_space<vmem>>, vector<1250x128xf32>
    tpu.vector_store %arg5[%swap3A, %swap3A_6], %dot_general3A_5 {strides = array<i32>} : memref<1250x128xf32, #tpu.memory_space<vmem>>, vector<1250x128xf32>,
    %get3A_8 = arith.constant 0 : index
    %get3A_9 = arith.constant 0 : index
    %get3A_10 = vector.load %arg3[%get3A_8, %get3A_9] : memref<1024x128xf32, #tpu.memory_space<vmem>>, vector<1024x128xf32>
    %dot_general3A_11 = arith.constant dense<0.000000e+00> : vector<1250x128xf32>
    %dot_general3A_12 = tpu.matmul %get3A_1, %get3A_10, %dot_general3A_11 {dimension_numbers = #tpu.dot_dimension_numbers<[1], [0], [0], [1], [0, 0, 1, 1], [], []>, transpose_lhs_hint = false} : vector<1250x1024xf32>, vector<1024x128xf32>, vector<1250x128xf32> -> vector<1250x128xf32>
    %get3A_13 = arith.constant 0 : index
    %get3A_14 = arith.constant 0 : index
    %get3A_15 = vector.load %arg4[%get3A_13, %get3A_14] : memref<1x128xf32, #tpu.memory_space<vmem>>, vector<1x128xf32>
    %add3A = vector.broadcast %get3A_15 : vector<1x128xf32> to vector<1250x128xf32>
    %add3A_16 = arith.addf %dot_general3A_12, %add3A : vector<1250x128xf32>
    %swap3A_17 = arith.constant 0 : index
    %swap3A_18 = arith.constant 0 : index
    %swap3A_19 = vector.load %arg6[%swap3A_17, %swap3A_18] : memref<1250x128xf32, #tpu.memory_space<vmem>>, vector<1250x128xf32>
    tpu.vector_store %arg6[%swap3A_17, %swap3A_18], %add3A_16 {strides = array<i32>} : memref<1250x128xf32, #tpu.memory_space<vmem>>, vector<1250x128xf32>,
    return
  }
  func.func @transform_0(%arg0: i32) -> (i32, i32) {
    %c0_i32 = arith.constant 0 : i32
    %c0_i32_0 = arith.constant 0 : i32
    return %arg0, %c0_i32 : i32, i32
  }
  func.func @transform_1(%arg0: i32) -> (i32, i32) {
    %c0_i32 = arith.constant 0 : i32
    %c0_i32_0 = arith.constant 0 : i32
    %c0_i32_1 = arith.constant 0 : i32
    return %c0_i32, %c0_i32_0 : i32, i32
  }
  func.func @transform_2(%arg0: i32) -> (i32, i32) {
    %c0_i32 = arith.constant 0 : i32
    %c0_i32_0 = arith.constant 0 : i32
    %c0_i32_1 = arith.constant 0 : i32
    return %c0_i32, %c0_i32_0 : i32, i32
  }
  func.func @transform_3(%arg0: i32) -> (i32, i32) {
    %c0_i32 = arith.constant 0 : i32
    %c0_i32_0 = arith.constant 0 : i32
    %c0_i32_1 = arith.constant 0 : i32
    return %c0_i32, %c0_i32_0 : i32, i32
  }
  func.func @transform_4(%arg0: i32) -> (i32, i32) {
    %c0_i32 = arith.constant 0 : i32
    %c0_i32_0 = arith.constant 0 : i32
    return %arg0, %c0_i32 : i32, i32
  }
  func.func @transform_5(%arg0: i32) -> (i32, i32) {
    %c0_i32 = arith.constant 0 : i32
    %c0_i32_0 = arith.constant 0 : i32
    return %arg0, %c0_i32 : i32, i32
  }
}

module attributes {stable_mosaic.version = 14 : i64} {
  func.func @_mid_body(%arg0: i32, %arg1: memref<2000x128xf32, #tpu.memory_space<vmem>>, %arg2: memref<2000x128xf32, #tpu.memory_space<vmem>>, %arg3: memref<128x128xf32, #tpu.memory_space<vmem>>, %arg4: memref<1x128xf32, #tpu.memory_space<vmem>>, %arg5: memref<128x128xf32, #tpu.memory_space<vmem>>, %arg6: memref<1x128xf32, #tpu.memory_space<vmem>>, %arg7: memref<2000x128xf32, #tpu.memory_space<vmem>>) attributes {dimension_semantics = [#tpu.dimension_semantics<arbitrary>], iteration_bounds = array<i64: 20>, scalar_prefetch = 0 : i64, scratch_operands = 0 : i64, tpu.core_type = #tpu.core_type<tc>, window_params = [{transform_indices = @transform_0, window_bounds = array<i64: 2000, 128>}, {transform_indices = @transform_1, window_bounds = array<i64: 2000, 128>}, {pipeline_mode = #tpu.pipeline_mode<synchronous>, transform_indices = @transform_2, window_bounds = array<i64: 128, 128>}, {pipeline_mode = #tpu.pipeline_mode<synchronous>, transform_indices = @transform_3, window_bounds = array<i64: 1, 128>}, {pipeline_mode = #tpu.pipeline_mode<synchronous>, transform_indices = @transform_4, window_bounds = array<i64: 128, 128>}, {pipeline_mode = #tpu.pipeline_mode<synchronous>, transform_indices = @transform_5, window_bounds = array<i64: 1, 128>}, {transform_indices = @transform_6, window_bounds = array<i64: 2000, 128>}]} {
    %get3A = arith.constant 0 : index
    %get3A_0 = arith.constant 0 : index
    %get3A_1 = vector.load %arg1[%get3A, %get3A_0] : memref<2000x128xf32, #tpu.memory_space<vmem>>, vector<2000x128xf32>
    %get3A_2 = arith.constant 0 : index
    %get3A_3 = arith.constant 0 : index
    %get3A_4 = vector.load %arg3[%get3A_2, %get3A_3] : memref<128x128xf32, #tpu.memory_space<vmem>>, vector<128x128xf32>
    %dot_general3A = arith.constant dense<0.000000e+00> : vector<2000x128xf32>
    %dot_general3A_5 = tpu.matmul %get3A_1, %get3A_4, %dot_general3A {dimension_numbers = #tpu.dot_dimension_numbers<[1], [0], [0], [1], [0, 0, 1, 1], [], []>, transpose_lhs_hint = false} : vector<2000x128xf32>, vector<128x128xf32>, vector<2000x128xf32> -> vector<2000x128xf32>
    %get3A_6 = arith.constant 0 : index
    %get3A_7 = arith.constant 0 : index
    %get3A_8 = vector.load %arg4[%get3A_6, %get3A_7] : memref<1x128xf32, #tpu.memory_space<vmem>>, vector<1x128xf32>
    %add3A = vector.broadcast %get3A_8 : vector<1x128xf32> to vector<2000x128xf32>
    %add3A_9 = arith.addf %dot_general3A_5, %add3A : vector<2000x128xf32>
    %get3A_10 = arith.constant 0 : index
    %get3A_11 = arith.constant 0 : index
    %get3A_12 = vector.load %arg2[%get3A_10, %get3A_11] : memref<2000x128xf32, #tpu.memory_space<vmem>>, vector<2000x128xf32>
    %add3A_13 = arith.addf %add3A_9, %get3A_12 : vector<2000x128xf32>
    %max3A = arith.constant 0.000000e+00 : f32
    %max3A_14 = vector.broadcast %max3A : f32 to vector<2000x128xf32>
    %max3A_15 = arith.maximumf %add3A_13, %max3A_14 : vector<2000x128xf32>
    %get3A_16 = arith.constant 0 : index
    %get3A_17 = arith.constant 0 : index
    %get3A_18 = vector.load %arg5[%get3A_16, %get3A_17] : memref<128x128xf32, #tpu.memory_space<vmem>>, vector<128x128xf32>
    %dot_general3A_19 = arith.constant dense<0.000000e+00> : vector<2000x128xf32>
    %dot_general3A_20 = tpu.matmul %max3A_15, %get3A_18, %dot_general3A_19 {dimension_numbers = #tpu.dot_dimension_numbers<[1], [0], [0], [1], [0, 0, 1, 1], [], []>, transpose_lhs_hint = false} : vector<2000x128xf32>, vector<128x128xf32>, vector<2000x128xf32> -> vector<2000x128xf32>
    %get3A_21 = arith.constant 0 : index
    %get3A_22 = arith.constant 0 : index
    %get3A_23 = vector.load %arg6[%get3A_21, %get3A_22] : memref<1x128xf32, #tpu.memory_space<vmem>>, vector<1x128xf32>
    %add3A_24 = vector.broadcast %get3A_23 : vector<1x128xf32> to vector<2000x128xf32>
    %add3A_25 = arith.addf %dot_general3A_20, %add3A_24 : vector<2000x128xf32>
    %swap3A = arith.constant 0 : index
    %swap3A_26 = arith.constant 0 : index
    %swap3A_27 = vector.load %arg7[%swap3A, %swap3A_26] : memref<2000x128xf32, #tpu.memory_space<vmem>>, vector<2000x128xf32>
    tpu.vector_store %arg7[%swap3A, %swap3A_26], %add3A_25 {strides = array<i32>} : memref<2000x128xf32, #tpu.memory_space<vmem>>, vector<2000x128xf32>,
    return
  }
  func.func @transform_0(%arg0: i32) -> (i32, i32) {
    %c0_i32 = arith.constant 0 : i32
    %c0_i32_0 = arith.constant 0 : i32
    return %arg0, %c0_i32 : i32, i32
  }
  func.func @transform_1(%arg0: i32) -> (i32, i32) {
    %add3A = arith.constant 0 : i32
    %add3A_0 = arith.addi %arg0, %add3A : i32
    %c0_i32 = arith.constant 0 : i32
    %c0_i32_1 = arith.constant 0 : i32
    return %add3A_0, %c0_i32 : i32, i32
  }
  func.func @transform_2(%arg0: i32) -> (i32, i32) {
    %c0_i32 = arith.constant 0 : i32
    %c0_i32_0 = arith.constant 0 : i32
    %c0_i32_1 = arith.constant 0 : i32
    return %c0_i32, %c0_i32_0 : i32, i32
  }
  func.func @transform_3(%arg0: i32) -> (i32, i32) {
    %c0_i32 = arith.constant 0 : i32
    %c0_i32_0 = arith.constant 0 : i32
    %c0_i32_1 = arith.constant 0 : i32
    return %c0_i32, %c0_i32_0 : i32, i32
  }
  func.func @transform_4(%arg0: i32) -> (i32, i32) {
    %c0_i32 = arith.constant 0 : i32
    %c0_i32_0 = arith.constant 0 : i32
    %c0_i32_1 = arith.constant 0 : i32
    return %c0_i32, %c0_i32_0 : i32, i32
  }
  func.func @transform_5(%arg0: i32) -> (i32, i32) {
    %c0_i32 = arith.constant 0 : i32
    %c0_i32_0 = arith.constant 0 : i32
    %c0_i32_1 = arith.constant 0 : i32
    return %c0_i32, %c0_i32_0 : i32, i32
  }
  func.func @transform_6(%arg0: i32) -> (i32, i32) {
    %c0_i32 = arith.constant 0 : i32
    %c0_i32_0 = arith.constant 0 : i32
    return %arg0, %c0_i32 : i32, i32
  }
}

module attributes {stable_mosaic.version = 14 : i64} {
  func.func @_post_body(%arg0: i32, %arg1: memref<16x1250x128xf32, #tpu.memory_space<vmem>>, %arg2: memref<1250x128xf32, #tpu.memory_space<vmem>>, %arg3: memref<128x128xf32, #tpu.memory_space<vmem>>, %arg4: memref<128x1024xf32, #tpu.memory_space<vmem>>, %arg5: memref<1x1024xf32, #tpu.memory_space<vmem>>, %arg6: memref<1250x1024xf32, #tpu.memory_space<vmem>>) attributes {dimension_semantics = [#tpu.dimension_semantics<arbitrary>], iteration_bounds = array<i64: 1>, scalar_prefetch = 0 : i64, scratch_operands = 0 : i64, tpu.core_type = #tpu.core_type<tc>, window_params = [{transform_indices = @transform_0, window_bounds = array<i64: 16, 1250, 128>}, {transform_indices = @transform_1, window_bounds = array<i64: 1250, 128>}, {pipeline_mode = #tpu.pipeline_mode<synchronous>, transform_indices = @transform_2, window_bounds = array<i64: 128, 128>}, {pipeline_mode = #tpu.pipeline_mode<synchronous>, transform_indices = @transform_3, window_bounds = array<i64: 128, 1024>}, {pipeline_mode = #tpu.pipeline_mode<synchronous>, transform_indices = @transform_4, window_bounds = array<i64: 1, 1024>}, {transform_indices = @transform_5, window_bounds = array<i64: 1250, 1024>}]} {
    %get3A = arith.constant 0 : index
    %get3A_0 = arith.constant 0 : index
    %get3A_1 = arith.constant 0 : index
    %get3A_2 = vector.load %arg1[%get3A, %get3A_0, %get3A_1] : memref<16x1250x128xf32, #tpu.memory_space<vmem>>, vector<16x1250x128xf32>
    %reduce_max3A = arith.constant dense<0xFF800000> : vector<1250x128xf32>
    %reduce_max3A_3 = vector.multi_reduction <maximumf>, %get3A_2, %reduce_max3A [0] : vector<16x1250x128xf32> to vector<1250x128xf32>
    %is_finite3A = tpu.weird %reduce_max3A_3 : vector<1250x128xf32> -> vector<1250x128xi1>
    %is_finite3A_4 = arith.constant dense<true> : vector<1250x128xi1>
    %is_finite3A_5 = arith.xori %is_finite3A, %is_finite3A_4 : vector<1250x128xi1>
    %jit3A = arith.constant 0.000000e+00 : f32
    %broadcast_in_dim3A = vector.broadcast %jit3A : f32 to vector<1250x128xf32>
    %select_n3A = arith.select %is_finite3A_5, %reduce_max3A_3, %broadcast_in_dim3A : vector<1250x128xi1>, vector<1250x128xf32>
    %get3A_6 = arith.constant 0 : index
    %get3A_7 = arith.constant 0 : index
    %get3A_8 = vector.load %arg2[%get3A_6, %get3A_7] : memref<1250x128xf32, #tpu.memory_space<vmem>>, vector<1250x128xf32>
    %get3A_9 = arith.constant 0 : index
    %get3A_10 = arith.constant 0 : index
    %get3A_11 = vector.load %arg3[%get3A_9, %get3A_10] : memref<128x128xf32, #tpu.memory_space<vmem>>, vector<128x128xf32>
    %dot_general3A = arith.constant dense<0.000000e+00> : vector<1250x128xf32>
    %dot_general3A_12 = tpu.matmul %select_n3A, %get3A_11, %dot_general3A {dimension_numbers = #tpu.dot_dimension_numbers<[1], [0], [0], [1], [0, 0, 1, 1], [], []>, transpose_lhs_hint = false} : vector<1250x128xf32>, vector<128x128xf32>, vector<1250x128xf32> -> vector<1250x128xf32>
    %add3A = arith.addf %get3A_8, %dot_general3A_12 : vector<1250x128xf32>
    %max3A = arith.constant 0.000000e+00 : f32
    %max3A_13 = vector.broadcast %max3A : f32 to vector<1250x128xf32>
    %max3A_14 = arith.maximumf %add3A, %max3A_13 : vector<1250x128xf32>
    %get3A_15 = arith.constant 0 : index
    %get3A_16 = arith.constant 0 : index
    %get3A_17 = vector.load %arg4[%get3A_15, %get3A_16] : memref<128x1024xf32, #tpu.memory_space<vmem>>, vector<128x1024xf32>
    %dot_general3A_18 = arith.constant dense<0.000000e+00> : vector<1250x1024xf32>
    %dot_general3A_19 = tpu.matmul %max3A_14, %get3A_17, %dot_general3A_18 {dimension_numbers = #tpu.dot_dimension_numbers<[1], [0], [0], [1], [0, 0, 1, 1], [], []>, transpose_lhs_hint = false} : vector<1250x128xf32>, vector<128x1024xf32>, vector<1250x1024xf32> -> vector<1250x1024xf32>
    %get3A_20 = arith.constant 0 : index
    %get3A_21 = arith.constant 0 : index
    %get3A_22 = vector.load %arg5[%get3A_20, %get3A_21] : memref<1x1024xf32, #tpu.memory_space<vmem>>, vector<1x1024xf32>
    %add3A_23 = vector.broadcast %get3A_22 : vector<1x1024xf32> to vector<1250x1024xf32>
    %add3A_24 = arith.addf %dot_general3A_19, %add3A_23 : vector<1250x1024xf32>
    %swap3A = arith.constant 0 : index
    %swap3A_25 = arith.constant 0 : index
    %swap3A_26 = vector.load %arg6[%swap3A, %swap3A_25] : memref<1250x1024xf32, #tpu.memory_space<vmem>>, vector<1250x1024xf32>
    tpu.vector_store %arg6[%swap3A, %swap3A_25], %add3A_24 {strides = array<i32>} : memref<1250x1024xf32, #tpu.memory_space<vmem>>, vector<1250x1024xf32>,
    return
  }
  func.func @transform_0(%arg0: i32) -> (i32, i32, i32) {
    %c0_i32 = arith.constant 0 : i32
    %c0_i32_0 = arith.constant 0 : i32
    %c0_i32_1 = arith.constant 0 : i32
    return %c0_i32, %arg0, %c0_i32_0 : i32, i32, i32
  }
  func.func @transform_1(%arg0: i32) -> (i32, i32) {
    %c0_i32 = arith.constant 0 : i32
    %c0_i32_0 = arith.constant 0 : i32
    return %arg0, %c0_i32 : i32, i32
  }
  func.func @transform_2(%arg0: i32) -> (i32, i32) {
    %c0_i32 = arith.constant 0 : i32
    %c0_i32_0 = arith.constant 0 : i32
    %c0_i32_1 = arith.constant 0 : i32
    return %c0_i32, %c0_i32_0 : i32, i32
  }
  func.func @transform_3(%arg0: i32) -> (i32, i32) {
    %c0_i32 = arith.constant 0 : i32
    %c0_i32_0 = arith.constant 0 : i32
    %c0_i32_1 = arith.constant 0 : i32
    return %c0_i32, %c0_i32_0 : i32, i32
  }
  func.func @transform_4(%arg0: i32) -> (i32, i32) {
    %c0_i32 = arith.constant 0 : i32
    %c0_i32_0 = arith.constant 0 : i32
    %c0_i32_1 = arith.constant 0 : i32
    return %c0_i32, %c0_i32_0 : i32, i32
  }
  func.func @transform_5(%arg0: i32) -> (i32, i32) {
    %c0_i32 = arith.constant 0 : i32
    %c0_i32_0 = arith.constant 0 : i32
    return %arg0, %c0_i32 : i32, i32
  }
}

</mosaic_0001>

<sc_bundles>
// kernel: kernel.10.cloned.1.call-start
scs
__scs_entry_jumppad:
0x0: {  	(pc) =	sbr.rel $0x88, $3  }
0x1: {  	(tag) =	ssettag $0x0;
	lr =	simm.s32 $0x1  }
0x2: {  	[smem:$0x3F96] =	sst lr;
	_ =	strace $0xD0000000  }
0x3: {  	_ = 	snop  }
0x4: {  	_ = 	snop  }
0x5: {  	_ = 	snop  }
0x6: {  	_ = 	snop  }
0x7: {  	_ = 	snop  }
__scs_overlays_trampoline_lowered:
0x8: {  	[smem:$0x3FA5] =	sst s0  }
0x9: {  	[smem:$0x3FA6] =	sst s1  }
0xa: {  	[smem:$0x3FA7] =	sst s2  }
0xb: {  	[smem:$0x3FA8] =	sst s3  }
0xc: {  	[smem:$0x3FA9] =	sst s4  }
0xd: {  	[smem:$0x3FAA] =	sst s5  }
0xe: {  	[smem:$0x3FAB] =	sst s6  }
0xf: {  	[smem:$0x3FAC] =	sst s7  }
0x10: {  	[smem:$0x3FAD] =	sst s8  }
0x11: {  	[smem:$0x3FAE] =	sst s9;
	s0 =	simm.s32 @!p0 $0x0  }
0x12: {  	s1 =	sld [smem:$0x3F94];
	s0 =	simm.s32 @p0 $0x1  }
0x13: {  	[smem:$0x3FAF] =	sst s0;
	s0 =	simm.s32 @!p1 $0x0  }
0x14: {  	s2 =	sld [smem:$0x3F93];
	s0 =	simm.s32 @p1 $0x1  }
0x15: {  	[smem:$0x3FB0] =	sst s0;
	s0 =	simm.s32 @!p2 $0x0  }
0x16: {  	s3 =	sld [smem:$0x3FDB];
	s0 =	simm.s32 @p2 $0x1  }
0x17: {  	s4 =	simm.s32 $0x1BF5;
	[smem:$0x3FB2] =	sst s0  }
0x18: {  	s0 =	sld [smem:$0x3F95];
	_ =	swait.ge [sflag:s4], $0x0  }
0x19: {  	s7 =	sld [smem:$0x3F96]  }
0x1a: {  	s8 =	sadd.s32 $0xFFFFE003, lr  }
0x1b: {  	s9 =	sadd.s32 $0xFFFFFEF7, lr;
	s5 =	simm.s32 $0xFFFFFFFF;
	p2 =	slt.u32 s8, $0xFFFFF086  }
0x1c: {  	p1 =	slt.u32 s9, $0xF7A;
	s5 =	simm.s32 @!p2 $0x0  }
0x1d: {  	s5 =	simm.s32 @p1 $0x1;
	p0 =	seq.s32 s7, s2  }
0x1e: {  	s7 =	smul.u32 @!p0 $0xF7A, s2;
	p2 =	seq.s32 @!p0 s5, $0x0  }
0x1f: {  	s9 =	smul.u32 $0xF7A, s1;
	s8 =	simm.s32 @!p0 $0x1BF5;
	p2 =	por !p2, p0  }
0x20: {  	[sflag:s8] =	ssyncset.s32 @!p0 $0xFFFFF086;
	s6 =	sadd.s32 @!p0 s3, s7;
	s7 =	simm.s32 @!p0 $0x108  }
0x21: {  	s3 =	sadd.s32 s3, s9;
	s6 =	sadd.s32 @!p0 $0x88, s6;
	s7 =	simm.s32 @p2 $0x1082  }
0x22: {  	[simem:s7], [sflag:s8] =	dma.local @!p0 [hbm:s6], $0xF7A  }
0x23: {  	s9 =	sor.u32 $0xD0000000, s2;
	s6 =	simm.s32 $0x108;
	_ =	swait.ge @!p0 [sflag:s8], $0x0  }
0x24: {  	s3 =	sadd.s32 $0x88, s3;
	s6 =	simm.s32 @!p1 $0x1082;
	[sflag:s4] =	ssyncset.s32 $0xFFFFF086  }
0x25: {  	[simem:s6], [sflag:s4] =	dma.local [hbm:s3], $0xF7A  }
0x26: {  	[smem:$0x3F96] =	sst s1;
	(tag) =	ssettag s2;
	_ =	strace s9  }
0x27: {  	s1 =	sld [smem:$0x3FA6]  }
0x28: {  	s2 =	sld [smem:$0x3FA7]  }
0x29: {  	s4 =	sld [smem:$0x3FA9]  }
0x2a: {  	p0 =	seq.s32 s5, $0x0;
	s5 =	sld [smem:$0x3FAA]  }
0x2b: {  	s6 =	sld [smem:$0x3FAB]  }
0x2c: {  	s7 =	sld [smem:$0x3FAC]  }
0x2d: {  	s3 =	simm.s32 $0x108;
	s8 =	sld [smem:$0x3FAD]  }
0x2e: {  	s3 =	simm.s32 @!p0 $0x1082;
	s9 =	sld [smem:$0x3FAE]  }
0x2f: {  	lr =	sadd.s32 s0, s3;
	s0 =	sld [smem:$0x3FA5]  }
0x30: {  	s3 =	sld [smem:$0x3FA8]  }
0x31: {  	[smem:$0x3FB1] =	sst s10  }
0x32: {  	s10 =	sld [smem:$0x3FAF];
	_ =	sdelay $0x3  }
0x33: {  	p0 =	seq.s32 s10, $0x1;
	s10 =	sld [smem:$0x3FB1];
	_ =	sdelay $0x3  }
0x34: {  	[smem:$0x3FB1] =	sst s10  }
0x35: {  	s10 =	sld [smem:$0x3FB0];
	_ =	sdelay $0x3  }
0x36: {  	p1 =	seq.s32 s10, $0x1;
	s10 =	sld [smem:$0x3FB1];
	_ =	sdelay $0x3  }
0x37: {  	[smem:$0x3FB1] =	sst s10  }
0x38: {  	s10 =	sld [smem:$0x3FB2]  }
0x39: {  	_ = 	snop;
	(pc) =	sbr.ind lr, $3  }
0x3a: {  	_ = 	snop  }
0x3b: {  	_ = 	snop  }
0x3c: {  	p2 =	seq.s32 s10, $0x1;
	s10 =	sld [smem:$0x3FB1]  }
0x3d: {  	_ =	shalt  }
0x3e: {  	_ =	shalt  }
0x3f: {  	_ =	shalt  }
0x40: {  	_ =	shalt  }
0x41: {  	_ =	shalt  }
0x42: {  	_ =	shalt  }
0x43: {  	_ =	shalt  }
0x44: {  	_ =	shalt  }
0x45: {  	_ =	shalt  }
0x46: {  	_ =	shalt  }
0x47: {  	_ =	shalt  }
0x48: {  	_ =	shalt  }
0x49: {  	_ =	shalt  }
0x4a: {  	_ =	shalt  }
0x4b: {  	_ =	shalt  }
0x4c: {  	_ =	shalt  }
0x4d: {  	_ =	shalt  }
0x4e: {  	_ =	shalt  }
0x4f: {  	_ =	shalt  }
0x50: {  	_ =	shalt  }
0x51: {  	_ =	shalt  }
0x52: {  	_ =	shalt  }
0x53: {  	_ =	shalt  }
0x54: {  	_ =	shalt  }
0x55: {  	_ =	shalt  }
0x56: {  	_ =	shalt  }
0x57: {  	_ =	shalt  }
0x58: {  	_ =	shalt  }
0x59: {  	_ =	shalt  }
0x5a: {  	_ =	shalt  }
0x5b: {  	_ =	shalt  }
0x5c: {  	_ =	shalt  }
0x5d: {  	_ =	shalt  }
0x5e: {  	_ =	shalt  }
0x5f: {  	_ =	shalt  }
0x60: {  	_ =	shalt  }
0x61: {  	_ =	shalt  }
0x62: {  	_ =	shalt  }
0x63: {  	_ =	shalt  }
0x64: {  	_ =	shalt  }
0x65: {  	_ =	shalt  }
0x66: {  	_ =	shalt  }
0x67: {  	_ =	shalt  }
0x68: {  	_ =	shalt  }
0x69: {  	_ =	shalt  }
0x6a: {  	_ =	shalt  }
0x6b: {  	_ =	shalt  }
0x6c: {  	_ =	shalt  }
0x6d: {  	_ =	shalt  }
0x6e: {  	_ =	shalt  }
0x6f: {  	_ =	shalt  }
0x70: {  	_ =	shalt  }
0x71: {  	_ =	shalt  }
0x72: {  	_ =	shalt  }
0x73: {  	_ =	shalt  }
0x74: {  	_ =	shalt  }
0x75: {  	_ =	shalt  }
0x76: {  	_ =	shalt  }
0x77: {  	_ =	shalt  }
0x78: {  	_ =	shalt  }
0x79: {  	_ =	shalt  }
0x7a: {  	_ =	shalt  }
0x7b: {  	_ =	shalt  }
0x7c: {  	_ =	shalt  }
0x7d: {  	_ =	shalt  }
0x7e: {  	_ =	shalt  }
0x7f: {  	_ =	shalt  }
0x80: {  	_ =	shalt  }
0x81: {  	_ =	shalt  }
0x82: {  	_ =	shalt  }
0x83: {  	_ =	shalt  }
0x84: {  	_ =	shalt  }
0x85: {  	_ =	shalt  }
0x86: {  	_ =	shalt  }
0x87: {  	_ =	shalt  }
.Lfunc_end0:
.L_simem_size_0:
called_computation.1_lowered:
.L_overlay_start_0:
0x88: {  	s2 =	sld [smem:$0x3FD9]  }
0x89: {  	s3 =	sld [smem:$0x3FFE];
	_ =	sdelay $0x1  }
0x8a: {  	s1 =	srdreg.scid  }
0x8b: {  	s0 =	sand.u32 $0x1, s1  }
0x8c: {  	s17 =	sshll.u32 s0, $0xA;
	s2 =	sadd.s32 s3, s2  }
0x8d: {  	s2 =	sadd.s32 s2, s17  }
0x8e: {  	[smem:$0x3FBD] =	sst s2  }
0x8f: {  	_ = 	snop  }
0x90: {  	s2 =	sld [smem:$0x3FD0];
	(tm) =	ssettm $0x1  }
0x91: {  	s18 =	sld [smem:$0x3FFB];
	_ =	sdelay $0x3  }
0x92: {  	_ =	strace s18  }
0x93: {  	s3 =	sld [smem:$0x3FFC];
	_ =	sdelay $0x3  }
0x94: {  	_ =	strace s3  }
0x95: {  	s3 =	sld [smem:$0x3FFD];
	_ =	sdelay $0x3  }
0x96: {  	_ =	strace s3  }
0x97: {  	_ =	strace $0x8FFFFFFF  }
0x98: {  	s19 =	sld [smem:$0x3FDB];
	_ =	sdelay $0x1  }
0x99: {  	s4 =	simm.s32 $_scs_section_size  }
0x9a: {  	s5 =	simm.s32 $_size__tile_overlayer_lowered;
	s6 =	simm.s32 $_tile_overlayer_lowered  }
0x9b: {  	s22 =	simm.s32 $0x1BFF;
	s21 =	sshll.u32 s6, $0x1;
	s3 =	sadd.s32 s4, s19  }
0x9c: {  	s7 =	simm.s32 $0x0;
	s20 =	sshll.u32 s5, $0x1;
	s5 =	sadd.s32 s21, s3  }
0x9d: {  	[timem:s7], [sflag:s22] =	dma.local [hbm:s5], s20  }
0x9e: {  	_ =	swait.ge [sflag:s22], s20  }
0x9f: {  	s4 =	ssub.s32 $0x0, s20;
	[sflag:s22] =	ssyncset.done $0x0  }
0xa0: {  	[sflag:s22] =	ssyncadd.s32 s4;
	_ =	sdelay $0x1  }
0xa1: {  	s23 =	simm.s32 $0x1B8B  }
0xa2: {  	_ =	swait.ge [sflag:s23], $0x1  }
0xa3: {  	[sflag:s23] =	ssyncset.done $0x0  }
0xa4: {  	s25 =	simm.s32 $0x1B8E;
	s24 =	sld [smem:$0x3FFE];
	[sflag:s23] =	ssyncadd.s32 $0xFFFFFFFF  }
0xa5: {  	s26 =	simm.s32 $execute0_lowered;
	[smem:$0x3FD2] =	sst s25  }
0xa6: {  	s5 =	sshll.u32 s26, $0x1;
	_ =	strace $0x80000049;
	[dreg:$0x1] =	wrdreg $0xFFFFFFFF  }
0xa7: {  	s28 =	simm.s32 $_size_execute0_lowered;
	s3 =	sadd.s32 s3, s5;
	[dreg:$0x0] =	wrdreg $0x0  }
0xa8: {  	s5 =	sshll.u32 s28, $0x1;
	[dreg:$0x2] =	wrdreg s3  }
0xa9: {  	[dreg:$0x3] =	wrdreg s5  }
0xaa: {  	[dreg:$0x4] =	wrdreg $0xC0  }
0xab: {  	_ =	task [dreg:s7], $0x5FFFF  }
0xac: {  	[dreg:$0x1] =	wrdreg $0xFFFFFFFF  }
0xad: {  	[dreg:$0x0] =	wrdreg $0x60  }
0xae: {  	[dreg:$0x2] =	wrdreg s24  }
0xaf: {  	[dreg:$0x3] =	wrdreg s2  }
0xb0: {  	[dreg:$0x4] =	wrdreg $0x9  }
0xb1: {  	_ =	task.clear_ibuf [dreg:s7], $0x5FFFF;
	_ =	strace $0x90000049  }
0xb2: {  	s29 =	simm.s32 $0x9;
	_ =	strace $0x8000004B  }
0xb3: {  	_ =	swait.ge [sflag:s29], $0x1  }
0xb4: {  	[sflag:s29] =	ssyncadd.s32 $0xFFFFFFFF  }
0xb5: {  	_ =	strace $0x9000004B  }
0xb6: {  	_ =	sfence  }
0xb7: {  	s30 =	sld [smem:$0x0];
	_ =	sdelay $0x2  }
0xb8: {  	s31 =	sshll.u32 s1, $0xD;
	s1 =	sshrl.u32 s1, $0x2  }
0xb9: {  	s3 =	sand.u32 $0x4000, s31;
	s1 =	sadd.s32 s1, s30  }
0xba: {  	s0 =	sor.u32 s3, s0;
	s1 =	sshll.u32 s1, $0x11  }
0xbb: {  	s0 =	sor.u32 s1, s0  }
0xbc: {  	s0 =	sadd.s32 $0x8F2B, s0  }
0xbd: {  	[sflag:s0] =	ssyncadd.remote.s32 $0x1  }
0xbe: {  	_ =	sfence.sel $0xFFFF  }
0xbf: {  	[dreg:$0x0] =	wrdreg $0xFFFFFFFF;
	(pc) =	sbr.abs _section_cstart, $3  }
0xc0: {  	[dreg:$0x1] =	wrdreg $0xFFFFFFFF  }
0xc1: {  	_ =	task.clear_ibuf [dreg:s7], $0x2FFFF;
	_ =	strace $0x9FFFFFFF  }
0xc2: {  	(tm) =	ssettm $0x7FFFFFFF  }
0xc3: {  	_ =	shalt  }
tec
execute0_lowered:
.L_overlay_start_1:
0x0: {  	(tag) =	ssettag $0x1  }
0x1: {  	s1 =	srdreg.scid;
	s5 =	rddreg [dreg:$0x0]  }
0x2: {  	s0 =	stileid.u32;
	s2 =	rddreg [dreg:$0x1];
	s3 =	simm.s32 $0x0  }
0x3: {  	s7 =	simm.s32 $0x1;
	s4 =	sand.u32 $0x1, s1;
	s30 =	sshll.u32 s0, $0x1  }
0x4: {  	s8 =	simm.s32 $0x1388;
	s13 =	simm.s32 $0x320;
	s6 =	sor.u32 s4, s30  }
0x5: {  	s14 =	simm.s32 $0x3840;
	p1 =	seq.s32 s4, $0x1;
	p0 =	seq.s32 s6, $0x0  }
0x6: {  	s15 =	simm.s32 $0x6A40;
	s16 =	simm.s32 $0x2;
	p0 =	por !p0, !p1  }
0x7: {  	s17 =	simm.s32 $0x3;
	s1 =	rddreg [dreg:$0x2];
	p0 =	por !p0, !p0  }
0x8: {  	s18 =	simm.s32 $0x0;
	[smem:$0x7FF] =	sst s3;
	s7 =	simm.s32 @!p0 $0x0  }
0x9: {  	v1 =	vimm.f32 $-Inf;
	_ =	strace $0x8000004A;
	s6 =	smul.u32 $0x2710, s6;
	s7 =	ssub.s32 s0, s7  }
0xa: {  	v2 =	vimm.s32 $0x0;
	v3 =	vimm.s32 $0x4;
	v4 =	vlaneseq.u32;
	s9 =	ssub.s32 $0x2, s4;
	s4 =	sadd.s32 $0x17C00, s5;
	s10 =	smul.u32 $0x4E20, s7  }
0xb: {  	v5 =	vimm.s32 $0x1;
	v6 =	vimm.s32 $0x2;
	v7 =	vimm.s32 $0x3;
	s8 =	simm.s32 @!p1 $0x0;
	s11 =	sshrl.u32 s9, $0x1;
	s7 =	smul.u32 $0x4E200, s7  }
0xc: {  	v8 =	vimm.s32 $0x5;
	v9 =	vimm.s32 $0x6;
	v10 =	vimm.s32 $0x7;
	s11 =	ssub.s32 s9, s11;
	s12 =	sadd.s32 s6, s5;
	s5 =	simm.s32 $0x1  }
0xd: {  	v11 =	vimm.s32 $0x8;
	v12 =	vimm.s32 $0x9;
	v13 =	vimm.s32 $0xA;
	s11 =	smax.u32 s11, $0x1;
	s31 =	sshrl.u32 s10, $0x3;
	s7 =	sshrl.u32 s7, $0x3  }
0xe: {  	v14 =	vimm.s32 $0xB;
	v15 =	vimm.s32 $0xC;
	v0 =	vmov s8;
	s8 =	sadd.s32 $0x320, s10;
	s9 =	sadd.s32 $0x640, s10;
	s10 =	sadd.s32 $0xB4000, s12  }
0xf: {  	v16 =	vimm.s32 $0xD;
	v17 =	vimm.s32 $0xE;
	v18 =	vimm.s32 $0xF;
	s12 =	simm.s32 $0x640;
	s6 =	sadd.s32 s2, s31;
	s7 =	sadd.s32 s4, s7  }
.LBB2_1:
0x10: {  	[tilespmem:s3], [sflag:$0x1] =	stream.linear.gather [hbm4b:s6+s3], $0x320, $0x38;
	[tilespmem:$0x1A2D0] =	vst v63  }
0x11: {  	s19 =	simm.s32 $0x40;
	s20 =	simm.s32 $0x0  }
0x12: {  	[tilespmem:s12], [sflag:$0x1] =	stream.linear.gather [hbm4b:s7+s3], $0x3200, $0x38;
	[tilespmem:$0x1A2D0] =	vst v63  }
.LBB2_2:
0x13: {  	p0 =	sne.s32 s19, $0x4E200;
	[tilespmem:s20+$0x6A40] =	vst v1;
	s20 =	smov.u32 s19;
	s19 =	sadd.s32 $0x40, s19  }
.Ltmp0:
0x14: {  	(pc) =	sbr.rel @p0 .LBB2_2-.Ltmp0, $2  }
0x15: {  	_ =	sdelay $0x2  }
0x16: {  	s20 =	sshra.s32 s20, $0x2  }
0x17: {  	[tilespmem:s20+$0x6A40] =	vst v1;
	s19 =	simm.s32 $0x0;
	s20 =	simm.s32 $0x0  }
.LBB2_4:
0x18: {  	_ =	swait.ge [sflag:s5], $0x320  }
0x19: {  	s21 =	smul.u32 $0x640, s20;
	[sflag:s5] =	ssyncset.done $0x0  }
0x1a: {  	[sflag:s5] =	ssyncadd.s32 $0xFFFFFCE0  }
0x1b: {  	s22 =	sadd.s32 s21, s8;
	_ =	swait.ge [sflag:s5], $0x3200  }
0x1c: {  	s23 =	sshrl.u32 s22, $0x3;
	s22 =	sshll.u32 s22, $0x1;
	[sflag:s5] =	ssyncset.done $0x0  }
0x1d: {  	s23 =	sadd.s32 s2, s23;
	s22 =	sand.u32 $0x1FFFFFC0, s22;
	[sflag:s5] =	ssyncadd.s32 $0xFFFFCE00  }
0x1e: {  	[tilespmem:s13], [sflag:$0x2] =	stream.linear.gather [hbm4b:s23+s19], $0x320, $0x38;
	[tilespmem:$0x1A2D0] =	vst v63  }
0x1f: {  	s31 =	simm.s32 $0x0;
	s22 =	sadd.s32 s4, s22  }
0x20: {  	[tilespmem:s14], [sflag:$0x2] =	stream.linear.gather [hbm4b:s22+s19], $0x3200, $0x38;
	[tilespmem:$0x1A2D0] =	vst v63  }
0x21: {  	v19 =	vld [tilespmem:s31+$0x0];
	_ =	sdelay $0x4  }
0x22: {  	v20 =	vperm.xlane v19, v2;
	_ =	sdelay $0x1  }
0x23: {  	v20 =	vsub.s32 v20, v0  }
0x24: {  	v20 =	vmin.u32 v20, $0x1388  }
0x25: {  	v20 =	vshll.u32 v20, $0x4  }
0x26: {  	v20 =	vor.u32 v4, v20;
	_ =	sdelay $0x1  }
0x27: {  	v21 =	vperm.xlane v19, v5  }
0x28: {  	s22 =	simm.s32 $0x6C0  }
0x29: {  	v23 =	vld [tilespmem:s22+$0xFFFFFF80];
	v21 =	vsub.s32 v21, v0  }
0x2a: {  	v21 =	vmin.u32 v21, $0x1388;
	v22 =	vld.idx.msk [tilespmem:v20+s15+$0x0], $0xffff  }
0x2b: {  	v21 =	vshll.u32 v21, $0x4  }
0x2c: {  	v21 =	vor.u32 v4, v21;
	_ =	sdelay $0x2  }
0x2d: {  	v24 =	vperm.xlane v19, v6;
	v22 =	vmax.f32 v22, v23  }
0x2e: {  	[tilespmem:v20+s15+$0x0] =	vst.idx.msk $0xffff, v22  }
0x2f: {  	v20 =	vsub.s32 v24, v0;
	v22 =	vld.idx.msk [tilespmem:v21+s15+$0x0], $0xffff  }
0x30: {  	v20 =	vmin.u32 v20, $0x1388;
	v23 =	vld [tilespmem:s22+$0xFFFFFF90]  }
0x31: {  	v20 =	vshll.u32 v20, $0x4  }
0x32: {  	v20 =	vor.u32 v4, v20;
	_ =	sdelay $0x2  }
0x33: {  	v52 =	vperm.xlane v19, v7;
	v22 =	vmax.f32 v22, v23  }
0x34: {  	[tilespmem:v21+s15+$0x0] =	vst.idx.msk $0xffff, v22  }
0x35: {  	v21 =	vsub.s32 v52, v0;
	v22 =	vld.idx.msk [tilespmem:v20+s15+$0x0], $0xffff  }
0x36: {  	v21 =	vmin.u32 v21, $0x1388;
	v23 =	vld [tilespmem:s22+$0xFFFFFFA0]  }
0x37: {  	v21 =	vshll.u32 v21, $0x4  }
0x38: {  	v21 =	vor.u32 v4, v21;
	_ =	sdelay $0x2  }
0x39: {  	v53 =	vperm.xlane v19, v3;
	v22 =	vmax.f32 v22, v23  }
0x3a: {  	[tilespmem:v20+s15+$0x0] =	vst.idx.msk $0xffff, v22  }
0x3b: {  	v20 =	vsub.s32 v53, v0;
	v22 =	vld.idx.msk [tilespmem:v21+s15+$0x0], $0xffff  }
0x3c: {  	v20 =	vmin.u32 v20, $0x1388;
	v23 =	vld [tilespmem:s22+$0xFFFFFFB0]  }
0x3d: {  	v20 =	vshll.u32 v20, $0x4  }
0x3e: {  	v20 =	vor.u32 v4, v20;
	_ =	sdelay $0x2  }
0x3f: {  	v54 =	vperm.xlane v19, v8;
	v22 =	vmax.f32 v22, v23  }
0x40: {  	[tilespmem:v21+s15+$0x0] =	vst.idx.msk $0xffff, v22  }
0x41: {  	v21 =	vsub.s32 v54, v0;
	v22 =	vld.idx.msk [tilespmem:v20+s15+$0x0], $0xffff  }
0x42: {  	v21 =	vmin.u32 v21, $0x1388;
	v23 =	vld [tilespmem:s22+$0xFFFFFFC0]  }
0x43: {  	v21 =	vshll.u32 v21, $0x4  }
0x44: {  	v21 =	vor.u32 v4, v21;
	_ =	sdelay $0x2  }
0x45: {  	v55 =	vperm.xlane v19, v9;
	v22 =	vmax.f32 v22, v23  }
0x46: {  	[tilespmem:v20+s15+$0x0] =	vst.idx.msk $0xffff, v22  }
0x47: {  	v20 =	vsub.s32 v55, v0;
	v22 =	vld.idx.msk [tilespmem:v21+s15+$0x0], $0xffff  }
0x48: {  	v20 =	vmin.u32 v20, $0x1388;
	v23 =	vld [tilespmem:s22+$0xFFFFFFD0]  }
0x49: {  	v20 =	vshll.u32 v20, $0x4  }
0x4a: {  	v20 =	vor.u32 v4, v20;
	_ =	sdelay $0x2  }
0x4b: {  	v56 =	vperm.xlane v19, v10;
	v22 =	vmax.f32 v22, v23  }
0x4c: {  	[tilespmem:v21+s15+$0x0] =	vst.idx.msk $0xffff, v22  }
0x4d: {  	v21 =	vsub.s32 v56, v0;
	v22 =	vld.idx.msk [tilespmem:v20+s15+$0x0], $0xffff  }
0x4e: {  	v21 =	vmin.u32 v21, $0x1388;
	v23 =	vld [tilespmem:s22+$0xFFFFFFE0]  }
0x4f: {  	v21 =	vshll.u32 v21, $0x4  }
0x50: {  	v21 =	vor.u32 v4, v21;
	_ =	sdelay $0x2  }
0x51: {  	v57 =	vperm.xlane v19, v11;
	v22 =	vmax.f32 v22, v23  }
0x52: {  	[tilespmem:v20+s15+$0x0] =	vst.idx.msk $0xffff, v22  }
0x53: {  	v20 =	vsub.s32 v57, v0;
	v22 =	vld.idx.msk [tilespmem:v21+s15+$0x0], $0xffff  }
0x54: {  	v20 =	vmin.u32 v20, $0x1388;
	v23 =	vld [tilespmem:s22+$0xFFFFFFF0]  }
0x55: {  	v20 =	vshll.u32 v20, $0x4  }
0x56: {  	v20 =	vor.u32 v4, v20;
	_ =	sdelay $0x2  }
0x57: {  	v58 =	vperm.xlane v19, v12;
	v22 =	vmax.f32 v22, v23  }
0x58: {  	[tilespmem:v21+s15+$0x0] =	vst.idx.msk $0xffff, v22  }
0x59: {  	v21 =	vsub.s32 v58, v0;
	v22 =	vld.idx.msk [tilespmem:v20+s15+$0x0], $0xffff  }
0x5a: {  	v21 =	vmin.u32 v21, $0x1388;
	v23 =	vld [tilespmem:s22+$0x0]  }
0x5b: {  	v21 =	vshll.u32 v21, $0x4  }
0x5c: {  	v21 =	vor.u32 v4, v21;
	_ =	sdelay $0x2  }
0x5d: {  	v59 =	vperm.xlane v19, v13;
	v22 =	vmax.f32 v22, v23  }
0x5e: {  	[tilespmem:v20+s15+$0x0] =	vst.idx.msk $0xffff, v22  }
0x5f: {  	v20 =	vsub.s32 v59, v0;
	v22 =	vld.idx.msk [tilespmem:v21+s15+$0x0], $0xffff  }
0x60: {  	v20 =	vmin.u32 v20, $0x1388;
	v23 =	vld [tilespmem:s22+$0x10]  }
0x61: {  	v20 =	vshll.u32 v20, $0x4  }
0x62: {  	v20 =	vor.u32 v4, v20;
	_ =	sdelay $0x2  }
0x63: {  	v60 =	vperm.xlane v19, v14;
	v22 =	vmax.f32 v22, v23  }
0x64: {  	[tilespmem:v21+s15+$0x0] =	vst.idx.msk $0xffff, v22  }
0x65: {  	v21 =	vsub.s32 v60, v0;
	v22 =	vld.idx.msk [tilespmem:v20+s15+$0x0], $0xffff  }
0x66: {  	v21 =	vmin.u32 v21, $0x1388;
	v23 =	vld [tilespmem:s22+$0x20]  }
0x67: {  	v21 =	vshll.u32 v21, $0x4  }
0x68: {  	v21 =	vor.u32 v4, v21;
	_ =	sdelay $0x2  }
0x69: {  	v61 =	vperm.xlane v19, v15;
	v22 =	vmax.f32 v22, v23  }
0x6a: {  	[tilespmem:v20+s15+$0x0] =	vst.idx.msk $0xffff, v22  }
0x6b: {  	v20 =	vsub.s32 v61, v0;
	v22 =	vld.idx.msk [tilespmem:v21+s15+$0x0], $0xffff  }
0x6c: {  	v20 =	vmin.u32 v20, $0x1388;
	v23 =	vld [tilespmem:s22+$0x30]  }
0x6d: {  	v20 =	vshll.u32 v20, $0x4  }
0x6e: {  	v20 =	vor.u32 v4, v20;
	_ =	sdelay $0x2  }
0x6f: {  	v62 =	vperm.xlane v19, v16;
	v22 =	vmax.f32 v22, v23  }
0x70: {  	[tilespmem:v21+s15+$0x0] =	vst.idx.msk $0xffff, v22  }
0x71: {  	v21 =	vsub.s32 v62, v0;
	v22 =	vld.idx.msk [tilespmem:v20+s15+$0x0], $0xffff  }
0x72: {  	v21 =	vmin.u32 v21, $0x1388;
	v23 =	vld [tilespmem:s22+$0x40]  }
0x73: {  	v21 =	vshll.u32 v21, $0x4  }
0x74: {  	v21 =	vor.u32 v4, v21;
	_ =	sdelay $0x2  }
0x75: {  	v63 =	vperm.xlane v19, v17;
	v22 =	vmax.f32 v22, v23  }
0x76: {  	[tilespmem:v20+s15+$0x0] =	vst.idx.msk $0xffff, v22  }
0x77: {  	v20 =	vsub.s32 v63, v0;
	v22 =	vld.idx.msk [tilespmem:v21+s15+$0x0], $0xffff  }
0x78: {  	v20 =	vmin.u32 v20, $0x1388;
	v23 =	vld [tilespmem:s22+$0x50]  }
0x79: {  	v20 =	vshll.u32 v20, $0x4  }
0x7a: {  	v20 =	vor.u32 v4, v20;
	_ =	sdelay $0x2  }
0x7b: {  	v19 =	vperm.xlane v19, v18;
	v22 =	vmax.f32 v22, v23  }
0x7c: {  	[tilespmem:v21+s15+$0x0] =	vst.idx.msk $0xffff, v22  }
0x7d: {  	v19 =	vsub.s32 v19, v0;
	v21 =	vld.idx.msk [tilespmem:v20+s15+$0x0], $0xffff  }
0x7e: {  	v19 =	vmin.u32 v19, $0x1388;
	v22 =	vld [tilespmem:s22+$0x60]  }
0x7f: {  	v19 =	vshll.u32 v19, $0x4  }
0x80: {  	v19 =	vor.u32 v4, v19;
	_ =	sdelay $0x2  }
0x81: {  	v21 =	vmax.f32 v21, v22  }
0x82: {  	[tilespmem:v20+s15+$0x0] =	vst.idx.msk $0xffff, v21  }
0x83: {  	v20 =	vld.idx.msk [tilespmem:v19+s15+$0x0], $0xffff  }
0x84: {  	v21 =	vld [tilespmem:s22+$0x70];
	_ =	sdelay $0x4  }
0x85: {  	s25 =	simm.s32 $0x80;
	s23 =	simm.s32 $0x40;
	v20 =	vmax.f32 v20, v21  }
.LBB2_5:
0x86: {  	s26 =	sshra.s32 s23, $0x2  }
0x87: {  	[tilespmem:v19+s15+$0x0] =	vst.idx.msk $0xffff, v20;
	s22 =	sadd.s32 $0x100, s22;
	s23 =	smov.u32 s25;
	s24 =	sadd.s32 $0x40, s25  }
0x88: {  	p0 =	sne.s32 s25, $0xC40;
	v19 =	vld [tilespmem:s26+$0x0];
	_ =	sdelay $0x4  }
0x89: {  	v20 =	vperm.xlane v19, v2;
	v21 =	vperm.xlane v19, v5  }
0x8a: {  	v22 =	vperm.xlane v19, v6;
	v23 =	vperm.xlane v19, v7  }
0x8b: {  	v24 =	vperm.xlane v19, v3;
	v20 =	vsub.s32 v20, v0;
	v21 =	vsub.s32 v21, v0  }
0x8c: {  	v22 =	vsub.s32 v22, v0;
	v20 =	vmin.u32 v20, $0x1388;
	v21 =	vmin.u32 v21, $0x1388  }
0x8d: {  	v22 =	vmin.u32 v22, $0x1388;
	v20 =	vshll.u32 v20, $0x4;
	v21 =	vshll.u32 v21, $0x4  }
0x8e: {  	v25 =	vshll.u32 v22, $0x4;
	v22 =	vsub.s32 v23, v0;
	v20 =	vor.u32 v4, v20  }
0x8f: {  	v23 =	vsub.s32 v24, v0;
	v24 =	vperm.xlane v19, v8;
	v22 =	vmin.u32 v22, $0x1388  }
0x90: {  	v26 =	vshll.u32 v22, $0x4;
	v22 =	vmin.u32 v23, $0x1388;
	v23 =	vperm.xlane v19, v9  }
0x91: {  	v27 =	vshll.u32 v22, $0x4;
	v22 =	vsub.s32 v24, v0;
	v24 =	vperm.xlane v19, v10  }
0x92: {  	v28 =	vperm.xlane v19, v11;
	v22 =	vmin.u32 v22, $0x1388;
	v23 =	vsub.s32 v23, v0  }
0x93: {  	v30 =	vshll.u32 v22, $0x4;
	v22 =	vmin.u32 v23, $0x1388;
	v23 =	vsub.s32 v24, v0;
	v29 =	vld.idx.msk [tilespmem:v20+s15+$0x0], $0xffff  }
0x94: {  	v31 =	vshll.u32 v22, $0x4;
	v22 =	vmin.u32 v23, $0x1388;
	v23 =	vsub.s32 v28, v0;
	v24 =	vld [tilespmem:s22+$0xFFFFFF80]  }
0x95: {  	v28 =	vshll.u32 v22, $0x4;
	v22 =	vmin.u32 v23, $0x1388;
	v23 =	vperm.xlane v19, v12  }
0x96: {  	v32 =	vor.u32 v4, v21;
	v21 =	vperm.xlane v19, v13;
	v33 =	vshll.u32 v22, $0x4  }
0x97: {  	v34 =	vperm.xlane v19, v15;
	v22 =	vsub.s32 v23, v0;
	v23 =	vperm.xlane v19, v14  }
0x98: {  	v35 =	vperm.xlane v19, v16;
	v21 =	vsub.s32 v21, v0;
	v22 =	vmin.u32 v22, $0x1388  }
0x99: {  	v21 =	vmin.u32 v21, $0x1388;
	v24 =	vmax.f32 v29, v24;
	v29 =	vshll.u32 v22, $0x4  }
0x9a: {  	[tilespmem:v20+s15+$0x0] =	vst.idx.msk $0xffff, v24;
	v24 =	vshll.u32 v21, $0x4;
	v20 =	vsub.s32 v23, v0;
	v21 =	vsub.s32 v34, v0  }
0x9b: {  	v35 =	vsub.s32 v35, v0;
	v34 =	vld.idx.msk [tilespmem:v32+s15+$0x0], $0xffff;
	v20 =	vmin.u32 v20, $0x1388;
	v21 =	vmin.u32 v21, $0x1388  }
0x9c: {  	v36 =	vld [tilespmem:s22+$0xFFFFFF90];
	v23 =	vshll.u32 v20, $0x4;
	v22 =	vshll.u32 v21, $0x4;
	v20 =	vmin.u32 v35, $0x1388  }
0x9d: {  	v21 =	vperm.xlane v19, v17;
	v19 =	vperm.xlane v19, v18;
	v20 =	vshll.u32 v20, $0x4  }
0x9e: {  	v25 =	vor.u32 v4, v25  }
0x9f: {  	v21 =	vsub.s32 v21, v0;
	v19 =	vsub.s32 v19, v0  }
0xa0: {  	v21 =	vmin.u32 v21, $0x1388;
	v19 =	vmin.u32 v19, $0x1388  }
0xa1: {  	v21 =	vshll.u32 v21, $0x4;
	v19 =	vshll.u32 v19, $0x4;
	v34 =	vmax.f32 v34, v36  }
0xa2: {  	[tilespmem:v32+s15+$0x0] =	vst.idx.msk $0xffff, v34  }
0xa3: {  	v32 =	vld.idx.msk [tilespmem:v25+s15+$0x0], $0xffff  }
0xa4: {  	v34 =	vld [tilespmem:s22+$0xFFFFFFA0];
	_ =	sdelay $0x1  }
0xa5: {  	v26 =	vor.u32 v4, v26;
	_ =	sdelay $0x2  }
0xa6: {  	v32 =	vmax.f32 v32, v34  }
0xa7: {  	[tilespmem:v25+s15+$0x0] =	vst.idx.msk $0xffff, v32  }
0xa8: {  	v25 =	vld.idx.msk [tilespmem:v26+s15+$0x0], $0xffff  }
0xa9: {  	v32 =	vld [tilespmem:s22+$0xFFFFFFB0];
	_ =	sdelay $0x1  }
0xaa: {  	v27 =	vor.u32 v4, v27;
	_ =	sdelay $0x2  }
0xab: {  	v25 =	vmax.f32 v25, v32  }
0xac: {  	[tilespmem:v26+s15+$0x0] =	vst.idx.msk $0xffff, v25  }
0xad: {  	v25 =	vld.idx.msk [tilespmem:v27+s15+$0x0], $0xffff  }
0xae: {  	v26 =	vld [tilespmem:s22+$0xFFFFFFC0];
	_ =	sdelay $0x1  }
0xaf: {  	v30 =	vor.u32 v4, v30;
	_ =	sdelay $0x2  }
0xb0: {  	v25 =	vmax.f32 v25, v26  }
0xb1: {  	[tilespmem:v27+s15+$0x0] =	vst.idx.msk $0xffff, v25  }
0xb2: {  	v25 =	vld.idx.msk [tilespmem:v30+s15+$0x0], $0xffff  }
0xb3: {  	v26 =	vld [tilespmem:s22+$0xFFFFFFD0];
	_ =	sdelay $0x1  }
0xb4: {  	v27 =	vor.u32 v4, v31;
	_ =	sdelay $0x2  }
0xb5: {  	v25 =	vmax.f32 v25, v26  }
0xb6: {  	[tilespmem:v30+s15+$0x0] =	vst.idx.msk $0xffff, v25  }
0xb7: {  	v25 =	vld.idx.msk [tilespmem:v27+s15+$0x0], $0xffff  }
0xb8: {  	v26 =	vld [tilespmem:s22+$0xFFFFFFE0];
	_ =	sdelay $0x1  }
0xb9: {  	v28 =	vor.u32 v4, v28;
	_ =	sdelay $0x2  }
0xba: {  	v25 =	vmax.f32 v25, v26  }
0xbb: {  	[tilespmem:v27+s15+$0x0] =	vst.idx.msk $0xffff, v25  }
0xbc: {  	v25 =	vld.idx.msk [tilespmem:v28+s15+$0x0], $0xffff  }
0xbd: {  	v26 =	vld [tilespmem:s22+$0xFFFFFFF0];
	_ =	sdelay $0x1  }
0xbe: {  	v27 =	vor.u32 v4, v33;
	_ =	sdelay $0x2  }
0xbf: {  	v25 =	vmax.f32 v25, v26  }
0xc0: {  	[tilespmem:v28+s15+$0x0] =	vst.idx.msk $0xffff, v25  }
0xc1: {  	v25 =	vld.idx.msk [tilespmem:v27+s15+$0x0], $0xffff  }
0xc2: {  	v26 =	vld [tilespmem:s22+$0x0];
	_ =	sdelay $0x1  }
0xc3: {  	v28 =	vor.u32 v4, v29;
	_ =	sdelay $0x2  }
0xc4: {  	v25 =	vmax.f32 v25, v26  }
0xc5: {  	[tilespmem:v27+s15+$0x0] =	vst.idx.msk $0xffff, v25  }
0xc6: {  	v25 =	vld.idx.msk [tilespmem:v28+s15+$0x0], $0xffff  }
0xc7: {  	v26 =	vld [tilespmem:s22+$0x10];
	_ =	sdelay $0x1  }
0xc8: {  	v24 =	vor.u32 v4, v24;
	_ =	sdelay $0x2  }
0xc9: {  	v25 =	vmax.f32 v25, v26  }
0xca: {  	[tilespmem:v28+s15+$0x0] =	vst.idx.msk $0xffff, v25  }
0xcb: {  	v25 =	vld.idx.msk [tilespmem:v24+s15+$0x0], $0xffff  }
0xcc: {  	v26 =	vld [tilespmem:s22+$0x20];
	_ =	sdelay $0x1  }
0xcd: {  	v23 =	vor.u32 v4, v23;
	_ =	sdelay $0x2  }
0xce: {  	v25 =	vmax.f32 v25, v26  }
0xcf: {  	[tilespmem:v24+s15+$0x0] =	vst.idx.msk $0xffff, v25  }
0xd0: {  	v24 =	vld.idx.msk [tilespmem:v23+s15+$0x0], $0xffff  }
0xd1: {  	v25 =	vld [tilespmem:s22+$0x30];
	_ =	sdelay $0x1  }
0xd2: {  	v22 =	vor.u32 v4, v22;
	_ =	sdelay $0x2  }
0xd3: {  	v24 =	vmax.f32 v24, v25  }
0xd4: {  	[tilespmem:v23+s15+$0x0] =	vst.idx.msk $0xffff, v24  }
0xd5: {  	v23 =	vld.idx.msk [tilespmem:v22+s15+$0x0], $0xffff  }
0xd6: {  	v24 =	vld [tilespmem:s22+$0x40];
	_ =	sdelay $0x1  }
0xd7: {  	v20 =	vor.u32 v4, v20;
	_ =	sdelay $0x2  }
0xd8: {  	v23 =	vmax.f32 v23, v24  }
0xd9: {  	[tilespmem:v22+s15+$0x0] =	vst.idx.msk $0xffff, v23  }
0xda: {  	v22 =	vld.idx.msk [tilespmem:v20+s15+$0x0], $0xffff  }
0xdb: {  	v23 =	vld [tilespmem:s22+$0x50];
	_ =	sdelay $0x1  }
0xdc: {  	v21 =	vor.u32 v4, v21;
	_ =	sdelay $0x2  }
0xdd: {  	v22 =	vmax.f32 v22, v23  }
0xde: {  	[tilespmem:v20+s15+$0x0] =	vst.idx.msk $0xffff, v22  }
0xdf: {  	v20 =	vld.idx.msk [tilespmem:v21+s15+$0x0], $0xffff  }
0xe0: {  	v22 =	vld [tilespmem:s22+$0x60];
	_ =	sdelay $0x1  }
0xe1: {  	v19 =	vor.u32 v4, v19;
	_ =	sdelay $0x2  }
0xe2: {  	v20 =	vmax.f32 v20, v22  }
0xe3: {  	[tilespmem:v21+s15+$0x0] =	vst.idx.msk $0xffff, v20  }
0xe4: {  	v20 =	vld.idx.msk [tilespmem:v19+s15+$0x0], $0xffff  }
0xe5: {  	v21 =	vld [tilespmem:s22+$0x70]  }
.Ltmp1:
0xe6: {  	(pc) =	sbr.rel @p0 .LBB2_5-.Ltmp1, $2  }
0xe7: {  	_ =	sdelay $0x2  }
0xe8: {  	s25 =	smov.u32 s24;
	v20 =	vmax.f32 v20, v21  }
0xe9: {  	_ =	sdelay $0x3  }
0xea: {  	s23 =	sshra.s32 s23, $0x2;
	[tilespmem:v19+s15+$0x0] =	vst.idx.msk $0xffff, v20  }
0xeb: {  	v19 =	vld [tilespmem:s23+$0x0];
	_ =	sdelay $0x4  }
0xec: {  	v20 =	vperm.xlane v19, v2;
	_ =	sdelay $0x1  }
0xed: {  	v20 =	vsub.s32 v20, v0  }
0xee: {  	v20 =	vmin.u32 v20, $0x1388  }
0xef: {  	v20 =	vshll.u32 v20, $0x4  }
0xf0: {  	v20 =	vor.u32 v4, v20;
	_ =	sdelay $0x1  }
0xf1: {  	v21 =	vperm.xlane v19, v5  }
0xf2: {  	s22 =	sadd.s32 $0x100, s22  }
0xf3: {  	v23 =	vld [tilespmem:s22+$0xFFFFFF80];
	v21 =	vsub.s32 v21, v0  }
0xf4: {  	v21 =	vmin.u32 v21, $0x1388;
	v22 =	vld.idx.msk [tilespmem:v20+s15+$0x0], $0xffff  }
0xf5: {  	v21 =	vshll.u32 v21, $0x4  }
0xf6: {  	v21 =	vor.u32 v4, v21;
	_ =	sdelay $0x2  }
0xf7: {  	v24 =	vperm.xlane v19, v6;
	v22 =	vmax.f32 v22, v23  }
0xf8: {  	[tilespmem:v20+s15+$0x0] =	vst.idx.msk $0xffff, v22  }
0xf9: {  	v20 =	vsub.s32 v24, v0;
	v22 =	vld.idx.msk [tilespmem:v21+s15+$0x0], $0xffff  }
0xfa: {  	v20 =	vmin.u32 v20, $0x1388;
	v23 =	vld [tilespmem:s22+$0xFFFFFF90]  }
0xfb: {  	v20 =	vshll.u32 v20, $0x4  }
0xfc: {  	v20 =	vor.u32 v4, v20;
	_ =	sdelay $0x2  }
0xfd: {  	v39 =	vperm.xlane v19, v7;
	v22 =	vmax.f32 v22, v23  }
0xfe: {  	[tilespmem:v21+s15+$0x0] =	vst.idx.msk $0xffff, v22  }
0xff: {  	v21 =	vsub.s32 v39, v0;
	v22 =	vld.idx.msk [tilespmem:v20+s15+$0x0], $0xffff  }
0x100: {  	v21 =	vmin.u32 v21, $0x1388;
	v23 =	vld [tilespmem:s22+$0xFFFFFFA0]  }
0x101: {  	v21 =	vshll.u32 v21, $0x4  }
0x102: {  	v21 =	vor.u32 v4, v21;
	_ =	sdelay $0x2  }
0x103: {  	v40 =	vperm.xlane v19, v3;
	v22 =	vmax.f32 v22, v23  }
0x104: {  	[tilespmem:v20+s15+$0x0] =	vst.idx.msk $0xffff, v22  }
0x105: {  	v20 =	vsub.s32 v40, v0;
	v22 =	vld.idx.msk [tilespmem:v21+s15+$0x0], $0xffff  }
0x106: {  	v20 =	vmin.u32 v20, $0x1388;
	v23 =	vld [tilespmem:s22+$0xFFFFFFB0]  }
0x107: {  	v20 =	vshll.u32 v20, $0x4  }
0x108: {  	v20 =	vor.u32 v4, v20;
	_ =	sdelay $0x2  }
0x109: {  	v41 =	vperm.xlane v19, v8;
	v22 =	vmax.f32 v22, v23  }
0x10a: {  	[tilespmem:v21+s15+$0x0] =	vst.idx.msk $0xffff, v22  }
0x10b: {  	v21 =	vsub.s32 v41, v0;
	v22 =	vld.idx.msk [tilespmem:v20+s15+$0x0], $0xffff  }
0x10c: {  	v21 =	vmin.u32 v21, $0x1388;
	v23 =	vld [tilespmem:s22+$0xFFFFFFC0]  }
0x10d: {  	v21 =	vshll.u32 v21, $0x4  }
0x10e: {  	v21 =	vor.u32 v4, v21;
	_ =	sdelay $0x2  }
0x10f: {  	v42 =	vperm.xlane v19, v9;
	v22 =	vmax.f32 v22, v23  }
0x110: {  	[tilespmem:v20+s15+$0x0] =	vst.idx.msk $0xffff, v22  }
0x111: {  	v20 =	vsub.s32 v42, v0;
	v22 =	vld.idx.msk [tilespmem:v21+s15+$0x0], $0xffff  }
0x112: {  	v20 =	vmin.u32 v20, $0x1388;
	v23 =	vld [tilespmem:s22+$0xFFFFFFD0]  }
0x113: {  	v20 =	vshll.u32 v20, $0x4  }
0x114: {  	v20 =	vor.u32 v4, v20;
	_ =	sdelay $0x2  }
0x115: {  	v43 =	vperm.xlane v19, v10;
	v22 =	vmax.f32 v22, v23  }
0x116: {  	[tilespmem:v21+s15+$0x0] =	vst.idx.msk $0xffff, v22  }
0x117: {  	v21 =	vsub.s32 v43, v0;
	v22 =	vld.idx.msk [tilespmem:v20+s15+$0x0], $0xffff  }
0x118: {  	v21 =	vmin.u32 v21, $0x1388;
	v23 =	vld [tilespmem:s22+$0xFFFFFFE0]  }
0x119: {  	v21 =	vshll.u32 v21, $0x4  }
0x11a: {  	v21 =	vor.u32 v4, v21;
	_ =	sdelay $0x2  }
0x11b: {  	v44 =	vperm.xlane v19, v11;
	v22 =	vmax.f32 v22, v23  }
0x11c: {  	[tilespmem:v20+s15+$0x0] =	vst.idx.msk $0xffff, v22  }
0x11d: {  	v20 =	vsub.s32 v44, v0;
	v22 =	vld.idx.msk [tilespmem:v21+s15+$0x0], $0xffff  }
0x11e: {  	v20 =	vmin.u32 v20, $0x1388;
	v23 =	vld [tilespmem:s22+$0xFFFFFFF0]  }
0x11f: {  	v20 =	vshll.u32 v20, $0x4  }
0x120: {  	v20 =	vor.u32 v4, v20;
	_ =	sdelay $0x2  }
0x121: {  	v45 =	vperm.xlane v19, v12;
	v22 =	vmax.f32 v22, v23  }
0x122: {  	[tilespmem:v21+s15+$0x0] =	vst.idx.msk $0xffff, v22  }
0x123: {  	v21 =	vsub.s32 v45, v0;
	v22 =	vld.idx.msk [tilespmem:v20+s15+$0x0], $0xffff  }
0x124: {  	v21 =	vmin.u32 v21, $0x1388;
	v23 =	vld [tilespmem:s22+$0x0]  }
0x125: {  	v21 =	vshll.u32 v21, $0x4  }
0x126: {  	v21 =	vor.u32 v4, v21;
	_ =	sdelay $0x2  }
0x127: {  	v46 =	vperm.xlane v19, v13;
	v22 =	vmax.f32 v22, v23  }
0x128: {  	[tilespmem:v20+s15+$0x0] =	vst.idx.msk $0xffff, v22  }
0x129: {  	v20 =	vsub.s32 v46, v0;
	v22 =	vld.idx.msk [tilespmem:v21+s15+$0x0], $0xffff  }
0x12a: {  	v20 =	vmin.u32 v20, $0x1388;
	v23 =	vld [tilespmem:s22+$0x10]  }
0x12b: {  	v20 =	vshll.u32 v20, $0x4  }
0x12c: {  	v20 =	vor.u32 v4, v20;
	_ =	sdelay $0x2  }
0x12d: {  	v47 =	vperm.xlane v19, v14;
	v22 =	vmax.f32 v22, v23  }
0x12e: {  	[tilespmem:v21+s15+$0x0] =	vst.idx.msk $0xffff, v22  }
0x12f: {  	v21 =	vsub.s32 v47, v0;
	v22 =	vld.idx.msk [tilespmem:v20+s15+$0x0], $0xffff  }
0x130: {  	v21 =	vmin.u32 v21, $0x1388;
	v23 =	vld [tilespmem:s22+$0x20]  }
0x131: {  	v21 =	vshll.u32 v21, $0x4  }
0x132: {  	v21 =	vor.u32 v4, v21;
	_ =	sdelay $0x2  }
0x133: {  	v48 =	vperm.xlane v19, v15;
	v22 =	vmax.f32 v22, v23  }
0x134: {  	[tilespmem:v20+s15+$0x0] =	vst.idx.msk $0xffff, v22  }
0x135: {  	v20 =	vsub.s32 v48, v0;
	v22 =	vld.idx.msk [tilespmem:v21+s15+$0x0], $0xffff  }
0x136: {  	v20 =	vmin.u32 v20, $0x1388;
	v23 =	vld [tilespmem:s22+$0x30]  }
0x137: {  	v20 =	vshll.u32 v20, $0x4  }
0x138: {  	v20 =	vor.u32 v4, v20;
	_ =	sdelay $0x2  }
0x139: {  	v49 =	vperm.xlane v19, v16;
	v22 =	vmax.f32 v22, v23  }
0x13a: {  	[tilespmem:v21+s15+$0x0] =	vst.idx.msk $0xffff, v22  }
0x13b: {  	v21 =	vsub.s32 v49, v0;
	v22 =	vld.idx.msk [tilespmem:v20+s15+$0x0], $0xffff  }
0x13c: {  	v21 =	vmin.u32 v21, $0x1388;
	v23 =	vld [tilespmem:s22+$0x40]  }
0x13d: {  	v21 =	vshll.u32 v21, $0x4  }
0x13e: {  	v21 =	vor.u32 v4, v21;
	_ =	sdelay $0x2  }
0x13f: {  	v50 =	vperm.xlane v19, v17;
	v22 =	vmax.f32 v22, v23  }
0x140: {  	[tilespmem:v20+s15+$0x0] =	vst.idx.msk $0xffff, v22  }
0x141: {  	v20 =	vsub.s32 v50, v0;
	v22 =	vld.idx.msk [tilespmem:v21+s15+$0x0], $0xffff  }
0x142: {  	v20 =	vmin.u32 v20, $0x1388;
	v23 =	vld [tilespmem:s22+$0x50]  }
0x143: {  	v20 =	vshll.u32 v20, $0x4  }
0x144: {  	v20 =	vor.u32 v4, v20;
	_ =	sdelay $0x2  }
0x145: {  	v19 =	vperm.xlane v19, v18;
	v22 =	vmax.f32 v22, v23  }
0x146: {  	[tilespmem:v21+s15+$0x0] =	vst.idx.msk $0xffff, v22  }
0x147: {  	v19 =	vsub.s32 v19, v0;
	v21 =	vld.idx.msk [tilespmem:v20+s15+$0x0], $0xffff  }
0x148: {  	v19 =	vmin.u32 v19, $0x1388;
	v22 =	vld [tilespmem:s22+$0x60]  }
0x149: {  	v19 =	vshll.u32 v19, $0x4  }
0x14a: {  	v19 =	vor.u32 v4, v19;
	_ =	sdelay $0x2  }
0x14b: {  	v21 =	vmax.f32 v21, v22  }
0x14c: {  	[tilespmem:v20+s15+$0x0] =	vst.idx.msk $0xffff, v21  }
0x14d: {  	v20 =	vld.idx.msk [tilespmem:v19+s15+$0x0], $0xffff  }
0x14e: {  	v21 =	vld [tilespmem:s22+$0x70];
	_ =	sdelay $0x4  }
0x14f: {  	v20 =	vmax.f32 v20, v21  }
0x150: {  	[tilespmem:v19+s15+$0x0] =	vst.idx.msk $0xffff, v20  }
0x151: {  	_ =	swait.ge [sflag:s16], $0x320  }
0x152: {  	[sflag:s16] =	ssyncset.done $0x0  }
0x153: {  	[sflag:s16] =	ssyncadd.s32 $0xFFFFFCE0  }
0x154: {  	s21 =	sadd.s32 s21, s9;
	s30 =	simm.s32 $0x0;
	_ =	swait.ge [sflag:s16], $0x3200  }
0x155: {  	s29 =	sshrl.u32 s21, $0x3;
	s21 =	sshll.u32 s21, $0x1;
	[sflag:s16] =	ssyncset.done $0x0  }
0x156: {  	s21 =	sand.u32 $0x1FFFFFC0, s21;
	s22 =	sadd.s32 s2, s29;
	[sflag:s16] =	ssyncadd.s32 $0xFFFFCE00  }
0x157: {  	[tilespmem:s30], [sflag:$0x1] =	stream.linear.gather [hbm4b:s22+s30], $0x320, $0x38;
	[tilespmem:$0x1A2D0] =	vst v63  }
0x158: {  	s31 =	simm.s32 $0x0;
	s21 =	sadd.s32 s4, s21  }
0x159: {  	[tilespmem:s12], [sflag:$0x1] =	stream.linear.gather [hbm4b:s21+s30], $0x3200, $0x38;
	[tilespmem:$0x1A2D0] =	vst v63  }
0x15a: {  	v19 =	vld [tilespmem:s31+$0x320];
	_ =	sdelay $0x4  }
0x15b: {  	v20 =	vperm.xlane v19, v2;
	_ =	sdelay $0x1  }
0x15c: {  	v20 =	vsub.s32 v20, v0  }
0x15d: {  	v20 =	vmin.u32 v20, $0x1388  }
0x15e: {  	v20 =	vshll.u32 v20, $0x4  }
0x15f: {  	v20 =	vor.u32 v4, v20;
	_ =	sdelay $0x1  }
0x160: {  	v21 =	vperm.xlane v19, v5  }
0x161: {  	s21 =	simm.s32 $0x3930  }
0x162: {  	v23 =	vld [tilespmem:s21+$0xFFFFFF10];
	v21 =	vsub.s32 v21, v0  }
0x163: {  	v21 =	vmin.u32 v21, $0x1388;
	v22 =	vld.idx.msk [tilespmem:v20+s15+$0x0], $0xffff  }
0x164: {  	v21 =	vshll.u32 v21, $0x4  }
0x165: {  	v21 =	vor.u32 v4, v21;
	_ =	sdelay $0x2  }
0x166: {  	v51 =	vperm.xlane v19, v6;
	v22 =	vmax.f32 v22, v23  }
0x167: {  	[tilespmem:v20+s15+$0x0] =	vst.idx.msk $0xffff, v22  }
0x168: {  	v20 =	vsub.s32 v51, v0;
	v22 =	vld.idx.msk [tilespmem:v21+s15+$0x0], $0xffff  }
0x169: {  	v20 =	vmin.u32 v20, $0x1388;
	v23 =	vld [tilespmem:s21+$0xFFFFFF20]  }
0x16a: {  	v20 =	vshll.u32 v20, $0x4  }
0x16b: {  	v20 =	vor.u32 v4, v20;
	_ =	sdelay $0x2  }
0x16c: {  	v52 =	vperm.xlane v19, v7;
	v22 =	vmax.f32 v22, v23  }
0x16d: {  	[tilespmem:v21+s15+$0x0] =	vst.idx.msk $0xffff, v22  }
0x16e: {  	v21 =	vsub.s32 v52, v0;
	v22 =	vld.idx.msk [tilespmem:v20+s15+$0x0], $0xffff  }
0x16f: {  	v21 =	vmin.u32 v21, $0x1388;
	v23 =	vld [tilespmem:s21+$0xFFFFFF30]  }
0x170: {  	v21 =	vshll.u32 v21, $0x4  }
0x171: {  	v21 =	vor.u32 v4, v21;
	_ =	sdelay $0x2  }
0x172: {  	v53 =	vperm.xlane v19, v3;
	v22 =	vmax.f32 v22, v23  }
0x173: {  	[tilespmem:v20+s15+$0x0] =	vst.idx.msk $0xffff, v22  }
0x174: {  	v20 =	vsub.s32 v53, v0;
	v22 =	vld.idx.msk [tilespmem:v21+s15+$0x0], $0xffff  }
0x175: {  	v20 =	vmin.u32 v20, $0x1388;
	v23 =	vld [tilespmem:s21+$0xFFFFFF40]  }
0x176: {  	v20 =	vshll.u32 v20, $0x4  }
0x177: {  	v20 =	vor.u32 v4, v20;
	_ =	sdelay $0x2  }
0x178: {  	v54 =	vperm.xlane v19, v8;
	v22 =	vmax.f32 v22, v23  }
0x179: {  	[tilespmem:v21+s15+$0x0] =	vst.idx.msk $0xffff, v22  }
0x17a: {  	v21 =	vsub.s32 v54, v0;
	v22 =	vld.idx.msk [tilespmem:v20+s15+$0x0], $0xffff  }
0x17b: {  	v21 =	vmin.u32 v21, $0x1388;
	v23 =	vld [tilespmem:s21+$0xFFFFFF50]  }
0x17c: {  	v21 =	vshll.u32 v21, $0x4  }
0x17d: {  	v21 =	vor.u32 v4, v21;
	_ =	sdelay $0x2  }
0x17e: {  	v55 =	vperm.xlane v19, v9;
	v22 =	vmax.f32 v22, v23  }
0x17f: {  	[tilespmem:v20+s15+$0x0] =	vst.idx.msk $0xffff, v22  }
0x180: {  	v20 =	vsub.s32 v55, v0;
	v22 =	vld.idx.msk [tilespmem:v21+s15+$0x0], $0xffff  }
0x181: {  	v20 =	vmin.u32 v20, $0x1388;
	v23 =	vld [tilespmem:s21+$0xFFFFFF60]  }
0x182: {  	v20 =	vshll.u32 v20, $0x4  }
0x183: {  	v20 =	vor.u32 v4, v20;
	_ =	sdelay $0x2  }
0x184: {  	v56 =	vperm.xlane v19, v10;
	v22 =	vmax.f32 v22, v23  }
0x185: {  	[tilespmem:v21+s15+$0x0] =	vst.idx.msk $0xffff, v22  }
0x186: {  	v21 =	vsub.s32 v56, v0;
	v22 =	vld.idx.msk [tilespmem:v20+s15+$0x0], $0xffff  }
0x187: {  	v21 =	vmin.u32 v21, $0x1388;
	v23 =	vld [tilespmem:s21+$0xFFFFFF70]  }
0x188: {  	v21 =	vshll.u32 v21, $0x4  }
0x189: {  	v21 =	vor.u32 v4, v21;
	_ =	sdelay $0x2  }
0x18a: {  	v57 =	vperm.xlane v19, v11;
	v22 =	vmax.f32 v22, v23  }
0x18b: {  	[tilespmem:v20+s15+$0x0] =	vst.idx.msk $0xffff, v22  }
0x18c: {  	v20 =	vsub.s32 v57, v0;
	v22 =	vld.idx.msk [tilespmem:v21+s15+$0x0], $0xffff  }
0x18d: {  	v20 =	vmin.u32 v20, $0x1388;
	v23 =	vld [tilespmem:s21+$0xFFFFFF80]  }
0x18e: {  	v20 =	vshll.u32 v20, $0x4  }
0x18f: {  	v20 =	vor.u32 v4, v20;
	_ =	sdelay $0x2  }
0x190: {  	v58 =	vperm.xlane v19, v12;
	v22 =	vmax.f32 v22, v23  }
0x191: {  	[tilespmem:v21+s15+$0x0] =	vst.idx.msk $0xffff, v22  }
0x192: {  	v21 =	vsub.s32 v58, v0;
	v22 =	vld.idx.msk [tilespmem:v20+s15+$0x0], $0xffff  }
0x193: {  	v21 =	vmin.u32 v21, $0x1388;
	v23 =	vld [tilespmem:s21+$0xFFFFFF90]  }
0x194: {  	v21 =	vshll.u32 v21, $0x4  }
0x195: {  	v21 =	vor.u32 v4, v21;
	_ =	sdelay $0x2  }
0x196: {  	v59 =	vperm.xlane v19, v13;
	v22 =	vmax.f32 v22, v23  }
0x197: {  	[tilespmem:v20+s15+$0x0] =	vst.idx.msk $0xffff, v22  }
0x198: {  	v20 =	vsub.s32 v59, v0;
	v22 =	vld.idx.msk [tilespmem:v21+s15+$0x0], $0xffff  }
0x199: {  	v20 =	vmin.u32 v20, $0x1388;
	v23 =	vld [tilespmem:s21+$0xFFFFFFA0]  }
0x19a: {  	v20 =	vshll.u32 v20, $0x4  }
0x19b: {  	v20 =	vor.u32 v4, v20;
	_ =	sdelay $0x2  }
0x19c: {  	v60 =	vperm.xlane v19, v14;
	v22 =	vmax.f32 v22, v23  }
0x19d: {  	[tilespmem:v21+s15+$0x0] =	vst.idx.msk $0xffff, v22  }
0x19e: {  	v21 =	vsub.s32 v60, v0;
	v22 =	vld.idx.msk [tilespmem:v20+s15+$0x0], $0xffff  }
0x19f: {  	v21 =	vmin.u32 v21, $0x1388;
	v23 =	vld [tilespmem:s21+$0xFFFFFFB0]  }
0x1a0: {  	v21 =	vshll.u32 v21, $0x4  }
0x1a1: {  	v21 =	vor.u32 v4, v21;
	_ =	sdelay $0x2  }
0x1a2: {  	v61 =	vperm.xlane v19, v15;
	v22 =	vmax.f32 v22, v23  }
0x1a3: {  	[tilespmem:v20+s15+$0x0] =	vst.idx.msk $0xffff, v22  }
0x1a4: {  	v20 =	vsub.s32 v61, v0;
	v22 =	vld.idx.msk [tilespmem:v21+s15+$0x0], $0xffff  }
0x1a5: {  	v20 =	vmin.u32 v20, $0x1388;
	v23 =	vld [tilespmem:s21+$0xFFFFFFC0]  }
0x1a6: {  	v20 =	vshll.u32 v20, $0x4  }
0x1a7: {  	v20 =	vor.u32 v4, v20;
	_ =	sdelay $0x2  }
0x1a8: {  	v62 =	vperm.xlane v19, v16;
	v22 =	vmax.f32 v22, v23  }
0x1a9: {  	[tilespmem:v21+s15+$0x0] =	vst.idx.msk $0xffff, v22  }
0x1aa: {  	v21 =	vsub.s32 v62, v0;
	v22 =	vld.idx.msk [tilespmem:v20+s15+$0x0], $0xffff  }
0x1ab: {  	v21 =	vmin.u32 v21, $0x1388;
	v23 =	vld [tilespmem:s21+$0xFFFFFFD0]  }
0x1ac: {  	v21 =	vshll.u32 v21, $0x4  }
0x1ad: {  	v21 =	vor.u32 v4, v21;
	_ =	sdelay $0x2  }
0x1ae: {  	v63 =	vperm.xlane v19, v17;
	v22 =	vmax.f32 v22, v23  }
0x1af: {  	[tilespmem:v20+s15+$0x0] =	vst.idx.msk $0xffff, v22  }
0x1b0: {  	v20 =	vsub.s32 v63, v0;
	v22 =	vld.idx.msk [tilespmem:v21+s15+$0x0], $0xffff  }
0x1b1: {  	v20 =	vmin.u32 v20, $0x1388;
	v23 =	vld [tilespmem:s21+$0xFFFFFFE0]  }
0x1b2: {  	v20 =	vshll.u32 v20, $0x4  }
0x1b3: {  	v20 =	vor.u32 v4, v20;
	_ =	sdelay $0x2  }
0x1b4: {  	v19 =	vperm.xlane v19, v18;
	v22 =	vmax.f32 v22, v23  }
0x1b5: {  	[tilespmem:v21+s15+$0x0] =	vst.idx.msk $0xffff, v22  }
0x1b6: {  	v19 =	vsub.s32 v19, v0;
	v21 =	vld.idx.msk [tilespmem:v20+s15+$0x0], $0xffff  }
0x1b7: {  	v19 =	vmin.u32 v19, $0x1388;
	v22 =	vld [tilespmem:s21+$0xFFFFFFF0]  }
0x1b8: {  	v19 =	vshll.u32 v19, $0x4  }
0x1b9: {  	v19 =	vor.u32 v4, v19;
	_ =	sdelay $0x2  }
0x1ba: {  	v21 =	vmax.f32 v21, v22  }
0x1bb: {  	[tilespmem:v20+s15+$0x0] =	vst.idx.msk $0xffff, v21  }
0x1bc: {  	v20 =	vld.idx.msk [tilespmem:v19+s15+$0x0], $0xffff  }
0x1bd: {  	v21 =	vld [tilespmem:s21+$0x0];
	_ =	sdelay $0x4  }
0x1be: {  	s24 =	simm.s32 $0x80;
	s22 =	simm.s32 $0x40;
	v20 =	vmax.f32 v20, v21  }
.LBB2_7:
0x1bf: {  	s25 =	sshra.s32 s22, $0x2  }
0x1c0: {  	[tilespmem:v19+s15+$0x0] =	vst.idx.msk $0xffff, v20;
	s21 =	sadd.s32 $0x100, s21;
	s22 =	smov.u32 s24;
	s23 =	sadd.s32 $0x40, s24  }
0x1c1: {  	p0 =	sne.s32 s24, $0xC40;
	v19 =	vld [tilespmem:s25+$0x320];
	_ =	sdelay $0x4  }
0x1c2: {  	v20 =	vperm.xlane v19, v2;
	v21 =	vperm.xlane v19, v5  }
0x1c3: {  	v22 =	vperm.xlane v19, v6;
	v23 =	vperm.xlane v19, v7  }
0x1c4: {  	v24 =	vperm.xlane v19, v3;
	v20 =	vsub.s32 v20, v0;
	v21 =	vsub.s32 v21, v0  }
0x1c5: {  	v22 =	vsub.s32 v22, v0;
	v20 =	vmin.u32 v20, $0x1388;
	v21 =	vmin.u32 v21, $0x1388  }
0x1c6: {  	v22 =	vmin.u32 v22, $0x1388;
	v20 =	vshll.u32 v20, $0x4;
	v21 =	vshll.u32 v21, $0x4  }
0x1c7: {  	v25 =	vshll.u32 v22, $0x4;
	v22 =	vsub.s32 v23, v0;
	v20 =	vor.u32 v4, v20  }
0x1c8: {  	v23 =	vsub.s32 v24, v0;
	v24 =	vperm.xlane v19, v8;
	v22 =	vmin.u32 v22, $0x1388  }
0x1c9: {  	v26 =	vshll.u32 v22, $0x4;
	v22 =	vmin.u32 v23, $0x1388;
	v23 =	vperm.xlane v19, v9  }
0x1ca: {  	v27 =	vshll.u32 v22, $0x4;
	v22 =	vsub.s32 v24, v0;
	v24 =	vperm.xlane v19, v10  }
0x1cb: {  	v28 =	vperm.xlane v19, v11;
	v22 =	vmin.u32 v22, $0x1388;
	v23 =	vsub.s32 v23, v0  }
0x1cc: {  	v30 =	vshll.u32 v22, $0x4;
	v22 =	vmin.u32 v23, $0x1388;
	v23 =	vsub.s32 v24, v0;
	v29 =	vld.idx.msk [tilespmem:v20+s15+$0x0], $0xffff  }
0x1cd: {  	v31 =	vshll.u32 v22, $0x4;
	v22 =	vmin.u32 v23, $0x1388;
	v23 =	vsub.s32 v28, v0;
	v24 =	vld [tilespmem:s21+$0xFFFFFF10]  }
0x1ce: {  	v28 =	vshll.u32 v22, $0x4;
	v22 =	vmin.u32 v23, $0x1388;
	v23 =	vperm.xlane v19, v12  }
0x1cf: {  	v32 =	vor.u32 v4, v21;
	v21 =	vperm.xlane v19, v13;
	v33 =	vshll.u32 v22, $0x4  }
0x1d0: {  	v34 =	vperm.xlane v19, v15;
	v22 =	vsub.s32 v23, v0;
	v23 =	vperm.xlane v19, v14  }
0x1d1: {  	v35 =	vperm.xlane v19, v16;
	v21 =	vsub.s32 v21, v0;
	v22 =	vmin.u32 v22, $0x1388  }
0x1d2: {  	v21 =	vmin.u32 v21, $0x1388;
	v24 =	vmax.f32 v29, v24;
	v29 =	vshll.u32 v22, $0x4  }
0x1d3: {  	[tilespmem:v20+s15+$0x0] =	vst.idx.msk $0xffff, v24;
	v24 =	vshll.u32 v21, $0x4;
	v20 =	vsub.s32 v23, v0;
	v21 =	vsub.s32 v34, v0  }
0x1d4: {  	v35 =	vsub.s32 v35, v0;
	v34 =	vld.idx.msk [tilespmem:v32+s15+$0x0], $0xffff;
	v20 =	vmin.u32 v20, $0x1388;
	v21 =	vmin.u32 v21, $0x1388  }
0x1d5: {  	v36 =	vld [tilespmem:s21+$0xFFFFFF20];
	v23 =	vshll.u32 v20, $0x4;
	v22 =	vshll.u32 v21, $0x4;
	v20 =	vmin.u32 v35, $0x1388  }
0x1d6: {  	v21 =	vperm.xlane v19, v17;
	v19 =	vperm.xlane v19, v18;
	v20 =	vshll.u32 v20, $0x4  }
0x1d7: {  	v25 =	vor.u32 v4, v25  }
0x1d8: {  	v21 =	vsub.s32 v21, v0;
	v19 =	vsub.s32 v19, v0  }
0x1d9: {  	v21 =	vmin.u32 v21, $0x1388;
	v19 =	vmin.u32 v19, $0x1388  }
0x1da: {  	v21 =	vshll.u32 v21, $0x4;
	v19 =	vshll.u32 v19, $0x4;
	v34 =	vmax.f32 v34, v36  }
0x1db: {  	[tilespmem:v32+s15+$0x0] =	vst.idx.msk $0xffff, v34  }
0x1dc: {  	v32 =	vld.idx.msk [tilespmem:v25+s15+$0x0], $0xffff  }
0x1dd: {  	v34 =	vld [tilespmem:s21+$0xFFFFFF30];
	_ =	sdelay $0x1  }
0x1de: {  	v26 =	vor.u32 v4, v26;
	_ =	sdelay $0x2  }
0x1df: {  	v32 =	vmax.f32 v32, v34  }
0x1e0: {  	[tilespmem:v25+s15+$0x0] =	vst.idx.msk $0xffff, v32  }
0x1e1: {  	v25 =	vld.idx.msk [tilespmem:v26+s15+$0x0], $0xffff  }
0x1e2: {  	v32 =	vld [tilespmem:s21+$0xFFFFFF40];
	_ =	sdelay $0x1  }
0x1e3: {  	v27 =	vor.u32 v4, v27;
	_ =	sdelay $0x2  }
0x1e4: {  	v25 =	vmax.f32 v25, v32  }
0x1e5: {  	[tilespmem:v26+s15+$0x0] =	vst.idx.msk $0xffff, v25  }
0x1e6: {  	v25 =	vld.idx.msk [tilespmem:v27+s15+$0x0], $0xffff  }
0x1e7: {  	v26 =	vld [tilespmem:s21+$0xFFFFFF50];
	_ =	sdelay $0x1  }
0x1e8: {  	v30 =	vor.u32 v4, v30;
	_ =	sdelay $0x2  }
0x1e9: {  	v25 =	vmax.f32 v25, v26  }
0x1ea: {  	[tilespmem:v27+s15+$0x0] =	vst.idx.msk $0xffff, v25  }
0x1eb: {  	v25 =	vld.idx.msk [tilespmem:v30+s15+$0x0], $0xffff  }
0x1ec: {  	v26 =	vld [tilespmem:s21+$0xFFFFFF60];
	_ =	sdelay $0x1  }
0x1ed: {  	v27 =	vor.u32 v4, v31;
	_ =	sdelay $0x2  }
0x1ee: {  	v25 =	vmax.f32 v25, v26  }
0x1ef: {  	[tilespmem:v30+s15+$0x0] =	vst.idx.msk $0xffff, v25  }
0x1f0: {  	v25 =	vld.idx.msk [tilespmem:v27+s15+$0x0], $0xffff  }
0x1f1: {  	v26 =	vld [tilespmem:s21+$0xFFFFFF70];
	_ =	sdelay $0x1  }
0x1f2: {  	v28 =	vor.u32 v4, v28;
	_ =	sdelay $0x2  }
0x1f3: {  	v25 =	vmax.f32 v25, v26  }
0x1f4: {  	[tilespmem:v27+s15+$0x0] =	vst.idx.msk $0xffff, v25  }
0x1f5: {  	v25 =	vld.idx.msk [tilespmem:v28+s15+$0x0], $0xffff  }
0x1f6: {  	v26 =	vld [tilespmem:s21+$0xFFFFFF80];
	_ =	sdelay $0x1  }
0x1f7: {  	v27 =	vor.u32 v4, v33;
	_ =	sdelay $0x2  }
0x1f8: {  	v25 =	vmax.f32 v25, v26  }
0x1f9: {  	[tilespmem:v28+s15+$0x0] =	vst.idx.msk $0xffff, v25  }
0x1fa: {  	v25 =	vld.idx.msk [tilespmem:v27+s15+$0x0], $0xffff  }
0x1fb: {  	v26 =	vld [tilespmem:s21+$0xFFFFFF90];
	_ =	sdelay $0x1  }
0x1fc: {  	v28 =	vor.u32 v4, v29;
	_ =	sdelay $0x2  }
0x1fd: {  	v25 =	vmax.f32 v25, v26  }
0x1fe: {  	[tilespmem:v27+s15+$0x0] =	vst.idx.msk $0xffff, v25  }
0x1ff: {  	v25 =	vld.idx.msk [tilespmem:v28+s15+$0x0], $0xffff  }
0x200: {  	v26 =	vld [tilespmem:s21+$0xFFFFFFA0];
	_ =	sdelay $0x1  }
0x201: {  	v24 =	vor.u32 v4, v24;
	_ =	sdelay $0x2  }
0x202: {  	v25 =	vmax.f32 v25, v26  }
0x203: {  	[tilespmem:v28+s15+$0x0] =	vst.idx.msk $0xffff, v25  }
0x204: {  	v25 =	vld.idx.msk [tilespmem:v24+s15+$0x0], $0xffff  }
0x205: {  	v26 =	vld [tilespmem:s21+$0xFFFFFFB0];
	_ =	sdelay $0x1  }
0x206: {  	v23 =	vor.u32 v4, v23;
	_ =	sdelay $0x2  }
0x207: {  	v25 =	vmax.f32 v25, v26  }
0x208: {  	[tilespmem:v24+s15+$0x0] =	vst.idx.msk $0xffff, v25  }
0x209: {  	v24 =	vld.idx.msk [tilespmem:v23+s15+$0x0], $0xffff  }
0x20a: {  	v25 =	vld [tilespmem:s21+$0xFFFFFFC0];
	_ =	sdelay $0x1  }
0x20b: {  	v22 =	vor.u32 v4, v22;
	_ =	sdelay $0x2  }
0x20c: {  	v24 =	vmax.f32 v24, v25  }
0x20d: {  	[tilespmem:v23+s15+$0x0] =	vst.idx.msk $0xffff, v24  }
0x20e: {  	v23 =	vld.idx.msk [tilespmem:v22+s15+$0x0], $0xffff  }
0x20f: {  	v24 =	vld [tilespmem:s21+$0xFFFFFFD0];
	_ =	sdelay $0x1  }
0x210: {  	v20 =	vor.u32 v4, v20;
	_ =	sdelay $0x2  }
0x211: {  	v23 =	vmax.f32 v23, v24  }
0x212: {  	[tilespmem:v22+s15+$0x0] =	vst.idx.msk $0xffff, v23  }
0x213: {  	v22 =	vld.idx.msk [tilespmem:v20+s15+$0x0], $0xffff  }
0x214: {  	v23 =	vld [tilespmem:s21+$0xFFFFFFE0];
	_ =	sdelay $0x1  }
0x215: {  	v21 =	vor.u32 v4, v21;
	_ =	sdelay $0x2  }
0x216: {  	v22 =	vmax.f32 v22, v23  }
0x217: {  	[tilespmem:v20+s15+$0x0] =	vst.idx.msk $0xffff, v22  }
0x218: {  	v20 =	vld.idx.msk [tilespmem:v21+s15+$0x0], $0xffff  }
0x219: {  	v22 =	vld [tilespmem:s21+$0xFFFFFFF0];
	_ =	sdelay $0x1  }
0x21a: {  	v19 =	vor.u32 v4, v19;
	_ =	sdelay $0x2  }
0x21b: {  	v20 =	vmax.f32 v20, v22  }
0x21c: {  	[tilespmem:v21+s15+$0x0] =	vst.idx.msk $0xffff, v20  }
0x21d: {  	v20 =	vld.idx.msk [tilespmem:v19+s15+$0x0], $0xffff  }
0x21e: {  	v21 =	vld [tilespmem:s21+$0x0]  }
.Ltmp2:
0x21f: {  	(pc) =	sbr.rel @p0 .LBB2_7-.Ltmp2, $2  }
0x220: {  	_ =	sdelay $0x2  }
0x221: {  	s24 =	smov.u32 s23;
	v20 =	vmax.f32 v20, v21  }
0x222: {  	_ =	sdelay $0x3  }
0x223: {  	s22 =	sshra.s32 s22, $0x2;
	[tilespmem:v19+s15+$0x0] =	vst.idx.msk $0xffff, v20  }
0x224: {  	v19 =	vld [tilespmem:s22+$0x320];
	_ =	sdelay $0x4  }
0x225: {  	v20 =	vperm.xlane v19, v2;
	_ =	sdelay $0x1  }
0x226: {  	v20 =	vsub.s32 v20, v0  }
0x227: {  	v20 =	vmin.u32 v20, $0x1388  }
0x228: {  	v20 =	vshll.u32 v20, $0x4  }
0x229: {  	v20 =	vor.u32 v4, v20;
	_ =	sdelay $0x1  }
0x22a: {  	v21 =	vperm.xlane v19, v5  }
0x22b: {  	s21 =	sadd.s32 $0x100, s21  }
0x22c: {  	v23 =	vld [tilespmem:s21+$0xFFFFFF10];
	v21 =	vsub.s32 v21, v0  }
0x22d: {  	v21 =	vmin.u32 v21, $0x1388;
	v22 =	vld.idx.msk [tilespmem:v20+s15+$0x0], $0xffff  }
0x22e: {  	v21 =	vshll.u32 v21, $0x4  }
0x22f: {  	v21 =	vor.u32 v4, v21;
	_ =	sdelay $0x2  }
0x230: {  	v24 =	vperm.xlane v19, v6;
	v22 =	vmax.f32 v22, v23  }
0x231: {  	[tilespmem:v20+s15+$0x0] =	vst.idx.msk $0xffff, v22  }
0x232: {  	v20 =	vsub.s32 v24, v0;
	v22 =	vld.idx.msk [tilespmem:v21+s15+$0x0], $0xffff  }
0x233: {  	v20 =	vmin.u32 v20, $0x1388;
	v33 =	vld [tilespmem:s21+$0xFFFFFF20]  }
0x234: {  	v20 =	vshll.u32 v20, $0x4  }
0x235: {  	v20 =	vor.u32 v4, v20;
	_ =	sdelay $0x2  }
0x236: {  	v34 =	vperm.xlane v19, v7;
	v22 =	vmax.f32 v22, v33  }
0x237: {  	[tilespmem:v21+s15+$0x0] =	vst.idx.msk $0xffff, v22  }
0x238: {  	v35 =	vsub.s32 v34, v0;
	v22 =	vld.idx.msk [tilespmem:v20+s15+$0x0], $0xffff  }
0x239: {  	v21 =	vmin.u32 v35, $0x1388;
	v36 =	vld [tilespmem:s21+$0xFFFFFF30]  }
0x23a: {  	v21 =	vshll.u32 v21, $0x4  }
0x23b: {  	v21 =	vor.u32 v4, v21;
	_ =	sdelay $0x2  }
0x23c: {  	v37 =	vperm.xlane v19, v3;
	v22 =	vmax.f32 v22, v36  }
0x23d: {  	[tilespmem:v20+s15+$0x0] =	vst.idx.msk $0xffff, v22  }
0x23e: {  	v20 =	vsub.s32 v37, v0;
	v22 =	vld.idx.msk [tilespmem:v21+s15+$0x0], $0xffff  }
0x23f: {  	v20 =	vmin.u32 v20, $0x1388;
	v38 =	vld [tilespmem:s21+$0xFFFFFF40]  }
0x240: {  	v20 =	vshll.u32 v20, $0x4  }
0x241: {  	v20 =	vor.u32 v4, v20;
	_ =	sdelay $0x2  }
0x242: {  	v39 =	vperm.xlane v19, v8;
	v22 =	vmax.f32 v22, v38  }
0x243: {  	[tilespmem:v21+s15+$0x0] =	vst.idx.msk $0xffff, v22  }
0x244: {  	v40 =	vsub.s32 v39, v0;
	v22 =	vld.idx.msk [tilespmem:v20+s15+$0x0], $0xffff  }
0x245: {  	v21 =	vmin.u32 v40, $0x1388;
	v41 =	vld [tilespmem:s21+$0xFFFFFF50]  }
0x246: {  	v21 =	vshll.u32 v21, $0x4  }
0x247: {  	v21 =	vor.u32 v4, v21;
	_ =	sdelay $0x2  }
0x248: {  	v42 =	vperm.xlane v19, v9;
	v22 =	vmax.f32 v22, v41  }
0x249: {  	[tilespmem:v20+s15+$0x0] =	vst.idx.msk $0xffff, v22  }
0x24a: {  	v20 =	vsub.s32 v42, v0;
	v22 =	vld.idx.msk [tilespmem:v21+s15+$0x0], $0xffff  }
0x24b: {  	v20 =	vmin.u32 v20, $0x1388;
	v43 =	vld [tilespmem:s21+$0xFFFFFF60]  }
0x24c: {  	v20 =	vshll.u32 v20, $0x4  }
0x24d: {  	v20 =	vor.u32 v4, v20;
	_ =	sdelay $0x2  }
0x24e: {  	v44 =	vperm.xlane v19, v10;
	v22 =	vmax.f32 v22, v43  }
0x24f: {  	[tilespmem:v21+s15+$0x0] =	vst.idx.msk $0xffff, v22  }
0x250: {  	v45 =	vsub.s32 v44, v0;
	v22 =	vld.idx.msk [tilespmem:v20+s15+$0x0], $0xffff  }
0x251: {  	v21 =	vmin.u32 v45, $0x1388;
	v46 =	vld [tilespmem:s21+$0xFFFFFF70]  }
0x252: {  	v21 =	vshll.u32 v21, $0x4  }
0x253: {  	v21 =	vor.u32 v4, v21;
	_ =	sdelay $0x2  }
0x254: {  	v47 =	vperm.xlane v19, v11;
	v22 =	vmax.f32 v22, v46  }
0x255: {  	[tilespmem:v20+s15+$0x0] =	vst.idx.msk $0xffff, v22  }
0x256: {  	v20 =	vsub.s32 v47, v0;
	v22 =	vld.idx.msk [tilespmem:v21+s15+$0x0], $0xffff  }
0x257: {  	v20 =	vmin.u32 v20, $0x1388;
	v48 =	vld [tilespmem:s21+$0xFFFFFF80]  }
0x258: {  	v20 =	vshll.u32 v20, $0x4  }
0x259: {  	v20 =	vor.u32 v4, v20;
	_ =	sdelay $0x2  }
0x25a: {  	v49 =	vperm.xlane v19, v12;
	v22 =	vmax.f32 v22, v48  }
0x25b: {  	[tilespmem:v21+s15+$0x0] =	vst.idx.msk $0xffff, v22  }
0x25c: {  	v50 =	vsub.s32 v49, v0;
	v22 =	vld.idx.msk [tilespmem:v20+s15+$0x0], $0xffff  }
0x25d: {  	v21 =	vmin.u32 v50, $0x1388;
	v51 =	vld [tilespmem:s21+$0xFFFFFF90]  }
0x25e: {  	v21 =	vshll.u32 v21, $0x4  }
0x25f: {  	v21 =	vor.u32 v4, v21;
	_ =	sdelay $0x2  }
0x260: {  	v52 =	vperm.xlane v19, v13;
	v22 =	vmax.f32 v22, v51  }
0x261: {  	[tilespmem:v20+s15+$0x0] =	vst.idx.msk $0xffff, v22  }
0x262: {  	v20 =	vsub.s32 v52, v0;
	v22 =	vld.idx.msk [tilespmem:v21+s15+$0x0], $0xffff  }
0x263: {  	v20 =	vmin.u32 v20, $0x1388;
	v53 =	vld [tilespmem:s21+$0xFFFFFFA0]  }
0x264: {  	v20 =	vshll.u32 v20, $0x4  }
0x265: {  	v20 =	vor.u32 v4, v20;
	_ =	sdelay $0x2  }
0x266: {  	v54 =	vperm.xlane v19, v14;
	v22 =	vmax.f32 v22, v53  }
0x267: {  	[tilespmem:v21+s15+$0x0] =	vst.idx.msk $0xffff, v22  }
0x268: {  	v55 =	vsub.s32 v54, v0;
	v22 =	vld.idx.msk [tilespmem:v20+s15+$0x0], $0xffff  }
0x269: {  	v21 =	vmin.u32 v55, $0x1388;
	v56 =	vld [tilespmem:s21+$0xFFFFFFB0]  }
0x26a: {  	v21 =	vshll.u32 v21, $0x4  }
0x26b: {  	v21 =	vor.u32 v4, v21;
	_ =	sdelay $0x2  }
0x26c: {  	v57 =	vperm.xlane v19, v15;
	v22 =	vmax.f32 v22, v56  }
0x26d: {  	[tilespmem:v20+s15+$0x0] =	vst.idx.msk $0xffff, v22  }
0x26e: {  	v20 =	vsub.s32 v57, v0;
	v22 =	vld.idx.msk [tilespmem:v21+s15+$0x0], $0xffff  }
0x26f: {  	v20 =	vmin.u32 v20, $0x1388;
	v58 =	vld [tilespmem:s21+$0xFFFFFFC0]  }
0x270: {  	v20 =	vshll.u32 v20, $0x4  }
0x271: {  	v20 =	vor.u32 v4, v20;
	_ =	sdelay $0x2  }
0x272: {  	v59 =	vperm.xlane v19, v16;
	v22 =	vmax.f32 v22, v58  }
0x273: {  	[tilespmem:v21+s15+$0x0] =	vst.idx.msk $0xffff, v22  }
0x274: {  	v60 =	vsub.s32 v59, v0;
	v22 =	vld.idx.msk [tilespmem:v20+s15+$0x0], $0xffff  }
0x275: {  	v21 =	vmin.u32 v60, $0x1388;
	v61 =	vld [tilespmem:s21+$0xFFFFFFD0]  }
0x276: {  	v21 =	vshll.u32 v21, $0x4  }
0x277: {  	v21 =	vor.u32 v4, v21;
	_ =	sdelay $0x2  }
0x278: {  	v62 =	vperm.xlane v19, v17;
	v22 =	vmax.f32 v22, v61  }
0x279: {  	[tilespmem:v20+s15+$0x0] =	vst.idx.msk $0xffff, v22  }
0x27a: {  	v20 =	vsub.s32 v62, v0;
	v22 =	vld.idx.msk [tilespmem:v21+s15+$0x0], $0xffff  }
0x27b: {  	v20 =	vmin.u32 v20, $0x1388;
	v63 =	vld [tilespmem:s21+$0xFFFFFFE0]  }
0x27c: {  	v20 =	vshll.u32 v20, $0x4  }
0x27d: {  	v20 =	vor.u32 v4, v20;
	_ =	sdelay $0x2  }
0x27e: {  	v19 =	vperm.xlane v19, v18;
	v22 =	vmax.f32 v22, v63  }
0x27f: {  	[tilespmem:v21+s15+$0x0] =	vst.idx.msk $0xffff, v22  }
0x280: {  	v19 =	vsub.s32 v19, v0;
	v21 =	vld.idx.msk [tilespmem:v20+s15+$0x0], $0xffff  }
0x281: {  	v19 =	vmin.u32 v19, $0x1388;
	v22 =	vld [tilespmem:s21+$0xFFFFFFF0]  }
0x282: {  	v19 =	vshll.u32 v19, $0x4  }
0x283: {  	v19 =	vor.u32 v4, v19;
	_ =	sdelay $0x2  }
0x284: {  	v21 =	vmax.f32 v21, v22  }
0x285: {  	[tilespmem:v20+s15+$0x0] =	vst.idx.msk $0xffff, v21  }
0x286: {  	v20 =	vld.idx.msk [tilespmem:v19+s15+$0x0], $0xffff  }
0x287: {  	s20 =	sadd.s32 $0x1, s20;
	v21 =	vld [tilespmem:s21+$0x0]  }
0x288: {  	p0 =	sne.s32 s20, $0xC  }
.Ltmp3:
0x289: {  	_ = 	snop;
	(pc) =	sbr.rel @p0 .LBB2_4-.Ltmp3, $3  }
0x28a: {  	_ =	sdelay $0x1  }
0x28b: {  	v20 =	vmax.f32 v20, v21  }
0x28c: {  	[tilespmem:v19+s15+$0x0] =	vst.idx.msk $0xffff, v20  }
0x28d: {  	_ =	swait.ge [sflag:s5], $0x320  }
0x28e: {  	[sflag:s5] =	ssyncset.done $0x0  }
0x28f: {  	[sflag:s5] =	ssyncadd.s32 $0xFFFFFCE0  }
0x290: {  	_ =	swait.ge [sflag:s5], $0x3200  }
0x291: {  	[sflag:s5] =	ssyncset.done $0x0  }
0x292: {  	s19 =	simm.s32 $0x0;
	[sflag:s5] =	ssyncadd.s32 $0xFFFFCE00  }
0x293: {  	v19 =	vld [tilespmem:s19+$0x0];
	_ =	sdelay $0x4  }
0x294: {  	v20 =	vperm.xlane v19, v2;
	_ =	sdelay $0x1  }
0x295: {  	v20 =	vsub.s32 v20, v0  }
0x296: {  	v20 =	vmin.u32 v20, $0x1388  }
0x297: {  	v20 =	vshll.u32 v20, $0x4  }
0x298: {  	v20 =	vor.u32 v4, v20;
	_ =	sdelay $0x1  }
0x299: {  	v21 =	vperm.xlane v19, v5  }
0x29a: {  	s19 =	simm.s32 $0x6C0  }
0x29b: {  	v23 =	vld [tilespmem:s19+$0xFFFFFF80];
	v21 =	vsub.s32 v21, v0  }
0x29c: {  	v21 =	vmin.u32 v21, $0x1388;
	v22 =	vld.idx.msk [tilespmem:v20+s15+$0x0], $0xffff  }
0x29d: {  	v21 =	vshll.u32 v21, $0x4  }
0x29e: {  	v21 =	vor.u32 v4, v21;
	_ =	sdelay $0x2  }
0x29f: {  	v24 =	vperm.xlane v19, v6;
	v22 =	vmax.f32 v22, v23  }
0x2a0: {  	[tilespmem:v20+s15+$0x0] =	vst.idx.msk $0xffff, v22  }
0x2a1: {  	v20 =	vsub.s32 v24, v0;
	v22 =	vld.idx.msk [tilespmem:v21+s15+$0x0], $0xffff  }
0x2a2: {  	v20 =	vmin.u32 v20, $0x1388;
	v23 =	vld [tilespmem:s19+$0xFFFFFF90]  }
0x2a3: {  	v20 =	vshll.u32 v20, $0x4  }
0x2a4: {  	v20 =	vor.u32 v4, v20;
	_ =	sdelay $0x2  }
0x2a5: {  	v52 =	vperm.xlane v19, v7;
	v22 =	vmax.f32 v22, v23  }
0x2a6: {  	[tilespmem:v21+s15+$0x0] =	vst.idx.msk $0xffff, v22  }
0x2a7: {  	v21 =	vsub.s32 v52, v0;
	v22 =	vld.idx.msk [tilespmem:v20+s15+$0x0], $0xffff  }
0x2a8: {  	v21 =	vmin.u32 v21, $0x1388;
	v23 =	vld [tilespmem:s19+$0xFFFFFFA0]  }
0x2a9: {  	v21 =	vshll.u32 v21, $0x4  }
0x2aa: {  	v21 =	vor.u32 v4, v21;
	_ =	sdelay $0x2  }
0x2ab: {  	v53 =	vperm.xlane v19, v3;
	v22 =	vmax.f32 v22, v23  }
0x2ac: {  	[tilespmem:v20+s15+$0x0] =	vst.idx.msk $0xffff, v22  }
0x2ad: {  	v20 =	vsub.s32 v53, v0;
	v22 =	vld.idx.msk [tilespmem:v21+s15+$0x0], $0xffff  }
0x2ae: {  	v20 =	vmin.u32 v20, $0x1388;
	v23 =	vld [tilespmem:s19+$0xFFFFFFB0]  }
0x2af: {  	v20 =	vshll.u32 v20, $0x4  }
0x2b0: {  	v20 =	vor.u32 v4, v20;
	_ =	sdelay $0x2  }
0x2b1: {  	v54 =	vperm.xlane v19, v8;
	v22 =	vmax.f32 v22, v23  }
0x2b2: {  	[tilespmem:v21+s15+$0x0] =	vst.idx.msk $0xffff, v22  }
0x2b3: {  	v21 =	vsub.s32 v54, v0;
	v22 =	vld.idx.msk [tilespmem:v20+s15+$0x0], $0xffff  }
0x2b4: {  	v21 =	vmin.u32 v21, $0x1388;
	v23 =	vld [tilespmem:s19+$0xFFFFFFC0]  }
0x2b5: {  	v21 =	vshll.u32 v21, $0x4  }
0x2b6: {  	v21 =	vor.u32 v4, v21;
	_ =	sdelay $0x2  }
0x2b7: {  	v55 =	vperm.xlane v19, v9;
	v22 =	vmax.f32 v22, v23  }
0x2b8: {  	[tilespmem:v20+s15+$0x0] =	vst.idx.msk $0xffff, v22  }
0x2b9: {  	v20 =	vsub.s32 v55, v0;
	v22 =	vld.idx.msk [tilespmem:v21+s15+$0x0], $0xffff  }
0x2ba: {  	v20 =	vmin.u32 v20, $0x1388;
	v23 =	vld [tilespmem:s19+$0xFFFFFFD0]  }
0x2bb: {  	v20 =	vshll.u32 v20, $0x4  }
0x2bc: {  	v20 =	vor.u32 v4, v20;
	_ =	sdelay $0x2  }
0x2bd: {  	v56 =	vperm.xlane v19, v10;
	v22 =	vmax.f32 v22, v23  }
0x2be: {  	[tilespmem:v21+s15+$0x0] =	vst.idx.msk $0xffff, v22  }
0x2bf: {  	v21 =	vsub.s32 v56, v0;
	v22 =	vld.idx.msk [tilespmem:v20+s15+$0x0], $0xffff  }
0x2c0: {  	v21 =	vmin.u32 v21, $0x1388;
	v23 =	vld [tilespmem:s19+$0xFFFFFFE0]  }
0x2c1: {  	v21 =	vshll.u32 v21, $0x4  }
0x2c2: {  	v21 =	vor.u32 v4, v21;
	_ =	sdelay $0x2  }
0x2c3: {  	v57 =	vperm.xlane v19, v11;
	v22 =	vmax.f32 v22, v23  }
0x2c4: {  	[tilespmem:v20+s15+$0x0] =	vst.idx.msk $0xffff, v22  }
0x2c5: {  	v20 =	vsub.s32 v57, v0;
	v22 =	vld.idx.msk [tilespmem:v21+s15+$0x0], $0xffff  }
0x2c6: {  	v20 =	vmin.u32 v20, $0x1388;
	v23 =	vld [tilespmem:s19+$0xFFFFFFF0]  }
0x2c7: {  	v20 =	vshll.u32 v20, $0x4  }
0x2c8: {  	v20 =	vor.u32 v4, v20;
	_ =	sdelay $0x2  }
0x2c9: {  	v58 =	vperm.xlane v19, v12;
	v22 =	vmax.f32 v22, v23  }
0x2ca: {  	[tilespmem:v21+s15+$0x0] =	vst.idx.msk $0xffff, v22  }
0x2cb: {  	v21 =	vsub.s32 v58, v0;
	v22 =	vld.idx.msk [tilespmem:v20+s15+$0x0], $0xffff  }
0x2cc: {  	v21 =	vmin.u32 v21, $0x1388;
	v23 =	vld [tilespmem:s19+$0x0]  }
0x2cd: {  	v21 =	vshll.u32 v21, $0x4  }
0x2ce: {  	v21 =	vor.u32 v4, v21;
	_ =	sdelay $0x2  }
0x2cf: {  	v59 =	vperm.xlane v19, v13;
	v22 =	vmax.f32 v22, v23  }
0x2d0: {  	[tilespmem:v20+s15+$0x0] =	vst.idx.msk $0xffff, v22  }
0x2d1: {  	v20 =	vsub.s32 v59, v0;
	v22 =	vld.idx.msk [tilespmem:v21+s15+$0x0], $0xffff  }
0x2d2: {  	v20 =	vmin.u32 v20, $0x1388;
	v23 =	vld [tilespmem:s19+$0x10]  }
0x2d3: {  	v20 =	vshll.u32 v20, $0x4  }
0x2d4: {  	v20 =	vor.u32 v4, v20;
	_ =	sdelay $0x2  }
0x2d5: {  	v60 =	vperm.xlane v19, v14;
	v22 =	vmax.f32 v22, v23  }
0x2d6: {  	[tilespmem:v21+s15+$0x0] =	vst.idx.msk $0xffff, v22  }
0x2d7: {  	v21 =	vsub.s32 v60, v0;
	v22 =	vld.idx.msk [tilespmem:v20+s15+$0x0], $0xffff  }
0x2d8: {  	v21 =	vmin.u32 v21, $0x1388;
	v23 =	vld [tilespmem:s19+$0x20]  }
0x2d9: {  	v21 =	vshll.u32 v21, $0x4  }
0x2da: {  	v21 =	vor.u32 v4, v21;
	_ =	sdelay $0x2  }
0x2db: {  	v61 =	vperm.xlane v19, v15;
	v22 =	vmax.f32 v22, v23  }
0x2dc: {  	[tilespmem:v20+s15+$0x0] =	vst.idx.msk $0xffff, v22  }
0x2dd: {  	v20 =	vsub.s32 v61, v0;
	v22 =	vld.idx.msk [tilespmem:v21+s15+$0x0], $0xffff  }
0x2de: {  	v20 =	vmin.u32 v20, $0x1388;
	v23 =	vld [tilespmem:s19+$0x30]  }
0x2df: {  	v20 =	vshll.u32 v20, $0x4  }
0x2e0: {  	v20 =	vor.u32 v4, v20;
	_ =	sdelay $0x2  }
0x2e1: {  	v62 =	vperm.xlane v19, v16;
	v22 =	vmax.f32 v22, v23  }
0x2e2: {  	[tilespmem:v21+s15+$0x0] =	vst.idx.msk $0xffff, v22  }
0x2e3: {  	v21 =	vsub.s32 v62, v0;
	v22 =	vld.idx.msk [tilespmem:v20+s15+$0x0], $0xffff  }
0x2e4: {  	v21 =	vmin.u32 v21, $0x1388;
	v23 =	vld [tilespmem:s19+$0x40]  }
0x2e5: {  	v21 =	vshll.u32 v21, $0x4  }
0x2e6: {  	v21 =	vor.u32 v4, v21;
	_ =	sdelay $0x2  }
0x2e7: {  	v63 =	vperm.xlane v19, v17;
	v22 =	vmax.f32 v22, v23  }
0x2e8: {  	[tilespmem:v20+s15+$0x0] =	vst.idx.msk $0xffff, v22  }
0x2e9: {  	v20 =	vsub.s32 v63, v0;
	v22 =	vld.idx.msk [tilespmem:v21+s15+$0x0], $0xffff  }
0x2ea: {  	v20 =	vmin.u32 v20, $0x1388;
	v23 =	vld [tilespmem:s19+$0x50]  }
0x2eb: {  	v20 =	vshll.u32 v20, $0x4  }
0x2ec: {  	v20 =	vor.u32 v4, v20;
	_ =	sdelay $0x2  }
0x2ed: {  	v19 =	vperm.xlane v19, v18;
	v22 =	vmax.f32 v22, v23  }
0x2ee: {  	[tilespmem:v21+s15+$0x0] =	vst.idx.msk $0xffff, v22  }
0x2ef: {  	v19 =	vsub.s32 v19, v0;
	v21 =	vld.idx.msk [tilespmem:v20+s15+$0x0], $0xffff  }
0x2f0: {  	v19 =	vmin.u32 v19, $0x1388;
	v22 =	vld [tilespmem:s19+$0x60]  }
0x2f1: {  	v19 =	vshll.u32 v19, $0x4  }
0x2f2: {  	v19 =	vor.u32 v4, v19;
	_ =	sdelay $0x2  }
0x2f3: {  	v21 =	vmax.f32 v21, v22  }
0x2f4: {  	[tilespmem:v20+s15+$0x0] =	vst.idx.msk $0xffff, v21  }
0x2f5: {  	v20 =	vld.idx.msk [tilespmem:v19+s15+$0x0], $0xffff  }
0x2f6: {  	v21 =	vld [tilespmem:s19+$0x70];
	_ =	sdelay $0x4  }
0x2f7: {  	s20 =	simm.s32 $0x40;
	s22 =	simm.s32 $0x80;
	v20 =	vmax.f32 v20, v21  }
.LBB2_10:
0x2f8: {  	s23 =	sshra.s32 s20, $0x2  }
0x2f9: {  	[tilespmem:v19+s15+$0x0] =	vst.idx.msk $0xffff, v20;
	s19 =	sadd.s32 $0x100, s19;
	s20 =	smov.u32 s22;
	s21 =	sadd.s32 $0x40, s22  }
0x2fa: {  	p0 =	sne.s32 s22, $0xC40;
	v19 =	vld [tilespmem:s23+$0x0];
	_ =	sdelay $0x4  }
0x2fb: {  	v20 =	vperm.xlane v19, v2;
	v21 =	vperm.xlane v19, v5  }
0x2fc: {  	v22 =	vperm.xlane v19, v6;
	v23 =	vperm.xlane v19, v7  }
0x2fd: {  	v24 =	vperm.xlane v19, v3;
	v20 =	vsub.s32 v20, v0;
	v21 =	vsub.s32 v21, v0  }
0x2fe: {  	v22 =	vsub.s32 v22, v0;
	v20 =	vmin.u32 v20, $0x1388;
	v21 =	vmin.u32 v21, $0x1388  }
0x2ff: {  	v22 =	vmin.u32 v22, $0x1388;
	v20 =	vshll.u32 v20, $0x4;
	v21 =	vshll.u32 v21, $0x4  }
0x300: {  	v25 =	vshll.u32 v22, $0x4;
	v22 =	vsub.s32 v23, v0;
	v20 =	vor.u32 v4, v20  }
0x301: {  	v23 =	vsub.s32 v24, v0;
	v24 =	vperm.xlane v19, v8;
	v22 =	vmin.u32 v22, $0x1388  }
0x302: {  	v26 =	vshll.u32 v22, $0x4;
	v22 =	vmin.u32 v23, $0x1388;
	v23 =	vperm.xlane v19, v9  }
0x303: {  	v27 =	vshll.u32 v22, $0x4;
	v22 =	vsub.s32 v24, v0;
	v24 =	vperm.xlane v19, v10  }
0x304: {  	v28 =	vperm.xlane v19, v11;
	v22 =	vmin.u32 v22, $0x1388;
	v23 =	vsub.s32 v23, v0  }
0x305: {  	v30 =	vshll.u32 v22, $0x4;
	v22 =	vmin.u32 v23, $0x1388;
	v23 =	vsub.s32 v24, v0;
	v29 =	vld.idx.msk [tilespmem:v20+s15+$0x0], $0xffff  }
0x306: {  	v31 =	vshll.u32 v22, $0x4;
	v22 =	vmin.u32 v23, $0x1388;
	v23 =	vsub.s32 v28, v0;
	v24 =	vld [tilespmem:s19+$0xFFFFFF80]  }
0x307: {  	v28 =	vshll.u32 v22, $0x4;
	v22 =	vmin.u32 v23, $0x1388;
	v23 =	vperm.xlane v19, v12  }
0x308: {  	v32 =	vor.u32 v4, v21;
	v21 =	vperm.xlane v19, v13;
	v33 =	vshll.u32 v22, $0x4  }
0x309: {  	v34 =	vperm.xlane v19, v15;
	v22 =	vsub.s32 v23, v0;
	v23 =	vperm.xlane v19, v14  }
0x30a: {  	v35 =	vperm.xlane v19, v16;
	v21 =	vsub.s32 v21, v0;
	v22 =	vmin.u32 v22, $0x1388  }
0x30b: {  	v21 =	vmin.u32 v21, $0x1388;
	v24 =	vmax.f32 v29, v24;
	v29 =	vshll.u32 v22, $0x4  }
0x30c: {  	[tilespmem:v20+s15+$0x0] =	vst.idx.msk $0xffff, v24;
	v24 =	vshll.u32 v21, $0x4;
	v20 =	vsub.s32 v23, v0;
	v21 =	vsub.s32 v34, v0  }
0x30d: {  	v35 =	vsub.s32 v35, v0;
	v34 =	vld.idx.msk [tilespmem:v32+s15+$0x0], $0xffff;
	v20 =	vmin.u32 v20, $0x1388;
	v21 =	vmin.u32 v21, $0x1388  }
0x30e: {  	v36 =	vld [tilespmem:s19+$0xFFFFFF90];
	v23 =	vshll.u32 v20, $0x4;
	v22 =	vshll.u32 v21, $0x4;
	v20 =	vmin.u32 v35, $0x1388  }
0x30f: {  	v21 =	vperm.xlane v19, v17;
	v19 =	vperm.xlane v19, v18;
	v20 =	vshll.u32 v20, $0x4  }
0x310: {  	v25 =	vor.u32 v4, v25  }
0x311: {  	v21 =	vsub.s32 v21, v0;
	v19 =	vsub.s32 v19, v0  }
0x312: {  	v21 =	vmin.u32 v21, $0x1388;
	v19 =	vmin.u32 v19, $0x1388  }
0x313: {  	v21 =	vshll.u32 v21, $0x4;
	v19 =	vshll.u32 v19, $0x4;
	v34 =	vmax.f32 v34, v36  }
0x314: {  	[tilespmem:v32+s15+$0x0] =	vst.idx.msk $0xffff, v34  }
0x315: {  	v32 =	vld.idx.msk [tilespmem:v25+s15+$0x0], $0xffff  }
0x316: {  	v34 =	vld [tilespmem:s19+$0xFFFFFFA0];
	_ =	sdelay $0x1  }
0x317: {  	v26 =	vor.u32 v4, v26;
	_ =	sdelay $0x2  }
0x318: {  	v32 =	vmax.f32 v32, v34  }
0x319: {  	[tilespmem:v25+s15+$0x0] =	vst.idx.msk $0xffff, v32  }
0x31a: {  	v25 =	vld.idx.msk [tilespmem:v26+s15+$0x0], $0xffff  }
0x31b: {  	v32 =	vld [tilespmem:s19+$0xFFFFFFB0];
	_ =	sdelay $0x1  }
0x31c: {  	v27 =	vor.u32 v4, v27;
	_ =	sdelay $0x2  }
0x31d: {  	v25 =	vmax.f32 v25, v32  }
0x31e: {  	[tilespmem:v26+s15+$0x0] =	vst.idx.msk $0xffff, v25  }
0x31f: {  	v25 =	vld.idx.msk [tilespmem:v27+s15+$0x0], $0xffff  }
0x320: {  	v26 =	vld [tilespmem:s19+$0xFFFFFFC0];
	_ =	sdelay $0x1  }
0x321: {  	v30 =	vor.u32 v4, v30;
	_ =	sdelay $0x2  }
0x322: {  	v25 =	vmax.f32 v25, v26  }
0x323: {  	[tilespmem:v27+s15+$0x0] =	vst.idx.msk $0xffff, v25  }
0x324: {  	v25 =	vld.idx.msk [tilespmem:v30+s15+$0x0], $0xffff  }
0x325: {  	v26 =	vld [tilespmem:s19+$0xFFFFFFD0];
	_ =	sdelay $0x1  }
0x326: {  	v27 =	vor.u32 v4, v31;
	_ =	sdelay $0x2  }
0x327: {  	v25 =	vmax.f32 v25, v26  }
0x328: {  	[tilespmem:v30+s15+$0x0] =	vst.idx.msk $0xffff, v25  }
0x329: {  	v25 =	vld.idx.msk [tilespmem:v27+s15+$0x0], $0xffff  }
0x32a: {  	v26 =	vld [tilespmem:s19+$0xFFFFFFE0];
	_ =	sdelay $0x1  }
0x32b: {  	v28 =	vor.u32 v4, v28;
	_ =	sdelay $0x2  }
0x32c: {  	v25 =	vmax.f32 v25, v26  }
0x32d: {  	[tilespmem:v27+s15+$0x0] =	vst.idx.msk $0xffff, v25  }
0x32e: {  	v25 =	vld.idx.msk [tilespmem:v28+s15+$0x0], $0xffff  }
0x32f: {  	v26 =	vld [tilespmem:s19+$0xFFFFFFF0];
	_ =	sdelay $0x1  }
0x330: {  	v27 =	vor.u32 v4, v33;
	_ =	sdelay $0x2  }
0x331: {  	v25 =	vmax.f32 v25, v26  }
0x332: {  	[tilespmem:v28+s15+$0x0] =	vst.idx.msk $0xffff, v25  }
0x333: {  	v25 =	vld.idx.msk [tilespmem:v27+s15+$0x0], $0xffff  }
0x334: {  	v26 =	vld [tilespmem:s19+$0x0];
	_ =	sdelay $0x1  }
0x335: {  	v28 =	vor.u32 v4, v29;
	_ =	sdelay $0x2  }
0x336: {  	v25 =	vmax.f32 v25, v26  }
0x337: {  	[tilespmem:v27+s15+$0x0] =	vst.idx.msk $0xffff, v25  }
0x338: {  	v25 =	vld.idx.msk [tilespmem:v28+s15+$0x0], $0xffff  }
0x339: {  	v26 =	vld [tilespmem:s19+$0x10];
	_ =	sdelay $0x1  }
0x33a: {  	v24 =	vor.u32 v4, v24;
	_ =	sdelay $0x2  }
0x33b: {  	v25 =	vmax.f32 v25, v26  }
0x33c: {  	[tilespmem:v28+s15+$0x0] =	vst.idx.msk $0xffff, v25  }
0x33d: {  	v25 =	vld.idx.msk [tilespmem:v24+s15+$0x0], $0xffff  }
0x33e: {  	v26 =	vld [tilespmem:s19+$0x20];
	_ =	sdelay $0x1  }
0x33f: {  	v23 =	vor.u32 v4, v23;
	_ =	sdelay $0x2  }
0x340: {  	v25 =	vmax.f32 v25, v26  }
0x341: {  	[tilespmem:v24+s15+$0x0] =	vst.idx.msk $0xffff, v25  }
0x342: {  	v24 =	vld.idx.msk [tilespmem:v23+s15+$0x0], $0xffff  }
0x343: {  	v25 =	vld [tilespmem:s19+$0x30];
	_ =	sdelay $0x1  }
0x344: {  	v22 =	vor.u32 v4, v22;
	_ =	sdelay $0x2  }
0x345: {  	v24 =	vmax.f32 v24, v25  }
0x346: {  	[tilespmem:v23+s15+$0x0] =	vst.idx.msk $0xffff, v24  }
0x347: {  	v23 =	vld.idx.msk [tilespmem:v22+s15+$0x0], $0xffff  }
0x348: {  	v24 =	vld [tilespmem:s19+$0x40];
	_ =	sdelay $0x1  }
0x349: {  	v20 =	vor.u32 v4, v20;
	_ =	sdelay $0x2  }
0x34a: {  	v23 =	vmax.f32 v23, v24  }
0x34b: {  	[tilespmem:v22+s15+$0x0] =	vst.idx.msk $0xffff, v23  }
0x34c: {  	v22 =	vld.idx.msk [tilespmem:v20+s15+$0x0], $0xffff  }
0x34d: {  	v23 =	vld [tilespmem:s19+$0x50];
	_ =	sdelay $0x1  }
0x34e: {  	v21 =	vor.u32 v4, v21;
	_ =	sdelay $0x2  }
0x34f: {  	v22 =	vmax.f32 v22, v23  }
0x350: {  	[tilespmem:v20+s15+$0x0] =	vst.idx.msk $0xffff, v22  }
0x351: {  	v20 =	vld.idx.msk [tilespmem:v21+s15+$0x0], $0xffff  }
0x352: {  	v22 =	vld [tilespmem:s19+$0x60];
	_ =	sdelay $0x1  }
0x353: {  	v19 =	vor.u32 v4, v19;
	_ =	sdelay $0x2  }
0x354: {  	v20 =	vmax.f32 v20, v22  }
0x355: {  	[tilespmem:v21+s15+$0x0] =	vst.idx.msk $0xffff, v20  }
0x356: {  	v20 =	vld.idx.msk [tilespmem:v19+s15+$0x0], $0xffff  }
0x357: {  	v21 =	vld [tilespmem:s19+$0x70]  }
.Ltmp4:
0x358: {  	(pc) =	sbr.rel @p0 .LBB2_10-.Ltmp4, $2  }
0x359: {  	_ =	sdelay $0x2  }
0x35a: {  	s22 =	smov.u32 s21;
	v20 =	vmax.f32 v20, v21  }
0x35b: {  	_ =	sdelay $0x3  }
0x35c: {  	s20 =	sshra.s32 s20, $0x2;
	[tilespmem:v19+s15+$0x0] =	vst.idx.msk $0xffff, v20  }
0x35d: {  	v19 =	vld [tilespmem:s20+$0x0];
	_ =	sdelay $0x4  }
0x35e: {  	v20 =	vperm.xlane v19, v2;
	_ =	sdelay $0x1  }
0x35f: {  	v20 =	vsub.s32 v20, v0  }
0x360: {  	v20 =	vmin.u32 v20, $0x1388  }
0x361: {  	v20 =	vshll.u32 v20, $0x4  }
0x362: {  	v20 =	vor.u32 v4, v20;
	_ =	sdelay $0x1  }
0x363: {  	v21 =	vperm.xlane v19, v5  }
0x364: {  	s19 =	sadd.s32 $0x100, s19  }
0x365: {  	v23 =	vld [tilespmem:s19+$0xFFFFFF80];
	v21 =	vsub.s32 v21, v0  }
0x366: {  	v21 =	vmin.u32 v21, $0x1388;
	v22 =	vld.idx.msk [tilespmem:v20+s15+$0x0], $0xffff  }
0x367: {  	v21 =	vshll.u32 v21, $0x4  }
0x368: {  	v21 =	vor.u32 v4, v21;
	_ =	sdelay $0x2  }
0x369: {  	v24 =	vperm.xlane v19, v6;
	v22 =	vmax.f32 v22, v23  }
0x36a: {  	[tilespmem:v20+s15+$0x0] =	vst.idx.msk $0xffff, v22  }
0x36b: {  	v20 =	vsub.s32 v24, v0;
	v22 =	vld.idx.msk [tilespmem:v21+s15+$0x0], $0xffff  }
0x36c: {  	v20 =	vmin.u32 v20, $0x1388;
	v33 =	vld [tilespmem:s19+$0xFFFFFF90]  }
0x36d: {  	v20 =	vshll.u32 v20, $0x4  }
0x36e: {  	v20 =	vor.u32 v4, v20;
	_ =	sdelay $0x2  }
0x36f: {  	v34 =	vperm.xlane v19, v7;
	v22 =	vmax.f32 v22, v33  }
0x370: {  	[tilespmem:v21+s15+$0x0] =	vst.idx.msk $0xffff, v22  }
0x371: {  	v35 =	vsub.s32 v34, v0;
	v22 =	vld.idx.msk [tilespmem:v20+s15+$0x0], $0xffff  }
0x372: {  	v21 =	vmin.u32 v35, $0x1388;
	v36 =	vld [tilespmem:s19+$0xFFFFFFA0]  }
0x373: {  	v21 =	vshll.u32 v21, $0x4  }
0x374: {  	v21 =	vor.u32 v4, v21;
	_ =	sdelay $0x2  }
0x375: {  	v37 =	vperm.xlane v19, v3;
	v22 =	vmax.f32 v22, v36  }
0x376: {  	[tilespmem:v20+s15+$0x0] =	vst.idx.msk $0xffff, v22  }
0x377: {  	v20 =	vsub.s32 v37, v0;
	v22 =	vld.idx.msk [tilespmem:v21+s15+$0x0], $0xffff  }
0x378: {  	v20 =	vmin.u32 v20, $0x1388;
	v38 =	vld [tilespmem:s19+$0xFFFFFFB0]  }
0x379: {  	v20 =	vshll.u32 v20, $0x4  }
0x37a: {  	v20 =	vor.u32 v4, v20;
	_ =	sdelay $0x2  }
0x37b: {  	v39 =	vperm.xlane v19, v8;
	v22 =	vmax.f32 v22, v38  }
0x37c: {  	[tilespmem:v21+s15+$0x0] =	vst.idx.msk $0xffff, v22  }
0x37d: {  	v40 =	vsub.s32 v39, v0;
	v22 =	vld.idx.msk [tilespmem:v20+s15+$0x0], $0xffff  }
0x37e: {  	v21 =	vmin.u32 v40, $0x1388;
	v41 =	vld [tilespmem:s19+$0xFFFFFFC0]  }
0x37f: {  	v21 =	vshll.u32 v21, $0x4  }
0x380: {  	v21 =	vor.u32 v4, v21;
	_ =	sdelay $0x2  }
0x381: {  	v42 =	vperm.xlane v19, v9;
	v22 =	vmax.f32 v22, v41  }
0x382: {  	[tilespmem:v20+s15+$0x0] =	vst.idx.msk $0xffff, v22  }
0x383: {  	v20 =	vsub.s32 v42, v0;
	v22 =	vld.idx.msk [tilespmem:v21+s15+$0x0], $0xffff  }
0x384: {  	v20 =	vmin.u32 v20, $0x1388;
	v43 =	vld [tilespmem:s19+$0xFFFFFFD0]  }
0x385: {  	v20 =	vshll.u32 v20, $0x4  }
0x386: {  	v20 =	vor.u32 v4, v20;
	_ =	sdelay $0x2  }
0x387: {  	v44 =	vperm.xlane v19, v10;
	v22 =	vmax.f32 v22, v43  }
0x388: {  	[tilespmem:v21+s15+$0x0] =	vst.idx.msk $0xffff, v22  }
0x389: {  	v45 =	vsub.s32 v44, v0;
	v22 =	vld.idx.msk [tilespmem:v20+s15+$0x0], $0xffff  }
0x38a: {  	v21 =	vmin.u32 v45, $0x1388;
	v46 =	vld [tilespmem:s19+$0xFFFFFFE0]  }
0x38b: {  	v21 =	vshll.u32 v21, $0x4  }
0x38c: {  	v21 =	vor.u32 v4, v21;
	_ =	sdelay $0x2  }
0x38d: {  	v47 =	vperm.xlane v19, v11;
	v22 =	vmax.f32 v22, v46  }
0x38e: {  	[tilespmem:v20+s15+$0x0] =	vst.idx.msk $0xffff, v22  }
0x38f: {  	v20 =	vsub.s32 v47, v0;
	v22 =	vld.idx.msk [tilespmem:v21+s15+$0x0], $0xffff  }
0x390: {  	v20 =	vmin.u32 v20, $0x1388;
	v48 =	vld [tilespmem:s19+$0xFFFFFFF0]  }
0x391: {  	v20 =	vshll.u32 v20, $0x4  }
0x392: {  	v20 =	vor.u32 v4, v20;
	_ =	sdelay $0x2  }
0x393: {  	v49 =	vperm.xlane v19, v12;
	v22 =	vmax.f32 v22, v48  }
0x394: {  	[tilespmem:v21+s15+$0x0] =	vst.idx.msk $0xffff, v22  }
0x395: {  	v50 =	vsub.s32 v49, v0;
	v22 =	vld.idx.msk [tilespmem:v20+s15+$0x0], $0xffff  }
0x396: {  	v21 =	vmin.u32 v50, $0x1388;
	v51 =	vld [tilespmem:s19+$0x0]  }
0x397: {  	v21 =	vshll.u32 v21, $0x4  }
0x398: {  	v21 =	vor.u32 v4, v21;
	_ =	sdelay $0x2  }
0x399: {  	v52 =	vperm.xlane v19, v13;
	v22 =	vmax.f32 v22, v51  }
0x39a: {  	[tilespmem:v20+s15+$0x0] =	vst.idx.msk $0xffff, v22  }
0x39b: {  	v20 =	vsub.s32 v52, v0;
	v22 =	vld.idx.msk [tilespmem:v21+s15+$0x0], $0xffff  }
0x39c: {  	v20 =	vmin.u32 v20, $0x1388;
	v53 =	vld [tilespmem:s19+$0x10]  }
0x39d: {  	v20 =	vshll.u32 v20, $0x4  }
0x39e: {  	v20 =	vor.u32 v4, v20;
	_ =	sdelay $0x2  }
0x39f: {  	v54 =	vperm.xlane v19, v14;
	v22 =	vmax.f32 v22, v53  }
0x3a0: {  	[tilespmem:v21+s15+$0x0] =	vst.idx.msk $0xffff, v22  }
0x3a1: {  	v55 =	vsub.s32 v54, v0;
	v22 =	vld.idx.msk [tilespmem:v20+s15+$0x0], $0xffff  }
0x3a2: {  	v21 =	vmin.u32 v55, $0x1388;
	v56 =	vld [tilespmem:s19+$0x20]  }
0x3a3: {  	v21 =	vshll.u32 v21, $0x4  }
0x3a4: {  	v21 =	vor.u32 v4, v21;
	_ =	sdelay $0x2  }
0x3a5: {  	v57 =	vperm.xlane v19, v15;
	v22 =	vmax.f32 v22, v56  }
0x3a6: {  	[tilespmem:v20+s15+$0x0] =	vst.idx.msk $0xffff, v22  }
0x3a7: {  	v20 =	vsub.s32 v57, v0;
	v22 =	vld.idx.msk [tilespmem:v21+s15+$0x0], $0xffff  }
0x3a8: {  	v20 =	vmin.u32 v20, $0x1388;
	v58 =	vld [tilespmem:s19+$0x30]  }
0x3a9: {  	v20 =	vshll.u32 v20, $0x4  }
0x3aa: {  	v20 =	vor.u32 v4, v20;
	_ =	sdelay $0x2  }
0x3ab: {  	v59 =	vperm.xlane v19, v16;
	v22 =	vmax.f32 v22, v58  }
0x3ac: {  	[tilespmem:v21+s15+$0x0] =	vst.idx.msk $0xffff, v22  }
0x3ad: {  	v60 =	vsub.s32 v59, v0;
	v22 =	vld.idx.msk [tilespmem:v20+s15+$0x0], $0xffff  }
0x3ae: {  	v21 =	vmin.u32 v60, $0x1388;
	v61 =	vld [tilespmem:s19+$0x40]  }
0x3af: {  	v21 =	vshll.u32 v21, $0x4  }
0x3b0: {  	v21 =	vor.u32 v4, v21;
	_ =	sdelay $0x2  }
0x3b1: {  	v62 =	vperm.xlane v19, v17;
	v22 =	vmax.f32 v22, v61  }
0x3b2: {  	[tilespmem:v20+s15+$0x0] =	vst.idx.msk $0xffff, v22  }
0x3b3: {  	v20 =	vsub.s32 v62, v0;
	v22 =	vld.idx.msk [tilespmem:v21+s15+$0x0], $0xffff  }
0x3b4: {  	v20 =	vmin.u32 v20, $0x1388;
	v63 =	vld [tilespmem:s19+$0x50]  }
0x3b5: {  	v20 =	vshll.u32 v20, $0x4  }
0x3b6: {  	v20 =	vor.u32 v4, v20;
	_ =	sdelay $0x2  }
0x3b7: {  	v19 =	vperm.xlane v19, v18;
	v22 =	vmax.f32 v22, v63  }
0x3b8: {  	[tilespmem:v21+s15+$0x0] =	vst.idx.msk $0xffff, v22  }
0x3b9: {  	v19 =	vsub.s32 v19, v0;
	v21 =	vld.idx.msk [tilespmem:v20+s15+$0x0], $0xffff  }
0x3ba: {  	v19 =	vmin.u32 v19, $0x1388;
	v22 =	vld [tilespmem:s19+$0x60]  }
0x3bb: {  	v19 =	vshll.u32 v19, $0x4  }
0x3bc: {  	v19 =	vor.u32 v4, v19;
	_ =	sdelay $0x2  }
0x3bd: {  	v21 =	vmax.f32 v21, v22  }
0x3be: {  	[tilespmem:v20+s15+$0x0] =	vst.idx.msk $0xffff, v21  }
0x3bf: {  	v20 =	vld.idx.msk [tilespmem:v19+s15+$0x0], $0xffff  }
0x3c0: {  	v21 =	vld [tilespmem:s19+$0x70];
	_ =	sdelay $0x3  }
0x3c1: {  	s18 =	sadd.s32 $0x1, s18  }
0x3c2: {  	p0 =	sne.s32 s18, s11;
	v20 =	vmax.f32 v20, v21  }
.Ltmp5:
0x3c3: {  	[tilespmem:v19+s15+$0x0] =	vst.idx.msk $0xffff, v20;
	(pc) =	sbr.rel @p0 .LBB2_1-.Ltmp5, $4  }
0x3c4: {  	[hbm4b:s10+s3] =	stream.linear.scatter [tilespmem:s15], [sflag:$0x3], $0x13880, $0x38;
	[tilespmem:$0x1A2D0] =	vst v63  }
0x3c5: {  	_ =	swait.ge [sflag:s17], $0x13880  }
0x3c6: {  	[sflag:s17] =	ssyncset.done $0x0  }
0x3c7: {  	[sflag:s17] =	ssyncadd.s32 $0xFFFEC780  }
0x3c8: {  	_ =	sfence.sel $0x180000  }
0x3c9: {  	[bflag:$0x0] =	sbarrier.arrive $0xFFFF  }
0x3ca: {  	p0 =	sne.s32 s0, $0x0;
	_ =	strace $0x9000004A  }
0x3cb: {  	s0 =	sadd.s32 @!p0 $0x100000, s1;
	[bflag:$0x2] =	sbarrier.arrive $0xFFFF  }
0x3cc: {  	[sflag:s0] =	ssyncadd.tile.s32 @!p0 $0x1;
	_ =	shalt  }
.Lfunc_end2:
_tile_overlayer_lowered:
.L_overlay_start_2:
0x3cd: {  	(tag) =	ssettag $0x2  }
0x3ce: {  	s0 =	rddreg [dreg:$0x0];
	s2 =	stileid.u32  }
0x3cf: {  	s1 =	rddreg [dreg:$0x1];
	p0 =	sne.s32 s2, $0x0  }
0x3d0: {  	s3 =	rddreg [dreg:$0x2];
	[bflag:$0x3] =	sbarrier.arrive $0xFFFF;
	s2 =	simm.s32 @!p0 $0x1C03  }
0x3d1: {  	[timem:s3], [sflag:s2] =	dma.local @!p0 [hbm:s0], s1  }
0x3d2: {  	s0 =	simm.s32 @!p0 $0x3  }
0x3d3: {  	_ =	swait.ge @!p0 [sflag:s0], s1  }
0x3d4: {  	s1 =	ssub.s32 @!p0 $0x0, s1;
	[sflag:s0] =	ssyncset.done @!p0 $0x0  }
0x3d5: {  	[sflag:s0] =	ssyncadd.s32 @!p0 s1  }
0x3d6: {  	[bflag:$0x3] =	sbarrier.arrive $0xFFFF  }
0x3d7: {  	_ =	shalt  }

// kernel: kernel.7.cloned.1.call-start
scs
__scs_entry_jumppad:
0x0: {  	(pc) =	sbr.rel $0x88, $3  }
0x1: {  	(tag) =	ssettag $0x0;
	lr =	simm.s32 $0x1  }
0x2: {  	[smem:$0x3F96] =	sst lr;
	_ =	strace $0xD0000000  }
0x3: {  	_ = 	snop  }
0x4: {  	_ = 	snop  }
0x5: {  	_ = 	snop  }
0x6: {  	_ = 	snop  }
0x7: {  	_ = 	snop  }
__scs_overlays_trampoline_lowered:
0x8: {  	[smem:$0x3FA5] =	sst s0  }
0x9: {  	[smem:$0x3FA6] =	sst s1  }
0xa: {  	[smem:$0x3FA7] =	sst s2  }
0xb: {  	[smem:$0x3FA8] =	sst s3  }
0xc: {  	[smem:$0x3FA9] =	sst s4  }
0xd: {  	[smem:$0x3FAA] =	sst s5  }
0xe: {  	[smem:$0x3FAB] =	sst s6  }
0xf: {  	[smem:$0x3FAC] =	sst s7  }
0x10: {  	[smem:$0x3FAD] =	sst s8  }
0x11: {  	[smem:$0x3FAE] =	sst s9;
	s0 =	simm.s32 @!p0 $0x0  }
0x12: {  	s1 =	sld [smem:$0x3F94];
	s0 =	simm.s32 @p0 $0x1  }
0x13: {  	[smem:$0x3FAF] =	sst s0;
	s0 =	simm.s32 @!p1 $0x0  }
0x14: {  	s2 =	sld [smem:$0x3F93];
	s0 =	simm.s32 @p1 $0x1  }
0x15: {  	[smem:$0x3FB0] =	sst s0;
	s0 =	simm.s32 @!p2 $0x0  }
0x16: {  	s3 =	sld [smem:$0x3FDB];
	s0 =	simm.s32 @p2 $0x1  }
0x17: {  	s4 =	simm.s32 $0x1BF5;
	[smem:$0x3FB2] =	sst s0  }
0x18: {  	s0 =	sld [smem:$0x3F95];
	_ =	swait.ge [sflag:s4], $0x0  }
0x19: {  	s7 =	sld [smem:$0x3F96]  }
0x1a: {  	s8 =	sadd.s32 $0xFFFFE003, lr  }
0x1b: {  	s9 =	sadd.s32 $0xFFFFFEF7, lr;
	s5 =	simm.s32 $0xFFFFFFFF;
	p2 =	slt.u32 s8, $0xFFFFF086  }
0x1c: {  	p1 =	slt.u32 s9, $0xF7A;
	s5 =	simm.s32 @!p2 $0x0  }
0x1d: {  	s5 =	simm.s32 @p1 $0x1;
	p0 =	seq.s32 s7, s2  }
0x1e: {  	s7 =	smul.u32 @!p0 $0xF7A, s2;
	p2 =	seq.s32 @!p0 s5, $0x0  }
0x1f: {  	s9 =	smul.u32 $0xF7A, s1;
	s8 =	simm.s32 @!p0 $0x1BF5;
	p2 =	por !p2, p0  }
0x20: {  	[sflag:s8] =	ssyncset.s32 @!p0 $0xFFFFF086;
	s6 =	sadd.s32 @!p0 s3, s7;
	s7 =	simm.s32 @!p0 $0x108  }
0x21: {  	s3 =	sadd.s32 s3, s9;
	s6 =	sadd.s32 @!p0 $0x88, s6;
	s7 =	simm.s32 @p2 $0x1082  }
0x22: {  	[simem:s7], [sflag:s8] =	dma.local @!p0 [hbm:s6], $0xF7A  }
0x23: {  	s9 =	sor.u32 $0xD0000000, s2;
	s6 =	simm.s32 $0x108;
	_ =	swait.ge @!p0 [sflag:s8], $0x0  }
0x24: {  	s3 =	sadd.s32 $0x88, s3;
	s6 =	simm.s32 @!p1 $0x1082;
	[sflag:s4] =	ssyncset.s32 $0xFFFFF086  }
0x25: {  	[simem:s6], [sflag:s4] =	dma.local [hbm:s3], $0xF7A  }
0x26: {  	[smem:$0x3F96] =	sst s1;
	(tag) =	ssettag s2;
	_ =	strace s9  }
0x27: {  	s1 =	sld [smem:$0x3FA6]  }
0x28: {  	s2 =	sld [smem:$0x3FA7]  }
0x29: {  	s4 =	sld [smem:$0x3FA9]  }
0x2a: {  	p0 =	seq.s32 s5, $0x0;
	s5 =	sld [smem:$0x3FAA]  }
0x2b: {  	s6 =	sld [smem:$0x3FAB]  }
0x2c: {  	s7 =	sld [smem:$0x3FAC]  }
0x2d: {  	s3 =	simm.s32 $0x108;
	s8 =	sld [smem:$0x3FAD]  }
0x2e: {  	s3 =	simm.s32 @!p0 $0x1082;
	s9 =	sld [smem:$0x3FAE]  }
0x2f: {  	lr =	sadd.s32 s0, s3;
	s0 =	sld [smem:$0x3FA5]  }
0x30: {  	s3 =	sld [smem:$0x3FA8]  }
0x31: {  	[smem:$0x3FB1] =	sst s10  }
0x32: {  	s10 =	sld [smem:$0x3FAF];
	_ =	sdelay $0x3  }
0x33: {  	p0 =	seq.s32 s10, $0x1;
	s10 =	sld [smem:$0x3FB1];
	_ =	sdelay $0x3  }
0x34: {  	[smem:$0x3FB1] =	sst s10  }
0x35: {  	s10 =	sld [smem:$0x3FB0];
	_ =	sdelay $0x3  }
0x36: {  	p1 =	seq.s32 s10, $0x1;
	s10 =	sld [smem:$0x3FB1];
	_ =	sdelay $0x3  }
0x37: {  	[smem:$0x3FB1] =	sst s10  }
0x38: {  	s10 =	sld [smem:$0x3FB2]  }
0x39: {  	_ = 	snop;
	(pc) =	sbr.ind lr, $3  }
0x3a: {  	_ = 	snop  }
0x3b: {  	_ = 	snop  }
0x3c: {  	p2 =	seq.s32 s10, $0x1;
	s10 =	sld [smem:$0x3FB1]  }
0x3d: {  	_ =	shalt  }
0x3e: {  	_ =	shalt  }
0x3f: {  	_ =	shalt  }
0x40: {  	_ =	shalt  }
0x41: {  	_ =	shalt  }
0x42: {  	_ =	shalt  }
0x43: {  	_ =	shalt  }
0x44: {  	_ =	shalt  }
0x45: {  	_ =	shalt  }
0x46: {  	_ =	shalt  }
0x47: {  	_ =	shalt  }
0x48: {  	_ =	shalt  }
0x49: {  	_ =	shalt  }
0x4a: {  	_ =	shalt  }
0x4b: {  	_ =	shalt  }
0x4c: {  	_ =	shalt  }
0x4d: {  	_ =	shalt  }
0x4e: {  	_ =	shalt  }
0x4f: {  	_ =	shalt  }
0x50: {  	_ =	shalt  }
0x51: {  	_ =	shalt  }
0x52: {  	_ =	shalt  }
0x53: {  	_ =	shalt  }
0x54: {  	_ =	shalt  }
0x55: {  	_ =	shalt  }
0x56: {  	_ =	shalt  }
0x57: {  	_ =	shalt  }
0x58: {  	_ =	shalt  }
0x59: {  	_ =	shalt  }
0x5a: {  	_ =	shalt  }
0x5b: {  	_ =	shalt  }
0x5c: {  	_ =	shalt  }
0x5d: {  	_ =	shalt  }
0x5e: {  	_ =	shalt  }
0x5f: {  	_ =	shalt  }
0x60: {  	_ =	shalt  }
0x61: {  	_ =	shalt  }
0x62: {  	_ =	shalt  }
0x63: {  	_ =	shalt  }
0x64: {  	_ =	shalt  }
0x65: {  	_ =	shalt  }
0x66: {  	_ =	shalt  }
0x67: {  	_ =	shalt  }
0x68: {  	_ =	shalt  }
0x69: {  	_ =	shalt  }
0x6a: {  	_ =	shalt  }
0x6b: {  	_ =	shalt  }
0x6c: {  	_ =	shalt  }
0x6d: {  	_ =	shalt  }
0x6e: {  	_ =	shalt  }
0x6f: {  	_ =	shalt  }
0x70: {  	_ =	shalt  }
0x71: {  	_ =	shalt  }
0x72: {  	_ =	shalt  }
0x73: {  	_ =	shalt  }
0x74: {  	_ =	shalt  }
0x75: {  	_ =	shalt  }
0x76: {  	_ =	shalt  }
0x77: {  	_ =	shalt  }
0x78: {  	_ =	shalt  }
0x79: {  	_ =	shalt  }
0x7a: {  	_ =	shalt  }
0x7b: {  	_ =	shalt  }
0x7c: {  	_ =	shalt  }
0x7d: {  	_ =	shalt  }
0x7e: {  	_ =	shalt  }
0x7f: {  	_ =	shalt  }
0x80: {  	_ =	shalt  }
0x81: {  	_ =	shalt  }
0x82: {  	_ =	shalt  }
0x83: {  	_ =	shalt  }
0x84: {  	_ =	shalt  }
0x85: {  	_ =	shalt  }
0x86: {  	_ =	shalt  }
0x87: {  	_ =	shalt  }
.Lfunc_end0:
.L_simem_size_0:
called_computation_lowered:
.L_overlay_start_0:
0x88: {  	s2 =	sld [smem:$0x3FD9]  }
0x89: {  	s3 =	sld [smem:$0x3FFE];
	_ =	sdelay $0x1  }
0x8a: {  	s1 =	srdreg.scid  }
0x8b: {  	s0 =	sand.u32 $0x1, s1  }
0x8c: {  	s16 =	sshll.u32 s0, $0xA;
	s2 =	sadd.s32 s3, s2  }
0x8d: {  	s2 =	sadd.s32 s2, s16  }
0x8e: {  	[smem:$0x3FBD] =	sst s2  }
0x8f: {  	_ = 	snop  }
0x90: {  	(tm) =	ssettm $0x1  }
0x91: {  	s17 =	sld [smem:$0x3FFB];
	_ =	sdelay $0x3  }
0x92: {  	_ =	strace s17  }
0x93: {  	s2 =	sld [smem:$0x3FFC];
	_ =	sdelay $0x3  }
0x94: {  	_ =	strace s2  }
0x95: {  	s2 =	sld [smem:$0x3FFD];
	_ =	sdelay $0x3  }
0x96: {  	_ =	strace s2  }
0x97: {  	_ =	strace $0x8FFFFFFF  }
0x98: {  	s18 =	sld [smem:$0x3FDB];
	_ =	sdelay $0x1  }
0x99: {  	s19 =	simm.s32 $_scs_section_size  }
0x9a: {  	s4 =	simm.s32 $_size__tile_overlayer_lowered;
	s5 =	simm.s32 $_tile_overlayer_lowered  }
0x9b: {  	s22 =	simm.s32 $0x1BFF;
	s21 =	sshll.u32 s5, $0x1;
	s2 =	sadd.s32 s19, s18  }
0x9c: {  	s6 =	simm.s32 $0x0;
	s20 =	sshll.u32 s4, $0x1;
	s4 =	sadd.s32 s21, s2  }
0x9d: {  	[timem:s6], [sflag:s22] =	dma.local [hbm:s4], s20  }
0x9e: {  	_ =	swait.ge [sflag:s22], s20  }
0x9f: {  	s3 =	ssub.s32 $0x0, s20;
	[sflag:s22] =	ssyncset.done $0x0  }
0xa0: {  	[sflag:s22] =	ssyncadd.s32 s3;
	_ =	sdelay $0x1  }
0xa1: {  	s23 =	simm.s32 $0x1B8B  }
0xa2: {  	_ =	swait.ge [sflag:s23], $0x1  }
0xa3: {  	[sflag:s23] =	ssyncset.done $0x0  }
0xa4: {  	s25 =	simm.s32 $0x1B8E;
	s24 =	sld [smem:$0x3FFE];
	[sflag:s23] =	ssyncadd.s32 $0xFFFFFFFF  }
0xa5: {  	s26 =	simm.s32 $execute0_lowered;
	[smem:$0x3FD2] =	sst s25  }
0xa6: {  	s4 =	sshll.u32 s26, $0x1;
	_ =	strace $0x80000046;
	[dreg:$0x1] =	wrdreg $0xFFFFFFFF  }
0xa7: {  	s28 =	simm.s32 $_size_execute0_lowered;
	s2 =	sadd.s32 s2, s4;
	[dreg:$0x0] =	wrdreg $0x0  }
0xa8: {  	s4 =	sshll.u32 s28, $0x1;
	[dreg:$0x2] =	wrdreg s2  }
0xa9: {  	[dreg:$0x3] =	wrdreg s4  }
0xaa: {  	[dreg:$0x4] =	wrdreg $0xC0  }
0xab: {  	_ =	task [dreg:s6], $0x5FFFF  }
0xac: {  	[dreg:$0x1] =	wrdreg $0xFFFFFFFF  }
0xad: {  	[dreg:$0x0] =	wrdreg $0x60  }
0xae: {  	[dreg:$0x2] =	wrdreg s24  }
0xaf: {  	[dreg:$0x3] =	wrdreg $0x9  }
0xb0: {  	_ =	task.clear_ibuf [dreg:s6], $0x4FFFF;
	_ =	strace $0x90000046  }
0xb1: {  	s29 =	simm.s32 $0x9;
	_ =	strace $0x80000048  }
0xb2: {  	_ =	swait.ge [sflag:s29], $0x1  }
0xb3: {  	[sflag:s29] =	ssyncadd.s32 $0xFFFFFFFF  }
0xb4: {  	_ =	strace $0x90000048  }
0xb5: {  	_ =	sfence  }
0xb6: {  	s30 =	sld [smem:$0x0];
	_ =	sdelay $0x2  }
0xb7: {  	s31 =	sshll.u32 s1, $0xD;
	s1 =	sshrl.u32 s1, $0x2  }
0xb8: {  	s3 =	sand.u32 $0x4000, s31;
	s1 =	sadd.s32 s1, s30  }
0xb9: {  	s0 =	sor.u32 s3, s0;
	s1 =	sshll.u32 s1, $0x11  }
0xba: {  	s0 =	sor.u32 s1, s0  }
0xbb: {  	s0 =	sadd.s32 $0x8F2B, s0  }
0xbc: {  	[sflag:s0] =	ssyncadd.remote.s32 $0x1  }
0xbd: {  	_ =	sfence.sel $0xFFFF  }
0xbe: {  	[dreg:$0x0] =	wrdreg $0xFFFFFFFF;
	(pc) =	sbr.abs _section_cstart, $3  }
0xbf: {  	[dreg:$0x1] =	wrdreg $0xFFFFFFFF  }
0xc0: {  	_ =	task.clear_ibuf [dreg:s6], $0x2FFFF;
	_ =	strace $0x9FFFFFFF  }
0xc1: {  	(tm) =	ssettm $0x7FFFFFFF  }
tec
execute0_lowered:
.L_overlay_start_1:
0x0: {  	(tag) =	ssettag $0x1  }
0x1: {  	s4 =	rddreg [dreg:$0x0]  }
0x2: {  	s0 =	rddreg [dreg:$0x1];
	s1 =	simm.s32 $0x0  }
0x3: {  	s2 =	simm.s32 $0x2C10;
	[smem:$0x7FF] =	sst s1  }
0x4: {  	s10 =	simm.s32 $0x3110;
	_ =	strace $0x80000047;
	[dreg:$0x2] =	wrdreg s2  }
0x5: {  	s11 =	simm.s32 $0x3610;
	[dreg:$0x3] =	wrdreg s10  }
0x6: {  	s5 =	simm.s32 $0x3B10;
	[dreg:$0x4] =	wrdreg s11  }
0x7: {  	s12 =	simm.s32 $0x4010;
	[dreg:$0x5] =	wrdreg s5  }
0x8: {  	s13 =	simm.s32 $0x4510;
	[dreg:$0x6] =	wrdreg s12  }
0x9: {  	s15 =	simm.s32 $0x4A10;
	[dreg:$0x7] =	wrdreg s13  }
0xa: {  	s16 =	simm.s32 $0x4F10;
	[dreg:$0x8] =	wrdreg s15  }
0xb: {  	s7 =	simm.s32 $0x5410;
	[dreg:$0x9] =	wrdreg s16  }
0xc: {  	s17 =	simm.s32 $0x5910;
	[dreg:$0xa] =	wrdreg s7  }
0xd: {  	s18 =	simm.s32 $0x5E10;
	[dreg:$0xb] =	wrdreg s17  }
0xe: {  	s19 =	simm.s32 $0x6310;
	[dreg:$0xc] =	wrdreg s18  }
0xf: {  	s20 =	simm.s32 $0x6810;
	[dreg:$0xd] =	wrdreg s19  }
0x10: {  	s21 =	simm.s32 $0x6D10;
	[dreg:$0xe] =	wrdreg s20  }
0x11: {  	s23 =	simm.s32 $0x7210;
	[dreg:$0xf] =	wrdreg s21  }
0x12: {  	s24 =	simm.s32 $0x7710;
	[dreg:$0x10] =	wrdreg s23  }
0x13: {  	s25 =	simm.s32 $0x7C10;
	[dreg:$0x11] =	wrdreg s24  }
0x14: {  	s26 =	simm.s32 $0x8110;
	[dreg:$0x12] =	wrdreg s25  }
0x15: {  	s3 =	srdreg.scid;
	s28 =	simm.s32 $0x8610;
	[dreg:$0x13] =	wrdreg s26  }
0x16: {  	s29 =	simm.s32 $0x8B10;
	s30 =	simm.s32 $0x9010;
	[dreg:$0x14] =	wrdreg s28  }
0x17: {  	s31 =	simm.s32 $0x9510;
	s6 =	sand.u32 $0x1, s3;
	[dreg:$0x15] =	wrdreg s29  }
0x18: {  	s3 =	sadd.s32 $0xDC00, s4;
	s2 =	stileid.u32;
	[dreg:$0x16] =	wrdreg s30  }
0x19: {  	s22 =	ssub.s32 $0x2, s6;
	[dreg:$0x17] =	wrdreg s31;
	s10 =	simm.s32 $0x9A10  }
0x1a: {  	s11 =	simm.s32 $0x1;
	s14 =	sshll.u32 s2, $0x1;
	s8 =	smul.u32 $0x9C40, s2  }
0x1b: {  	s12 =	simm.s32 $0x0;
	s5 =	sor.u32 s6, s14;
	s6 =	smul.u32 $0x4E20, s6  }
0x1c: {  	s9 =	sshrl.u32 s22, $0x1;
	[dreg:$0x18] =	wrdreg s10;
	s5 =	smul.u32 $0x2710, s5  }
0x1d: {  	s10 =	simm.s32 $0x9F10;
	s7 =	ssub.s32 s22, s9;
	s8 =	sadd.s32 s8, s4  }
0x1e: {  	s9 =	simm.s32 $0x2710;
	s6 =	sadd.s32 s6, s8;
	s5 =	sshrl.u32 s5, $0x3  }
0x1f: {  	s8 =	simm.s32 $0x50;
	s6 =	sadd.s32 $0x17C00, s6;
	s5 =	sadd.s32 s5, s4  }
0x20: {  	s4 =	sadd.s32 $0x3E00, s5;
	s5 =	smax.u32 s7, $0x1;
	s7 =	simm.s32 $0x2  }
.LBB2_1:
0x21: {  	[tilespmem:s1], [sflag:$0x2] =	stream.linear.gather [hbm4b:s4+s1], $0x2710, $0x38;
	[tilespmem:$0xA410] =	vst v63  }
0x22: {  	_ =	swait.ge [sflag:s7], $0x2710  }
0x23: {  	[sflag:s7] =	ssyncset.done $0x0  }
0x24: {  	s13 =	simm.s32 $0x0;
	[sflag:s7] =	ssyncadd.s32 $0xFFFFD8F0  }
0x25: {  	[tilespmem:s9], [sflag:$0x1] =	stream.indirect.gather [hbm4b:s3+s8], $0x10, s13, s8, $0xb8;
	[tilespmem:$0xA410] =	vst v63  }
0x26: {  	s15 =	simm.s32 $0x50;
	s14 =	rddreg [dreg:$0x2]  }
0x27: {  	[tilespmem:s14], [sflag:$0x1] =	stream.indirect.gather [hbm4b:s3+s8], $0x10, s15, s8, $0xb8;
	[tilespmem:$0xA410] =	vst v63  }
0x28: {  	s19 =	simm.s32 $0xA0;
	s18 =	rddreg [dreg:$0x3]  }
0x29: {  	[tilespmem:s18], [sflag:$0x1] =	stream.indirect.gather [hbm4b:s3+s8], $0x10, s19, s8, $0xb8;
	[tilespmem:$0xA410] =	vst v63  }
0x2a: {  	s21 =	simm.s32 $0xF0;
	s20 =	rddreg [dreg:$0x4]  }
0x2b: {  	[tilespmem:s20], [sflag:$0x1] =	stream.indirect.gather [hbm4b:s3+s8], $0x10, s21, s8, $0xb8;
	[tilespmem:$0xA410] =	vst v63  }
0x2c: {  	s23 =	simm.s32 $0x140;
	s22 =	rddreg [dreg:$0x5]  }
0x2d: {  	[tilespmem:s22], [sflag:$0x1] =	stream.indirect.gather [hbm4b:s3+s8], $0x10, s23, s8, $0xb8;
	[tilespmem:$0xA410] =	vst v63  }
0x2e: {  	s25 =	simm.s32 $0x190;
	s24 =	rddreg [dreg:$0x6]  }
0x2f: {  	[tilespmem:s24], [sflag:$0x1] =	stream.indirect.gather [hbm4b:s3+s8], $0x10, s25, s8, $0xb8;
	[tilespmem:$0xA410] =	vst v63  }
0x30: {  	s28 =	simm.s32 $0x1E0;
	s26 =	rddreg [dreg:$0x7]  }
0x31: {  	[tilespmem:s26], [sflag:$0x1] =	stream.indirect.gather [hbm4b:s3+s8], $0x10, s28, s8, $0xb8;
	[tilespmem:$0xA410] =	vst v63  }
0x32: {  	s30 =	simm.s32 $0x230;
	s29 =	rddreg [dreg:$0x8]  }
0x33: {  	[tilespmem:s29], [sflag:$0x1] =	stream.indirect.gather [hbm4b:s3+s8], $0x10, s30, s8, $0xb8;
	[tilespmem:$0xA410] =	vst v63  }
0x34: {  	s31 =	rddreg [dreg:$0x9];
	s15 =	simm.s32 $0x280  }
0x35: {  	[tilespmem:s31], [sflag:$0x1] =	stream.indirect.gather [hbm4b:s3+s8], $0x10, s15, s8, $0xb8;
	[tilespmem:$0xA410] =	vst v63  }
0x36: {  	s17 =	simm.s32 $0x2D0;
	s16 =	rddreg [dreg:$0xa]  }
0x37: {  	[tilespmem:s16], [sflag:$0x1] =	stream.indirect.gather [hbm4b:s3+s8], $0x10, s17, s8, $0xb8;
	[tilespmem:$0xA410] =	vst v63  }
0x38: {  	s18 =	rddreg [dreg:$0xb];
	s19 =	simm.s32 $0x320  }
0x39: {  	[tilespmem:s18], [sflag:$0x1] =	stream.indirect.gather [hbm4b:s3+s8], $0x10, s19, s8, $0xb8;
	[tilespmem:$0xA410] =	vst v63  }
0x3a: {  	s20 =	rddreg [dreg:$0xc];
	s22 =	simm.s32 $0x370  }
0x3b: {  	[tilespmem:s20], [sflag:$0x1] =	stream.indirect.gather [hbm4b:s3+s8], $0x10, s22, s8, $0xb8;
	[tilespmem:$0xA410] =	vst v63  }
0x3c: {  	s21 =	rddreg [dreg:$0xd];
	s23 =	simm.s32 $0x3C0  }
0x3d: {  	[tilespmem:s21], [sflag:$0x1] =	stream.indirect.gather [hbm4b:s3+s8], $0x10, s23, s8, $0xb8;
	[tilespmem:$0xA410] =	vst v63  }
0x3e: {  	s24 =	rddreg [dreg:$0xe];
	s25 =	simm.s32 $0x410  }
0x3f: {  	[tilespmem:s24], [sflag:$0x1] =	stream.indirect.gather [hbm4b:s3+s8], $0x10, s25, s8, $0xb8;
	[tilespmem:$0xA410] =	vst v63  }
0x40: {  	s26 =	rddreg [dreg:$0xf];
	s28 =	simm.s32 $0x460  }
0x41: {  	[tilespmem:s26], [sflag:$0x1] =	stream.indirect.gather [hbm4b:s3+s8], $0x10, s28, s8, $0xb8;
	[tilespmem:$0xA410] =	vst v63  }
0x42: {  	s29 =	rddreg [dreg:$0x10];
	s30 =	simm.s32 $0x4B0  }
0x43: {  	[tilespmem:s29], [sflag:$0x1] =	stream.indirect.gather [hbm4b:s3+s8], $0x10, s30, s8, $0xb8;
	[tilespmem:$0xA410] =	vst v63  }
0x44: {  	s31 =	rddreg [dreg:$0x11];
	s15 =	simm.s32 $0x500  }
0x45: {  	[tilespmem:s31], [sflag:$0x1] =	stream.indirect.gather [hbm4b:s3+s8], $0x10, s15, s8, $0xb8;
	[tilespmem:$0xA410] =	vst v63  }
0x46: {  	s16 =	rddreg [dreg:$0x12];
	s17 =	simm.s32 $0x550  }
0x47: {  	[tilespmem:s16], [sflag:$0x1] =	stream.indirect.gather [hbm4b:s3+s8], $0x10, s17, s8, $0xb8;
	[tilespmem:$0xA410] =	vst v63  }
0x48: {  	s18 =	rddreg [dreg:$0x13];
	s19 =	simm.s32 $0x5A0  }
0x49: {  	[tilespmem:s18], [sflag:$0x1] =	stream.indirect.gather [hbm4b:s3+s8], $0x10, s19, s8, $0xb8;
	[tilespmem:$0xA410] =	vst v63  }
0x4a: {  	s20 =	rddreg [dreg:$0x14];
	s21 =	simm.s32 $0x5F0  }
0x4b: {  	[tilespmem:s20], [sflag:$0x1] =	stream.indirect.gather [hbm4b:s3+s8], $0x10, s21, s8, $0xb8;
	[tilespmem:$0xA410] =	vst v63  }
0x4c: {  	s22 =	rddreg [dreg:$0x15];
	s23 =	simm.s32 $0x640  }
0x4d: {  	[tilespmem:s22], [sflag:$0x1] =	stream.indirect.gather [hbm4b:s3+s8], $0x10, s23, s8, $0xb8;
	[tilespmem:$0xA410] =	vst v63  }
0x4e: {  	s24 =	rddreg [dreg:$0x16];
	s25 =	simm.s32 $0x690  }
0x4f: {  	[tilespmem:s24], [sflag:$0x1] =	stream.indirect.gather [hbm4b:s3+s8], $0x10, s25, s8, $0xb8;
	[tilespmem:$0xA410] =	vst v63  }
0x50: {  	s26 =	rddreg [dreg:$0x17];
	s28 =	simm.s32 $0x6E0  }
0x51: {  	[tilespmem:s26], [sflag:$0x1] =	stream.indirect.gather [hbm4b:s3+s8], $0x10, s28, s8, $0xb8;
	[tilespmem:$0xA410] =	vst v63  }
0x52: {  	s29 =	rddreg [dreg:$0x18];
	s30 =	simm.s32 $0x730  }
0x53: {  	[tilespmem:s29], [sflag:$0x1] =	stream.indirect.gather [hbm4b:s3+s8], $0x10, s30, s8, $0xb8;
	[tilespmem:$0xA410] =	vst v63  }
0x54: {  	s31 =	simm.s32 $0x780  }
0x55: {  	[tilespmem:s10], [sflag:$0x1] =	stream.indirect.gather [hbm4b:s3+s8], $0x10, s31, s8, $0xb8;
	[tilespmem:$0xA410] =	vst v63  }
0x56: {  	_ =	swait.ge [sflag:s11], $0x7D00  }
0x57: {  	[sflag:s11] =	ssyncset.done $0x0  }
0x58: {  	[sflag:s11] =	ssyncadd.s32 $0xFFFF8300  }
0x59: {  	[hbm4b:s6+s1] =	stream.linear.scatter [tilespmem:s9], [sflag:$0x2], $0x7D00, $0x38;
	[tilespmem:$0xA410] =	vst v63  }
0x5a: {  	s13 =	sadd.s32 $0xFA0, s6;
	s14 =	simm.s32 $0x1F40;
	_ =	swait.ge [sflag:s7], $0x7D00  }
0x5b: {  	s18 =	simm.s32 $0x3E80;
	s17 =	rddreg [dreg:$0x3];
	[sflag:s7] =	ssyncset.done $0x0  }
.LBB2_2:
0x5c: {  	s16 =	sshra.s32 s14, $0x2;
	[sflag:s7] =	ssyncadd.s32 $0xFFFF8300  }
0x5d: {  	[tilespmem:s9], [sflag:$0x1] =	stream.indirect.gather [hbm4b:s3+s8], $0x10, s16, s8, $0xb8;
	[tilespmem:$0xA410] =	vst v63  }
0x5e: {  	s19 =	rddreg [dreg:$0x2];
	s20 =	sadd.s32 $0x50, s16  }
0x5f: {  	[tilespmem:s19], [sflag:$0x1] =	stream.indirect.gather [hbm4b:s3+s8], $0x10, s20, s8, $0xb8;
	[tilespmem:$0xA410] =	vst v63  }
0x60: {  	s23 =	sadd.s32 $0xA0, s16  }
0x61: {  	[tilespmem:s17], [sflag:$0x1] =	stream.indirect.gather [hbm4b:s3+s8], $0x10, s23, s8, $0xb8;
	[tilespmem:$0xA410] =	vst v63  }
0x62: {  	s24 =	rddreg [dreg:$0x4];
	s25 =	sadd.s32 $0xF0, s16  }
0x63: {  	[tilespmem:s24], [sflag:$0x1] =	stream.indirect.gather [hbm4b:s3+s8], $0x10, s25, s8, $0xb8;
	[tilespmem:$0xA410] =	vst v63  }
0x64: {  	s26 =	rddreg [dreg:$0x5];
	s28 =	sadd.s32 $0x140, s16  }
0x65: {  	[tilespmem:s26], [sflag:$0x1] =	stream.indirect.gather [hbm4b:s3+s8], $0x10, s28, s8, $0xb8;
	[tilespmem:$0xA410] =	vst v63  }
0x66: {  	s29 =	rddreg [dreg:$0x6];
	s30 =	sadd.s32 $0x190, s16  }
0x67: {  	[tilespmem:s29], [sflag:$0x1] =	stream.indirect.gather [hbm4b:s3+s8], $0x10, s30, s8, $0xb8;
	[tilespmem:$0xA410] =	vst v63  }
0x68: {  	s31 =	rddreg [dreg:$0x7];
	s20 =	sadd.s32 $0x1E0, s16  }
0x69: {  	[tilespmem:s31], [sflag:$0x1] =	stream.indirect.gather [hbm4b:s3+s8], $0x10, s20, s8, $0xb8;
	[tilespmem:$0xA410] =	vst v63  }
0x6a: {  	s22 =	rddreg [dreg:$0x8];
	s23 =	sadd.s32 $0x230, s16  }
0x6b: {  	[tilespmem:s22], [sflag:$0x1] =	stream.indirect.gather [hbm4b:s3+s8], $0x10, s23, s8, $0xb8;
	[tilespmem:$0xA410] =	vst v63  }
0x6c: {  	s24 =	rddreg [dreg:$0x9];
	s25 =	sadd.s32 $0x280, s16  }
0x6d: {  	[tilespmem:s24], [sflag:$0x1] =	stream.indirect.gather [hbm4b:s3+s8], $0x10, s25, s8, $0xb8;
	[tilespmem:$0xA410] =	vst v63  }
0x6e: {  	s14 =	smov.u32 s18;
	s26 =	rddreg [dreg:$0xa];
	s28 =	sadd.s32 $0x2D0, s16  }
0x6f: {  	[tilespmem:s26], [sflag:$0x1] =	stream.indirect.gather [hbm4b:s3+s8], $0x10, s28, s8, $0xb8;
	[tilespmem:$0xA410] =	vst v63  }
0x70: {  	s15 =	sadd.s32 $0x1F40, s18;
	s29 =	rddreg [dreg:$0xb];
	s30 =	sadd.s32 $0x320, s16  }
0x71: {  	[tilespmem:s29], [sflag:$0x1] =	stream.indirect.gather [hbm4b:s3+s8], $0x10, s30, s8, $0xb8;
	[tilespmem:$0xA410] =	vst v63  }
0x72: {  	p0 =	sne.s32 s18, $0x7D00;
	s18 =	sadd.s32 $0x370, s16;
	s31 =	rddreg [dreg:$0xc]  }
0x73: {  	[tilespmem:s31], [sflag:$0x1] =	stream.indirect.gather [hbm4b:s3+s8], $0x10, s18, s8, $0xb8;
	[tilespmem:$0xA410] =	vst v63  }
0x74: {  	s21 =	rddreg [dreg:$0xd];
	s19 =	sadd.s32 $0x3C0, s16  }
0x75: {  	[tilespmem:s21], [sflag:$0x1] =	stream.indirect.gather [hbm4b:s3+s8], $0x10, s19, s8, $0xb8;
	[tilespmem:$0xA410] =	vst v63  }
0x76: {  	s20 =	rddreg [dreg:$0xe];
	s21 =	sadd.s32 $0x410, s16  }
0x77: {  	[tilespmem:s20], [sflag:$0x1] =	stream.indirect.gather [hbm4b:s3+s8], $0x10, s21, s8, $0xb8;
	[tilespmem:$0xA410] =	vst v63  }
0x78: {  	s22 =	rddreg [dreg:$0xf];
	s23 =	sadd.s32 $0x460, s16  }
0x79: {  	[tilespmem:s22], [sflag:$0x1] =	stream.indirect.gather [hbm4b:s3+s8], $0x10, s23, s8, $0xb8;
	[tilespmem:$0xA410] =	vst v63  }
0x7a: {  	s24 =	rddreg [dreg:$0x10];
	s25 =	sadd.s32 $0x4B0, s16  }
0x7b: {  	[tilespmem:s24], [sflag:$0x1] =	stream.indirect.gather [hbm4b:s3+s8], $0x10, s25, s8, $0xb8;
	[tilespmem:$0xA410] =	vst v63  }
0x7c: {  	s26 =	rddreg [dreg:$0x11];
	s28 =	sadd.s32 $0x500, s16  }
0x7d: {  	[tilespmem:s26], [sflag:$0x1] =	stream.indirect.gather [hbm4b:s3+s8], $0x10, s28, s8, $0xb8;
	[tilespmem:$0xA410] =	vst v63  }
0x7e: {  	s29 =	rddreg [dreg:$0x12];
	s30 =	sadd.s32 $0x550, s16  }
0x7f: {  	[tilespmem:s29], [sflag:$0x1] =	stream.indirect.gather [hbm4b:s3+s8], $0x10, s30, s8, $0xb8;
	[tilespmem:$0xA410] =	vst v63  }
0x80: {  	s31 =	rddreg [dreg:$0x13];
	s20 =	sadd.s32 $0x5A0, s16  }
0x81: {  	[tilespmem:s31], [sflag:$0x1] =	stream.indirect.gather [hbm4b:s3+s8], $0x10, s20, s8, $0xb8;
	[tilespmem:$0xA410] =	vst v63  }
0x82: {  	s21 =	rddreg [dreg:$0x14];
	s22 =	sadd.s32 $0x5F0, s16  }
0x83: {  	[tilespmem:s21], [sflag:$0x1] =	stream.indirect.gather [hbm4b:s3+s8], $0x10, s22, s8, $0xb8;
	[tilespmem:$0xA410] =	vst v63  }
0x84: {  	s23 =	rddreg [dreg:$0x15];
	s24 =	sadd.s32 $0x640, s16  }
0x85: {  	[tilespmem:s23], [sflag:$0x1] =	stream.indirect.gather [hbm4b:s3+s8], $0x10, s24, s8, $0xb8;
	[tilespmem:$0xA410] =	vst v63  }
0x86: {  	s25 =	rddreg [dreg:$0x16];
	s26 =	sadd.s32 $0x690, s16  }
0x87: {  	[tilespmem:s25], [sflag:$0x1] =	stream.indirect.gather [hbm4b:s3+s8], $0x10, s26, s8, $0xb8;
	[tilespmem:$0xA410] =	vst v63  }
0x88: {  	s28 =	rddreg [dreg:$0x17];
	s29 =	sadd.s32 $0x6E0, s16  }
0x89: {  	[tilespmem:s28], [sflag:$0x1] =	stream.indirect.gather [hbm4b:s3+s8], $0x10, s29, s8, $0xb8;
	[tilespmem:$0xA410] =	vst v63  }
0x8a: {  	s30 =	rddreg [dreg:$0x18];
	s31 =	sadd.s32 $0x730, s16  }
0x8b: {  	[tilespmem:s30], [sflag:$0x1] =	stream.indirect.gather [hbm4b:s3+s8], $0x10, s31, s8, $0xb8;
	[tilespmem:$0xA410] =	vst v63  }
0x8c: {  	s16 =	sadd.s32 $0x780, s16  }
0x8d: {  	[tilespmem:s10], [sflag:$0x1] =	stream.indirect.gather [hbm4b:s3+s8], $0x10, s16, s8, $0xb8;
	[tilespmem:$0xA410] =	vst v63  }
0x8e: {  	_ =	swait.ge [sflag:s11], $0x7D00  }
.Ltmp0:
0x8f: {  	[sflag:s11] =	ssyncset.done $0x0;
	(pc) =	sbr.rel @p0 .LBB2_2-.Ltmp0, $4  }
0x90: {  	[sflag:s11] =	ssyncadd.s32 $0xFFFF8300  }
0x91: {  	[hbm4b:s13+s1] =	stream.linear.scatter [tilespmem:s9], [sflag:$0x2], $0x7D00, $0x38;
	[tilespmem:$0xA410] =	vst v63  }
0x92: {  	s18 =	smov.u32 s15;
	_ =	swait.ge [sflag:s7], $0x7D00  }
0x93: {  	s13 =	sadd.s32 $0xFA0, s13;
	s17 =	rddreg [dreg:$0x3];
	[sflag:s7] =	ssyncset.done $0x0  }
0x94: {  	s14 =	sshra.s32 s14, $0x2;
	[sflag:s7] =	ssyncadd.s32 $0xFFFF8300  }
0x95: {  	[tilespmem:s9], [sflag:$0x1] =	stream.indirect.gather [hbm4b:s3+s8], $0x10, s14, s8, $0xb8;
	[tilespmem:$0xA410] =	vst v63  }
0x96: {  	s15 =	rddreg [dreg:$0x2];
	s16 =	sadd.s32 $0x50, s14  }
0x97: {  	[tilespmem:s15], [sflag:$0x1] =	stream.indirect.gather [hbm4b:s3+s8], $0x10, s16, s8, $0xb8;
	[tilespmem:$0xA410] =	vst v63  }
0x98: {  	s30 =	sadd.s32 $0xA0, s14  }
0x99: {  	[tilespmem:s17], [sflag:$0x1] =	stream.indirect.gather [hbm4b:s3+s8], $0x10, s30, s8, $0xb8;
	[tilespmem:$0xA410] =	vst v63  }
0x9a: {  	s31 =	rddreg [dreg:$0x4];
	s17 =	sadd.s32 $0xF0, s14  }
0x9b: {  	[tilespmem:s31], [sflag:$0x1] =	stream.indirect.gather [hbm4b:s3+s8], $0x10, s17, s8, $0xb8;
	[tilespmem:$0xA410] =	vst v63  }
0x9c: {  	s18 =	rddreg [dreg:$0x5];
	s19 =	sadd.s32 $0x140, s14  }
0x9d: {  	[tilespmem:s18], [sflag:$0x1] =	stream.indirect.gather [hbm4b:s3+s8], $0x10, s19, s8, $0xb8;
	[tilespmem:$0xA410] =	vst v63  }
0x9e: {  	s20 =	rddreg [dreg:$0x6];
	s21 =	sadd.s32 $0x190, s14  }
0x9f: {  	[tilespmem:s20], [sflag:$0x1] =	stream.indirect.gather [hbm4b:s3+s8], $0x10, s21, s8, $0xb8;
	[tilespmem:$0xA410] =	vst v63  }
0xa0: {  	s22 =	rddreg [dreg:$0x7];
	s23 =	sadd.s32 $0x1E0, s14  }
0xa1: {  	[tilespmem:s22], [sflag:$0x1] =	stream.indirect.gather [hbm4b:s3+s8], $0x10, s23, s8, $0xb8;
	[tilespmem:$0xA410] =	vst v63  }
0xa2: {  	s24 =	rddreg [dreg:$0x8];
	s25 =	sadd.s32 $0x230, s14  }
0xa3: {  	[tilespmem:s24], [sflag:$0x1] =	stream.indirect.gather [hbm4b:s3+s8], $0x10, s25, s8, $0xb8;
	[tilespmem:$0xA410] =	vst v63  }
0xa4: {  	s26 =	rddreg [dreg:$0x9];
	s28 =	sadd.s32 $0x280, s14  }
0xa5: {  	[tilespmem:s26], [sflag:$0x1] =	stream.indirect.gather [hbm4b:s3+s8], $0x10, s28, s8, $0xb8;
	[tilespmem:$0xA410] =	vst v63  }
0xa6: {  	s29 =	rddreg [dreg:$0xa];
	s30 =	sadd.s32 $0x2D0, s14  }
0xa7: {  	[tilespmem:s29], [sflag:$0x1] =	stream.indirect.gather [hbm4b:s3+s8], $0x10, s30, s8, $0xb8;
	[tilespmem:$0xA410] =	vst v63  }
0xa8: {  	s16 =	sadd.s32 $0x320, s14;
	s31 =	rddreg [dreg:$0xb]  }
0xa9: {  	[tilespmem:s31], [sflag:$0x1] =	stream.indirect.gather [hbm4b:s3+s8], $0x10, s16, s8, $0xb8;
	[tilespmem:$0xA410] =	vst v63  }
0xaa: {  	s18 =	rddreg [dreg:$0xc];
	s20 =	sadd.s32 $0x370, s14  }
0xab: {  	[tilespmem:s18], [sflag:$0x1] =	stream.indirect.gather [hbm4b:s3+s8], $0x10, s20, s8, $0xb8;
	[tilespmem:$0xA410] =	vst v63  }
0xac: {  	s19 =	rddreg [dreg:$0xd];
	s21 =	sadd.s32 $0x3C0, s14  }
0xad: {  	[tilespmem:s19], [sflag:$0x1] =	stream.indirect.gather [hbm4b:s3+s8], $0x10, s21, s8, $0xb8;
	[tilespmem:$0xA410] =	vst v63  }
0xae: {  	s22 =	rddreg [dreg:$0xe];
	s23 =	sadd.s32 $0x410, s14  }
0xaf: {  	[tilespmem:s22], [sflag:$0x1] =	stream.indirect.gather [hbm4b:s3+s8], $0x10, s23, s8, $0xb8;
	[tilespmem:$0xA410] =	vst v63  }
0xb0: {  	s24 =	rddreg [dreg:$0xf];
	s25 =	sadd.s32 $0x460, s14  }
0xb1: {  	[tilespmem:s24], [sflag:$0x1] =	stream.indirect.gather [hbm4b:s3+s8], $0x10, s25, s8, $0xb8;
	[tilespmem:$0xA410] =	vst v63  }
0xb2: {  	s26 =	rddreg [dreg:$0x10];
	s28 =	sadd.s32 $0x4B0, s14  }
0xb3: {  	[tilespmem:s26], [sflag:$0x1] =	stream.indirect.gather [hbm4b:s3+s8], $0x10, s28, s8, $0xb8;
	[tilespmem:$0xA410] =	vst v63  }
0xb4: {  	s29 =	rddreg [dreg:$0x11];
	s30 =	sadd.s32 $0x500, s14  }
0xb5: {  	[tilespmem:s29], [sflag:$0x1] =	stream.indirect.gather [hbm4b:s3+s8], $0x10, s30, s8, $0xb8;
	[tilespmem:$0xA410] =	vst v63  }
0xb6: {  	s31 =	rddreg [dreg:$0x12];
	s18 =	sadd.s32 $0x550, s14  }
0xb7: {  	[tilespmem:s31], [sflag:$0x1] =	stream.indirect.gather [hbm4b:s3+s8], $0x10, s18, s8, $0xb8;
	[tilespmem:$0xA410] =	vst v63  }
0xb8: {  	s20 =	sadd.s32 $0x5A0, s14;
	s19 =	rddreg [dreg:$0x13]  }
0xb9: {  	[tilespmem:s19], [sflag:$0x1] =	stream.indirect.gather [hbm4b:s3+s8], $0x10, s20, s8, $0xb8;
	[tilespmem:$0xA410] =	vst v63  }
0xba: {  	s21 =	rddreg [dreg:$0x14];
	s22 =	sadd.s32 $0x5F0, s14  }
0xbb: {  	[tilespmem:s21], [sflag:$0x1] =	stream.indirect.gather [hbm4b:s3+s8], $0x10, s22, s8, $0xb8;
	[tilespmem:$0xA410] =	vst v63  }
0xbc: {  	s23 =	rddreg [dreg:$0x15];
	s24 =	sadd.s32 $0x640, s14  }
0xbd: {  	[tilespmem:s23], [sflag:$0x1] =	stream.indirect.gather [hbm4b:s3+s8], $0x10, s24, s8, $0xb8;
	[tilespmem:$0xA410] =	vst v63  }
0xbe: {  	s25 =	rddreg [dreg:$0x16];
	s26 =	sadd.s32 $0x690, s14  }
0xbf: {  	[tilespmem:s25], [sflag:$0x1] =	stream.indirect.gather [hbm4b:s3+s8], $0x10, s26, s8, $0xb8;
	[tilespmem:$0xA410] =	vst v63  }
0xc0: {  	s28 =	rddreg [dreg:$0x17];
	s29 =	sadd.s32 $0x6E0, s14  }
0xc1: {  	[tilespmem:s28], [sflag:$0x1] =	stream.indirect.gather [hbm4b:s3+s8], $0x10, s29, s8, $0xb8;
	[tilespmem:$0xA410] =	vst v63  }
0xc2: {  	s30 =	rddreg [dreg:$0x18];
	s31 =	sadd.s32 $0x730, s14  }
0xc3: {  	[tilespmem:s30], [sflag:$0x1] =	stream.indirect.gather [hbm4b:s3+s8], $0x10, s31, s8, $0xb8;
	[tilespmem:$0xA410] =	vst v63  }
0xc4: {  	s14 =	sadd.s32 $0x780, s14  }
0xc5: {  	[tilespmem:s10], [sflag:$0x1] =	stream.indirect.gather [hbm4b:s3+s8], $0x10, s14, s8, $0xb8;
	[tilespmem:$0xA410] =	vst v63  }
0xc6: {  	s12 =	sadd.s32 $0x1, s12;
	_ =	swait.ge [sflag:s11], $0x7D00  }
0xc7: {  	p0 =	sne.s32 s12, s5;
	[sflag:s11] =	ssyncset.done $0x0  }
.Ltmp1:
0xc8: {  	[sflag:s11] =	ssyncadd.s32 $0xFFFF8300;
	(pc) =	sbr.rel @p0 .LBB2_1-.Ltmp1, $4  }
0xc9: {  	[hbm4b:s13+s1] =	stream.linear.scatter [tilespmem:s9], [sflag:$0x2], $0x7D00, $0x38;
	[tilespmem:$0xA410] =	vst v63  }
0xca: {  	_ =	swait.ge [sflag:s7], $0x7D00  }
0xcb: {  	[sflag:s7] =	ssyncset.done $0x0  }
0xcc: {  	[sflag:s7] =	ssyncadd.s32 $0xFFFF8300  }
0xcd: {  	_ =	sfence.sel $0x180000  }
0xce: {  	[bflag:$0x0] =	sbarrier.arrive $0xFFFF  }
0xcf: {  	p0 =	sne.s32 s2, $0x0;
	_ =	strace $0x90000047  }
0xd0: {  	s0 =	sadd.s32 @!p0 $0x100000, s0;
	[bflag:$0x2] =	sbarrier.arrive $0xFFFF  }
0xd1: {  	[sflag:s0] =	ssyncadd.tile.s32 @!p0 $0x1;
	_ =	shalt  }
.Lfunc_end2:
_tile_overlayer_lowered:
.L_overlay_start_2:
0xd2: {  	(tag) =	ssettag $0x2  }
0xd3: {  	s0 =	rddreg [dreg:$0x0];
	s2 =	stileid.u32  }
0xd4: {  	s1 =	rddreg [dreg:$0x1];
	p0 =	sne.s32 s2, $0x0  }
0xd5: {  	s3 =	rddreg [dreg:$0x2];
	[bflag:$0x3] =	sbarrier.arrive $0xFFFF;
	s2 =	simm.s32 @!p0 $0x1C02  }
0xd6: {  	[timem:s3], [sflag:s2] =	dma.local @!p0 [hbm:s0], s1  }
0xd7: {  	s0 =	simm.s32 @!p0 $0x2  }
0xd8: {  	_ =	swait.ge @!p0 [sflag:s0], s1  }
0xd9: {  	s1 =	ssub.s32 @!p0 $0x0, s1;
	[sflag:s0] =	ssyncset.done @!p0 $0x0  }
0xda: {  	[sflag:s0] =	ssyncadd.s32 @!p0 s1  }
0xdb: {  	[bflag:$0x3] =	sbarrier.arrive $0xFFFF  }
0xdc: {  	_ =	shalt  }

</sc_bundles>
